<compile_context>
chip_gen: v7x
topology: tpu7x:2x2x1
jax: 0.10.2.dev20260603
libtpu: 0.0.44.dev20260713+nightly
codegen_flags: <defaults>
</compile_context>

<pallas_src>
import functools

import jax
import jax.numpy as jnp
from jax import lax
from jax.experimental import pallas as pl
from jax.experimental.pallas import tpu as pltpu
from jax.experimental.pallas import tpu_sc as plsc

_BATCH = 16384
_NUM_FIELDS_CAT = 26
_NUM_FIELDS_NUM = 13
_NW = 32
_BPW = _BATCH // _NW
_CHUNK = 128
_NCHUNK = _BPW // _CHUNK
_LANES = 16


def _sc_body(idx_hbm, numx_hbm, wb_hbm, table_hbm, out_hbm,
             idx_v, vals_v, numx_v, wb_v, out_v, sem):
  cid = lax.axis_index("c")
  sid = lax.axis_index("s")
  wid = sid * 2 + cid

  pltpu.sync_copy(idx_hbm.at[wid], idx_v)
  pltpu.sync_copy(numx_hbm.at[wid], numx_v)
  pltpu.sync_copy(wb_hbm, wb_v)

  cp = pltpu.async_copy(table_hbm.at[idx_v], vals_v, sem)
  cp.wait()

  for c in range(_NCHUNK):
    for g in range(_CHUNK // _LANES):
      col = c * _CHUNK + g * _LANES

      def cat_step(f, acc, col=col):
        return acc + vals_v[pl.ds(f * _BPW + col, _LANES)]

      acc = lax.fori_loop(0, _NUM_FIELDS_CAT, cat_step,
                          jnp.zeros((_LANES,), jnp.float32))

      def num_step(f, acc, col=col):
        return acc + wb_v[f, :] * numx_v[f, pl.ds(col, _LANES)]

      acc = lax.fori_loop(0, _NUM_FIELDS_NUM, num_step, acc)
      out_v[pl.ds(col, _LANES)] = acc

  pltpu.sync_copy(out_v, out_hbm.at[pl.ds(wid * _BPW, _BPW)])


@jax.jit
def _run(idx_arr, numx_arr, wb_arr, table_flat):
  mesh = plsc.VectorSubcoreMesh(core_axis_name="c", subcore_axis_name="s",
                                num_cores=2, num_subcores=16)
  return pl.kernel(
      _sc_body,
      out_type=jax.ShapeDtypeStruct((_BATCH,), jnp.float32),
      mesh=mesh,
      scratch_types=[
          pltpu.VMEM((_NCHUNK * _NUM_FIELDS_CAT * _CHUNK,), jnp.int32),
          pltpu.VMEM((_NCHUNK * _NUM_FIELDS_CAT * _CHUNK,), jnp.float32),
          pltpu.VMEM((_NUM_FIELDS_NUM, _BPW), jnp.float32),
          pltpu.VMEM((_NUM_FIELDS_NUM, _LANES), jnp.float32),
          pltpu.VMEM((_BPW,), jnp.float32),
          pltpu.SemaphoreType.DMA,
      ],
  )(idx_arr, numx_arr, wb_arr, table_flat)


def kernel(numerical_x, categorical_x, cat_table, num_weight, offsets):
  gidx = categorical_x + offsets[None, :]
  idx_arr = gidx.reshape(_NW, _BPW, _NUM_FIELDS_CAT)
  idx_arr = idx_arr.transpose(0, 2, 1)
  idx_arr = idx_arr.reshape(_NW, -1)
  numx_arr = numerical_x.reshape(_NW, _BPW, _NUM_FIELDS_NUM)
  numx_arr = numx_arr.transpose(0, 2, 1)
  wb_arr = jnp.broadcast_to(num_weight.reshape(_NUM_FIELDS_NUM, 1),
                            (_NUM_FIELDS_NUM, _LANES))
  table_flat = cat_table.reshape(-1)
  return _run(idx_arr, numx_arr, wb_arr, table_flat)

# --- scband reference (transcript-rebuilt; emitter-appended) ---
"""Pipeline reference for scband-base-9440338116819 (READ-ONLY COPY).

The authoritative reference and input builder live on the scoring server;
editing this copy changes nothing except your own understanding.
"""

import jax, jax.numpy as jnp
import numpy as np

FIELD_DIMS = [100000] * 26
NUM_FIELDS = 13
BATCH = 16384


def setup_inputs(seed: int = 0) -> dict:
    key = jax.random.key(seed)
    k1, k2, k3, k4 = jax.random.split(key, 4)
    numerical_x = jax.random.normal(k1, (BATCH, NUM_FIELDS), dtype=jnp.float32)
    categorical_x = jax.random.randint(k2, (BATCH, len(FIELD_DIMS)), 0, FIELD_DIMS[0], dtype=jnp.int32)
    total_vocab = int(sum(FIELD_DIMS))
    # xavier_uniform for Embedding(total_vocab, 1): bound = sqrt(6/(fan_in+fan_out))
    cat_bound = float(np.sqrt(6.0 / (total_vocab + 1)))
    cat_table = jax.random.uniform(k3, (total_vocab, 1), minval=-cat_bound, maxval=cat_bound, dtype=jnp.float32)
    # xavier_uniform for Linear(13, 1, bias=False): weight shape [1, 13]
    num_bound = float(np.sqrt(6.0 / (NUM_FIELDS + 1)))
    num_weight = jax.random.uniform(k4, (1, NUM_FIELDS), minval=-num_bound, maxval=num_bound, dtype=jnp.float32)
    offsets = jnp.asarray(np.concatenate([[0], np.cumsum(FIELD_DIMS)[:-1]]), dtype=jnp.int32)
    return {
        "numerical_x": numerical_x,
        "categorical_x": categorical_x,
        "cat_table": cat_table,
        "num_weight": num_weight,
        "offsets": offsets,
    }


def reference(numerical_x, categorical_x, cat_table, num_weight, offsets):
    # Faithful translation of Base._first_order_interactions (the concrete
    # lookup kernel of this abstract FM base class): sum_i w_i * x_i
    batch_size = categorical_x.shape[0]
    first_order = jnp.zeros((batch_size,), dtype=jnp.float32)
    # categorical branch: offset indices into the shared table, gather, sum
    global_indices = categorical_x + offsets[None, :]            # [B, F]
    cat_linear_weights = jnp.take(cat_table, global_indices, axis=0)  # [B, F, 1]
    first_order = first_order + jnp.sum(cat_linear_weights, axis=(1, 2))
    # numerical branch: Linear(13 -> 1, no bias), then squeeze
    num_linear_weights = numerical_x @ num_weight.T              # [B, 1]
    first_order = first_order + jnp.squeeze(num_linear_weights, axis=-1)
    return first_order

if __name__ == "__main__":
    import jax
    _d = setup_inputs()
    print(jax.jit(kernel)(*tuple(_d.values())))

</pallas_src>

<mosaic_0001>
#map = affine_map<(d0, d1) -> (0, 0)>
#map1 = affine_map<(d0, d1) -> (0, 0, 0)>
#map2 = affine_map<(d0, d1) -> (0)>
module attributes {stable_mosaic.version = 14 : i64} {
  func.func @_sc_body(%arg0: i32, %arg1: i32, %arg2: memref<32x13312xi32, #tpu.memory_space<hbm>>, %arg3: memref<32x13x512xf32, #tpu.memory_space<hbm>>, %arg4: memref<13x16xf32, #tpu.memory_space<hbm>>, %arg5: memref<2600000xf32, #tpu.memory_space<hbm>>, %arg6: memref<16384xf32, #tpu.memory_space<hbm>>, %arg7: memref<13312xi32, #tpu.memory_space<vmem>>, %arg8: memref<13312xf32, #tpu.memory_space<vmem>>, %arg9: memref<13x512xf32, #tpu.memory_space<vmem>>, %arg10: memref<13x16xf32, #tpu.memory_space<vmem>>, %arg11: memref<512xf32, #tpu.memory_space<vmem>>, %arg12: memref<!tpu.dma_semaphore, #tpu.memory_space<semaphore_mem>>) attributes {dimension_semantics = [#tpu.dimension_semantics<core_parallel>, #tpu.dimension_semantics<subcore_parallel>], iteration_bounds = array<i64: 2, 16>, scalar_prefetch = 0 : i64, scratch_operands = 6 : i64, tpu.core_type = #tpu.core_type<sc_vector_subcore>, window_params = [{transform_indices = #map}, {transform_indices = #map1}, {transform_indices = #map}, {transform_indices = #map2}, {transform_indices = #map2}]} {
    %mul3A = arith.constant 2 : i32
    %mul3A_0 = arith.muli %arg1, %mul3A : i32
    %add3A = arith.addi %mul3A_0, %arg0 : i32
    "tpu.region"() ({
      %run_scoped3A = tpu.sem_alloc : memref<!tpu.dma_semaphore, #tpu.memory_space<semaphore_mem>>
      %dma_start3A_578 = arith.constant 0 : i32
      %dma_start3A_579 = tpu.memref_slice %arg2[%add3A, %dma_start3A_578] : memref<32x13312xi32, #tpu.memory_space<hbm>> -> memref<1x13312xi32, #tpu.memory_space<hbm>>
      %dma_start3A_580 = tpu.memref_squeeze %dma_start3A_579 : memref<1x13312xi32, #tpu.memory_space<hbm>> -> memref<13312xi32, #tpu.memory_space<hbm>>
      %dma_start3A_581 = arith.constant 0 : i32
      %dma_start3A_582 = tpu.memref_slice %arg2[%add3A, %dma_start3A_581] : memref<32x13312xi32, #tpu.memory_space<hbm>> -> memref<1x13312xi32, #tpu.memory_space<hbm>>
      %dma_start3A_583 = tpu.memref_squeeze %dma_start3A_582 : memref<1x13312xi32, #tpu.memory_space<hbm>> -> memref<13312xi32, #tpu.memory_space<hbm>>
      tpu.enqueue_dma source(%dma_start3A_583 : memref<13312xi32, #tpu.memory_space<hbm>>) target(%arg7 : memref<13312xi32, #tpu.memory_space<vmem>>) target_semaphore(%run_scoped3A : memref<!tpu.dma_semaphore, #tpu.memory_space<semaphore_mem>>)
      %dma_wait3A_584 = arith.constant 0 : i32
      %dma_wait3A_585 = tpu.memref_slice %arg2[%add3A, %dma_wait3A_584] : memref<32x13312xi32, #tpu.memory_space<hbm>> -> memref<1x13312xi32, #tpu.memory_space<hbm>>
      %dma_wait3A_586 = tpu.memref_squeeze %dma_wait3A_585 : memref<1x13312xi32, #tpu.memory_space<hbm>> -> memref<13312xi32, #tpu.memory_space<hbm>>
      %dma_wait3A_587 = arith.constant 0 : i32
      %dma_wait3A_588 = tpu.memref_slice %arg2[%add3A, %dma_wait3A_587] : memref<32x13312xi32, #tpu.memory_space<hbm>> -> memref<1x13312xi32, #tpu.memory_space<hbm>>
      %dma_wait3A_589 = tpu.memref_squeeze %dma_wait3A_588 : memref<1x13312xi32, #tpu.memory_space<hbm>> -> memref<13312xi32, #tpu.memory_space<hbm>>
      tpu.wait_dma2 semaphore(%run_scoped3A : memref<!tpu.dma_semaphore, #tpu.memory_space<semaphore_mem>>) src(%dma_wait3A_589 : memref<13312xi32, #tpu.memory_space<hbm>>) dst(%arg7 : memref<13312xi32, #tpu.memory_space<vmem>>)
      tpu.yield
    }) : () -> ()
    "tpu.region"() ({
      %run_scoped3A = tpu.sem_alloc : memref<!tpu.dma_semaphore, #tpu.memory_space<semaphore_mem>>
      %dma_start3A_578 = arith.constant 0 : i32
      %dma_start3A_579 = arith.constant 0 : i32
      %dma_start3A_580 = tpu.memref_slice %arg3[%add3A, %dma_start3A_578, %dma_start3A_579] : memref<32x13x512xf32, #tpu.memory_space<hbm>> -> memref<1x13x512xf32, #tpu.memory_space<hbm>>
      %dma_start3A_581 = tpu.memref_squeeze %dma_start3A_580 : memref<1x13x512xf32, #tpu.memory_space<hbm>> -> memref<13x512xf32, #tpu.memory_space<hbm>>
      %dma_start3A_582 = arith.constant 0 : i32
      %dma_start3A_583 = arith.constant 0 : i32
      %dma_start3A_584 = tpu.memref_slice %arg3[%add3A, %dma_start3A_582, %dma_start3A_583] : memref<32x13x512xf32, #tpu.memory_space<hbm>> -> memref<1x13x512xf32, #tpu.memory_space<hbm>>
      %dma_start3A_585 = tpu.memref_squeeze %dma_start3A_584 : memref<1x13x512xf32, #tpu.memory_space<hbm>> -> memref<13x512xf32, #tpu.memory_space<hbm>>
      tpu.enqueue_dma source(%dma_start3A_585 : memref<13x512xf32, #tpu.memory_space<hbm>>) target(%arg9 : memref<13x512xf32, #tpu.memory_space<vmem>>) target_semaphore(%run_scoped3A : memref<!tpu.dma_semaphore, #tpu.memory_space<semaphore_mem>>)
      %dma_wait3A_586 = arith.constant 0 : i32
      %dma_wait3A_587 = arith.constant 0 : i32
      %dma_wait3A_588 = tpu.memref_slice %arg3[%add3A, %dma_wait3A_586, %dma_wait3A_587] : memref<32x13x512xf32, #tpu.memory_space<hbm>> -> memref<1x13x512xf32, #tpu.memory_space<hbm>>
      %dma_wait3A_589 = tpu.memref_squeeze %dma_wait3A_588 : memref<1x13x512xf32, #tpu.memory_space<hbm>> -> memref<13x512xf32, #tpu.memory_space<hbm>>
      %dma_wait3A_590 = arith.constant 0 : i32
      %dma_wait3A_591 = arith.constant 0 : i32
      %dma_wait3A_592 = tpu.memref_slice %arg3[%add3A, %dma_wait3A_590, %dma_wait3A_591] : memref<32x13x512xf32, #tpu.memory_space<hbm>> -> memref<1x13x512xf32, #tpu.memory_space<hbm>>
      %dma_wait3A_593 = tpu.memref_squeeze %dma_wait3A_592 : memref<1x13x512xf32, #tpu.memory_space<hbm>> -> memref<13x512xf32, #tpu.memory_space<hbm>>
      tpu.wait_dma2 semaphore(%run_scoped3A : memref<!tpu.dma_semaphore, #tpu.memory_space<semaphore_mem>>) src(%dma_wait3A_593 : memref<13x512xf32, #tpu.memory_space<hbm>>) dst(%arg9 : memref<13x512xf32, #tpu.memory_space<vmem>>)
      tpu.yield
    }) : () -> ()
    "tpu.region"() ({
      %run_scoped3A = tpu.sem_alloc : memref<!tpu.dma_semaphore, #tpu.memory_space<semaphore_mem>>
      tpu.enqueue_dma source(%arg4 : memref<13x16xf32, #tpu.memory_space<hbm>>) target(%arg10 : memref<13x16xf32, #tpu.memory_space<vmem>>) target_semaphore(%run_scoped3A : memref<!tpu.dma_semaphore, #tpu.memory_space<semaphore_mem>>)
      tpu.wait_dma2 semaphore(%run_scoped3A : memref<!tpu.dma_semaphore, #tpu.memory_space<semaphore_mem>>) src(%arg4 : memref<13x16xf32, #tpu.memory_space<hbm>>) dst(%arg10 : memref<13x16xf32, #tpu.memory_space<vmem>>)
      tpu.yield
    }) : () -> ()
    %dma_start3A = arith.constant 0 : i32
    %dma_start3A_1 = tpu.memref_slice %arg5[%dma_start3A] : memref<2600000xf32, #tpu.memory_space<hbm>> -> memref<2600000xf32, #tpu.memory_space<hbm>>
    tpu.enqueue_indirect_dma source(%dma_start3A_1 : memref<2600000xf32, #tpu.memory_space<hbm>>) target(%arg8 : memref<13312xf32, #tpu.memory_space<vmem>>) offsets(%arg7 : memref<13312xi32, #tpu.memory_space<vmem>>) semaphore(%arg12 : memref<!tpu.dma_semaphore, #tpu.memory_space<semaphore_mem>>)
    %dma_wait3A = arith.constant 0 : i32
    %dma_wait3A_2 = tpu.memref_slice %arg5[%dma_wait3A] : memref<2600000xf32, #tpu.memory_space<hbm>> -> memref<2600000xf32, #tpu.memory_space<hbm>>
    tpu.wait_indirect_dma semaphore(%arg12 : memref<!tpu.dma_semaphore, #tpu.memory_space<semaphore_mem>>) src(%dma_wait3A_2 : memref<2600000xf32, #tpu.memory_space<hbm>>) dst(%arg8 : memref<13312xf32, #tpu.memory_space<vmem>>)
    %broadcast_in_dim3A = arith.constant 0.000000e+00 : f32
    %broadcast_in_dim3A_3 = vector.broadcast %broadcast_in_dim3A : f32 to vector<16xf32>
    %scan3A = arith.constant 0 : i32
    %scan3A_4 = arith.constant 26 : i32
    %scan3A_5 = arith.addi %scan3A, %scan3A_4 : i32
    %scan3A_6 = arith.constant 1 : i32
    %scan3A_7 = scf.for %scan3A_578 = %scan3A to %scan3A_5 step %scan3A_6 iter_args(%scan3A_579 = %broadcast_in_dim3A_3) -> (vector<16xf32>)  : i32 {
      %mul3A_580 = arith.constant 512 : i32
      %mul3A_581 = arith.muli %scan3A_578, %mul3A_580 : i32
      %add3A_582 = arith.constant 0 : i32
      %add3A_583 = arith.addi %mul3A_581, %add3A_582 : i32
      %get3A = arith.index_cast %add3A_583 : i32 to index
      %get3A_584 = tpu.vector_load %arg8[%get3A] {strides = array<i32>} : memref<13312xf32, #tpu.memory_space<vmem>>, vector<16xf32>,
      %get3A_585 = vector.shape_cast %get3A_584 : vector<16xf32> to vector<16xf32>
      %add3A_586 = arith.addf %scan3A_579, %get3A_585 : vector<16xf32>
      scf.yield %add3A_586 : vector<16xf32>
    }
    %scan3A_8 = arith.constant 26 : i32
    %scan3A_9 = arith.constant 0 : i32
    %scan3A_10 = arith.constant 13 : i32
    %scan3A_11 = arith.addi %scan3A_9, %scan3A_10 : i32
    %scan3A_12 = arith.constant 1 : i32
    %scan3A_13 = scf.for %scan3A_578 = %scan3A_9 to %scan3A_11 step %scan3A_12 iter_args(%scan3A_579 = %scan3A_7) -> (vector<16xf32>)  : i32 {
      %get3A = arith.index_cast %scan3A_578 : i32 to index
      %get3A_580 = arith.constant 0 : index
      %get3A_581 = tpu.vector_load %arg10[%get3A, %get3A_580] {strides = array<i32>} : memref<13x16xf32, #tpu.memory_space<vmem>>, vector<1x16xf32>,
      %get3A_582 = vector.shape_cast %get3A_581 : vector<1x16xf32> to vector<16xf32>
      %get3A_583 = arith.index_cast %scan3A_578 : i32 to index
      %get3A_584 = arith.constant 0 : index
      %get3A_585 = tpu.vector_load %arg9[%get3A_583, %get3A_584] {strides = array<i32>} : memref<13x512xf32, #tpu.memory_space<vmem>>, vector<1x16xf32>,
      %get3A_586 = vector.shape_cast %get3A_585 : vector<1x16xf32> to vector<16xf32>
      %mul3A_587 = arith.mulf %get3A_582, %get3A_586 : vector<16xf32>
      %add3A_588 = arith.addf %scan3A_579, %mul3A_587 : vector<16xf32>
      scf.yield %add3A_588 : vector<16xf32>
    }
    %scan3A_14 = arith.constant 13 : i32
    %swap3A = arith.constant 0 : index
    %swap3A_15 = tpu.vector_load %arg11[%swap3A] {strides = array<i32>} : memref<512xf32, #tpu.memory_space<vmem>>, vector<16xf32>,
    %swap3A_16 = vector.shape_cast %swap3A_15 : vector<16xf32> to vector<16xf32>
    %swap3A_17 = vector.shape_cast %scan3A_13 : vector<16xf32> to vector<16xf32>
    tpu.vector_store %arg11[%swap3A], %swap3A_17 {strides = array<i32>} : memref<512xf32, #tpu.memory_space<vmem>>, vector<16xf32>,
    %broadcast_in_dim3A_18 = arith.constant 0.000000e+00 : f32
    %broadcast_in_dim3A_19 = vector.broadcast %broadcast_in_dim3A_18 : f32 to vector<16xf32>
    %scan3A_20 = arith.constant 0 : i32
    %scan3A_21 = arith.constant 26 : i32
    %scan3A_22 = arith.addi %scan3A_20, %scan3A_21 : i32
    %scan3A_23 = arith.constant 1 : i32
    %scan3A_24 = scf.for %scan3A_578 = %scan3A_20 to %scan3A_22 step %scan3A_23 iter_args(%scan3A_579 = %broadcast_in_dim3A_19) -> (vector<16xf32>)  : i32 {
      %mul3A_580 = arith.constant 512 : i32
      %mul3A_581 = arith.muli %scan3A_578, %mul3A_580 : i32
      %add3A_582 = arith.constant 16 : i32
      %add3A_583 = arith.addi %mul3A_581, %add3A_582 : i32
      %get3A = arith.index_cast %add3A_583 : i32 to index
      %get3A_584 = tpu.vector_load %arg8[%get3A] {strides = array<i32>} : memref<13312xf32, #tpu.memory_space<vmem>>, vector<16xf32>,
      %get3A_585 = vector.shape_cast %get3A_584 : vector<16xf32> to vector<16xf32>
      %add3A_586 = arith.addf %scan3A_579, %get3A_585 : vector<16xf32>
      scf.yield %add3A_586 : vector<16xf32>
    }
    %scan3A_25 = arith.constant 26 : i32
    %scan3A_26 = arith.constant 0 : i32
    %scan3A_27 = arith.constant 13 : i32
    %scan3A_28 = arith.addi %scan3A_26, %scan3A_27 : i32
    %scan3A_29 = arith.constant 1 : i32
    %scan3A_30 = scf.for %scan3A_578 = %scan3A_26 to %scan3A_28 step %scan3A_29 iter_args(%scan3A_579 = %scan3A_24) -> (vector<16xf32>)  : i32 {
      %get3A = arith.index_cast %scan3A_578 : i32 to index
      %get3A_580 = arith.constant 0 : index
      %get3A_581 = tpu.vector_load %arg10[%get3A, %get3A_580] {strides = array<i32>} : memref<13x16xf32, #tpu.memory_space<vmem>>, vector<1x16xf32>,
      %get3A_582 = vector.shape_cast %get3A_581 : vector<1x16xf32> to vector<16xf32>
      %get3A_583 = arith.index_cast %scan3A_578 : i32 to index
      %get3A_584 = arith.constant 16 : index
      %get3A_585 = tpu.vector_load %arg9[%get3A_583, %get3A_584] {strides = array<i32>} : memref<13x512xf32, #tpu.memory_space<vmem>>, vector<1x16xf32>,
      %get3A_586 = vector.shape_cast %get3A_585 : vector<1x16xf32> to vector<16xf32>
      %mul3A_587 = arith.mulf %get3A_582, %get3A_586 : vector<16xf32>
      %add3A_588 = arith.addf %scan3A_579, %mul3A_587 : vector<16xf32>
      scf.yield %add3A_588 : vector<16xf32>
    }
    %scan3A_31 = arith.constant 13 : i32
    %swap3A_32 = arith.constant 16 : index
    %swap3A_33 = tpu.vector_load %arg11[%swap3A_32] {strides = array<i32>} : memref<512xf32, #tpu.memory_space<vmem>>, vector<16xf32>,
    %swap3A_34 = vector.shape_cast %swap3A_33 : vector<16xf32> to vector<16xf32>
    %swap3A_35 = vector.shape_cast %scan3A_30 : vector<16xf32> to vector<16xf32>
    tpu.vector_store %arg11[%swap3A_32], %swap3A_35 {strides = array<i32>} : memref<512xf32, #tpu.memory_space<vmem>>, vector<16xf32>,
    %broadcast_in_dim3A_36 = arith.constant 0.000000e+00 : f32
    %broadcast_in_dim3A_37 = vector.broadcast %broadcast_in_dim3A_36 : f32 to vector<16xf32>
    %scan3A_38 = arith.constant 0 : i32
    %scan3A_39 = arith.constant 26 : i32
    %scan3A_40 = arith.addi %scan3A_38, %scan3A_39 : i32
    %scan3A_41 = arith.constant 1 : i32
    %scan3A_42 = scf.for %scan3A_578 = %scan3A_38 to %scan3A_40 step %scan3A_41 iter_args(%scan3A_579 = %broadcast_in_dim3A_37) -> (vector<16xf32>)  : i32 {
      %mul3A_580 = arith.constant 512 : i32
      %mul3A_581 = arith.muli %scan3A_578, %mul3A_580 : i32
      %add3A_582 = arith.constant 32 : i32
      %add3A_583 = arith.addi %mul3A_581, %add3A_582 : i32
      %get3A = arith.index_cast %add3A_583 : i32 to index
      %get3A_584 = tpu.vector_load %arg8[%get3A] {strides = array<i32>} : memref<13312xf32, #tpu.memory_space<vmem>>, vector<16xf32>,
      %get3A_585 = vector.shape_cast %get3A_584 : vector<16xf32> to vector<16xf32>
      %add3A_586 = arith.addf %scan3A_579, %get3A_585 : vector<16xf32>
      scf.yield %add3A_586 : vector<16xf32>
    }
    %scan3A_43 = arith.constant 26 : i32
    %scan3A_44 = arith.constant 0 : i32
    %scan3A_45 = arith.constant 13 : i32
    %scan3A_46 = arith.addi %scan3A_44, %scan3A_45 : i32
    %scan3A_47 = arith.constant 1 : i32
    %scan3A_48 = scf.for %scan3A_578 = %scan3A_44 to %scan3A_46 step %scan3A_47 iter_args(%scan3A_579 = %scan3A_42) -> (vector<16xf32>)  : i32 {
      %get3A = arith.index_cast %scan3A_578 : i32 to index
      %get3A_580 = arith.constant 0 : index
      %get3A_581 = tpu.vector_load %arg10[%get3A, %get3A_580] {strides = array<i32>} : memref<13x16xf32, #tpu.memory_space<vmem>>, vector<1x16xf32>,
      %get3A_582 = vector.shape_cast %get3A_581 : vector<1x16xf32> to vector<16xf32>
      %get3A_583 = arith.index_cast %scan3A_578 : i32 to index
      %get3A_584 = arith.constant 32 : index
      %get3A_585 = tpu.vector_load %arg9[%get3A_583, %get3A_584] {strides = array<i32>} : memref<13x512xf32, #tpu.memory_space<vmem>>, vector<1x16xf32>,
      %get3A_586 = vector.shape_cast %get3A_585 : vector<1x16xf32> to vector<16xf32>
      %mul3A_587 = arith.mulf %get3A_582, %get3A_586 : vector<16xf32>
      %add3A_588 = arith.addf %scan3A_579, %mul3A_587 : vector<16xf32>
      scf.yield %add3A_588 : vector<16xf32>
    }
    %scan3A_49 = arith.constant 13 : i32
    %swap3A_50 = arith.constant 32 : index
    %swap3A_51 = tpu.vector_load %arg11[%swap3A_50] {strides = array<i32>} : memref<512xf32, #tpu.memory_space<vmem>>, vector<16xf32>,
    %swap3A_52 = vector.shape_cast %swap3A_51 : vector<16xf32> to vector<16xf32>
    %swap3A_53 = vector.shape_cast %scan3A_48 : vector<16xf32> to vector<16xf32>
    tpu.vector_store %arg11[%swap3A_50], %swap3A_53 {strides = array<i32>} : memref<512xf32, #tpu.memory_space<vmem>>, vector<16xf32>,
    %broadcast_in_dim3A_54 = arith.constant 0.000000e+00 : f32
    %broadcast_in_dim3A_55 = vector.broadcast %broadcast_in_dim3A_54 : f32 to vector<16xf32>
    %scan3A_56 = arith.constant 0 : i32
    %scan3A_57 = arith.constant 26 : i32
    %scan3A_58 = arith.addi %scan3A_56, %scan3A_57 : i32
    %scan3A_59 = arith.constant 1 : i32
    %scan3A_60 = scf.for %scan3A_578 = %scan3A_56 to %scan3A_58 step %scan3A_59 iter_args(%scan3A_579 = %broadcast_in_dim3A_55) -> (vector<16xf32>)  : i32 {
      %mul3A_580 = arith.constant 512 : i32
      %mul3A_581 = arith.muli %scan3A_578, %mul3A_580 : i32
      %add3A_582 = arith.constant 48 : i32
      %add3A_583 = arith.addi %mul3A_581, %add3A_582 : i32
      %get3A = arith.index_cast %add3A_583 : i32 to index
      %get3A_584 = tpu.vector_load %arg8[%get3A] {strides = array<i32>} : memref<13312xf32, #tpu.memory_space<vmem>>, vector<16xf32>,
      %get3A_585 = vector.shape_cast %get3A_584 : vector<16xf32> to vector<16xf32>
      %add3A_586 = arith.addf %scan3A_579, %get3A_585 : vector<16xf32>
      scf.yield %add3A_586 : vector<16xf32>
    }
    %scan3A_61 = arith.constant 26 : i32
    %scan3A_62 = arith.constant 0 : i32
    %scan3A_63 = arith.constant 13 : i32
    %scan3A_64 = arith.addi %scan3A_62, %scan3A_63 : i32
    %scan3A_65 = arith.constant 1 : i32
    %scan3A_66 = scf.for %scan3A_578 = %scan3A_62 to %scan3A_64 step %scan3A_65 iter_args(%scan3A_579 = %scan3A_60) -> (vector<16xf32>)  : i32 {
      %get3A = arith.index_cast %scan3A_578 : i32 to index
      %get3A_580 = arith.constant 0 : index
      %get3A_581 = tpu.vector_load %arg10[%get3A, %get3A_580] {strides = array<i32>} : memref<13x16xf32, #tpu.memory_space<vmem>>, vector<1x16xf32>,
      %get3A_582 = vector.shape_cast %get3A_581 : vector<1x16xf32> to vector<16xf32>
      %get3A_583 = arith.index_cast %scan3A_578 : i32 to index
      %get3A_584 = arith.constant 48 : index
      %get3A_585 = tpu.vector_load %arg9[%get3A_583, %get3A_584] {strides = array<i32>} : memref<13x512xf32, #tpu.memory_space<vmem>>, vector<1x16xf32>,
      %get3A_586 = vector.shape_cast %get3A_585 : vector<1x16xf32> to vector<16xf32>
      %mul3A_587 = arith.mulf %get3A_582, %get3A_586 : vector<16xf32>
      %add3A_588 = arith.addf %scan3A_579, %mul3A_587 : vector<16xf32>
      scf.yield %add3A_588 : vector<16xf32>
    }
    %scan3A_67 = arith.constant 13 : i32
    %swap3A_68 = arith.constant 48 : index
    %swap3A_69 = tpu.vector_load %arg11[%swap3A_68] {strides = array<i32>} : memref<512xf32, #tpu.memory_space<vmem>>, vector<16xf32>,
    %swap3A_70 = vector.shape_cast %swap3A_69 : vector<16xf32> to vector<16xf32>
    %swap3A_71 = vector.shape_cast %scan3A_66 : vector<16xf32> to vector<16xf32>
    tpu.vector_store %arg11[%swap3A_68], %swap3A_71 {strides = array<i32>} : memref<512xf32, #tpu.memory_space<vmem>>, vector<16xf32>,
    %broadcast_in_dim3A_72 = arith.constant 0.000000e+00 : f32
    %broadcast_in_dim3A_73 = vector.broadcast %broadcast_in_dim3A_72 : f32 to vector<16xf32>
    %scan3A_74 = arith.constant 0 : i32
    %scan3A_75 = arith.constant 26 : i32
    %scan3A_76 = arith.addi %scan3A_74, %scan3A_75 : i32
    %scan3A_77 = arith.constant 1 : i32
    %scan3A_78 = scf.for %scan3A_578 = %scan3A_74 to %scan3A_76 step %scan3A_77 iter_args(%scan3A_579 = %broadcast_in_dim3A_73) -> (vector<16xf32>)  : i32 {
      %mul3A_580 = arith.constant 512 : i32
      %mul3A_581 = arith.muli %scan3A_578, %mul3A_580 : i32
      %add3A_582 = arith.constant 64 : i32
      %add3A_583 = arith.addi %mul3A_581, %add3A_582 : i32
      %get3A = arith.index_cast %add3A_583 : i32 to index
      %get3A_584 = tpu.vector_load %arg8[%get3A] {strides = array<i32>} : memref<13312xf32, #tpu.memory_space<vmem>>, vector<16xf32>,
      %get3A_585 = vector.shape_cast %get3A_584 : vector<16xf32> to vector<16xf32>
      %add3A_586 = arith.addf %scan3A_579, %get3A_585 : vector<16xf32>
      scf.yield %add3A_586 : vector<16xf32>
    }
    %scan3A_79 = arith.constant 26 : i32
    %scan3A_80 = arith.constant 0 : i32
    %scan3A_81 = arith.constant 13 : i32
    %scan3A_82 = arith.addi %scan3A_80, %scan3A_81 : i32
    %scan3A_83 = arith.constant 1 : i32
    %scan3A_84 = scf.for %scan3A_578 = %scan3A_80 to %scan3A_82 step %scan3A_83 iter_args(%scan3A_579 = %scan3A_78) -> (vector<16xf32>)  : i32 {
      %get3A = arith.index_cast %scan3A_578 : i32 to index
      %get3A_580 = arith.constant 0 : index
      %get3A_581 = tpu.vector_load %arg10[%get3A, %get3A_580] {strides = array<i32>} : memref<13x16xf32, #tpu.memory_space<vmem>>, vector<1x16xf32>,
      %get3A_582 = vector.shape_cast %get3A_581 : vector<1x16xf32> to vector<16xf32>
      %get3A_583 = arith.index_cast %scan3A_578 : i32 to index
      %get3A_584 = arith.constant 64 : index
      %get3A_585 = tpu.vector_load %arg9[%get3A_583, %get3A_584] {strides = array<i32>} : memref<13x512xf32, #tpu.memory_space<vmem>>, vector<1x16xf32>,
      %get3A_586 = vector.shape_cast %get3A_585 : vector<1x16xf32> to vector<16xf32>
      %mul3A_587 = arith.mulf %get3A_582, %get3A_586 : vector<16xf32>
      %add3A_588 = arith.addf %scan3A_579, %mul3A_587 : vector<16xf32>
      scf.yield %add3A_588 : vector<16xf32>
    }
    %scan3A_85 = arith.constant 13 : i32
    %swap3A_86 = arith.constant 64 : index
    %swap3A_87 = tpu.vector_load %arg11[%swap3A_86] {strides = array<i32>} : memref<512xf32, #tpu.memory_space<vmem>>, vector<16xf32>,
    %swap3A_88 = vector.shape_cast %swap3A_87 : vector<16xf32> to vector<16xf32>
    %swap3A_89 = vector.shape_cast %scan3A_84 : vector<16xf32> to vector<16xf32>
    tpu.vector_store %arg11[%swap3A_86], %swap3A_89 {strides = array<i32>} : memref<512xf32, #tpu.memory_space<vmem>>, vector<16xf32>,
    %broadcast_in_dim3A_90 = arith.constant 0.000000e+00 : f32
    %broadcast_in_dim3A_91 = vector.broadcast %broadcast_in_dim3A_90 : f32 to vector<16xf32>
    %scan3A_92 = arith.constant 0 : i32
    %scan3A_93 = arith.constant 26 : i32
    %scan3A_94 = arith.addi %scan3A_92, %scan3A_93 : i32
    %scan3A_95 = arith.constant 1 : i32
    %scan3A_96 = scf.for %scan3A_578 = %scan3A_92 to %scan3A_94 step %scan3A_95 iter_args(%scan3A_579 = %broadcast_in_dim3A_91) -> (vector<16xf32>)  : i32 {
      %mul3A_580 = arith.constant 512 : i32
      %mul3A_581 = arith.muli %scan3A_578, %mul3A_580 : i32
      %add3A_582 = arith.constant 80 : i32
      %add3A_583 = arith.addi %mul3A_581, %add3A_582 : i32
      %get3A = arith.index_cast %add3A_583 : i32 to index
      %get3A_584 = tpu.vector_load %arg8[%get3A] {strides = array<i32>} : memref<13312xf32, #tpu.memory_space<vmem>>, vector<16xf32>,
      %get3A_585 = vector.shape_cast %get3A_584 : vector<16xf32> to vector<16xf32>
      %add3A_586 = arith.addf %scan3A_579, %get3A_585 : vector<16xf32>
      scf.yield %add3A_586 : vector<16xf32>
    }
    %scan3A_97 = arith.constant 26 : i32
    %scan3A_98 = arith.constant 0 : i32
    %scan3A_99 = arith.constant 13 : i32
    %scan3A_100 = arith.addi %scan3A_98, %scan3A_99 : i32
    %scan3A_101 = arith.constant 1 : i32
    %scan3A_102 = scf.for %scan3A_578 = %scan3A_98 to %scan3A_100 step %scan3A_101 iter_args(%scan3A_579 = %scan3A_96) -> (vector<16xf32>)  : i32 {
      %get3A = arith.index_cast %scan3A_578 : i32 to index
      %get3A_580 = arith.constant 0 : index
      %get3A_581 = tpu.vector_load %arg10[%get3A, %get3A_580] {strides = array<i32>} : memref<13x16xf32, #tpu.memory_space<vmem>>, vector<1x16xf32>,
      %get3A_582 = vector.shape_cast %get3A_581 : vector<1x16xf32> to vector<16xf32>
      %get3A_583 = arith.index_cast %scan3A_578 : i32 to index
      %get3A_584 = arith.constant 80 : index
      %get3A_585 = tpu.vector_load %arg9[%get3A_583, %get3A_584] {strides = array<i32>} : memref<13x512xf32, #tpu.memory_space<vmem>>, vector<1x16xf32>,
      %get3A_586 = vector.shape_cast %get3A_585 : vector<1x16xf32> to vector<16xf32>
      %mul3A_587 = arith.mulf %get3A_582, %get3A_586 : vector<16xf32>
      %add3A_588 = arith.addf %scan3A_579, %mul3A_587 : vector<16xf32>
      scf.yield %add3A_588 : vector<16xf32>
    }
    %scan3A_103 = arith.constant 13 : i32
    %swap3A_104 = arith.constant 80 : index
    %swap3A_105 = tpu.vector_load %arg11[%swap3A_104] {strides = array<i32>} : memref<512xf32, #tpu.memory_space<vmem>>, vector<16xf32>,
    %swap3A_106 = vector.shape_cast %swap3A_105 : vector<16xf32> to vector<16xf32>
    %swap3A_107 = vector.shape_cast %scan3A_102 : vector<16xf32> to vector<16xf32>
    tpu.vector_store %arg11[%swap3A_104], %swap3A_107 {strides = array<i32>} : memref<512xf32, #tpu.memory_space<vmem>>, vector<16xf32>,
    %broadcast_in_dim3A_108 = arith.constant 0.000000e+00 : f32
    %broadcast_in_dim3A_109 = vector.broadcast %broadcast_in_dim3A_108 : f32 to vector<16xf32>
    %scan3A_110 = arith.constant 0 : i32
    %scan3A_111 = arith.constant 26 : i32
    %scan3A_112 = arith.addi %scan3A_110, %scan3A_111 : i32
    %scan3A_113 = arith.constant 1 : i32
    %scan3A_114 = scf.for %scan3A_578 = %scan3A_110 to %scan3A_112 step %scan3A_113 iter_args(%scan3A_579 = %broadcast_in_dim3A_109) -> (vector<16xf32>)  : i32 {
      %mul3A_580 = arith.constant 512 : i32
      %mul3A_581 = arith.muli %scan3A_578, %mul3A_580 : i32
      %add3A_582 = arith.constant 96 : i32
      %add3A_583 = arith.addi %mul3A_581, %add3A_582 : i32
      %get3A = arith.index_cast %add3A_583 : i32 to index
      %get3A_584 = tpu.vector_load %arg8[%get3A] {strides = array<i32>} : memref<13312xf32, #tpu.memory_space<vmem>>, vector<16xf32>,
      %get3A_585 = vector.shape_cast %get3A_584 : vector<16xf32> to vector<16xf32>
      %add3A_586 = arith.addf %scan3A_579, %get3A_585 : vector<16xf32>
      scf.yield %add3A_586 : vector<16xf32>
    }
    %scan3A_115 = arith.constant 26 : i32
    %scan3A_116 = arith.constant 0 : i32
    %scan3A_117 = arith.constant 13 : i32
    %scan3A_118 = arith.addi %scan3A_116, %scan3A_117 : i32
    %scan3A_119 = arith.constant 1 : i32
    %scan3A_120 = scf.for %scan3A_578 = %scan3A_116 to %scan3A_118 step %scan3A_119 iter_args(%scan3A_579 = %scan3A_114) -> (vector<16xf32>)  : i32 {
      %get3A = arith.index_cast %scan3A_578 : i32 to index
      %get3A_580 = arith.constant 0 : index
      %get3A_581 = tpu.vector_load %arg10[%get3A, %get3A_580] {strides = array<i32>} : memref<13x16xf32, #tpu.memory_space<vmem>>, vector<1x16xf32>,
      %get3A_582 = vector.shape_cast %get3A_581 : vector<1x16xf32> to vector<16xf32>
      %get3A_583 = arith.index_cast %scan3A_578 : i32 to index
      %get3A_584 = arith.constant 96 : index
      %get3A_585 = tpu.vector_load %arg9[%get3A_583, %get3A_584] {strides = array<i32>} : memref<13x512xf32, #tpu.memory_space<vmem>>, vector<1x16xf32>,
      %get3A_586 = vector.shape_cast %get3A_585 : vector<1x16xf32> to vector<16xf32>
      %mul3A_587 = arith.mulf %get3A_582, %get3A_586 : vector<16xf32>
      %add3A_588 = arith.addf %scan3A_579, %mul3A_587 : vector<16xf32>
      scf.yield %add3A_588 : vector<16xf32>
    }
    %scan3A_121 = arith.constant 13 : i32
    %swap3A_122 = arith.constant 96 : index
    %swap3A_123 = tpu.vector_load %arg11[%swap3A_122] {strides = array<i32>} : memref<512xf32, #tpu.memory_space<vmem>>, vector<16xf32>,
    %swap3A_124 = vector.shape_cast %swap3A_123 : vector<16xf32> to vector<16xf32>
    %swap3A_125 = vector.shape_cast %scan3A_120 : vector<16xf32> to vector<16xf32>
    tpu.vector_store %arg11[%swap3A_122], %swap3A_125 {strides = array<i32>} : memref<512xf32, #tpu.memory_space<vmem>>, vector<16xf32>,
    %broadcast_in_dim3A_126 = arith.constant 0.000000e+00 : f32
    %broadcast_in_dim3A_127 = vector.broadcast %broadcast_in_dim3A_126 : f32 to vector<16xf32>
    %scan3A_128 = arith.constant 0 : i32
    %scan3A_129 = arith.constant 26 : i32
    %scan3A_130 = arith.addi %scan3A_128, %scan3A_129 : i32
    %scan3A_131 = arith.constant 1 : i32
    %scan3A_132 = scf.for %scan3A_578 = %scan3A_128 to %scan3A_130 step %scan3A_131 iter_args(%scan3A_579 = %broadcast_in_dim3A_127) -> (vector<16xf32>)  : i32 {
      %mul3A_580 = arith.constant 512 : i32
      %mul3A_581 = arith.muli %scan3A_578, %mul3A_580 : i32
      %add3A_582 = arith.constant 112 : i32
      %add3A_583 = arith.addi %mul3A_581, %add3A_582 : i32
      %get3A = arith.index_cast %add3A_583 : i32 to index
      %get3A_584 = tpu.vector_load %arg8[%get3A] {strides = array<i32>} : memref<13312xf32, #tpu.memory_space<vmem>>, vector<16xf32>,
      %get3A_585 = vector.shape_cast %get3A_584 : vector<16xf32> to vector<16xf32>
      %add3A_586 = arith.addf %scan3A_579, %get3A_585 : vector<16xf32>
      scf.yield %add3A_586 : vector<16xf32>
    }
    %scan3A_133 = arith.constant 26 : i32
    %scan3A_134 = arith.constant 0 : i32
    %scan3A_135 = arith.constant 13 : i32
    %scan3A_136 = arith.addi %scan3A_134, %scan3A_135 : i32
    %scan3A_137 = arith.constant 1 : i32
    %scan3A_138 = scf.for %scan3A_578 = %scan3A_134 to %scan3A_136 step %scan3A_137 iter_args(%scan3A_579 = %scan3A_132) -> (vector<16xf32>)  : i32 {
      %get3A = arith.index_cast %scan3A_578 : i32 to index
      %get3A_580 = arith.constant 0 : index
      %get3A_581 = tpu.vector_load %arg10[%get3A, %get3A_580] {strides = array<i32>} : memref<13x16xf32, #tpu.memory_space<vmem>>, vector<1x16xf32>,
      %get3A_582 = vector.shape_cast %get3A_581 : vector<1x16xf32> to vector<16xf32>
      %get3A_583 = arith.index_cast %scan3A_578 : i32 to index
      %get3A_584 = arith.constant 112 : index
      %get3A_585 = tpu.vector_load %arg9[%get3A_583, %get3A_584] {strides = array<i32>} : memref<13x512xf32, #tpu.memory_space<vmem>>, vector<1x16xf32>,
      %get3A_586 = vector.shape_cast %get3A_585 : vector<1x16xf32> to vector<16xf32>
      %mul3A_587 = arith.mulf %get3A_582, %get3A_586 : vector<16xf32>
      %add3A_588 = arith.addf %scan3A_579, %mul3A_587 : vector<16xf32>
      scf.yield %add3A_588 : vector<16xf32>
    }
    %scan3A_139 = arith.constant 13 : i32
    %swap3A_140 = arith.constant 112 : index
    %swap3A_141 = tpu.vector_load %arg11[%swap3A_140] {strides = array<i32>} : memref<512xf32, #tpu.memory_space<vmem>>, vector<16xf32>,
    %swap3A_142 = vector.shape_cast %swap3A_141 : vector<16xf32> to vector<16xf32>
    %swap3A_143 = vector.shape_cast %scan3A_138 : vector<16xf32> to vector<16xf32>
    tpu.vector_store %arg11[%swap3A_140], %swap3A_143 {strides = array<i32>} : memref<512xf32, #tpu.memory_space<vmem>>, vector<16xf32>,
    %broadcast_in_dim3A_144 = arith.constant 0.000000e+00 : f32
    %broadcast_in_dim3A_145 = vector.broadcast %broadcast_in_dim3A_144 : f32 to vector<16xf32>
    %scan3A_146 = arith.constant 0 : i32
    %scan3A_147 = arith.constant 26 : i32
    %scan3A_148 = arith.addi %scan3A_146, %scan3A_147 : i32
    %scan3A_149 = arith.constant 1 : i32
    %scan3A_150 = scf.for %scan3A_578 = %scan3A_146 to %scan3A_148 step %scan3A_149 iter_args(%scan3A_579 = %broadcast_in_dim3A_145) -> (vector<16xf32>)  : i32 {
      %mul3A_580 = arith.constant 512 : i32
      %mul3A_581 = arith.muli %scan3A_578, %mul3A_580 : i32
      %add3A_582 = arith.constant 128 : i32
      %add3A_583 = arith.addi %mul3A_581, %add3A_582 : i32
      %get3A = arith.index_cast %add3A_583 : i32 to index
      %get3A_584 = tpu.vector_load %arg8[%get3A] {strides = array<i32>} : memref<13312xf32, #tpu.memory_space<vmem>>, vector<16xf32>,
      %get3A_585 = vector.shape_cast %get3A_584 : vector<16xf32> to vector<16xf32>
      %add3A_586 = arith.addf %scan3A_579, %get3A_585 : vector<16xf32>
      scf.yield %add3A_586 : vector<16xf32>
    }
    %scan3A_151 = arith.constant 26 : i32
    %scan3A_152 = arith.constant 0 : i32
    %scan3A_153 = arith.constant 13 : i32
    %scan3A_154 = arith.addi %scan3A_152, %scan3A_153 : i32
    %scan3A_155 = arith.constant 1 : i32
    %scan3A_156 = scf.for %scan3A_578 = %scan3A_152 to %scan3A_154 step %scan3A_155 iter_args(%scan3A_579 = %scan3A_150) -> (vector<16xf32>)  : i32 {
      %get3A = arith.index_cast %scan3A_578 : i32 to index
      %get3A_580 = arith.constant 0 : index
      %get3A_581 = tpu.vector_load %arg10[%get3A, %get3A_580] {strides = array<i32>} : memref<13x16xf32, #tpu.memory_space<vmem>>, vector<1x16xf32>,
      %get3A_582 = vector.shape_cast %get3A_581 : vector<1x16xf32> to vector<16xf32>
      %get3A_583 = arith.index_cast %scan3A_578 : i32 to index
      %get3A_584 = arith.constant 128 : index
      %get3A_585 = tpu.vector_load %arg9[%get3A_583, %get3A_584] {strides = array<i32>} : memref<13x512xf32, #tpu.memory_space<vmem>>, vector<1x16xf32>,
      %get3A_586 = vector.shape_cast %get3A_585 : vector<1x16xf32> to vector<16xf32>
      %mul3A_587 = arith.mulf %get3A_582, %get3A_586 : vector<16xf32>
      %add3A_588 = arith.addf %scan3A_579, %mul3A_587 : vector<16xf32>
      scf.yield %add3A_588 : vector<16xf32>
    }
    %scan3A_157 = arith.constant 13 : i32
    %swap3A_158 = arith.constant 128 : index
    %swap3A_159 = tpu.vector_load %arg11[%swap3A_158] {strides = array<i32>} : memref<512xf32, #tpu.memory_space<vmem>>, vector<16xf32>,
    %swap3A_160 = vector.shape_cast %swap3A_159 : vector<16xf32> to vector<16xf32>
    %swap3A_161 = vector.shape_cast %scan3A_156 : vector<16xf32> to vector<16xf32>
    tpu.vector_store %arg11[%swap3A_158], %swap3A_161 {strides = array<i32>} : memref<512xf32, #tpu.memory_space<vmem>>, vector<16xf32>,
    %broadcast_in_dim3A_162 = arith.constant 0.000000e+00 : f32
    %broadcast_in_dim3A_163 = vector.broadcast %broadcast_in_dim3A_162 : f32 to vector<16xf32>
    %scan3A_164 = arith.constant 0 : i32
    %scan3A_165 = arith.constant 26 : i32
    %scan3A_166 = arith.addi %scan3A_164, %scan3A_165 : i32
    %scan3A_167 = arith.constant 1 : i32
    %scan3A_168 = scf.for %scan3A_578 = %scan3A_164 to %scan3A_166 step %scan3A_167 iter_args(%scan3A_579 = %broadcast_in_dim3A_163) -> (vector<16xf32>)  : i32 {
      %mul3A_580 = arith.constant 512 : i32
      %mul3A_581 = arith.muli %scan3A_578, %mul3A_580 : i32
      %add3A_582 = arith.constant 144 : i32
      %add3A_583 = arith.addi %mul3A_581, %add3A_582 : i32
      %get3A = arith.index_cast %add3A_583 : i32 to index
      %get3A_584 = tpu.vector_load %arg8[%get3A] {strides = array<i32>} : memref<13312xf32, #tpu.memory_space<vmem>>, vector<16xf32>,
      %get3A_585 = vector.shape_cast %get3A_584 : vector<16xf32> to vector<16xf32>
      %add3A_586 = arith.addf %scan3A_579, %get3A_585 : vector<16xf32>
      scf.yield %add3A_586 : vector<16xf32>
    }
    %scan3A_169 = arith.constant 26 : i32
    %scan3A_170 = arith.constant 0 : i32
    %scan3A_171 = arith.constant 13 : i32
    %scan3A_172 = arith.addi %scan3A_170, %scan3A_171 : i32
    %scan3A_173 = arith.constant 1 : i32
    %scan3A_174 = scf.for %scan3A_578 = %scan3A_170 to %scan3A_172 step %scan3A_173 iter_args(%scan3A_579 = %scan3A_168) -> (vector<16xf32>)  : i32 {
      %get3A = arith.index_cast %scan3A_578 : i32 to index
      %get3A_580 = arith.constant 0 : index
      %get3A_581 = tpu.vector_load %arg10[%get3A, %get3A_580] {strides = array<i32>} : memref<13x16xf32, #tpu.memory_space<vmem>>, vector<1x16xf32>,
      %get3A_582 = vector.shape_cast %get3A_581 : vector<1x16xf32> to vector<16xf32>
      %get3A_583 = arith.index_cast %scan3A_578 : i32 to index
      %get3A_584 = arith.constant 144 : index
      %get3A_585 = tpu.vector_load %arg9[%get3A_583, %get3A_584] {strides = array<i32>} : memref<13x512xf32, #tpu.memory_space<vmem>>, vector<1x16xf32>,
      %get3A_586 = vector.shape_cast %get3A_585 : vector<1x16xf32> to vector<16xf32>
      %mul3A_587 = arith.mulf %get3A_582, %get3A_586 : vector<16xf32>
      %add3A_588 = arith.addf %scan3A_579, %mul3A_587 : vector<16xf32>
      scf.yield %add3A_588 : vector<16xf32>
    }
    %scan3A_175 = arith.constant 13 : i32
    %swap3A_176 = arith.constant 144 : index
    %swap3A_177 = tpu.vector_load %arg11[%swap3A_176] {strides = array<i32>} : memref<512xf32, #tpu.memory_space<vmem>>, vector<16xf32>,
    %swap3A_178 = vector.shape_cast %swap3A_177 : vector<16xf32> to vector<16xf32>
    %swap3A_179 = vector.shape_cast %scan3A_174 : vector<16xf32> to vector<16xf32>
    tpu.vector_store %arg11[%swap3A_176], %swap3A_179 {strides = array<i32>} : memref<512xf32, #tpu.memory_space<vmem>>, vector<16xf32>,
    %broadcast_in_dim3A_180 = arith.constant 0.000000e+00 : f32
    %broadcast_in_dim3A_181 = vector.broadcast %broadcast_in_dim3A_180 : f32 to vector<16xf32>
    %scan3A_182 = arith.constant 0 : i32
    %scan3A_183 = arith.constant 26 : i32
    %scan3A_184 = arith.addi %scan3A_182, %scan3A_183 : i32
    %scan3A_185 = arith.constant 1 : i32
    %scan3A_186 = scf.for %scan3A_578 = %scan3A_182 to %scan3A_184 step %scan3A_185 iter_args(%scan3A_579 = %broadcast_in_dim3A_181) -> (vector<16xf32>)  : i32 {
      %mul3A_580 = arith.constant 512 : i32
      %mul3A_581 = arith.muli %scan3A_578, %mul3A_580 : i32
      %add3A_582 = arith.constant 160 : i32
      %add3A_583 = arith.addi %mul3A_581, %add3A_582 : i32
      %get3A = arith.index_cast %add3A_583 : i32 to index
      %get3A_584 = tpu.vector_load %arg8[%get3A] {strides = array<i32>} : memref<13312xf32, #tpu.memory_space<vmem>>, vector<16xf32>,
      %get3A_585 = vector.shape_cast %get3A_584 : vector<16xf32> to vector<16xf32>
      %add3A_586 = arith.addf %scan3A_579, %get3A_585 : vector<16xf32>
      scf.yield %add3A_586 : vector<16xf32>
    }
    %scan3A_187 = arith.constant 26 : i32
    %scan3A_188 = arith.constant 0 : i32
    %scan3A_189 = arith.constant 13 : i32
    %scan3A_190 = arith.addi %scan3A_188, %scan3A_189 : i32
    %scan3A_191 = arith.constant 1 : i32
    %scan3A_192 = scf.for %scan3A_578 = %scan3A_188 to %scan3A_190 step %scan3A_191 iter_args(%scan3A_579 = %scan3A_186) -> (vector<16xf32>)  : i32 {
      %get3A = arith.index_cast %scan3A_578 : i32 to index
      %get3A_580 = arith.constant 0 : index
      %get3A_581 = tpu.vector_load %arg10[%get3A, %get3A_580] {strides = array<i32>} : memref<13x16xf32, #tpu.memory_space<vmem>>, vector<1x16xf32>,
      %get3A_582 = vector.shape_cast %get3A_581 : vector<1x16xf32> to vector<16xf32>
      %get3A_583 = arith.index_cast %scan3A_578 : i32 to index
      %get3A_584 = arith.constant 160 : index
      %get3A_585 = tpu.vector_load %arg9[%get3A_583, %get3A_584] {strides = array<i32>} : memref<13x512xf32, #tpu.memory_space<vmem>>, vector<1x16xf32>,
      %get3A_586 = vector.shape_cast %get3A_585 : vector<1x16xf32> to vector<16xf32>
      %mul3A_587 = arith.mulf %get3A_582, %get3A_586 : vector<16xf32>
      %add3A_588 = arith.addf %scan3A_579, %mul3A_587 : vector<16xf32>
      scf.yield %add3A_588 : vector<16xf32>
    }
    %scan3A_193 = arith.constant 13 : i32
    %swap3A_194 = arith.constant 160 : index
    %swap3A_195 = tpu.vector_load %arg11[%swap3A_194] {strides = array<i32>} : memref<512xf32, #tpu.memory_space<vmem>>, vector<16xf32>,
    %swap3A_196 = vector.shape_cast %swap3A_195 : vector<16xf32> to vector<16xf32>
    %swap3A_197 = vector.shape_cast %scan3A_192 : vector<16xf32> to vector<16xf32>
    tpu.vector_store %arg11[%swap3A_194], %swap3A_197 {strides = array<i32>} : memref<512xf32, #tpu.memory_space<vmem>>, vector<16xf32>,
    %broadcast_in_dim3A_198 = arith.constant 0.000000e+00 : f32
    %broadcast_in_dim3A_199 = vector.broadcast %broadcast_in_dim3A_198 : f32 to vector<16xf32>
    %scan3A_200 = arith.constant 0 : i32
    %scan3A_201 = arith.constant 26 : i32
    %scan3A_202 = arith.addi %scan3A_200, %scan3A_201 : i32
    %scan3A_203 = arith.constant 1 : i32
    %scan3A_204 = scf.for %scan3A_578 = %scan3A_200 to %scan3A_202 step %scan3A_203 iter_args(%scan3A_579 = %broadcast_in_dim3A_199) -> (vector<16xf32>)  : i32 {
      %mul3A_580 = arith.constant 512 : i32
      %mul3A_581 = arith.muli %scan3A_578, %mul3A_580 : i32
      %add3A_582 = arith.constant 176 : i32
      %add3A_583 = arith.addi %mul3A_581, %add3A_582 : i32
      %get3A = arith.index_cast %add3A_583 : i32 to index
      %get3A_584 = tpu.vector_load %arg8[%get3A] {strides = array<i32>} : memref<13312xf32, #tpu.memory_space<vmem>>, vector<16xf32>,
      %get3A_585 = vector.shape_cast %get3A_584 : vector<16xf32> to vector<16xf32>
      %add3A_586 = arith.addf %scan3A_579, %get3A_585 : vector<16xf32>
      scf.yield %add3A_586 : vector<16xf32>
    }
    %scan3A_205 = arith.constant 26 : i32
    %scan3A_206 = arith.constant 0 : i32
    %scan3A_207 = arith.constant 13 : i32
    %scan3A_208 = arith.addi %scan3A_206, %scan3A_207 : i32
    %scan3A_209 = arith.constant 1 : i32
    %scan3A_210 = scf.for %scan3A_578 = %scan3A_206 to %scan3A_208 step %scan3A_209 iter_args(%scan3A_579 = %scan3A_204) -> (vector<16xf32>)  : i32 {
      %get3A = arith.index_cast %scan3A_578 : i32 to index
      %get3A_580 = arith.constant 0 : index
      %get3A_581 = tpu.vector_load %arg10[%get3A, %get3A_580] {strides = array<i32>} : memref<13x16xf32, #tpu.memory_space<vmem>>, vector<1x16xf32>,
      %get3A_582 = vector.shape_cast %get3A_581 : vector<1x16xf32> to vector<16xf32>
      %get3A_583 = arith.index_cast %scan3A_578 : i32 to index
      %get3A_584 = arith.constant 176 : index
      %get3A_585 = tpu.vector_load %arg9[%get3A_583, %get3A_584] {strides = array<i32>} : memref<13x512xf32, #tpu.memory_space<vmem>>, vector<1x16xf32>,
      %get3A_586 = vector.shape_cast %get3A_585 : vector<1x16xf32> to vector<16xf32>
      %mul3A_587 = arith.mulf %get3A_582, %get3A_586 : vector<16xf32>
      %add3A_588 = arith.addf %scan3A_579, %mul3A_587 : vector<16xf32>
      scf.yield %add3A_588 : vector<16xf32>
    }
    %scan3A_211 = arith.constant 13 : i32
    %swap3A_212 = arith.constant 176 : index
    %swap3A_213 = tpu.vector_load %arg11[%swap3A_212] {strides = array<i32>} : memref<512xf32, #tpu.memory_space<vmem>>, vector<16xf32>,
    %swap3A_214 = vector.shape_cast %swap3A_213 : vector<16xf32> to vector<16xf32>
    %swap3A_215 = vector.shape_cast %scan3A_210 : vector<16xf32> to vector<16xf32>
    tpu.vector_store %arg11[%swap3A_212], %swap3A_215 {strides = array<i32>} : memref<512xf32, #tpu.memory_space<vmem>>, vector<16xf32>,
    %broadcast_in_dim3A_216 = arith.constant 0.000000e+00 : f32
    %broadcast_in_dim3A_217 = vector.broadcast %broadcast_in_dim3A_216 : f32 to vector<16xf32>
    %scan3A_218 = arith.constant 0 : i32
    %scan3A_219 = arith.constant 26 : i32
    %scan3A_220 = arith.addi %scan3A_218, %scan3A_219 : i32
    %scan3A_221 = arith.constant 1 : i32
    %scan3A_222 = scf.for %scan3A_578 = %scan3A_218 to %scan3A_220 step %scan3A_221 iter_args(%scan3A_579 = %broadcast_in_dim3A_217) -> (vector<16xf32>)  : i32 {
      %mul3A_580 = arith.constant 512 : i32
      %mul3A_581 = arith.muli %scan3A_578, %mul3A_580 : i32
      %add3A_582 = arith.constant 192 : i32
      %add3A_583 = arith.addi %mul3A_581, %add3A_582 : i32
      %get3A = arith.index_cast %add3A_583 : i32 to index
      %get3A_584 = tpu.vector_load %arg8[%get3A] {strides = array<i32>} : memref<13312xf32, #tpu.memory_space<vmem>>, vector<16xf32>,
      %get3A_585 = vector.shape_cast %get3A_584 : vector<16xf32> to vector<16xf32>
      %add3A_586 = arith.addf %scan3A_579, %get3A_585 : vector<16xf32>
      scf.yield %add3A_586 : vector<16xf32>
    }
    %scan3A_223 = arith.constant 26 : i32
    %scan3A_224 = arith.constant 0 : i32
    %scan3A_225 = arith.constant 13 : i32
    %scan3A_226 = arith.addi %scan3A_224, %scan3A_225 : i32
    %scan3A_227 = arith.constant 1 : i32
    %scan3A_228 = scf.for %scan3A_578 = %scan3A_224 to %scan3A_226 step %scan3A_227 iter_args(%scan3A_579 = %scan3A_222) -> (vector<16xf32>)  : i32 {
      %get3A = arith.index_cast %scan3A_578 : i32 to index
      %get3A_580 = arith.constant 0 : index
      %get3A_581 = tpu.vector_load %arg10[%get3A, %get3A_580] {strides = array<i32>} : memref<13x16xf32, #tpu.memory_space<vmem>>, vector<1x16xf32>,
      %get3A_582 = vector.shape_cast %get3A_581 : vector<1x16xf32> to vector<16xf32>
      %get3A_583 = arith.index_cast %scan3A_578 : i32 to index
      %get3A_584 = arith.constant 192 : index
      %get3A_585 = tpu.vector_load %arg9[%get3A_583, %get3A_584] {strides = array<i32>} : memref<13x512xf32, #tpu.memory_space<vmem>>, vector<1x16xf32>,
      %get3A_586 = vector.shape_cast %get3A_585 : vector<1x16xf32> to vector<16xf32>
      %mul3A_587 = arith.mulf %get3A_582, %get3A_586 : vector<16xf32>
      %add3A_588 = arith.addf %scan3A_579, %mul3A_587 : vector<16xf32>
      scf.yield %add3A_588 : vector<16xf32>
    }
    %scan3A_229 = arith.constant 13 : i32
    %swap3A_230 = arith.constant 192 : index
    %swap3A_231 = tpu.vector_load %arg11[%swap3A_230] {strides = array<i32>} : memref<512xf32, #tpu.memory_space<vmem>>, vector<16xf32>,
    %swap3A_232 = vector.shape_cast %swap3A_231 : vector<16xf32> to vector<16xf32>
    %swap3A_233 = vector.shape_cast %scan3A_228 : vector<16xf32> to vector<16xf32>
    tpu.vector_store %arg11[%swap3A_230], %swap3A_233 {strides = array<i32>} : memref<512xf32, #tpu.memory_space<vmem>>, vector<16xf32>,
    %broadcast_in_dim3A_234 = arith.constant 0.000000e+00 : f32
    %broadcast_in_dim3A_235 = vector.broadcast %broadcast_in_dim3A_234 : f32 to vector<16xf32>
    %scan3A_236 = arith.constant 0 : i32
    %scan3A_237 = arith.constant 26 : i32
    %scan3A_238 = arith.addi %scan3A_236, %scan3A_237 : i32
    %scan3A_239 = arith.constant 1 : i32
    %scan3A_240 = scf.for %scan3A_578 = %scan3A_236 to %scan3A_238 step %scan3A_239 iter_args(%scan3A_579 = %broadcast_in_dim3A_235) -> (vector<16xf32>)  : i32 {
      %mul3A_580 = arith.constant 512 : i32
      %mul3A_581 = arith.muli %scan3A_578, %mul3A_580 : i32
      %add3A_582 = arith.constant 208 : i32
      %add3A_583 = arith.addi %mul3A_581, %add3A_582 : i32
      %get3A = arith.index_cast %add3A_583 : i32 to index
      %get3A_584 = tpu.vector_load %arg8[%get3A] {strides = array<i32>} : memref<13312xf32, #tpu.memory_space<vmem>>, vector<16xf32>,
      %get3A_585 = vector.shape_cast %get3A_584 : vector<16xf32> to vector<16xf32>
      %add3A_586 = arith.addf %scan3A_579, %get3A_585 : vector<16xf32>
      scf.yield %add3A_586 : vector<16xf32>
    }
    %scan3A_241 = arith.constant 26 : i32
    %scan3A_242 = arith.constant 0 : i32
    %scan3A_243 = arith.constant 13 : i32
    %scan3A_244 = arith.addi %scan3A_242, %scan3A_243 : i32
    %scan3A_245 = arith.constant 1 : i32
    %scan3A_246 = scf.for %scan3A_578 = %scan3A_242 to %scan3A_244 step %scan3A_245 iter_args(%scan3A_579 = %scan3A_240) -> (vector<16xf32>)  : i32 {
      %get3A = arith.index_cast %scan3A_578 : i32 to index
      %get3A_580 = arith.constant 0 : index
      %get3A_581 = tpu.vector_load %arg10[%get3A, %get3A_580] {strides = array<i32>} : memref<13x16xf32, #tpu.memory_space<vmem>>, vector<1x16xf32>,
      %get3A_582 = vector.shape_cast %get3A_581 : vector<1x16xf32> to vector<16xf32>
      %get3A_583 = arith.index_cast %scan3A_578 : i32 to index
      %get3A_584 = arith.constant 208 : index
      %get3A_585 = tpu.vector_load %arg9[%get3A_583, %get3A_584] {strides = array<i32>} : memref<13x512xf32, #tpu.memory_space<vmem>>, vector<1x16xf32>,
      %get3A_586 = vector.shape_cast %get3A_585 : vector<1x16xf32> to vector<16xf32>
      %mul3A_587 = arith.mulf %get3A_582, %get3A_586 : vector<16xf32>
      %add3A_588 = arith.addf %scan3A_579, %mul3A_587 : vector<16xf32>
      scf.yield %add3A_588 : vector<16xf32>
    }
    %scan3A_247 = arith.constant 13 : i32
    %swap3A_248 = arith.constant 208 : index
    %swap3A_249 = tpu.vector_load %arg11[%swap3A_248] {strides = array<i32>} : memref<512xf32, #tpu.memory_space<vmem>>, vector<16xf32>,
    %swap3A_250 = vector.shape_cast %swap3A_249 : vector<16xf32> to vector<16xf32>
    %swap3A_251 = vector.shape_cast %scan3A_246 : vector<16xf32> to vector<16xf32>
    tpu.vector_store %arg11[%swap3A_248], %swap3A_251 {strides = array<i32>} : memref<512xf32, #tpu.memory_space<vmem>>, vector<16xf32>,
    %broadcast_in_dim3A_252 = arith.constant 0.000000e+00 : f32
    %broadcast_in_dim3A_253 = vector.broadcast %broadcast_in_dim3A_252 : f32 to vector<16xf32>
    %scan3A_254 = arith.constant 0 : i32
    %scan3A_255 = arith.constant 26 : i32
    %scan3A_256 = arith.addi %scan3A_254, %scan3A_255 : i32
    %scan3A_257 = arith.constant 1 : i32
    %scan3A_258 = scf.for %scan3A_578 = %scan3A_254 to %scan3A_256 step %scan3A_257 iter_args(%scan3A_579 = %broadcast_in_dim3A_253) -> (vector<16xf32>)  : i32 {
      %mul3A_580 = arith.constant 512 : i32
      %mul3A_581 = arith.muli %scan3A_578, %mul3A_580 : i32
      %add3A_582 = arith.constant 224 : i32
      %add3A_583 = arith.addi %mul3A_581, %add3A_582 : i32
      %get3A = arith.index_cast %add3A_583 : i32 to index
      %get3A_584 = tpu.vector_load %arg8[%get3A] {strides = array<i32>} : memref<13312xf32, #tpu.memory_space<vmem>>, vector<16xf32>,
      %get3A_585 = vector.shape_cast %get3A_584 : vector<16xf32> to vector<16xf32>
      %add3A_586 = arith.addf %scan3A_579, %get3A_585 : vector<16xf32>
      scf.yield %add3A_586 : vector<16xf32>
    }
    %scan3A_259 = arith.constant 26 : i32
    %scan3A_260 = arith.constant 0 : i32
    %scan3A_261 = arith.constant 13 : i32
    %scan3A_262 = arith.addi %scan3A_260, %scan3A_261 : i32
    %scan3A_263 = arith.constant 1 : i32
    %scan3A_264 = scf.for %scan3A_578 = %scan3A_260 to %scan3A_262 step %scan3A_263 iter_args(%scan3A_579 = %scan3A_258) -> (vector<16xf32>)  : i32 {
      %get3A = arith.index_cast %scan3A_578 : i32 to index
      %get3A_580 = arith.constant 0 : index
      %get3A_581 = tpu.vector_load %arg10[%get3A, %get3A_580] {strides = array<i32>} : memref<13x16xf32, #tpu.memory_space<vmem>>, vector<1x16xf32>,
      %get3A_582 = vector.shape_cast %get3A_581 : vector<1x16xf32> to vector<16xf32>
      %get3A_583 = arith.index_cast %scan3A_578 : i32 to index
      %get3A_584 = arith.constant 224 : index
      %get3A_585 = tpu.vector_load %arg9[%get3A_583, %get3A_584] {strides = array<i32>} : memref<13x512xf32, #tpu.memory_space<vmem>>, vector<1x16xf32>,
      %get3A_586 = vector.shape_cast %get3A_585 : vector<1x16xf32> to vector<16xf32>
      %mul3A_587 = arith.mulf %get3A_582, %get3A_586 : vector<16xf32>
      %add3A_588 = arith.addf %scan3A_579, %mul3A_587 : vector<16xf32>
      scf.yield %add3A_588 : vector<16xf32>
    }
    %scan3A_265 = arith.constant 13 : i32
    %swap3A_266 = arith.constant 224 : index
    %swap3A_267 = tpu.vector_load %arg11[%swap3A_266] {strides = array<i32>} : memref<512xf32, #tpu.memory_space<vmem>>, vector<16xf32>,
    %swap3A_268 = vector.shape_cast %swap3A_267 : vector<16xf32> to vector<16xf32>
    %swap3A_269 = vector.shape_cast %scan3A_264 : vector<16xf32> to vector<16xf32>
    tpu.vector_store %arg11[%swap3A_266], %swap3A_269 {strides = array<i32>} : memref<512xf32, #tpu.memory_space<vmem>>, vector<16xf32>,
    %broadcast_in_dim3A_270 = arith.constant 0.000000e+00 : f32
    %broadcast_in_dim3A_271 = vector.broadcast %broadcast_in_dim3A_270 : f32 to vector<16xf32>
    %scan3A_272 = arith.constant 0 : i32
    %scan3A_273 = arith.constant 26 : i32
    %scan3A_274 = arith.addi %scan3A_272, %scan3A_273 : i32
    %scan3A_275 = arith.constant 1 : i32
    %scan3A_276 = scf.for %scan3A_578 = %scan3A_272 to %scan3A_274 step %scan3A_275 iter_args(%scan3A_579 = %broadcast_in_dim3A_271) -> (vector<16xf32>)  : i32 {
      %mul3A_580 = arith.constant 512 : i32
      %mul3A_581 = arith.muli %scan3A_578, %mul3A_580 : i32
      %add3A_582 = arith.constant 240 : i32
      %add3A_583 = arith.addi %mul3A_581, %add3A_582 : i32
      %get3A = arith.index_cast %add3A_583 : i32 to index
      %get3A_584 = tpu.vector_load %arg8[%get3A] {strides = array<i32>} : memref<13312xf32, #tpu.memory_space<vmem>>, vector<16xf32>,
      %get3A_585 = vector.shape_cast %get3A_584 : vector<16xf32> to vector<16xf32>
      %add3A_586 = arith.addf %scan3A_579, %get3A_585 : vector<16xf32>
      scf.yield %add3A_586 : vector<16xf32>
    }
    %scan3A_277 = arith.constant 26 : i32
    %scan3A_278 = arith.constant 0 : i32
    %scan3A_279 = arith.constant 13 : i32
    %scan3A_280 = arith.addi %scan3A_278, %scan3A_279 : i32
    %scan3A_281 = arith.constant 1 : i32
    %scan3A_282 = scf.for %scan3A_578 = %scan3A_278 to %scan3A_280 step %scan3A_281 iter_args(%scan3A_579 = %scan3A_276) -> (vector<16xf32>)  : i32 {
      %get3A = arith.index_cast %scan3A_578 : i32 to index
      %get3A_580 = arith.constant 0 : index
      %get3A_581 = tpu.vector_load %arg10[%get3A, %get3A_580] {strides = array<i32>} : memref<13x16xf32, #tpu.memory_space<vmem>>, vector<1x16xf32>,
      %get3A_582 = vector.shape_cast %get3A_581 : vector<1x16xf32> to vector<16xf32>
      %get3A_583 = arith.index_cast %scan3A_578 : i32 to index
      %get3A_584 = arith.constant 240 : index
      %get3A_585 = tpu.vector_load %arg9[%get3A_583, %get3A_584] {strides = array<i32>} : memref<13x512xf32, #tpu.memory_space<vmem>>, vector<1x16xf32>,
      %get3A_586 = vector.shape_cast %get3A_585 : vector<1x16xf32> to vector<16xf32>
      %mul3A_587 = arith.mulf %get3A_582, %get3A_586 : vector<16xf32>
      %add3A_588 = arith.addf %scan3A_579, %mul3A_587 : vector<16xf32>
      scf.yield %add3A_588 : vector<16xf32>
    }
    %scan3A_283 = arith.constant 13 : i32
    %swap3A_284 = arith.constant 240 : index
    %swap3A_285 = tpu.vector_load %arg11[%swap3A_284] {strides = array<i32>} : memref<512xf32, #tpu.memory_space<vmem>>, vector<16xf32>,
    %swap3A_286 = vector.shape_cast %swap3A_285 : vector<16xf32> to vector<16xf32>
    %swap3A_287 = vector.shape_cast %scan3A_282 : vector<16xf32> to vector<16xf32>
    tpu.vector_store %arg11[%swap3A_284], %swap3A_287 {strides = array<i32>} : memref<512xf32, #tpu.memory_space<vmem>>, vector<16xf32>,
    %broadcast_in_dim3A_288 = arith.constant 0.000000e+00 : f32
    %broadcast_in_dim3A_289 = vector.broadcast %broadcast_in_dim3A_288 : f32 to vector<16xf32>
    %scan3A_290 = arith.constant 0 : i32
    %scan3A_291 = arith.constant 26 : i32
    %scan3A_292 = arith.addi %scan3A_290, %scan3A_291 : i32
    %scan3A_293 = arith.constant 1 : i32
    %scan3A_294 = scf.for %scan3A_578 = %scan3A_290 to %scan3A_292 step %scan3A_293 iter_args(%scan3A_579 = %broadcast_in_dim3A_289) -> (vector<16xf32>)  : i32 {
      %mul3A_580 = arith.constant 512 : i32
      %mul3A_581 = arith.muli %scan3A_578, %mul3A_580 : i32
      %add3A_582 = arith.constant 256 : i32
      %add3A_583 = arith.addi %mul3A_581, %add3A_582 : i32
      %get3A = arith.index_cast %add3A_583 : i32 to index
      %get3A_584 = tpu.vector_load %arg8[%get3A] {strides = array<i32>} : memref<13312xf32, #tpu.memory_space<vmem>>, vector<16xf32>,
      %get3A_585 = vector.shape_cast %get3A_584 : vector<16xf32> to vector<16xf32>
      %add3A_586 = arith.addf %scan3A_579, %get3A_585 : vector<16xf32>
      scf.yield %add3A_586 : vector<16xf32>
    }
    %scan3A_295 = arith.constant 26 : i32
    %scan3A_296 = arith.constant 0 : i32
    %scan3A_297 = arith.constant 13 : i32
    %scan3A_298 = arith.addi %scan3A_296, %scan3A_297 : i32
    %scan3A_299 = arith.constant 1 : i32
    %scan3A_300 = scf.for %scan3A_578 = %scan3A_296 to %scan3A_298 step %scan3A_299 iter_args(%scan3A_579 = %scan3A_294) -> (vector<16xf32>)  : i32 {
      %get3A = arith.index_cast %scan3A_578 : i32 to index
      %get3A_580 = arith.constant 0 : index
      %get3A_581 = tpu.vector_load %arg10[%get3A, %get3A_580] {strides = array<i32>} : memref<13x16xf32, #tpu.memory_space<vmem>>, vector<1x16xf32>,
      %get3A_582 = vector.shape_cast %get3A_581 : vector<1x16xf32> to vector<16xf32>
      %get3A_583 = arith.index_cast %scan3A_578 : i32 to index
      %get3A_584 = arith.constant 256 : index
      %get3A_585 = tpu.vector_load %arg9[%get3A_583, %get3A_584] {strides = array<i32>} : memref<13x512xf32, #tpu.memory_space<vmem>>, vector<1x16xf32>,
      %get3A_586 = vector.shape_cast %get3A_585 : vector<1x16xf32> to vector<16xf32>
      %mul3A_587 = arith.mulf %get3A_582, %get3A_586 : vector<16xf32>
      %add3A_588 = arith.addf %scan3A_579, %mul3A_587 : vector<16xf32>
      scf.yield %add3A_588 : vector<16xf32>
    }
    %scan3A_301 = arith.constant 13 : i32
    %swap3A_302 = arith.constant 256 : index
    %swap3A_303 = tpu.vector_load %arg11[%swap3A_302] {strides = array<i32>} : memref<512xf32, #tpu.memory_space<vmem>>, vector<16xf32>,
    %swap3A_304 = vector.shape_cast %swap3A_303 : vector<16xf32> to vector<16xf32>
    %swap3A_305 = vector.shape_cast %scan3A_300 : vector<16xf32> to vector<16xf32>
    tpu.vector_store %arg11[%swap3A_302], %swap3A_305 {strides = array<i32>} : memref<512xf32, #tpu.memory_space<vmem>>, vector<16xf32>,
    %broadcast_in_dim3A_306 = arith.constant 0.000000e+00 : f32
    %broadcast_in_dim3A_307 = vector.broadcast %broadcast_in_dim3A_306 : f32 to vector<16xf32>
    %scan3A_308 = arith.constant 0 : i32
    %scan3A_309 = arith.constant 26 : i32
    %scan3A_310 = arith.addi %scan3A_308, %scan3A_309 : i32
    %scan3A_311 = arith.constant 1 : i32
    %scan3A_312 = scf.for %scan3A_578 = %scan3A_308 to %scan3A_310 step %scan3A_311 iter_args(%scan3A_579 = %broadcast_in_dim3A_307) -> (vector<16xf32>)  : i32 {
      %mul3A_580 = arith.constant 512 : i32
      %mul3A_581 = arith.muli %scan3A_578, %mul3A_580 : i32
      %add3A_582 = arith.constant 272 : i32
      %add3A_583 = arith.addi %mul3A_581, %add3A_582 : i32
      %get3A = arith.index_cast %add3A_583 : i32 to index
      %get3A_584 = tpu.vector_load %arg8[%get3A] {strides = array<i32>} : memref<13312xf32, #tpu.memory_space<vmem>>, vector<16xf32>,
      %get3A_585 = vector.shape_cast %get3A_584 : vector<16xf32> to vector<16xf32>
      %add3A_586 = arith.addf %scan3A_579, %get3A_585 : vector<16xf32>
      scf.yield %add3A_586 : vector<16xf32>
    }
    %scan3A_313 = arith.constant 26 : i32
    %scan3A_314 = arith.constant 0 : i32
    %scan3A_315 = arith.constant 13 : i32
    %scan3A_316 = arith.addi %scan3A_314, %scan3A_315 : i32
    %scan3A_317 = arith.constant 1 : i32
    %scan3A_318 = scf.for %scan3A_578 = %scan3A_314 to %scan3A_316 step %scan3A_317 iter_args(%scan3A_579 = %scan3A_312) -> (vector<16xf32>)  : i32 {
      %get3A = arith.index_cast %scan3A_578 : i32 to index
      %get3A_580 = arith.constant 0 : index
      %get3A_581 = tpu.vector_load %arg10[%get3A, %get3A_580] {strides = array<i32>} : memref<13x16xf32, #tpu.memory_space<vmem>>, vector<1x16xf32>,
      %get3A_582 = vector.shape_cast %get3A_581 : vector<1x16xf32> to vector<16xf32>
      %get3A_583 = arith.index_cast %scan3A_578 : i32 to index
      %get3A_584 = arith.constant 272 : index
      %get3A_585 = tpu.vector_load %arg9[%get3A_583, %get3A_584] {strides = array<i32>} : memref<13x512xf32, #tpu.memory_space<vmem>>, vector<1x16xf32>,
      %get3A_586 = vector.shape_cast %get3A_585 : vector<1x16xf32> to vector<16xf32>
      %mul3A_587 = arith.mulf %get3A_582, %get3A_586 : vector<16xf32>
      %add3A_588 = arith.addf %scan3A_579, %mul3A_587 : vector<16xf32>
      scf.yield %add3A_588 : vector<16xf32>
    }
    %scan3A_319 = arith.constant 13 : i32
    %swap3A_320 = arith.constant 272 : index
    %swap3A_321 = tpu.vector_load %arg11[%swap3A_320] {strides = array<i32>} : memref<512xf32, #tpu.memory_space<vmem>>, vector<16xf32>,
    %swap3A_322 = vector.shape_cast %swap3A_321 : vector<16xf32> to vector<16xf32>
    %swap3A_323 = vector.shape_cast %scan3A_318 : vector<16xf32> to vector<16xf32>
    tpu.vector_store %arg11[%swap3A_320], %swap3A_323 {strides = array<i32>} : memref<512xf32, #tpu.memory_space<vmem>>, vector<16xf32>,
    %broadcast_in_dim3A_324 = arith.constant 0.000000e+00 : f32
    %broadcast_in_dim3A_325 = vector.broadcast %broadcast_in_dim3A_324 : f32 to vector<16xf32>
    %scan3A_326 = arith.constant 0 : i32
    %scan3A_327 = arith.constant 26 : i32
    %scan3A_328 = arith.addi %scan3A_326, %scan3A_327 : i32
    %scan3A_329 = arith.constant 1 : i32
    %scan3A_330 = scf.for %scan3A_578 = %scan3A_326 to %scan3A_328 step %scan3A_329 iter_args(%scan3A_579 = %broadcast_in_dim3A_325) -> (vector<16xf32>)  : i32 {
      %mul3A_580 = arith.constant 512 : i32
      %mul3A_581 = arith.muli %scan3A_578, %mul3A_580 : i32
      %add3A_582 = arith.constant 288 : i32
      %add3A_583 = arith.addi %mul3A_581, %add3A_582 : i32
      %get3A = arith.index_cast %add3A_583 : i32 to index
      %get3A_584 = tpu.vector_load %arg8[%get3A] {strides = array<i32>} : memref<13312xf32, #tpu.memory_space<vmem>>, vector<16xf32>,
      %get3A_585 = vector.shape_cast %get3A_584 : vector<16xf32> to vector<16xf32>
      %add3A_586 = arith.addf %scan3A_579, %get3A_585 : vector<16xf32>
      scf.yield %add3A_586 : vector<16xf32>
    }
    %scan3A_331 = arith.constant 26 : i32
    %scan3A_332 = arith.constant 0 : i32
    %scan3A_333 = arith.constant 13 : i32
    %scan3A_334 = arith.addi %scan3A_332, %scan3A_333 : i32
    %scan3A_335 = arith.constant 1 : i32
    %scan3A_336 = scf.for %scan3A_578 = %scan3A_332 to %scan3A_334 step %scan3A_335 iter_args(%scan3A_579 = %scan3A_330) -> (vector<16xf32>)  : i32 {
      %get3A = arith.index_cast %scan3A_578 : i32 to index
      %get3A_580 = arith.constant 0 : index
      %get3A_581 = tpu.vector_load %arg10[%get3A, %get3A_580] {strides = array<i32>} : memref<13x16xf32, #tpu.memory_space<vmem>>, vector<1x16xf32>,
      %get3A_582 = vector.shape_cast %get3A_581 : vector<1x16xf32> to vector<16xf32>
      %get3A_583 = arith.index_cast %scan3A_578 : i32 to index
      %get3A_584 = arith.constant 288 : index
      %get3A_585 = tpu.vector_load %arg9[%get3A_583, %get3A_584] {strides = array<i32>} : memref<13x512xf32, #tpu.memory_space<vmem>>, vector<1x16xf32>,
      %get3A_586 = vector.shape_cast %get3A_585 : vector<1x16xf32> to vector<16xf32>
      %mul3A_587 = arith.mulf %get3A_582, %get3A_586 : vector<16xf32>
      %add3A_588 = arith.addf %scan3A_579, %mul3A_587 : vector<16xf32>
      scf.yield %add3A_588 : vector<16xf32>
    }
    %scan3A_337 = arith.constant 13 : i32
    %swap3A_338 = arith.constant 288 : index
    %swap3A_339 = tpu.vector_load %arg11[%swap3A_338] {strides = array<i32>} : memref<512xf32, #tpu.memory_space<vmem>>, vector<16xf32>,
    %swap3A_340 = vector.shape_cast %swap3A_339 : vector<16xf32> to vector<16xf32>
    %swap3A_341 = vector.shape_cast %scan3A_336 : vector<16xf32> to vector<16xf32>
    tpu.vector_store %arg11[%swap3A_338], %swap3A_341 {strides = array<i32>} : memref<512xf32, #tpu.memory_space<vmem>>, vector<16xf32>,
    %broadcast_in_dim3A_342 = arith.constant 0.000000e+00 : f32
    %broadcast_in_dim3A_343 = vector.broadcast %broadcast_in_dim3A_342 : f32 to vector<16xf32>
    %scan3A_344 = arith.constant 0 : i32
    %scan3A_345 = arith.constant 26 : i32
    %scan3A_346 = arith.addi %scan3A_344, %scan3A_345 : i32
    %scan3A_347 = arith.constant 1 : i32
    %scan3A_348 = scf.for %scan3A_578 = %scan3A_344 to %scan3A_346 step %scan3A_347 iter_args(%scan3A_579 = %broadcast_in_dim3A_343) -> (vector<16xf32>)  : i32 {
      %mul3A_580 = arith.constant 512 : i32
      %mul3A_581 = arith.muli %scan3A_578, %mul3A_580 : i32
      %add3A_582 = arith.constant 304 : i32
      %add3A_583 = arith.addi %mul3A_581, %add3A_582 : i32
      %get3A = arith.index_cast %add3A_583 : i32 to index
      %get3A_584 = tpu.vector_load %arg8[%get3A] {strides = array<i32>} : memref<13312xf32, #tpu.memory_space<vmem>>, vector<16xf32>,
      %get3A_585 = vector.shape_cast %get3A_584 : vector<16xf32> to vector<16xf32>
      %add3A_586 = arith.addf %scan3A_579, %get3A_585 : vector<16xf32>
      scf.yield %add3A_586 : vector<16xf32>
    }
    %scan3A_349 = arith.constant 26 : i32
    %scan3A_350 = arith.constant 0 : i32
    %scan3A_351 = arith.constant 13 : i32
    %scan3A_352 = arith.addi %scan3A_350, %scan3A_351 : i32
    %scan3A_353 = arith.constant 1 : i32
    %scan3A_354 = scf.for %scan3A_578 = %scan3A_350 to %scan3A_352 step %scan3A_353 iter_args(%scan3A_579 = %scan3A_348) -> (vector<16xf32>)  : i32 {
      %get3A = arith.index_cast %scan3A_578 : i32 to index
      %get3A_580 = arith.constant 0 : index
      %get3A_581 = tpu.vector_load %arg10[%get3A, %get3A_580] {strides = array<i32>} : memref<13x16xf32, #tpu.memory_space<vmem>>, vector<1x16xf32>,
      %get3A_582 = vector.shape_cast %get3A_581 : vector<1x16xf32> to vector<16xf32>
      %get3A_583 = arith.index_cast %scan3A_578 : i32 to index
      %get3A_584 = arith.constant 304 : index
      %get3A_585 = tpu.vector_load %arg9[%get3A_583, %get3A_584] {strides = array<i32>} : memref<13x512xf32, #tpu.memory_space<vmem>>, vector<1x16xf32>,
      %get3A_586 = vector.shape_cast %get3A_585 : vector<1x16xf32> to vector<16xf32>
      %mul3A_587 = arith.mulf %get3A_582, %get3A_586 : vector<16xf32>
      %add3A_588 = arith.addf %scan3A_579, %mul3A_587 : vector<16xf32>
      scf.yield %add3A_588 : vector<16xf32>
    }
    %scan3A_355 = arith.constant 13 : i32
    %swap3A_356 = arith.constant 304 : index
    %swap3A_357 = tpu.vector_load %arg11[%swap3A_356] {strides = array<i32>} : memref<512xf32, #tpu.memory_space<vmem>>, vector<16xf32>,
    %swap3A_358 = vector.shape_cast %swap3A_357 : vector<16xf32> to vector<16xf32>
    %swap3A_359 = vector.shape_cast %scan3A_354 : vector<16xf32> to vector<16xf32>
    tpu.vector_store %arg11[%swap3A_356], %swap3A_359 {strides = array<i32>} : memref<512xf32, #tpu.memory_space<vmem>>, vector<16xf32>,
    %broadcast_in_dim3A_360 = arith.constant 0.000000e+00 : f32
    %broadcast_in_dim3A_361 = vector.broadcast %broadcast_in_dim3A_360 : f32 to vector<16xf32>
    %scan3A_362 = arith.constant 0 : i32
    %scan3A_363 = arith.constant 26 : i32
    %scan3A_364 = arith.addi %scan3A_362, %scan3A_363 : i32
    %scan3A_365 = arith.constant 1 : i32
    %scan3A_366 = scf.for %scan3A_578 = %scan3A_362 to %scan3A_364 step %scan3A_365 iter_args(%scan3A_579 = %broadcast_in_dim3A_361) -> (vector<16xf32>)  : i32 {
      %mul3A_580 = arith.constant 512 : i32
      %mul3A_581 = arith.muli %scan3A_578, %mul3A_580 : i32
      %add3A_582 = arith.constant 320 : i32
      %add3A_583 = arith.addi %mul3A_581, %add3A_582 : i32
      %get3A = arith.index_cast %add3A_583 : i32 to index
      %get3A_584 = tpu.vector_load %arg8[%get3A] {strides = array<i32>} : memref<13312xf32, #tpu.memory_space<vmem>>, vector<16xf32>,
      %get3A_585 = vector.shape_cast %get3A_584 : vector<16xf32> to vector<16xf32>
      %add3A_586 = arith.addf %scan3A_579, %get3A_585 : vector<16xf32>
      scf.yield %add3A_586 : vector<16xf32>
    }
    %scan3A_367 = arith.constant 26 : i32
    %scan3A_368 = arith.constant 0 : i32
    %scan3A_369 = arith.constant 13 : i32
    %scan3A_370 = arith.addi %scan3A_368, %scan3A_369 : i32
    %scan3A_371 = arith.constant 1 : i32
    %scan3A_372 = scf.for %scan3A_578 = %scan3A_368 to %scan3A_370 step %scan3A_371 iter_args(%scan3A_579 = %scan3A_366) -> (vector<16xf32>)  : i32 {
      %get3A = arith.index_cast %scan3A_578 : i32 to index
      %get3A_580 = arith.constant 0 : index
      %get3A_581 = tpu.vector_load %arg10[%get3A, %get3A_580] {strides = array<i32>} : memref<13x16xf32, #tpu.memory_space<vmem>>, vector<1x16xf32>,
      %get3A_582 = vector.shape_cast %get3A_581 : vector<1x16xf32> to vector<16xf32>
      %get3A_583 = arith.index_cast %scan3A_578 : i32 to index
      %get3A_584 = arith.constant 320 : index
      %get3A_585 = tpu.vector_load %arg9[%get3A_583, %get3A_584] {strides = array<i32>} : memref<13x512xf32, #tpu.memory_space<vmem>>, vector<1x16xf32>,
      %get3A_586 = vector.shape_cast %get3A_585 : vector<1x16xf32> to vector<16xf32>
      %mul3A_587 = arith.mulf %get3A_582, %get3A_586 : vector<16xf32>
      %add3A_588 = arith.addf %scan3A_579, %mul3A_587 : vector<16xf32>
      scf.yield %add3A_588 : vector<16xf32>
    }
    %scan3A_373 = arith.constant 13 : i32
    %swap3A_374 = arith.constant 320 : index
    %swap3A_375 = tpu.vector_load %arg11[%swap3A_374] {strides = array<i32>} : memref<512xf32, #tpu.memory_space<vmem>>, vector<16xf32>,
    %swap3A_376 = vector.shape_cast %swap3A_375 : vector<16xf32> to vector<16xf32>
    %swap3A_377 = vector.shape_cast %scan3A_372 : vector<16xf32> to vector<16xf32>
    tpu.vector_store %arg11[%swap3A_374], %swap3A_377 {strides = array<i32>} : memref<512xf32, #tpu.memory_space<vmem>>, vector<16xf32>,
    %broadcast_in_dim3A_378 = arith.constant 0.000000e+00 : f32
    %broadcast_in_dim3A_379 = vector.broadcast %broadcast_in_dim3A_378 : f32 to vector<16xf32>
    %scan3A_380 = arith.constant 0 : i32
    %scan3A_381 = arith.constant 26 : i32
    %scan3A_382 = arith.addi %scan3A_380, %scan3A_381 : i32
    %scan3A_383 = arith.constant 1 : i32
    %scan3A_384 = scf.for %scan3A_578 = %scan3A_380 to %scan3A_382 step %scan3A_383 iter_args(%scan3A_579 = %broadcast_in_dim3A_379) -> (vector<16xf32>)  : i32 {
      %mul3A_580 = arith.constant 512 : i32
      %mul3A_581 = arith.muli %scan3A_578, %mul3A_580 : i32
      %add3A_582 = arith.constant 336 : i32
      %add3A_583 = arith.addi %mul3A_581, %add3A_582 : i32
      %get3A = arith.index_cast %add3A_583 : i32 to index
      %get3A_584 = tpu.vector_load %arg8[%get3A] {strides = array<i32>} : memref<13312xf32, #tpu.memory_space<vmem>>, vector<16xf32>,
      %get3A_585 = vector.shape_cast %get3A_584 : vector<16xf32> to vector<16xf32>
      %add3A_586 = arith.addf %scan3A_579, %get3A_585 : vector<16xf32>
      scf.yield %add3A_586 : vector<16xf32>
    }
    %scan3A_385 = arith.constant 26 : i32
    %scan3A_386 = arith.constant 0 : i32
    %scan3A_387 = arith.constant 13 : i32
    %scan3A_388 = arith.addi %scan3A_386, %scan3A_387 : i32
    %scan3A_389 = arith.constant 1 : i32
    %scan3A_390 = scf.for %scan3A_578 = %scan3A_386 to %scan3A_388 step %scan3A_389 iter_args(%scan3A_579 = %scan3A_384) -> (vector<16xf32>)  : i32 {
      %get3A = arith.index_cast %scan3A_578 : i32 to index
      %get3A_580 = arith.constant 0 : index
      %get3A_581 = tpu.vector_load %arg10[%get3A, %get3A_580] {strides = array<i32>} : memref<13x16xf32, #tpu.memory_space<vmem>>, vector<1x16xf32>,
      %get3A_582 = vector.shape_cast %get3A_581 : vector<1x16xf32> to vector<16xf32>
      %get3A_583 = arith.index_cast %scan3A_578 : i32 to index
      %get3A_584 = arith.constant 336 : index
      %get3A_585 = tpu.vector_load %arg9[%get3A_583, %get3A_584] {strides = array<i32>} : memref<13x512xf32, #tpu.memory_space<vmem>>, vector<1x16xf32>,
      %get3A_586 = vector.shape_cast %get3A_585 : vector<1x16xf32> to vector<16xf32>
      %mul3A_587 = arith.mulf %get3A_582, %get3A_586 : vector<16xf32>
      %add3A_588 = arith.addf %scan3A_579, %mul3A_587 : vector<16xf32>
      scf.yield %add3A_588 : vector<16xf32>
    }
    %scan3A_391 = arith.constant 13 : i32
    %swap3A_392 = arith.constant 336 : index
    %swap3A_393 = tpu.vector_load %arg11[%swap3A_392] {strides = array<i32>} : memref<512xf32, #tpu.memory_space<vmem>>, vector<16xf32>,
    %swap3A_394 = vector.shape_cast %swap3A_393 : vector<16xf32> to vector<16xf32>
    %swap3A_395 = vector.shape_cast %scan3A_390 : vector<16xf32> to vector<16xf32>
    tpu.vector_store %arg11[%swap3A_392], %swap3A_395 {strides = array<i32>} : memref<512xf32, #tpu.memory_space<vmem>>, vector<16xf32>,
    %broadcast_in_dim3A_396 = arith.constant 0.000000e+00 : f32
    %broadcast_in_dim3A_397 = vector.broadcast %broadcast_in_dim3A_396 : f32 to vector<16xf32>
    %scan3A_398 = arith.constant 0 : i32
    %scan3A_399 = arith.constant 26 : i32
    %scan3A_400 = arith.addi %scan3A_398, %scan3A_399 : i32
    %scan3A_401 = arith.constant 1 : i32
    %scan3A_402 = scf.for %scan3A_578 = %scan3A_398 to %scan3A_400 step %scan3A_401 iter_args(%scan3A_579 = %broadcast_in_dim3A_397) -> (vector<16xf32>)  : i32 {
      %mul3A_580 = arith.constant 512 : i32
      %mul3A_581 = arith.muli %scan3A_578, %mul3A_580 : i32
      %add3A_582 = arith.constant 352 : i32
      %add3A_583 = arith.addi %mul3A_581, %add3A_582 : i32
      %get3A = arith.index_cast %add3A_583 : i32 to index
      %get3A_584 = tpu.vector_load %arg8[%get3A] {strides = array<i32>} : memref<13312xf32, #tpu.memory_space<vmem>>, vector<16xf32>,
      %get3A_585 = vector.shape_cast %get3A_584 : vector<16xf32> to vector<16xf32>
      %add3A_586 = arith.addf %scan3A_579, %get3A_585 : vector<16xf32>
      scf.yield %add3A_586 : vector<16xf32>
    }
    %scan3A_403 = arith.constant 26 : i32
    %scan3A_404 = arith.constant 0 : i32
    %scan3A_405 = arith.constant 13 : i32
    %scan3A_406 = arith.addi %scan3A_404, %scan3A_405 : i32
    %scan3A_407 = arith.constant 1 : i32
    %scan3A_408 = scf.for %scan3A_578 = %scan3A_404 to %scan3A_406 step %scan3A_407 iter_args(%scan3A_579 = %scan3A_402) -> (vector<16xf32>)  : i32 {
      %get3A = arith.index_cast %scan3A_578 : i32 to index
      %get3A_580 = arith.constant 0 : index
      %get3A_581 = tpu.vector_load %arg10[%get3A, %get3A_580] {strides = array<i32>} : memref<13x16xf32, #tpu.memory_space<vmem>>, vector<1x16xf32>,
      %get3A_582 = vector.shape_cast %get3A_581 : vector<1x16xf32> to vector<16xf32>
      %get3A_583 = arith.index_cast %scan3A_578 : i32 to index
      %get3A_584 = arith.constant 352 : index
      %get3A_585 = tpu.vector_load %arg9[%get3A_583, %get3A_584] {strides = array<i32>} : memref<13x512xf32, #tpu.memory_space<vmem>>, vector<1x16xf32>,
      %get3A_586 = vector.shape_cast %get3A_585 : vector<1x16xf32> to vector<16xf32>
      %mul3A_587 = arith.mulf %get3A_582, %get3A_586 : vector<16xf32>
      %add3A_588 = arith.addf %scan3A_579, %mul3A_587 : vector<16xf32>
      scf.yield %add3A_588 : vector<16xf32>
    }
    %scan3A_409 = arith.constant 13 : i32
    %swap3A_410 = arith.constant 352 : index
    %swap3A_411 = tpu.vector_load %arg11[%swap3A_410] {strides = array<i32>} : memref<512xf32, #tpu.memory_space<vmem>>, vector<16xf32>,
    %swap3A_412 = vector.shape_cast %swap3A_411 : vector<16xf32> to vector<16xf32>
    %swap3A_413 = vector.shape_cast %scan3A_408 : vector<16xf32> to vector<16xf32>
    tpu.vector_store %arg11[%swap3A_410], %swap3A_413 {strides = array<i32>} : memref<512xf32, #tpu.memory_space<vmem>>, vector<16xf32>,
    %broadcast_in_dim3A_414 = arith.constant 0.000000e+00 : f32
    %broadcast_in_dim3A_415 = vector.broadcast %broadcast_in_dim3A_414 : f32 to vector<16xf32>
    %scan3A_416 = arith.constant 0 : i32
    %scan3A_417 = arith.constant 26 : i32
    %scan3A_418 = arith.addi %scan3A_416, %scan3A_417 : i32
    %scan3A_419 = arith.constant 1 : i32
    %scan3A_420 = scf.for %scan3A_578 = %scan3A_416 to %scan3A_418 step %scan3A_419 iter_args(%scan3A_579 = %broadcast_in_dim3A_415) -> (vector<16xf32>)  : i32 {
      %mul3A_580 = arith.constant 512 : i32
      %mul3A_581 = arith.muli %scan3A_578, %mul3A_580 : i32
      %add3A_582 = arith.constant 368 : i32
      %add3A_583 = arith.addi %mul3A_581, %add3A_582 : i32
      %get3A = arith.index_cast %add3A_583 : i32 to index
      %get3A_584 = tpu.vector_load %arg8[%get3A] {strides = array<i32>} : memref<13312xf32, #tpu.memory_space<vmem>>, vector<16xf32>,
      %get3A_585 = vector.shape_cast %get3A_584 : vector<16xf32> to vector<16xf32>
      %add3A_586 = arith.addf %scan3A_579, %get3A_585 : vector<16xf32>
      scf.yield %add3A_586 : vector<16xf32>
    }
    %scan3A_421 = arith.constant 26 : i32
    %scan3A_422 = arith.constant 0 : i32
    %scan3A_423 = arith.constant 13 : i32
    %scan3A_424 = arith.addi %scan3A_422, %scan3A_423 : i32
    %scan3A_425 = arith.constant 1 : i32
    %scan3A_426 = scf.for %scan3A_578 = %scan3A_422 to %scan3A_424 step %scan3A_425 iter_args(%scan3A_579 = %scan3A_420) -> (vector<16xf32>)  : i32 {
      %get3A = arith.index_cast %scan3A_578 : i32 to index
      %get3A_580 = arith.constant 0 : index
      %get3A_581 = tpu.vector_load %arg10[%get3A, %get3A_580] {strides = array<i32>} : memref<13x16xf32, #tpu.memory_space<vmem>>, vector<1x16xf32>,
      %get3A_582 = vector.shape_cast %get3A_581 : vector<1x16xf32> to vector<16xf32>
      %get3A_583 = arith.index_cast %scan3A_578 : i32 to index
      %get3A_584 = arith.constant 368 : index
      %get3A_585 = tpu.vector_load %arg9[%get3A_583, %get3A_584] {strides = array<i32>} : memref<13x512xf32, #tpu.memory_space<vmem>>, vector<1x16xf32>,
      %get3A_586 = vector.shape_cast %get3A_585 : vector<1x16xf32> to vector<16xf32>
      %mul3A_587 = arith.mulf %get3A_582, %get3A_586 : vector<16xf32>
      %add3A_588 = arith.addf %scan3A_579, %mul3A_587 : vector<16xf32>
      scf.yield %add3A_588 : vector<16xf32>
    }
    %scan3A_427 = arith.constant 13 : i32
    %swap3A_428 = arith.constant 368 : index
    %swap3A_429 = tpu.vector_load %arg11[%swap3A_428] {strides = array<i32>} : memref<512xf32, #tpu.memory_space<vmem>>, vector<16xf32>,
    %swap3A_430 = vector.shape_cast %swap3A_429 : vector<16xf32> to vector<16xf32>
    %swap3A_431 = vector.shape_cast %scan3A_426 : vector<16xf32> to vector<16xf32>
    tpu.vector_store %arg11[%swap3A_428], %swap3A_431 {strides = array<i32>} : memref<512xf32, #tpu.memory_space<vmem>>, vector<16xf32>,
    %broadcast_in_dim3A_432 = arith.constant 0.000000e+00 : f32
    %broadcast_in_dim3A_433 = vector.broadcast %broadcast_in_dim3A_432 : f32 to vector<16xf32>
    %scan3A_434 = arith.constant 0 : i32
    %scan3A_435 = arith.constant 26 : i32
    %scan3A_436 = arith.addi %scan3A_434, %scan3A_435 : i32
    %scan3A_437 = arith.constant 1 : i32
    %scan3A_438 = scf.for %scan3A_578 = %scan3A_434 to %scan3A_436 step %scan3A_437 iter_args(%scan3A_579 = %broadcast_in_dim3A_433) -> (vector<16xf32>)  : i32 {
      %mul3A_580 = arith.constant 512 : i32
      %mul3A_581 = arith.muli %scan3A_578, %mul3A_580 : i32
      %add3A_582 = arith.constant 384 : i32
      %add3A_583 = arith.addi %mul3A_581, %add3A_582 : i32
      %get3A = arith.index_cast %add3A_583 : i32 to index
      %get3A_584 = tpu.vector_load %arg8[%get3A] {strides = array<i32>} : memref<13312xf32, #tpu.memory_space<vmem>>, vector<16xf32>,
      %get3A_585 = vector.shape_cast %get3A_584 : vector<16xf32> to vector<16xf32>
      %add3A_586 = arith.addf %scan3A_579, %get3A_585 : vector<16xf32>
      scf.yield %add3A_586 : vector<16xf32>
    }
    %scan3A_439 = arith.constant 26 : i32
    %scan3A_440 = arith.constant 0 : i32
    %scan3A_441 = arith.constant 13 : i32
    %scan3A_442 = arith.addi %scan3A_440, %scan3A_441 : i32
    %scan3A_443 = arith.constant 1 : i32
    %scan3A_444 = scf.for %scan3A_578 = %scan3A_440 to %scan3A_442 step %scan3A_443 iter_args(%scan3A_579 = %scan3A_438) -> (vector<16xf32>)  : i32 {
      %get3A = arith.index_cast %scan3A_578 : i32 to index
      %get3A_580 = arith.constant 0 : index
      %get3A_581 = tpu.vector_load %arg10[%get3A, %get3A_580] {strides = array<i32>} : memref<13x16xf32, #tpu.memory_space<vmem>>, vector<1x16xf32>,
      %get3A_582 = vector.shape_cast %get3A_581 : vector<1x16xf32> to vector<16xf32>
      %get3A_583 = arith.index_cast %scan3A_578 : i32 to index
      %get3A_584 = arith.constant 384 : index
      %get3A_585 = tpu.vector_load %arg9[%get3A_583, %get3A_584] {strides = array<i32>} : memref<13x512xf32, #tpu.memory_space<vmem>>, vector<1x16xf32>,
      %get3A_586 = vector.shape_cast %get3A_585 : vector<1x16xf32> to vector<16xf32>
      %mul3A_587 = arith.mulf %get3A_582, %get3A_586 : vector<16xf32>
      %add3A_588 = arith.addf %scan3A_579, %mul3A_587 : vector<16xf32>
      scf.yield %add3A_588 : vector<16xf32>
    }
    %scan3A_445 = arith.constant 13 : i32
    %swap3A_446 = arith.constant 384 : index
    %swap3A_447 = tpu.vector_load %arg11[%swap3A_446] {strides = array<i32>} : memref<512xf32, #tpu.memory_space<vmem>>, vector<16xf32>,
    %swap3A_448 = vector.shape_cast %swap3A_447 : vector<16xf32> to vector<16xf32>
    %swap3A_449 = vector.shape_cast %scan3A_444 : vector<16xf32> to vector<16xf32>
    tpu.vector_store %arg11[%swap3A_446], %swap3A_449 {strides = array<i32>} : memref<512xf32, #tpu.memory_space<vmem>>, vector<16xf32>,
    %broadcast_in_dim3A_450 = arith.constant 0.000000e+00 : f32
    %broadcast_in_dim3A_451 = vector.broadcast %broadcast_in_dim3A_450 : f32 to vector<16xf32>
    %scan3A_452 = arith.constant 0 : i32
    %scan3A_453 = arith.constant 26 : i32
    %scan3A_454 = arith.addi %scan3A_452, %scan3A_453 : i32
    %scan3A_455 = arith.constant 1 : i32
    %scan3A_456 = scf.for %scan3A_578 = %scan3A_452 to %scan3A_454 step %scan3A_455 iter_args(%scan3A_579 = %broadcast_in_dim3A_451) -> (vector<16xf32>)  : i32 {
      %mul3A_580 = arith.constant 512 : i32
      %mul3A_581 = arith.muli %scan3A_578, %mul3A_580 : i32
      %add3A_582 = arith.constant 400 : i32
      %add3A_583 = arith.addi %mul3A_581, %add3A_582 : i32
      %get3A = arith.index_cast %add3A_583 : i32 to index
      %get3A_584 = tpu.vector_load %arg8[%get3A] {strides = array<i32>} : memref<13312xf32, #tpu.memory_space<vmem>>, vector<16xf32>,
      %get3A_585 = vector.shape_cast %get3A_584 : vector<16xf32> to vector<16xf32>
      %add3A_586 = arith.addf %scan3A_579, %get3A_585 : vector<16xf32>
      scf.yield %add3A_586 : vector<16xf32>
    }
    %scan3A_457 = arith.constant 26 : i32
    %scan3A_458 = arith.constant 0 : i32
    %scan3A_459 = arith.constant 13 : i32
    %scan3A_460 = arith.addi %scan3A_458, %scan3A_459 : i32
    %scan3A_461 = arith.constant 1 : i32
    %scan3A_462 = scf.for %scan3A_578 = %scan3A_458 to %scan3A_460 step %scan3A_461 iter_args(%scan3A_579 = %scan3A_456) -> (vector<16xf32>)  : i32 {
      %get3A = arith.index_cast %scan3A_578 : i32 to index
      %get3A_580 = arith.constant 0 : index
      %get3A_581 = tpu.vector_load %arg10[%get3A, %get3A_580] {strides = array<i32>} : memref<13x16xf32, #tpu.memory_space<vmem>>, vector<1x16xf32>,
      %get3A_582 = vector.shape_cast %get3A_581 : vector<1x16xf32> to vector<16xf32>
      %get3A_583 = arith.index_cast %scan3A_578 : i32 to index
      %get3A_584 = arith.constant 400 : index
      %get3A_585 = tpu.vector_load %arg9[%get3A_583, %get3A_584] {strides = array<i32>} : memref<13x512xf32, #tpu.memory_space<vmem>>, vector<1x16xf32>,
      %get3A_586 = vector.shape_cast %get3A_585 : vector<1x16xf32> to vector<16xf32>
      %mul3A_587 = arith.mulf %get3A_582, %get3A_586 : vector<16xf32>
      %add3A_588 = arith.addf %scan3A_579, %mul3A_587 : vector<16xf32>
      scf.yield %add3A_588 : vector<16xf32>
    }
    %scan3A_463 = arith.constant 13 : i32
    %swap3A_464 = arith.constant 400 : index
    %swap3A_465 = tpu.vector_load %arg11[%swap3A_464] {strides = array<i32>} : memref<512xf32, #tpu.memory_space<vmem>>, vector<16xf32>,
    %swap3A_466 = vector.shape_cast %swap3A_465 : vector<16xf32> to vector<16xf32>
    %swap3A_467 = vector.shape_cast %scan3A_462 : vector<16xf32> to vector<16xf32>
    tpu.vector_store %arg11[%swap3A_464], %swap3A_467 {strides = array<i32>} : memref<512xf32, #tpu.memory_space<vmem>>, vector<16xf32>,
    %broadcast_in_dim3A_468 = arith.constant 0.000000e+00 : f32
    %broadcast_in_dim3A_469 = vector.broadcast %broadcast_in_dim3A_468 : f32 to vector<16xf32>
    %scan3A_470 = arith.constant 0 : i32
    %scan3A_471 = arith.constant 26 : i32
    %scan3A_472 = arith.addi %scan3A_470, %scan3A_471 : i32
    %scan3A_473 = arith.constant 1 : i32
    %scan3A_474 = scf.for %scan3A_578 = %scan3A_470 to %scan3A_472 step %scan3A_473 iter_args(%scan3A_579 = %broadcast_in_dim3A_469) -> (vector<16xf32>)  : i32 {
      %mul3A_580 = arith.constant 512 : i32
      %mul3A_581 = arith.muli %scan3A_578, %mul3A_580 : i32
      %add3A_582 = arith.constant 416 : i32
      %add3A_583 = arith.addi %mul3A_581, %add3A_582 : i32
      %get3A = arith.index_cast %add3A_583 : i32 to index
      %get3A_584 = tpu.vector_load %arg8[%get3A] {strides = array<i32>} : memref<13312xf32, #tpu.memory_space<vmem>>, vector<16xf32>,
      %get3A_585 = vector.shape_cast %get3A_584 : vector<16xf32> to vector<16xf32>
      %add3A_586 = arith.addf %scan3A_579, %get3A_585 : vector<16xf32>
      scf.yield %add3A_586 : vector<16xf32>
    }
    %scan3A_475 = arith.constant 26 : i32
    %scan3A_476 = arith.constant 0 : i32
    %scan3A_477 = arith.constant 13 : i32
    %scan3A_478 = arith.addi %scan3A_476, %scan3A_477 : i32
    %scan3A_479 = arith.constant 1 : i32
    %scan3A_480 = scf.for %scan3A_578 = %scan3A_476 to %scan3A_478 step %scan3A_479 iter_args(%scan3A_579 = %scan3A_474) -> (vector<16xf32>)  : i32 {
      %get3A = arith.index_cast %scan3A_578 : i32 to index
      %get3A_580 = arith.constant 0 : index
      %get3A_581 = tpu.vector_load %arg10[%get3A, %get3A_580] {strides = array<i32>} : memref<13x16xf32, #tpu.memory_space<vmem>>, vector<1x16xf32>,
      %get3A_582 = vector.shape_cast %get3A_581 : vector<1x16xf32> to vector<16xf32>
      %get3A_583 = arith.index_cast %scan3A_578 : i32 to index
      %get3A_584 = arith.constant 416 : index
      %get3A_585 = tpu.vector_load %arg9[%get3A_583, %get3A_584] {strides = array<i32>} : memref<13x512xf32, #tpu.memory_space<vmem>>, vector<1x16xf32>,
      %get3A_586 = vector.shape_cast %get3A_585 : vector<1x16xf32> to vector<16xf32>
      %mul3A_587 = arith.mulf %get3A_582, %get3A_586 : vector<16xf32>
      %add3A_588 = arith.addf %scan3A_579, %mul3A_587 : vector<16xf32>
      scf.yield %add3A_588 : vector<16xf32>
    }
    %scan3A_481 = arith.constant 13 : i32
    %swap3A_482 = arith.constant 416 : index
    %swap3A_483 = tpu.vector_load %arg11[%swap3A_482] {strides = array<i32>} : memref<512xf32, #tpu.memory_space<vmem>>, vector<16xf32>,
    %swap3A_484 = vector.shape_cast %swap3A_483 : vector<16xf32> to vector<16xf32>
    %swap3A_485 = vector.shape_cast %scan3A_480 : vector<16xf32> to vector<16xf32>
    tpu.vector_store %arg11[%swap3A_482], %swap3A_485 {strides = array<i32>} : memref<512xf32, #tpu.memory_space<vmem>>, vector<16xf32>,
    %broadcast_in_dim3A_486 = arith.constant 0.000000e+00 : f32
    %broadcast_in_dim3A_487 = vector.broadcast %broadcast_in_dim3A_486 : f32 to vector<16xf32>
    %scan3A_488 = arith.constant 0 : i32
    %scan3A_489 = arith.constant 26 : i32
    %scan3A_490 = arith.addi %scan3A_488, %scan3A_489 : i32
    %scan3A_491 = arith.constant 1 : i32
    %scan3A_492 = scf.for %scan3A_578 = %scan3A_488 to %scan3A_490 step %scan3A_491 iter_args(%scan3A_579 = %broadcast_in_dim3A_487) -> (vector<16xf32>)  : i32 {
      %mul3A_580 = arith.constant 512 : i32
      %mul3A_581 = arith.muli %scan3A_578, %mul3A_580 : i32
      %add3A_582 = arith.constant 432 : i32
      %add3A_583 = arith.addi %mul3A_581, %add3A_582 : i32
      %get3A = arith.index_cast %add3A_583 : i32 to index
      %get3A_584 = tpu.vector_load %arg8[%get3A] {strides = array<i32>} : memref<13312xf32, #tpu.memory_space<vmem>>, vector<16xf32>,
      %get3A_585 = vector.shape_cast %get3A_584 : vector<16xf32> to vector<16xf32>
      %add3A_586 = arith.addf %scan3A_579, %get3A_585 : vector<16xf32>
      scf.yield %add3A_586 : vector<16xf32>
    }
    %scan3A_493 = arith.constant 26 : i32
    %scan3A_494 = arith.constant 0 : i32
    %scan3A_495 = arith.constant 13 : i32
    %scan3A_496 = arith.addi %scan3A_494, %scan3A_495 : i32
    %scan3A_497 = arith.constant 1 : i32
    %scan3A_498 = scf.for %scan3A_578 = %scan3A_494 to %scan3A_496 step %scan3A_497 iter_args(%scan3A_579 = %scan3A_492) -> (vector<16xf32>)  : i32 {
      %get3A = arith.index_cast %scan3A_578 : i32 to index
      %get3A_580 = arith.constant 0 : index
      %get3A_581 = tpu.vector_load %arg10[%get3A, %get3A_580] {strides = array<i32>} : memref<13x16xf32, #tpu.memory_space<vmem>>, vector<1x16xf32>,
      %get3A_582 = vector.shape_cast %get3A_581 : vector<1x16xf32> to vector<16xf32>
      %get3A_583 = arith.index_cast %scan3A_578 : i32 to index
      %get3A_584 = arith.constant 432 : index
      %get3A_585 = tpu.vector_load %arg9[%get3A_583, %get3A_584] {strides = array<i32>} : memref<13x512xf32, #tpu.memory_space<vmem>>, vector<1x16xf32>,
      %get3A_586 = vector.shape_cast %get3A_585 : vector<1x16xf32> to vector<16xf32>
      %mul3A_587 = arith.mulf %get3A_582, %get3A_586 : vector<16xf32>
      %add3A_588 = arith.addf %scan3A_579, %mul3A_587 : vector<16xf32>
      scf.yield %add3A_588 : vector<16xf32>
    }
    %scan3A_499 = arith.constant 13 : i32
    %swap3A_500 = arith.constant 432 : index
    %swap3A_501 = tpu.vector_load %arg11[%swap3A_500] {strides = array<i32>} : memref<512xf32, #tpu.memory_space<vmem>>, vector<16xf32>,
    %swap3A_502 = vector.shape_cast %swap3A_501 : vector<16xf32> to vector<16xf32>
    %swap3A_503 = vector.shape_cast %scan3A_498 : vector<16xf32> to vector<16xf32>
    tpu.vector_store %arg11[%swap3A_500], %swap3A_503 {strides = array<i32>} : memref<512xf32, #tpu.memory_space<vmem>>, vector<16xf32>,
    %broadcast_in_dim3A_504 = arith.constant 0.000000e+00 : f32
    %broadcast_in_dim3A_505 = vector.broadcast %broadcast_in_dim3A_504 : f32 to vector<16xf32>
    %scan3A_506 = arith.constant 0 : i32
    %scan3A_507 = arith.constant 26 : i32
    %scan3A_508 = arith.addi %scan3A_506, %scan3A_507 : i32
    %scan3A_509 = arith.constant 1 : i32
    %scan3A_510 = scf.for %scan3A_578 = %scan3A_506 to %scan3A_508 step %scan3A_509 iter_args(%scan3A_579 = %broadcast_in_dim3A_505) -> (vector<16xf32>)  : i32 {
      %mul3A_580 = arith.constant 512 : i32
      %mul3A_581 = arith.muli %scan3A_578, %mul3A_580 : i32
      %add3A_582 = arith.constant 448 : i32
      %add3A_583 = arith.addi %mul3A_581, %add3A_582 : i32
      %get3A = arith.index_cast %add3A_583 : i32 to index
      %get3A_584 = tpu.vector_load %arg8[%get3A] {strides = array<i32>} : memref<13312xf32, #tpu.memory_space<vmem>>, vector<16xf32>,
      %get3A_585 = vector.shape_cast %get3A_584 : vector<16xf32> to vector<16xf32>
      %add3A_586 = arith.addf %scan3A_579, %get3A_585 : vector<16xf32>
      scf.yield %add3A_586 : vector<16xf32>
    }
    %scan3A_511 = arith.constant 26 : i32
    %scan3A_512 = arith.constant 0 : i32
    %scan3A_513 = arith.constant 13 : i32
    %scan3A_514 = arith.addi %scan3A_512, %scan3A_513 : i32
    %scan3A_515 = arith.constant 1 : i32
    %scan3A_516 = scf.for %scan3A_578 = %scan3A_512 to %scan3A_514 step %scan3A_515 iter_args(%scan3A_579 = %scan3A_510) -> (vector<16xf32>)  : i32 {
      %get3A = arith.index_cast %scan3A_578 : i32 to index
      %get3A_580 = arith.constant 0 : index
      %get3A_581 = tpu.vector_load %arg10[%get3A, %get3A_580] {strides = array<i32>} : memref<13x16xf32, #tpu.memory_space<vmem>>, vector<1x16xf32>,
      %get3A_582 = vector.shape_cast %get3A_581 : vector<1x16xf32> to vector<16xf32>
      %get3A_583 = arith.index_cast %scan3A_578 : i32 to index
      %get3A_584 = arith.constant 448 : index
      %get3A_585 = tpu.vector_load %arg9[%get3A_583, %get3A_584] {strides = array<i32>} : memref<13x512xf32, #tpu.memory_space<vmem>>, vector<1x16xf32>,
      %get3A_586 = vector.shape_cast %get3A_585 : vector<1x16xf32> to vector<16xf32>
      %mul3A_587 = arith.mulf %get3A_582, %get3A_586 : vector<16xf32>
      %add3A_588 = arith.addf %scan3A_579, %mul3A_587 : vector<16xf32>
      scf.yield %add3A_588 : vector<16xf32>
    }
    %scan3A_517 = arith.constant 13 : i32
    %swap3A_518 = arith.constant 448 : index
    %swap3A_519 = tpu.vector_load %arg11[%swap3A_518] {strides = array<i32>} : memref<512xf32, #tpu.memory_space<vmem>>, vector<16xf32>,
    %swap3A_520 = vector.shape_cast %swap3A_519 : vector<16xf32> to vector<16xf32>
    %swap3A_521 = vector.shape_cast %scan3A_516 : vector<16xf32> to vector<16xf32>
    tpu.vector_store %arg11[%swap3A_518], %swap3A_521 {strides = array<i32>} : memref<512xf32, #tpu.memory_space<vmem>>, vector<16xf32>,
    %broadcast_in_dim3A_522 = arith.constant 0.000000e+00 : f32
    %broadcast_in_dim3A_523 = vector.broadcast %broadcast_in_dim3A_522 : f32 to vector<16xf32>
    %scan3A_524 = arith.constant 0 : i32
    %scan3A_525 = arith.constant 26 : i32
    %scan3A_526 = arith.addi %scan3A_524, %scan3A_525 : i32
    %scan3A_527 = arith.constant 1 : i32
    %scan3A_528 = scf.for %scan3A_578 = %scan3A_524 to %scan3A_526 step %scan3A_527 iter_args(%scan3A_579 = %broadcast_in_dim3A_523) -> (vector<16xf32>)  : i32 {
      %mul3A_580 = arith.constant 512 : i32
      %mul3A_581 = arith.muli %scan3A_578, %mul3A_580 : i32
      %add3A_582 = arith.constant 464 : i32
      %add3A_583 = arith.addi %mul3A_581, %add3A_582 : i32
      %get3A = arith.index_cast %add3A_583 : i32 to index
      %get3A_584 = tpu.vector_load %arg8[%get3A] {strides = array<i32>} : memref<13312xf32, #tpu.memory_space<vmem>>, vector<16xf32>,
      %get3A_585 = vector.shape_cast %get3A_584 : vector<16xf32> to vector<16xf32>
      %add3A_586 = arith.addf %scan3A_579, %get3A_585 : vector<16xf32>
      scf.yield %add3A_586 : vector<16xf32>
    }
    %scan3A_529 = arith.constant 26 : i32
    %scan3A_530 = arith.constant 0 : i32
    %scan3A_531 = arith.constant 13 : i32
    %scan3A_532 = arith.addi %scan3A_530, %scan3A_531 : i32
    %scan3A_533 = arith.constant 1 : i32
    %scan3A_534 = scf.for %scan3A_578 = %scan3A_530 to %scan3A_532 step %scan3A_533 iter_args(%scan3A_579 = %scan3A_528) -> (vector<16xf32>)  : i32 {
      %get3A = arith.index_cast %scan3A_578 : i32 to index
      %get3A_580 = arith.constant 0 : index
      %get3A_581 = tpu.vector_load %arg10[%get3A, %get3A_580] {strides = array<i32>} : memref<13x16xf32, #tpu.memory_space<vmem>>, vector<1x16xf32>,
      %get3A_582 = vector.shape_cast %get3A_581 : vector<1x16xf32> to vector<16xf32>
      %get3A_583 = arith.index_cast %scan3A_578 : i32 to index
      %get3A_584 = arith.constant 464 : index
      %get3A_585 = tpu.vector_load %arg9[%get3A_583, %get3A_584] {strides = array<i32>} : memref<13x512xf32, #tpu.memory_space<vmem>>, vector<1x16xf32>,
      %get3A_586 = vector.shape_cast %get3A_585 : vector<1x16xf32> to vector<16xf32>
      %mul3A_587 = arith.mulf %get3A_582, %get3A_586 : vector<16xf32>
      %add3A_588 = arith.addf %scan3A_579, %mul3A_587 : vector<16xf32>
      scf.yield %add3A_588 : vector<16xf32>
    }
    %scan3A_535 = arith.constant 13 : i32
    %swap3A_536 = arith.constant 464 : index
    %swap3A_537 = tpu.vector_load %arg11[%swap3A_536] {strides = array<i32>} : memref<512xf32, #tpu.memory_space<vmem>>, vector<16xf32>,
    %swap3A_538 = vector.shape_cast %swap3A_537 : vector<16xf32> to vector<16xf32>
    %swap3A_539 = vector.shape_cast %scan3A_534 : vector<16xf32> to vector<16xf32>
    tpu.vector_store %arg11[%swap3A_536], %swap3A_539 {strides = array<i32>} : memref<512xf32, #tpu.memory_space<vmem>>, vector<16xf32>,
    %broadcast_in_dim3A_540 = arith.constant 0.000000e+00 : f32
    %broadcast_in_dim3A_541 = vector.broadcast %broadcast_in_dim3A_540 : f32 to vector<16xf32>
    %scan3A_542 = arith.constant 0 : i32
    %scan3A_543 = arith.constant 26 : i32
    %scan3A_544 = arith.addi %scan3A_542, %scan3A_543 : i32
    %scan3A_545 = arith.constant 1 : i32
    %scan3A_546 = scf.for %scan3A_578 = %scan3A_542 to %scan3A_544 step %scan3A_545 iter_args(%scan3A_579 = %broadcast_in_dim3A_541) -> (vector<16xf32>)  : i32 {
      %mul3A_580 = arith.constant 512 : i32
      %mul3A_581 = arith.muli %scan3A_578, %mul3A_580 : i32
      %add3A_582 = arith.constant 480 : i32
      %add3A_583 = arith.addi %mul3A_581, %add3A_582 : i32
      %get3A = arith.index_cast %add3A_583 : i32 to index
      %get3A_584 = tpu.vector_load %arg8[%get3A] {strides = array<i32>} : memref<13312xf32, #tpu.memory_space<vmem>>, vector<16xf32>,
      %get3A_585 = vector.shape_cast %get3A_584 : vector<16xf32> to vector<16xf32>
      %add3A_586 = arith.addf %scan3A_579, %get3A_585 : vector<16xf32>
      scf.yield %add3A_586 : vector<16xf32>
    }
    %scan3A_547 = arith.constant 26 : i32
    %scan3A_548 = arith.constant 0 : i32
    %scan3A_549 = arith.constant 13 : i32
    %scan3A_550 = arith.addi %scan3A_548, %scan3A_549 : i32
    %scan3A_551 = arith.constant 1 : i32
    %scan3A_552 = scf.for %scan3A_578 = %scan3A_548 to %scan3A_550 step %scan3A_551 iter_args(%scan3A_579 = %scan3A_546) -> (vector<16xf32>)  : i32 {
      %get3A = arith.index_cast %scan3A_578 : i32 to index
      %get3A_580 = arith.constant 0 : index
      %get3A_581 = tpu.vector_load %arg10[%get3A, %get3A_580] {strides = array<i32>} : memref<13x16xf32, #tpu.memory_space<vmem>>, vector<1x16xf32>,
      %get3A_582 = vector.shape_cast %get3A_581 : vector<1x16xf32> to vector<16xf32>
      %get3A_583 = arith.index_cast %scan3A_578 : i32 to index
      %get3A_584 = arith.constant 480 : index
      %get3A_585 = tpu.vector_load %arg9[%get3A_583, %get3A_584] {strides = array<i32>} : memref<13x512xf32, #tpu.memory_space<vmem>>, vector<1x16xf32>,
      %get3A_586 = vector.shape_cast %get3A_585 : vector<1x16xf32> to vector<16xf32>
      %mul3A_587 = arith.mulf %get3A_582, %get3A_586 : vector<16xf32>
      %add3A_588 = arith.addf %scan3A_579, %mul3A_587 : vector<16xf32>
      scf.yield %add3A_588 : vector<16xf32>
    }
    %scan3A_553 = arith.constant 13 : i32
    %swap3A_554 = arith.constant 480 : index
    %swap3A_555 = tpu.vector_load %arg11[%swap3A_554] {strides = array<i32>} : memref<512xf32, #tpu.memory_space<vmem>>, vector<16xf32>,
    %swap3A_556 = vector.shape_cast %swap3A_555 : vector<16xf32> to vector<16xf32>
    %swap3A_557 = vector.shape_cast %scan3A_552 : vector<16xf32> to vector<16xf32>
    tpu.vector_store %arg11[%swap3A_554], %swap3A_557 {strides = array<i32>} : memref<512xf32, #tpu.memory_space<vmem>>, vector<16xf32>,
    %broadcast_in_dim3A_558 = arith.constant 0.000000e+00 : f32
    %broadcast_in_dim3A_559 = vector.broadcast %broadcast_in_dim3A_558 : f32 to vector<16xf32>
    %scan3A_560 = arith.constant 0 : i32
    %scan3A_561 = arith.constant 26 : i32
    %scan3A_562 = arith.addi %scan3A_560, %scan3A_561 : i32
    %scan3A_563 = arith.constant 1 : i32
    %scan3A_564 = scf.for %scan3A_578 = %scan3A_560 to %scan3A_562 step %scan3A_563 iter_args(%scan3A_579 = %broadcast_in_dim3A_559) -> (vector<16xf32>)  : i32 {
      %mul3A_580 = arith.constant 512 : i32
      %mul3A_581 = arith.muli %scan3A_578, %mul3A_580 : i32
      %add3A_582 = arith.constant 496 : i32
      %add3A_583 = arith.addi %mul3A_581, %add3A_582 : i32
      %get3A = arith.index_cast %add3A_583 : i32 to index
      %get3A_584 = tpu.vector_load %arg8[%get3A] {strides = array<i32>} : memref<13312xf32, #tpu.memory_space<vmem>>, vector<16xf32>,
      %get3A_585 = vector.shape_cast %get3A_584 : vector<16xf32> to vector<16xf32>
      %add3A_586 = arith.addf %scan3A_579, %get3A_585 : vector<16xf32>
      scf.yield %add3A_586 : vector<16xf32>
    }
    %scan3A_565 = arith.constant 26 : i32
    %scan3A_566 = arith.constant 0 : i32
    %scan3A_567 = arith.constant 13 : i32
    %scan3A_568 = arith.addi %scan3A_566, %scan3A_567 : i32
    %scan3A_569 = arith.constant 1 : i32
    %scan3A_570 = scf.for %scan3A_578 = %scan3A_566 to %scan3A_568 step %scan3A_569 iter_args(%scan3A_579 = %scan3A_564) -> (vector<16xf32>)  : i32 {
      %get3A = arith.index_cast %scan3A_578 : i32 to index
      %get3A_580 = arith.constant 0 : index
      %get3A_581 = tpu.vector_load %arg10[%get3A, %get3A_580] {strides = array<i32>} : memref<13x16xf32, #tpu.memory_space<vmem>>, vector<1x16xf32>,
      %get3A_582 = vector.shape_cast %get3A_581 : vector<1x16xf32> to vector<16xf32>
      %get3A_583 = arith.index_cast %scan3A_578 : i32 to index
      %get3A_584 = arith.constant 496 : index
      %get3A_585 = tpu.vector_load %arg9[%get3A_583, %get3A_584] {strides = array<i32>} : memref<13x512xf32, #tpu.memory_space<vmem>>, vector<1x16xf32>,
      %get3A_586 = vector.shape_cast %get3A_585 : vector<1x16xf32> to vector<16xf32>
      %mul3A_587 = arith.mulf %get3A_582, %get3A_586 : vector<16xf32>
      %add3A_588 = arith.addf %scan3A_579, %mul3A_587 : vector<16xf32>
      scf.yield %add3A_588 : vector<16xf32>
    }
    %scan3A_571 = arith.constant 13 : i32
    %swap3A_572 = arith.constant 496 : index
    %swap3A_573 = tpu.vector_load %arg11[%swap3A_572] {strides = array<i32>} : memref<512xf32, #tpu.memory_space<vmem>>, vector<16xf32>,
    %swap3A_574 = vector.shape_cast %swap3A_573 : vector<16xf32> to vector<16xf32>
    %swap3A_575 = vector.shape_cast %scan3A_570 : vector<16xf32> to vector<16xf32>
    tpu.vector_store %arg11[%swap3A_572], %swap3A_575 {strides = array<i32>} : memref<512xf32, #tpu.memory_space<vmem>>, vector<16xf32>,
    %mul3A_576 = arith.constant 512 : i32
    %mul3A_577 = arith.muli %add3A, %mul3A_576 : i32
    "tpu.region"() ({
      %run_scoped3A = tpu.sem_alloc : memref<!tpu.dma_semaphore, #tpu.memory_space<semaphore_mem>>
      %dma_start3A_578 = tpu.memref_slice %arg6[%mul3A_577] : memref<16384xf32, #tpu.memory_space<hbm>> -> memref<512xf32, #tpu.memory_space<hbm>>
      %dma_start3A_579 = tpu.memref_slice %arg6[%mul3A_577] : memref<16384xf32, #tpu.memory_space<hbm>> -> memref<512xf32, #tpu.memory_space<hbm>>
      tpu.enqueue_dma source(%arg11 : memref<512xf32, #tpu.memory_space<vmem>>) target(%dma_start3A_579 : memref<512xf32, #tpu.memory_space<hbm>>) target_semaphore(%run_scoped3A : memref<!tpu.dma_semaphore, #tpu.memory_space<semaphore_mem>>)
      %dma_wait3A_580 = tpu.memref_slice %arg6[%mul3A_577] : memref<16384xf32, #tpu.memory_space<hbm>> -> memref<512xf32, #tpu.memory_space<hbm>>
      %dma_wait3A_581 = tpu.memref_slice %arg6[%mul3A_577] : memref<16384xf32, #tpu.memory_space<hbm>> -> memref<512xf32, #tpu.memory_space<hbm>>
      tpu.wait_dma2 semaphore(%run_scoped3A : memref<!tpu.dma_semaphore, #tpu.memory_space<semaphore_mem>>) src(%arg11 : memref<512xf32, #tpu.memory_space<vmem>>) dst(%dma_wait3A_581 : memref<512xf32, #tpu.memory_space<hbm>>)
      tpu.yield
    }) : () -> ()
    return
  }
}

</mosaic_0001>

<sc_bundles>
// kernel: _run.3.cloned.1.call-start
scs
__scs_entry_jumppad:
0x0: {  	(pc) =	sbr.rel $0x88, $3  }
0x1: {  	(tag) =	ssettag $0x0;
	lr =	simm.s32 $0x1  }
0x2: {  	[smem:$0x3F9D] =	sst lr;
	_ =	strace $0xD0000000  }
0x3: {  	_ = 	snop  }
0x4: {  	_ = 	snop  }
0x5: {  	_ = 	snop  }
0x6: {  	_ = 	snop  }
0x7: {  	_ = 	snop  }
__scs_overlays_trampoline_lowered:
0x8: {  	[smem:$0x3FAC] =	sst s0  }
0x9: {  	[smem:$0x3FAD] =	sst s1  }
0xa: {  	[smem:$0x3FAE] =	sst s2  }
0xb: {  	[smem:$0x3FAF] =	sst s3  }
0xc: {  	[smem:$0x3FB0] =	sst s4  }
0xd: {  	[smem:$0x3FB1] =	sst s5  }
0xe: {  	[smem:$0x3FB2] =	sst s6  }
0xf: {  	[smem:$0x3FB3] =	sst s7  }
0x10: {  	[smem:$0x3FB4] =	sst s8  }
0x11: {  	[smem:$0x3FB5] =	sst s9;
	s0 =	simm.s32 @!p0 $0x0  }
0x12: {  	s1 =	sld [smem:$0x3F9B];
	s0 =	simm.s32 @p0 $0x1  }
0x13: {  	[smem:$0x3FB6] =	sst s0;
	s0 =	simm.s32 @!p1 $0x0  }
0x14: {  	s2 =	sld [smem:$0x3F9A];
	s0 =	simm.s32 @p1 $0x1  }
0x15: {  	[smem:$0x3FB7] =	sst s0;
	s0 =	simm.s32 @!p2 $0x0  }
0x16: {  	s3 =	sld [smem:$0x3FDB];
	s0 =	simm.s32 @p2 $0x1  }
0x17: {  	s4 =	simm.s32 $0x1BF5;
	[smem:$0x3FB9] =	sst s0  }
0x18: {  	s0 =	sld [smem:$0x3F9C];
	_ =	swait.ge [sflag:s4], $0x0  }
0x19: {  	s7 =	sld [smem:$0x3F9D]  }
0x1a: {  	s8 =	sadd.s32 $0xFFFFE003, lr  }
0x1b: {  	s9 =	sadd.s32 $0xFFFFFEF7, lr;
	s5 =	simm.s32 $0xFFFFFFFF;
	p2 =	slt.u32 s8, $0xFFFFF086  }
0x1c: {  	p1 =	slt.u32 s9, $0xF7A;
	s5 =	simm.s32 @!p2 $0x0  }
0x1d: {  	s5 =	simm.s32 @p1 $0x1;
	p0 =	seq.s32 s7, s2  }
0x1e: {  	s7 =	smul.u32 @!p0 $0xF7A, s2;
	p2 =	seq.s32 @!p0 s5, $0x0  }
0x1f: {  	s9 =	smul.u32 $0xF7A, s1;
	s8 =	simm.s32 @!p0 $0x1BF5;
	p2 =	por !p2, p0  }
0x20: {  	[sflag:s8] =	ssyncset.s32 @!p0 $0xFFFFF086;
	s6 =	sadd.s32 @!p0 s3, s7;
	s7 =	simm.s32 @!p0 $0x108  }
0x21: {  	s3 =	sadd.s32 s3, s9;
	s6 =	sadd.s32 @!p0 $0x88, s6;
	s7 =	simm.s32 @p2 $0x1082  }
0x22: {  	[simem:s7], [sflag:s8] =	dma.local @!p0 [hbm:s6], $0xF7A  }
0x23: {  	s9 =	sor.u32 $0xD0000000, s2;
	s6 =	simm.s32 $0x108;
	_ =	swait.ge @!p0 [sflag:s8], $0x0  }
0x24: {  	s3 =	sadd.s32 $0x88, s3;
	s6 =	simm.s32 @!p1 $0x1082;
	[sflag:s4] =	ssyncset.s32 $0xFFFFF086  }
0x25: {  	[simem:s6], [sflag:s4] =	dma.local [hbm:s3], $0xF7A  }
0x26: {  	[smem:$0x3F9D] =	sst s1;
	(tag) =	ssettag s2;
	_ =	strace s9  }
0x27: {  	s1 =	sld [smem:$0x3FAD]  }
0x28: {  	s2 =	sld [smem:$0x3FAE]  }
0x29: {  	s4 =	sld [smem:$0x3FB0]  }
0x2a: {  	p0 =	seq.s32 s5, $0x0;
	s5 =	sld [smem:$0x3FB1]  }
0x2b: {  	s6 =	sld [smem:$0x3FB2]  }
0x2c: {  	s7 =	sld [smem:$0x3FB3]  }
0x2d: {  	s3 =	simm.s32 $0x108;
	s8 =	sld [smem:$0x3FB4]  }
0x2e: {  	s3 =	simm.s32 @!p0 $0x1082;
	s9 =	sld [smem:$0x3FB5]  }
0x2f: {  	lr =	sadd.s32 s0, s3;
	s0 =	sld [smem:$0x3FAC]  }
0x30: {  	s3 =	sld [smem:$0x3FAF]  }
0x31: {  	[smem:$0x3FB8] =	sst s10  }
0x32: {  	s10 =	sld [smem:$0x3FB6];
	_ =	sdelay $0x3  }
0x33: {  	p0 =	seq.s32 s10, $0x1;
	s10 =	sld [smem:$0x3FB8];
	_ =	sdelay $0x3  }
0x34: {  	[smem:$0x3FB8] =	sst s10  }
0x35: {  	s10 =	sld [smem:$0x3FB7];
	_ =	sdelay $0x3  }
0x36: {  	p1 =	seq.s32 s10, $0x1;
	s10 =	sld [smem:$0x3FB8];
	_ =	sdelay $0x3  }
0x37: {  	[smem:$0x3FB8] =	sst s10  }
0x38: {  	s10 =	sld [smem:$0x3FB9]  }
0x39: {  	_ = 	snop;
	(pc) =	sbr.ind lr, $3  }
0x3a: {  	_ = 	snop  }
0x3b: {  	_ = 	snop  }
0x3c: {  	p2 =	seq.s32 s10, $0x1;
	s10 =	sld [smem:$0x3FB8]  }
0x3d: {  	_ =	shalt  }
0x3e: {  	_ =	shalt  }
0x3f: {  	_ =	shalt  }
0x40: {  	_ =	shalt  }
0x41: {  	_ =	shalt  }
0x42: {  	_ =	shalt  }
0x43: {  	_ =	shalt  }
0x44: {  	_ =	shalt  }
0x45: {  	_ =	shalt  }
0x46: {  	_ =	shalt  }
0x47: {  	_ =	shalt  }
0x48: {  	_ =	shalt  }
0x49: {  	_ =	shalt  }
0x4a: {  	_ =	shalt  }
0x4b: {  	_ =	shalt  }
0x4c: {  	_ =	shalt  }
0x4d: {  	_ =	shalt  }
0x4e: {  	_ =	shalt  }
0x4f: {  	_ =	shalt  }
0x50: {  	_ =	shalt  }
0x51: {  	_ =	shalt  }
0x52: {  	_ =	shalt  }
0x53: {  	_ =	shalt  }
0x54: {  	_ =	shalt  }
0x55: {  	_ =	shalt  }
0x56: {  	_ =	shalt  }
0x57: {  	_ =	shalt  }
0x58: {  	_ =	shalt  }
0x59: {  	_ =	shalt  }
0x5a: {  	_ =	shalt  }
0x5b: {  	_ =	shalt  }
0x5c: {  	_ =	shalt  }
0x5d: {  	_ =	shalt  }
0x5e: {  	_ =	shalt  }
0x5f: {  	_ =	shalt  }
0x60: {  	_ =	shalt  }
0x61: {  	_ =	shalt  }
0x62: {  	_ =	shalt  }
0x63: {  	_ =	shalt  }
0x64: {  	_ =	shalt  }
0x65: {  	_ =	shalt  }
0x66: {  	_ =	shalt  }
0x67: {  	_ =	shalt  }
0x68: {  	_ =	shalt  }
0x69: {  	_ =	shalt  }
0x6a: {  	_ =	shalt  }
0x6b: {  	_ =	shalt  }
0x6c: {  	_ =	shalt  }
0x6d: {  	_ =	shalt  }
0x6e: {  	_ =	shalt  }
0x6f: {  	_ =	shalt  }
0x70: {  	_ =	shalt  }
0x71: {  	_ =	shalt  }
0x72: {  	_ =	shalt  }
0x73: {  	_ =	shalt  }
0x74: {  	_ =	shalt  }
0x75: {  	_ =	shalt  }
0x76: {  	_ =	shalt  }
0x77: {  	_ =	shalt  }
0x78: {  	_ =	shalt  }
0x79: {  	_ =	shalt  }
0x7a: {  	_ =	shalt  }
0x7b: {  	_ =	shalt  }
0x7c: {  	_ =	shalt  }
0x7d: {  	_ =	shalt  }
0x7e: {  	_ =	shalt  }
0x7f: {  	_ =	shalt  }
0x80: {  	_ =	shalt  }
0x81: {  	_ =	shalt  }
0x82: {  	_ =	shalt  }
0x83: {  	_ =	shalt  }
0x84: {  	_ =	shalt  }
0x85: {  	_ =	shalt  }
0x86: {  	_ =	shalt  }
0x87: {  	_ =	shalt  }
.Lfunc_end0:
.L_simem_size_0:
called_computation_lowered:
.L_overlay_start_0:
0x88: {  	s2 =	sld [smem:$0x3FD9]  }
0x89: {  	s3 =	sld [smem:$0x3FFE];
	_ =	sdelay $0x1  }
0x8a: {  	s1 =	srdreg.scid  }
0x8b: {  	s0 =	sand.u32 $0x1, s1  }
0x8c: {  	s17 =	sshll.u32 s0, $0xA;
	s2 =	sadd.s32 s3, s2  }
0x8d: {  	s2 =	sadd.s32 s2, s17  }
0x8e: {  	[smem:$0x3FC4] =	sst s2  }
0x8f: {  	_ = 	snop  }
0x90: {  	s2 =	sld [smem:$0x3FC9]  }
0x91: {  	s18 =	sld [smem:$0x3FC7]  }
0x92: {  	s4 =	sld [smem:$0x3FC6]  }
0x93: {  	s5 =	sld [smem:$0x3FD0];
	(tm) =	ssettm $0x1  }
0x94: {  	s6 =	sld [smem:$0x3FFB];
	_ =	sdelay $0x3  }
0x95: {  	_ =	strace s6  }
0x96: {  	s6 =	sld [smem:$0x3FFC];
	_ =	sdelay $0x3  }
0x97: {  	_ =	strace s6  }
0x98: {  	s6 =	sld [smem:$0x3FFD];
	_ =	sdelay $0x3  }
0x99: {  	_ =	strace s6  }
0x9a: {  	_ =	strace $0x8FFFFFFF  }
0x9b: {  	s19 =	sld [smem:$0x3FDB];
	_ =	sdelay $0x1  }
0x9c: {  	s7 =	simm.s32 $_scs_section_size  }
0x9d: {  	s8 =	simm.s32 $_size__tile_overlayer_lowered;
	s9 =	simm.s32 $_tile_overlayer_lowered  }
0x9e: {  	s22 =	simm.s32 $0x1BFF;
	s21 =	sshll.u32 s9, $0x1;
	s6 =	sadd.s32 s7, s19  }
0x9f: {  	s10 =	simm.s32 $0x0;
	s20 =	sshll.u32 s8, $0x1;
	s8 =	sadd.s32 s21, s6  }
0xa0: {  	[timem:s10], [sflag:s22] =	dma.local [hbm:s8], s20  }
0xa1: {  	_ =	swait.ge [sflag:s22], s20  }
0xa2: {  	s7 =	ssub.s32 $0x0, s20;
	[sflag:s22] =	ssyncset.done $0x0  }
0xa3: {  	[sflag:s22] =	ssyncadd.s32 s7;
	_ =	sdelay $0x1  }
0xa4: {  	s23 =	simm.s32 $0x1B8B  }
0xa5: {  	_ =	swait.ge [sflag:s23], $0x1  }
0xa6: {  	[sflag:s23] =	ssyncset.done $0x0  }
0xa7: {  	s25 =	simm.s32 $0x1B8E;
	s24 =	sld [smem:$0x3FFE];
	[sflag:s23] =	ssyncadd.s32 $0xFFFFFFFF  }
0xa8: {  	s26 =	simm.s32 $execute0_lowered;
	[smem:$0x3FD2] =	sst s25  }
0xa9: {  	s8 =	sshll.u32 s26, $0x1;
	_ =	strace $0x80000046;
	[dreg:$0x1] =	wrdreg $0xFFFFFFFF  }
0xaa: {  	s28 =	simm.s32 $_size_execute0_lowered;
	s6 =	sadd.s32 s6, s8;
	[dreg:$0x0] =	wrdreg $0x0  }
0xab: {  	s8 =	sshll.u32 s28, $0x1;
	[dreg:$0x2] =	wrdreg s6  }
0xac: {  	[dreg:$0x3] =	wrdreg s8  }
0xad: {  	[dreg:$0x4] =	wrdreg $0xC0  }
0xae: {  	_ =	task [dreg:s10], $0x5FFFF  }
0xaf: {  	[dreg:$0x1] =	wrdreg $0xFFFFFFFF  }
0xb0: {  	[dreg:$0x0] =	wrdreg $0x60  }
0xb1: {  	[dreg:$0x2] =	wrdreg s2  }
0xb2: {  	[dreg:$0x3] =	wrdreg s24  }
0xb3: {  	[dreg:$0x4] =	wrdreg s18  }
0xb4: {  	[dreg:$0x5] =	wrdreg s4  }
0xb5: {  	[dreg:$0x6] =	wrdreg s5  }
0xb6: {  	[dreg:$0x7] =	wrdreg $0x9  }
0xb7: {  	_ =	task.clear_ibuf [dreg:s10], $0x8FFFF;
	_ =	strace $0x90000046  }
0xb8: {  	s29 =	simm.s32 $0x9;
	_ =	strace $0x80000048  }
0xb9: {  	_ =	swait.ge [sflag:s29], $0x1  }
0xba: {  	[sflag:s29] =	ssyncadd.s32 $0xFFFFFFFF  }
0xbb: {  	_ =	strace $0x90000048  }
0xbc: {  	_ =	sfence  }
0xbd: {  	s30 =	sld [smem:$0x0];
	_ =	sdelay $0x2  }
0xbe: {  	s31 =	sshll.u32 s1, $0xD;
	s1 =	sshrl.u32 s1, $0x2  }
0xbf: {  	s3 =	sand.u32 $0x4000, s31;
	s1 =	sadd.s32 s1, s30  }
0xc0: {  	s0 =	sor.u32 s3, s0;
	s1 =	sshll.u32 s1, $0x11  }
0xc1: {  	s0 =	sor.u32 s1, s0  }
0xc2: {  	s0 =	sadd.s32 $0x8F2B, s0  }
0xc3: {  	[sflag:s0] =	ssyncadd.remote.s32 $0x1  }
0xc4: {  	_ =	sfence.sel $0xFFFF  }
0xc5: {  	[dreg:$0x0] =	wrdreg $0xFFFFFFFF;
	(pc) =	sbr.abs _section_cstart, $3  }
0xc6: {  	[dreg:$0x1] =	wrdreg $0xFFFFFFFF  }
0xc7: {  	_ =	task.clear_ibuf [dreg:s10], $0x2FFFF;
	_ =	strace $0x9FFFFFFF  }
0xc8: {  	(tm) =	ssettm $0x7FFFFFFF  }
0xc9: {  	_ =	shalt  }
tec
execute0_lowered:
.L_overlay_start_1:
0x0: {  	(tag) =	ssettag $0x1  }
0x1: {  	s5 =	rddreg [dreg:$0x0]  }
0x2: {  	s6 =	rddreg [dreg:$0x1]  }
0x3: {  	s1 =	rddreg [dreg:$0x2]  }
0x4: {  	s3 =	rddreg [dreg:$0x3]  }
0x5: {  	s7 =	rddreg [dreg:$0x4]  }
0x6: {  	s0 =	rddreg [dreg:$0x5]  }
0x7: {  	s8 =	srdreg.scid;
	s2 =	stileid.u32  }
0x8: {  	s4 =	simm.s32 $0x0;
	s13 =	simm.s32 $0x8800;
	s14 =	simm.s32 $0x3400  }
0x9: {  	s15 =	simm.s32 $0x1;
	s16 =	simm.s32 $0x9000;
	s8 =	sand.u32 $0x1, s8  }
0xa: {  	s9 =	sshll.u32 s2, $0x1;
	[smem:$0x7FF] =	sst s4;
	s10 =	sshrl.u32 s2, $0x2  }
0xb: {  	s9 =	sor.u32 s8, s9;
	_ =	strace $0x80000047;
	s10 =	smul.u32 $0x1A000, s10  }
0xc: {  	s8 =	ssub.s32 $0x2, s8;
	s11 =	sshll.u32 s9, $0x7;
	s12 =	sshll.u32 s9, $0xA  }
0xd: {  	s31 =	sshrl.u32 s8, $0x1;
	s9 =	sshll.u32 s9, $0x6;
	s11 =	sand.u32 $0x380, s11  }
0xe: {  	s6 =	sadd.s32 s12, s6;
	s8 =	ssub.s32 s8, s31;
	s7 =	sadd.s32 s7, s9  }
0xf: {  	s9 =	simm.s32 $0x80;
	s12 =	simm.s32 $0x6800;
	s10 =	sor.u32 s10, s11  }
0x10: {  	s6 =	sadd.s32 $0x400, s6;
	s8 =	smax.u32 s8, $0x1;
	s10 =	sshrl.u32 s10, $0x3  }
0x11: {  	s11 =	simm.s32 $0x2;
	s5 =	sadd.s32 s5, s10;
	s10 =	simm.s32 $0x400  }
.LBB2_1:
0x12: {  	[tilespmem:s4], [sflag:$0x2] =	stream.strided.gather [hbm4b:s5+s9], $0x3400, s10, s9, $0x38;
	[tilespmem:$0x9200] =	vst v63  }
0x13: {  	_ =	swait.ge [sflag:s11], $0x3400  }
0x14: {  	[sflag:s11] =	ssyncset.done $0x0  }
0x15: {  	[sflag:s11] =	ssyncadd.s32 $0xFFFFCC00  }
0x16: {  	[tilespmem:s12], [sflag:$0x2] =	stream.linear.gather [hbm4b:s6+s4], $0x2000, $0x38;
	[tilespmem:$0x9200] =	vst v63  }
0x17: {  	_ =	swait.ge [sflag:s11], $0x2000  }
0x18: {  	[sflag:s11] =	ssyncset.done $0x0  }
0x19: {  	[sflag:s11] =	ssyncadd.s32 $0xFFFFE000  }
0x1a: {  	[tilespmem:s13], [sflag:$0x2] =	stream.linear.gather [hbm4b:s1+s4], $0x680, $0x38;
	[tilespmem:$0x9200] =	vst v63  }
0x1b: {  	_ =	swait.ge [sflag:s11], $0x680  }
0x1c: {  	[sflag:s11] =	ssyncset.done $0x0  }
0x1d: {  	[sflag:s11] =	ssyncadd.s32 $0xFFFFF980  }
0x1e: {  	[tilespmem:s14], [sflag:$0x1] =	stream.indirect.gather [hbm4b:s3+s14], $0x1, s4, s14, $0xb8;
	[tilespmem:$0x9200] =	vst v63  }
0x1f: {  	_ =	swait.ge [sflag:s15], $0x3400  }
0x20: {  	[sflag:s15] =	ssyncset.done $0x0  }
0x21: {  	[sflag:s15] =	ssyncadd.s32 $0xFFFFCC00  }
0x22: {  	v13 =	vld [tilespmem:$0x3400]  }
0x23: {  	v17 =	vld [tilespmem:$0x3600]  }
0x24: {  	v19 =	vld [tilespmem:$0x3800]  }
0x25: {  	v22 =	vld [tilespmem:$0x3A00]  }
0x26: {  	v24 =	vld [tilespmem:$0x3C00]  }
0x27: {  	v27 =	vld [tilespmem:$0x3E00]  }
0x28: {  	v29 =	vld [tilespmem:$0x4000]  }
0x29: {  	v31 =	vld [tilespmem:$0x4200]  }
0x2a: {  	v33 =	vld [tilespmem:$0x4400]  }
0x2b: {  	v35 =	vld [tilespmem:$0x4600]  }
0x2c: {  	v37 =	vld [tilespmem:$0x4800]  }
0x2d: {  	v39 =	vld [tilespmem:$0x4A00]  }
0x2e: {  	v41 =	vld [tilespmem:$0x4C00]  }
0x2f: {  	v43 =	vld [tilespmem:$0x4E00]  }
0x30: {  	v44 =	vld [tilespmem:$0x5000]  }
0x31: {  	v46 =	vld [tilespmem:$0x5200]  }
0x32: {  	v48 =	vld [tilespmem:$0x5400]  }
0x33: {  	v62 =	vld [tilespmem:$0x5600]  }
0x34: {  	v60 =	vld [tilespmem:$0x5800]  }
0x35: {  	v56 =	vld [tilespmem:$0x5A00]  }
0x36: {  	v55 =	vld [tilespmem:$0x5C00]  }
0x37: {  	v52 =	vld [tilespmem:$0x5E00]  }
0x38: {  	v49 =	vld [tilespmem:$0x6000]  }
0x39: {  	v0 =	vld [tilespmem:$0x6200]  }
0x3a: {  	v14 =	vld [tilespmem:$0x6400]  }
0x3b: {  	v15 =	vld [tilespmem:$0x6600]  }
0x3c: {  	v16 =	vld [tilespmem:$0x8800]  }
0x3d: {  	v18 =	vld [tilespmem:$0x6800]  }
0x3e: {  	v20 =	vld [tilespmem:$0x8880]  }
0x3f: {  	v21 =	vld [tilespmem:$0x6880]  }
0x40: {  	v23 =	vld [tilespmem:$0x8900]  }
0x41: {  	v25 =	vld [tilespmem:$0x6900]  }
0x42: {  	v26 =	vld [tilespmem:$0x8980]  }
0x43: {  	v28 =	vld [tilespmem:$0x6980]  }
0x44: {  	v30 =	vld [tilespmem:$0x8A00]  }
0x45: {  	v32 =	vld [tilespmem:$0x6A00]  }
0x46: {  	v34 =	vld [tilespmem:$0x8A80]  }
0x47: {  	v36 =	vld [tilespmem:$0x6A80]  }
0x48: {  	v38 =	vld [tilespmem:$0x8B00]  }
0x49: {  	v40 =	vld [tilespmem:$0x6B00]  }
0x4a: {  	v42 =	vld [tilespmem:$0x8B80]  }
0x4b: {  	v45 =	vld [tilespmem:$0x6B80]  }
0x4c: {  	v47 =	vld [tilespmem:$0x8C00]  }
0x4d: {  	v50 =	vld [tilespmem:$0x7800]  }
0x4e: {  	v51 =	vld [tilespmem:$0x8C80]  }
0x4f: {  	v53 =	vld [tilespmem:$0x7880]  }
0x50: {  	v54 =	vld [tilespmem:$0x8D00]  }
0x51: {  	v57 =	vld [tilespmem:$0x7900]  }
0x52: {  	v58 =	vld [tilespmem:$0x8D80]  }
0x53: {  	v59 =	vld [tilespmem:$0x7980]  }
0x54: {  	v61 =	vld [tilespmem:$0x8E00]  }
0x55: {  	v63 =	vld [tilespmem:$0x7A00]  }
0x56: {  	v8 =	vld [tilespmem:$0x3410]  }
0x57: {  	v10 =	vld [tilespmem:$0x3610]  }
0x58: {  	v11 =	vld [tilespmem:$0x3810]  }
0x59: {  	v12 =	vld [tilespmem:$0x3A10]  }
0x5a: {  	v4 =	vld [tilespmem:$0x8980]  }
0x5b: {  	v5 =	vld [tilespmem:$0x6990]  }
0x5c: {  	v6 =	vld [tilespmem:$0x8A00]  }
0x5d: {  	v7 =	vld [tilespmem:$0x6A10]  }
0x5e: {  	v9 =	vld [tilespmem:$0x8A80]  }
0x5f: {  	v1 =	vld [tilespmem:$0x3620]  }
0x60: {  	v2 =	vld [tilespmem:$0x3820]  }
0x61: {  	v3 =	vld [tilespmem:$0x3A20]  }
0x62: {  	[tilespmem:$0x1C130] =	vst v14;
	v14 =	vld [tilespmem:$0x3C10]  }
0x63: {  	[tilespmem:$0x1C140] =	vst v15;
	v15 =	vld [tilespmem:$0x3E10]  }
0x64: {  	[tilespmem:$0x1C150] =	vst v16;
	v16 =	vld [tilespmem:$0x4010]  }
0x65: {  	[tilespmem:$0x1C160] =	vst v18;
	v18 =	vld [tilespmem:$0x4210]  }
0x66: {  	[tilespmem:$0x1C170] =	vst v20;
	v20 =	vld [tilespmem:$0x4410]  }
0x67: {  	[tilespmem:$0x1C180] =	vst v21;
	v21 =	vld [tilespmem:$0x4610]  }
0x68: {  	[tilespmem:$0x1C190] =	vst v23;
	v23 =	vld [tilespmem:$0x4810]  }
0x69: {  	[tilespmem:$0x1C1A0] =	vst v25;
	v25 =	vld [tilespmem:$0x4A10]  }
0x6a: {  	[tilespmem:$0x1C1B0] =	vst v26;
	v26 =	vld [tilespmem:$0x4C10]  }
0x6b: {  	[tilespmem:$0x1C1C0] =	vst v28;
	v28 =	vld [tilespmem:$0x4E10]  }
0x6c: {  	[tilespmem:$0x1C1D0] =	vst v30;
	v30 =	vld [tilespmem:$0x5010]  }
0x6d: {  	[tilespmem:$0x1C1E0] =	vst v32;
	v32 =	vld [tilespmem:$0x5210]  }
0x6e: {  	[tilespmem:$0x1C1F0] =	vst v34;
	v34 =	vld [tilespmem:$0x5410]  }
0x6f: {  	[tilespmem:$0x1C200] =	vst v36;
	v36 =	vld [tilespmem:$0x5610]  }
0x70: {  	[tilespmem:$0x1C210] =	vst v38;
	v38 =	vld [tilespmem:$0x5810]  }
0x71: {  	[tilespmem:$0x1C220] =	vst v40;
	v40 =	vld [tilespmem:$0x5A10]  }
0x72: {  	[tilespmem:$0x1C250] =	vst v42;
	v42 =	vld [tilespmem:$0x5C10]  }
0x73: {  	[tilespmem:$0x1C260] =	vst v45;
	v45 =	vld [tilespmem:$0x5E10]  }
0x74: {  	[tilespmem:$0x1C2B0] =	vst v47;
	v47 =	vld [tilespmem:$0x6010]  }
0x75: {  	[tilespmem:$0x1C400] =	vst v63;
	v63 =	vld [tilespmem:$0x6210]  }
0x76: {  	[tilespmem:$0x1C3F0] =	vst v61;
	v61 =	vld [tilespmem:$0x6410]  }
0x77: {  	[tilespmem:$0x1C360] =	vst v57;
	v57 =	vld [tilespmem:$0x6610]  }
0x78: {  	[tilespmem:$0x1C390] =	vst v58;
	v58 =	vld [tilespmem:$0x8800]  }
0x79: {  	[tilespmem:$0x1C3A0] =	vst v59;
	v59 =	vld [tilespmem:$0x6810]  }
0x7a: {  	[tilespmem:$0x1C300] =	vst v53;
	v53 =	vld [tilespmem:$0x8880]  }
0x7b: {  	[tilespmem:$0x1C350] =	vst v54;
	v54 =	vld [tilespmem:$0x6890]  }
0x7c: {  	[tilespmem:$0x1C2C0] =	vst v50;
	v50 =	vld [tilespmem:$0x8900]  }
0x7d: {  	[tilespmem:$0x1C2F0] =	vst v51;
	v51 =	vld [tilespmem:$0x6910]  }
0x7e: {  	[tilespmem:$0x1C230] =	vst v4;
	v4 =	vld [tilespmem:$0x6A90]  }
0x7f: {  	[tilespmem:$0x1C240] =	vst v5;
	v5 =	vld [tilespmem:$0x8B00]  }
0x80: {  	[tilespmem:$0x1C270] =	vst v6;
	v6 =	vld [tilespmem:$0x6B10]  }
0x81: {  	[tilespmem:$0x1C280] =	vst v7;
	v7 =	vld [tilespmem:$0x8B80]  }
0x82: {  	[tilespmem:$0x1C290] =	vst v9;
	v9 =	vld [tilespmem:$0x6B90];
	v13 =	vadd.f32 $0.0e+00, v13  }
0x83: {  	[tilespmem:$0x1C120] =	vst v0;
	v0 =	vld [tilespmem:$0x3420];
	v8 =	vadd.f32 $0.0e+00, v8  }
0x84: {  	v13 =	vadd.f32 v17, v13;
	v17 =	vld [tilespmem:$0x3E20]  }
0x85: {  	v8 =	vadd.f32 v10, v8;
	v10 =	vld [tilespmem:$0x5020]  }
0x86: {  	v13 =	vadd.f32 v19, v13;
	v19 =	vld [tilespmem:$0x4220]  }
0x87: {  	v8 =	vadd.f32 v11, v8;
	v11 =	vld [tilespmem:$0x5420]  }
0x88: {  	[tilespmem:$0x1C2A0] =	vst v4;
	v4 =	vld [tilespmem:$0x8C00]  }
0x89: {  	[tilespmem:$0x1C2D0] =	vst v5;
	v5 =	vld [tilespmem:$0x7810]  }
0x8a: {  	[tilespmem:$0x1C2E0] =	vst v6;
	v6 =	vld [tilespmem:$0x8C80]  }
0x8b: {  	[tilespmem:$0x1C310] =	vst v7;
	v7 =	vld [tilespmem:$0x7890]  }
0x8c: {  	[tilespmem:$0x1C320] =	vst v9;
	v9 =	vld [tilespmem:$0x8D00]  }
0x8d: {  	v0 =	vadd.f32 $0.0e+00, v0;
	v13 =	vadd.f32 v22, v13;
	v22 =	vld [tilespmem:$0x4620]  }
0x8e: {  	v8 =	vadd.f32 v12, v8;
	v12 =	vld [tilespmem:$0x5820]  }
0x8f: {  	v0 =	vadd.f32 v1, v0;
	v1 =	vld [tilespmem:$0x5220]  }
0x90: {  	v13 =	vadd.f32 v24, v13;
	v24 =	vld [tilespmem:$0x4A20]  }
0x91: {  	v8 =	vadd.f32 v14, v8;
	v14 =	vld [tilespmem:$0x5C20]  }
0x92: {  	v0 =	vadd.f32 v2, v0;
	v2 =	vld [tilespmem:$0x5620]  }
0x93: {  	[tilespmem:$0x1C330] =	vst v4;
	v4 =	vld [tilespmem:$0x7910]  }
0x94: {  	[tilespmem:$0x1C340] =	vst v5;
	v5 =	vld [tilespmem:$0x8D80]  }
0x95: {  	[tilespmem:$0x1C370] =	vst v6;
	v6 =	vld [tilespmem:$0x7990]  }
0x96: {  	[tilespmem:$0x1C380] =	vst v7;
	v7 =	vld [tilespmem:$0x8E00]  }
0x97: {  	[tilespmem:$0x1C3B0] =	vst v9;
	v9 =	vld [tilespmem:$0x7A10]  }
0x98: {  	v13 =	vadd.f32 v27, v13;
	v27 =	vld [tilespmem:$0x4E20]  }
0x99: {  	v8 =	vadd.f32 v15, v8;
	v15 =	vld [tilespmem:$0x6020]  }
0x9a: {  	v0 =	vadd.f32 v3, v0;
	v3 =	vld [tilespmem:$0x5A20]  }
0x9b: {  	v8 =	vadd.f32 v16, v8;
	v16 =	vld [tilespmem:$0x6420]  }
0x9c: {  	v13 =	vadd.f32 v29, v13;
	v29 =	vld [tilespmem:$0x8B80]  }
0x9d: {  	v8 =	vadd.f32 v18, v8;
	v18 =	vld [tilespmem:$0x8800]  }
0x9e: {  	v13 =	vadd.f32 v31, v13;
	v31 =	vld [tilespmem:$0x8C80]  }
0x9f: {  	[tilespmem:$0x1C3C0] =	vst v4;
	v4 =	vld [tilespmem:$0x3C20]  }
0xa0: {  	[tilespmem:$0x1C3D0] =	vst v5;
	v5 =	vld [tilespmem:$0x4020]  }
0xa1: {  	[tilespmem:$0x1C3E0] =	vst v6;
	v6 =	vld [tilespmem:$0x4420]  }
0xa2: {  	[tilespmem:$0x1C410] =	vst v7;
	v7 =	vld [tilespmem:$0x4820]  }
0xa3: {  	[tilespmem:$0x1C420] =	vst v9;
	v9 =	vld [tilespmem:$0x4C20]  }
0xa4: {  	v8 =	vadd.f32 v20, v8;
	v20 =	vld [tilespmem:$0x8880];
	v0 =	vadd.f32 v4, v0  }
0xa5: {  	v13 =	vadd.f32 v33, v13;
	v33 =	vld [tilespmem:$0x8D80]  }
0xa6: {  	v8 =	vadd.f32 v21, v8;
	v21 =	vld [tilespmem:$0x8900];
	v0 =	vadd.f32 v17, v0  }
0xa7: {  	v13 =	vadd.f32 v35, v13;
	v4 =	vld [tilespmem:$0x5E20]  }
0xa8: {  	v8 =	vadd.f32 v23, v8;
	v23 =	vld [tilespmem:$0x8980];
	v0 =	vadd.f32 v5, v0  }
0xa9: {  	v13 =	vadd.f32 v37, v13;
	v37 =	vld [tilespmem:$0x1C130]  }
0xaa: {  	v17 =	vld [tilespmem:$0x6220];
	v0 =	vadd.f32 v19, v0  }
0xab: {  	v8 =	vadd.f32 v25, v8;
	v25 =	vld [tilespmem:$0x8A00]  }
0xac: {  	v13 =	vadd.f32 v39, v13;
	v39 =	vld [tilespmem:$0x1C140];
	v0 =	vadd.f32 v6, v0  }
0xad: {  	v5 =	vld [tilespmem:$0x6620]  }
0xae: {  	v8 =	vadd.f32 v26, v8;
	v26 =	vld [tilespmem:$0x8A80];
	v0 =	vadd.f32 v22, v0  }
0xaf: {  	v19 =	vld [tilespmem:$0x6820]  }
0xb0: {  	v8 =	vadd.f32 v28, v8;
	v28 =	vld [tilespmem:$0x8B00];
	v0 =	vadd.f32 v7, v0  }
0xb1: {  	v6 =	vld [tilespmem:$0x68A0]  }
0xb2: {  	v8 =	vadd.f32 v30, v8;
	v30 =	vld [tilespmem:$0x8C00];
	v0 =	vadd.f32 v24, v0  }
0xb3: {  	v22 =	vld [tilespmem:$0x6920]  }
0xb4: {  	v8 =	vadd.f32 v32, v8;
	v32 =	vld [tilespmem:$0x8D00];
	v0 =	vadd.f32 v9, v0  }
0xb5: {  	v7 =	vld [tilespmem:$0x69A0]  }
0xb6: {  	v8 =	vadd.f32 v34, v8;
	v34 =	vld [tilespmem:$0x8E00];
	v0 =	vadd.f32 v27, v0  }
0xb7: {  	v13 =	vadd.f32 v41, v13;
	v24 =	vld [tilespmem:$0x6A20]  }
0xb8: {  	v8 =	vadd.f32 v36, v8;
	v36 =	vld [tilespmem:$0x1C120];
	v0 =	vadd.f32 v10, v0  }
0xb9: {  	v13 =	vadd.f32 v43, v13;
	v9 =	vld [tilespmem:$0x6AA0]  }
0xba: {  	v8 =	vadd.f32 v38, v8;
	v38 =	vld [tilespmem:$0x3430];
	v0 =	vadd.f32 v1, v0  }
0xbb: {  	v13 =	vadd.f32 v44, v13;
	v27 =	vld [tilespmem:$0x6B20]  }
0xbc: {  	v8 =	vadd.f32 v40, v8;
	v40 =	vld [tilespmem:$0x1C150];
	v0 =	vadd.f32 v11, v0  }
0xbd: {  	v10 =	vld [tilespmem:$0x6BA0]  }
0xbe: {  	v13 =	vadd.f32 v46, v13;
	v1 =	vld [tilespmem:$0x7820];
	v0 =	vadd.f32 v2, v0  }
0xbf: {  	v11 =	vld [tilespmem:$0x78A0]  }
0xc0: {  	v13 =	vadd.f32 v48, v13;
	v2 =	vld [tilespmem:$0x7920];
	v0 =	vadd.f32 v12, v0  }
0xc1: {  	v12 =	vld [tilespmem:$0x79A0]  }
0xc2: {  	v13 =	vadd.f32 v62, v13;
	[tilespmem:$0x1C430] =	vst v38;
	v0 =	vadd.f32 v3, v0;
	v3 =	vld [tilespmem:$0x7A20]  }
0xc3: {  	v41 =	vld [tilespmem:$0x1C160]  }
0xc4: {  	v13 =	vadd.f32 v60, v13;
	v8 =	vadd.f32 v42, v8;
	v42 =	vld [tilespmem:$0x3630]  }
0xc5: {  	v43 =	vld [tilespmem:$0x3830]  }
0xc6: {  	v13 =	vadd.f32 v56, v13;
	v44 =	vld [tilespmem:$0x1C170]  }
0xc7: {  	v8 =	vadd.f32 v45, v8;
	v45 =	vld [tilespmem:$0x1C180]  }
0xc8: {  	v13 =	vadd.f32 v55, v13;
	v46 =	vld [tilespmem:$0x3A30]  }
0xc9: {  	v48 =	vld [tilespmem:$0x3C30]  }
0xca: {  	v13 =	vadd.f32 v52, v13;
	v52 =	vld [tilespmem:$0x1C190]  }
0xcb: {  	v55 =	vld [tilespmem:$0x1C1A0]  }
0xcc: {  	v13 =	vadd.f32 v49, v13;
	v56 =	vld [tilespmem:$0x3E30]  }
0xcd: {  	v60 =	vld [tilespmem:$0x4030]  }
0xce: {  	v13 =	vadd.f32 v36, v13;
	v62 =	vld [tilespmem:$0x1C1B0]  }
0xcf: {  	v36 =	vld [tilespmem:$0x1C1D0]  }
0xd0: {  	v13 =	vadd.f32 v37, v13;
	v37 =	vld [tilespmem:$0x1C1E0]  }
0xd1: {  	v38 =	vld [tilespmem:$0x4630]  }
0xd2: {  	v50 =	vmul.f32 v51, v50;
	v51 =	vld [tilespmem:$0x5030]  }
0xd3: {  	v13 =	vadd.f32 v39, v13;
	v39 =	vmul.f32 v59, v58;
	v58 =	vld [tilespmem:$0x5430]  }
0xd4: {  	v47 =	vadd.f32 v47, v8;
	v59 =	vmul.f32 v7, v23;
	v23 =	vld [tilespmem:$0x1C2B0];
	v0 =	vadd.f32 v14, v0  }
0xd5: {  	v1 =	vmul.f32 v1, v30;
	v30 =	vld [tilespmem:$0x8C00]  }
0xd6: {  	v0 =	vadd.f32 v4, v0;
	v4 =	vadd.f32 v63, v47;
	v63 =	vld [tilespmem:$0x1C1C0]  }
0xd7: {  	v47 =	vmul.f32 v6, v20;
	v20 =	vld [tilespmem:$0x1C290]  }
0xd8: {  	v35 =	vmul.f32 v41, v40;
	v40 =	vld [tilespmem:$0x4830]  }
0xd9: {  	[tilespmem:$0x1C440] =	vst v42;
	v42 =	vld [tilespmem:$0x4A30]  }
0xda: {  	[tilespmem:$0x1C450] =	vst v43;
	v43 =	vld [tilespmem:$0x1C1F0]  }
0xdb: {  	v14 =	vmul.f32 v45, v44;
	v44 =	vld [tilespmem:$0x1C200]  }
0xdc: {  	[tilespmem:$0x1C460] =	vst v46;
	v46 =	vld [tilespmem:$0x4C30]  }
0xdd: {  	[tilespmem:$0x1C470] =	vst v48;
	v48 =	vld [tilespmem:$0x4E30]  }
0xde: {  	v45 =	vmul.f32 v54, v53;
	v53 =	vld [tilespmem:$0x1C220]  }
0xdf: {  	[tilespmem:$0x1C480] =	vst v56;
	v56 =	vld [tilespmem:$0x1C230]  }
0xe0: {  	[tilespmem:$0x1C490] =	vst v60;
	v60 =	vld [tilespmem:$0x5630]  }
0xe1: {  	v41 =	vmul.f32 v19, v18;
	v19 =	vld [tilespmem:$0x5A30]  }
0xe2: {  	v54 =	vmul.f32 v22, v21;
	v21 =	vld [tilespmem:$0x1C2A0]  }
0xe3: {  	v22 =	vld [tilespmem:$0x5C30]  }
0xe4: {  	v18 =	vmul.f32 v24, v25;
	v24 =	vld [tilespmem:$0x1C2C0]  }
0xe5: {  	v25 =	vmul.f32 v9, v26;
	v26 =	vld [tilespmem:$0x5E30]  }
0xe6: {  	[tilespmem:$0x1C510] =	vst v51;
	v51 =	vld [tilespmem:$0x1C360]  }
0xe7: {  	[tilespmem:$0x1C530] =	vst v58;
	v58 =	vld [tilespmem:$0x1C390]  }
0xe8: {  	[tilespmem:$0x1C4C0] =	vst v38;
	v38 =	vmul.f32 v27, v28;
	v27 =	vld [tilespmem:$0x6B30]  }
0xe9: {  	v28 =	vld [tilespmem:$0x8B80]  }
0xea: {  	[tilespmem:$0x1C7D0] =	vst v30;
	v30 =	vld [tilespmem:$0x5440]  }
0xeb: {  	v4 =	vadd.f32 v61, v4;
	v61 =	vld [tilespmem:$0x1C250]  }
0xec: {  	v0 =	vadd.f32 v15, v0;
	v15 =	vld [tilespmem:$0x1C400]  }
0xed: {  	v13 =	vadd.f32 v35, v13;
	v35 =	vld [tilespmem:$0x4430]  }
0xee: {  	v0 =	vadd.f32 v17, v0;
	v17 =	vld [tilespmem:$0x4230]  }
0xef: {  	v4 =	vadd.f32 v57, v4;
	v57 =	vld [tilespmem:$0x1C240]  }
0xf0: {  	v49 =	vadd.f32 v14, v13;
	v13 =	vmul.f32 v55, v52;
	v52 =	vld [tilespmem:$0x1C210]  }
0xf1: {  	v55 =	vld [tilespmem:$0x5230]  }
0xf2: {  	v14 =	vld [tilespmem:$0x1C3F0]  }
0xf3: {  	v0 =	vadd.f32 v16, v0;
	v16 =	vld [tilespmem:$0x1C280]  }
0xf4: {  	v4 =	vadd.f32 v39, v4;
	v39 =	vld [tilespmem:$0x6230]  }
0xf5: {  	[tilespmem:$0x1C4D0] =	vst v40;
	v40 =	vld [tilespmem:$0x1C2F0]  }
0xf6: {  	[tilespmem:$0x1C4E0] =	vst v42;
	v42 =	vld [tilespmem:$0x1C310]  }
0xf7: {  	[tilespmem:$0x1C4F0] =	vst v46;
	v46 =	vld [tilespmem:$0x6630]  }
0xf8: {  	[tilespmem:$0x1C500] =	vst v48;
	v48 =	vld [tilespmem:$0x1C340]  }
0xf9: {  	[tilespmem:$0x1C540] =	vst v60;
	v60 =	vld [tilespmem:$0x1C3B0]  }
0xfa: {  	[tilespmem:$0x1C560] =	vst v19;
	v19 =	vld [tilespmem:$0x1C420]  }
0xfb: {  	[tilespmem:$0x1C570] =	vst v22;
	v22 =	vld [tilespmem:$0x6A30]  }
0xfc: {  	[tilespmem:$0x1C580] =	vst v26;
	v26 =	vld [tilespmem:$0x8B00]  }
0xfd: {  	[tilespmem:$0x1C740] =	vst v27;
	v27 =	vld [tilespmem:$0x3C50]  }
0xfe: {  	[tilespmem:$0x1C780] =	vst v28;
	v28 =	vld [tilespmem:$0x3E50]  }
0xff: {  	v8 =	vadd.f32 v13, v49;
	v13 =	vmul.f32 v63, v62;
	v62 =	vld [tilespmem:$0x1C260]  }
0x100: {  	v63 =	vld [tilespmem:$0x1C270]  }
0x101: {  	[tilespmem:$0x1C4B0] =	vst v35;
	v35 =	vld [tilespmem:$0x1C2D0]  }
0x102: {  	v4 =	vadd.f32 v45, v4;
	v45 =	vmul.f32 v10, v29;
	v10 =	vld [tilespmem:$0x1C3D0]  }
0x103: {  	v29 =	vld [tilespmem:$0x6BB0]  }
0x104: {  	[tilespmem:$0x1C4A0] =	vst v17;
	v17 =	vld [tilespmem:$0x5830]  }
0x105: {  	v0 =	vadd.f32 v5, v0;
	v8 =	vadd.f32 v13, v8;
	v13 =	vmul.f32 v37, v36;
	v36 =	vld [tilespmem:$0x1C2E0]  }
0x106: {  	v37 =	vld [tilespmem:$0x6030]  }
0x107: {  	v0 =	vadd.f32 v41, v0;
	v41 =	vld [tilespmem:$0x1C300]  }
0x108: {  	v4 =	vadd.f32 v50, v4;
	v50 =	vld [tilespmem:$0x1C350]  }
0x109: {  	[tilespmem:$0x1C520] =	vst v55;
	v55 =	vld [tilespmem:$0x8880]  }
0x10a: {  	v8 =	vadd.f32 v13, v8;
	v13 =	vmul.f32 v44, v43;
	v43 =	vld [tilespmem:$0x1C320]  }
0x10b: {  	v44 =	vld [tilespmem:$0x6430]  }
0x10c: {  	[tilespmem:$0x1C5A0] =	vst v39;
	v39 =	vld [tilespmem:$0x7A30]  }
0x10d: {  	[tilespmem:$0x1C5C0] =	vst v46;
	v46 =	vld [tilespmem:$0x69C0]  }
0x10e: {  	[tilespmem:$0x1C6B0] =	vst v22;
	v22 =	vld [tilespmem:$0x8E00]  }
0x10f: {  	[tilespmem:$0x1C730] =	vst v26;
	v26 =	vld [tilespmem:$0x3A50]  }
0x110: {  	[tilespmem:$0x1C770] =	vst v27;
	v27 =	vld [tilespmem:$0x69D0]  }
0x111: {  	[tilespmem:$0x1C7C0] =	vst v28;
	v28 =	vld [tilespmem:$0x8A00]  }
0x112: {  	v0 =	vadd.f32 v47, v0;
	v47 =	vld [tilespmem:$0x1C330]  }
0x113: {  	v7 =	vmul.f32 v62, v61;
	v61 =	vld [tilespmem:$0x1C3C0]  }
0x114: {  	v62 =	vld [tilespmem:$0x8900]  }
0x115: {  	v49 =	vadd.f32 v13, v8;
	v13 =	vmul.f32 v53, v52;
	v52 =	vld [tilespmem:$0x6830]  }
0x116: {  	v53 =	vld [tilespmem:$0x1C370]  }
0x117: {  	v8 =	vmul.f32 v57, v56;
	v57 =	vld [tilespmem:$0x68B0]  }
0x118: {  	v56 =	vmul.f32 v11, v31;
	v11 =	vld [tilespmem:$0x1C3E0]  }
0x119: {  	v31 =	vld [tilespmem:$0x7830]  }
0x11a: {  	[tilespmem:$0x1C790] =	vst v29;
	v29 =	vld [tilespmem:$0x5240]  }
0x11b: {  	v0 =	vadd.f32 v54, v0;
	v54 =	vld [tilespmem:$0x1C380]  }
0x11c: {  	[tilespmem:$0x1C550] =	vst v17;
	v17 =	vld [tilespmem:$0x69B0]  }
0x11d: {  	[tilespmem:$0x1C590] =	vst v37;
	v37 =	vld [tilespmem:$0x79B0]  }
0x11e: {  	v6 =	vadd.f32 v13, v49;
	v49 =	vld [tilespmem:$0x8800]  }
0x11f: {  	v13 =	vld [tilespmem:$0x8980]  }
0x120: {  	v4 =	vadd.f32 v8, v4;
	v8 =	vmul.f32 v16, v63;
	v63 =	vmul.f32 v2, v32;
	v32 =	vld [tilespmem:$0x8C80]  }
0x121: {  	v16 =	vmul.f32 v12, v33;
	v33 =	vld [tilespmem:$0x78B0]  }
0x122: {  	v12 =	vld [tilespmem:$0x4040]  }
0x123: {  	[tilespmem:$0x1C5F0] =	vst v55;
	v55 =	vld [tilespmem:$0x6B40]  }
0x124: {  	v0 =	vadd.f32 v59, v0;
	v59 =	vld [tilespmem:$0x1C3A0]  }
0x125: {  	[tilespmem:$0x1C920] =	vst v39;
	v39 =	vld [tilespmem:$0x5A40]  }
0x126: {  	[tilespmem:$0x1C5B0] =	vst v44;
	v44 =	vld [tilespmem:$0x8980]  }
0x127: {  	[tilespmem:$0x1C690] =	vst v46;
	v46 =	vld [tilespmem:$0x5250]  }
0x128: {  	[tilespmem:$0x1C930] =	vst v22;
	v22 =	vld [tilespmem:$0x8900]  }
0x129: {  	[tilespmem:$0x1C720] =	vst v26;
	v26 =	vld [tilespmem:$0x8980]  }
0x12a: {  	[tilespmem:$0x1CC80] =	vst v27;
	v27 =	vld [tilespmem:$0x3660]  }
0x12b: {  	[tilespmem:$0x1CCE0] =	vst v28;
	v28 =	vld [tilespmem:$0x5460]  }
0x12c: {  	v6 =	vadd.f32 v7, v6;
	v7 =	vmul.f32 v21, v20;
	v20 =	vld [tilespmem:$0x8A00]  }
0x12d: {  	v4 =	vadd.f32 v8, v4;
	v8 =	vmul.f32 v24, v23;
	v24 =	vld [tilespmem:$0x8A80]  }
0x12e: {  	v21 =	vmul.f32 v3, v34;
	v34 =	vld [tilespmem:$0x8D00]  }
0x12f: {  	[tilespmem:$0x1C620] =	vst v62;
	v62 =	vld [tilespmem:$0x68C0]  }
0x130: {  	v0 =	vadd.f32 v18, v0;
	v18 =	vld [tilespmem:$0x1C410]  }
0x131: {  	[tilespmem:$0x1C600] =	vst v57;
	v57 =	vld [tilespmem:$0x6840]  }
0x132: {  	[tilespmem:$0x1C5E0] =	vst v52;
	v52 =	vld [tilespmem:$0x6AC0]  }
0x133: {  	[tilespmem:$0x1C7E0] =	vst v31;
	v31 =	vld [tilespmem:$0x4050]  }
0x134: {  	v4 =	vadd.f32 v7, v4;
	v7 =	vmul.f32 v36, v35;
	v35 =	vld [tilespmem:$0x7930]  }
0x135: {  	v36 =	vld [tilespmem:$0x8D80]  }
0x136: {  	[tilespmem:$0x1C670] =	vst v17;
	v17 =	vld [tilespmem:$0x4640]  }
0x137: {  	v6 =	vadd.f32 v8, v6;
	v8 =	vmul.f32 v41, v40;
	v41 =	vld [tilespmem:$0x5C40]  }
0x138: {  	v5 =	vmul.f32 v54, v53;
	v54 =	vld [tilespmem:$0x6440]  }
0x139: {  	v40 =	vld [tilespmem:$0x8880]  }
0x13a: {  	v53 =	vld [tilespmem:$0x8B00]  }
0x13b: {  	[tilespmem:$0x1C8D0] =	vst v37;
	v37 =	vld [tilespmem:$0x4850]  }
0x13c: {  	v0 =	vadd.f32 v25, v0;
	v25 =	vld [tilespmem:$0x6AB0]  }
0x13d: {  	[tilespmem:$0x1C5D0] =	vst v49;
	v49 =	vld [tilespmem:$0x6240]  }
0x13e: {  	[tilespmem:$0x1C660] =	vst v13;
	v13 =	vld [tilespmem:$0x7940]  }
0x13f: {  	[tilespmem:$0x1C820] =	vst v32;
	v32 =	vld [tilespmem:$0x4250]  }
0x140: {  	[tilespmem:$0x1C830] =	vst v33;
	v33 =	vld [tilespmem:$0x4450]  }
0x141: {  	[tilespmem:$0x1C760] =	vst v55;
	v55 =	vld [tilespmem:$0x5C50]  }
0x142: {  	v4 =	vadd.f32 v7, v4;
	v7 =	vmul.f32 v43, v42;
	v42 =	vld [tilespmem:$0x8900]  }
0x143: {  	v43 =	vld [tilespmem:$0x6940]  }
0x144: {  	v6 =	vadd.f32 v8, v6;
	v8 =	vmul.f32 v51, v50;
	v50 =	vld [tilespmem:$0x6A40]  }
0x145: {  	v51 =	vld [tilespmem:$0x8A80]  }
0x146: {  	[tilespmem:$0x1C680] =	vst v44;
	v44 =	vld [tilespmem:$0x5050]  }
0x147: {  	[tilespmem:$0x1C9F0] =	vst v46;
	v46 =	vld [tilespmem:$0x8C80]  }
0x148: {  	[tilespmem:$0x1CC30] =	vst v22;
	v22 =	vld [tilespmem:$0x3460]  }
0x149: {  	[tilespmem:$0x1CC70] =	vst v26;
	v26 =	vld [tilespmem:$0x5260]  }
0x14a: {  	[tilespmem:$0x1CA90] =	vst v28;
	v28 =	vld [tilespmem:$0x8B00]  }
0x14b: {  	v0 =	vadd.f32 v38, v0;
	v38 =	vld [tilespmem:$0x8E00]  }
0x14c: {  	[tilespmem:$0x1C6A0] =	vst v20;
	v20 =	vld [tilespmem:$0x4A40]  }
0x14d: {  	[tilespmem:$0x1C6E0] =	vst v24;
	v24 =	vld [tilespmem:$0x4E40]  }
0x14e: {  	[tilespmem:$0x1C870] =	vst v34;
	v34 =	vld [tilespmem:$0x4650]  }
0x14f: {  	v6 =	vadd.f32 v8, v6;
	v8 =	vld [tilespmem:$0x6930]  }
0x150: {  	v4 =	vadd.f32 v7, v4;
	v7 =	vmul.f32 v48, v47;
	v48 =	vld [tilespmem:$0x6040]  }
0x151: {  	v47 =	vld [tilespmem:$0x8A00]  }
0x152: {  	[tilespmem:$0x1C710] =	vst v52;
	v52 =	vld [tilespmem:$0x5850]  }
0x153: {  	[tilespmem:$0x1C810] =	vst v31;
	v31 =	vld [tilespmem:$0x6A50]  }
0x154: {  	[tilespmem:$0x1C880] =	vst v35;
	v35 =	vld [tilespmem:$0x5640]  }
0x155: {  	[tilespmem:$0x1C8C0] =	vst v36;
	v36 =	vld [tilespmem:$0x5840]  }
0x156: {  	v0 =	vadd.f32 v45, v0;
	v45 =	vld [tilespmem:$0x5E40]  }
0x157: {  	[tilespmem:$0x1C610] =	vst v40;
	v40 =	vld [tilespmem:$0x4C50]  }
0x158: {  	[tilespmem:$0x1C750] =	vst v53;
	v53 =	vld [tilespmem:$0x5A50]  }
0x159: {  	[tilespmem:$0x1C950] =	vst v37;
	v37 =	vld [tilespmem:$0x6B50]  }
0x15a: {  	[tilespmem:$0x1C6F0] =	vst v25;
	v25 =	vld [tilespmem:$0x5040]  }
0x15b: {  	v4 =	vadd.f32 v7, v4;
	v7 =	vmul.f32 v59, v58;
	v59 =	vld [tilespmem:$0x8800]  }
0x15c: {  	v58 =	vld [tilespmem:$0x6BC0]  }
0x15d: {  	[tilespmem:$0x1C8A0] =	vst v13;
	v13 =	vld [tilespmem:$0x6850]  }
0x15e: {  	[tilespmem:$0x1C860] =	vst v32;
	v32 =	vld [tilespmem:$0x8A80]  }
0x15f: {  	[tilespmem:$0x1C8B0] =	vst v33;
	v33 =	vld [tilespmem:$0x6AD0]  }
0x160: {  	[tilespmem:$0x1CAB0] =	vst v55;
	v55 =	vld [tilespmem:$0x79D0]  }
0x161: {  	[tilespmem:$0x1C650] =	vst v43;
	v43 =	vld [tilespmem:$0x3450]  }
0x162: {  	[tilespmem:$0x1C700] =	vst v51;
	v51 =	vld [tilespmem:$0x3650]  }
0x163: {  	[tilespmem:$0x1C640] =	vst v42;
	v42 =	vld [tilespmem:$0x4E50]  }
0x164: {  	[tilespmem:$0x1C6D0] =	vst v50;
	v50 =	vld [tilespmem:$0x5650]  }
0x165: {  	[tilespmem:$0x1C9D0] =	vst v44;
	v44 =	vld [tilespmem:$0x7850]  }
0x166: {  	[tilespmem:$0x1CEC0] =	vst v46;
	v46 =	vld [tilespmem:$0x3C60]  }
0x167: {  	[tilespmem:$0x1CA60] =	vst v26;
	v26 =	vld [tilespmem:$0x6AE0]  }
0x168: {  	[tilespmem:$0x1CEF0] =	vst v28;
	v28 =	vld [tilespmem:$0x3470]  }
0x169: {  	v9 =	vadd.f32 v7, v6;
	v7 =	vld [tilespmem:$0x3A40]  }
0x16a: {  	v6 =	vmul.f32 v15, v14;
	[tilespmem:$0x1C910] =	vst v38;
	v14 =	vld [tilespmem:$0x4240]  }
0x16b: {  	v15 =	vld [tilespmem:$0x4440];
	[tilespmem:$0x1C900] =	vst v34  }
0x16c: {  	v4 =	vadd.f32 v5, v4;
	v5 =	vmul.f32 v61, v60;
	v60 =	vld [tilespmem:$0x6640];
	[tilespmem:$0x1C630] =	vst v8  }
0x16d: {  	v61 =	vld [tilespmem:$0x8C00];
	[tilespmem:$0x1C6C0] =	vst v47  }
0x16e: {  	v0 =	vadd.f32 v1, v0;
	v38 =	vld [tilespmem:$0x4A50];
	[tilespmem:$0x1CA50] =	vst v52  }
0x16f: {  	v34 =	vld [tilespmem:$0x8B00];
	[tilespmem:$0x1CCF0] =	vst v31  }
0x170: {  	v0 =	vadd.f32 v56, v0;
	v56 =	vld [tilespmem:$0x8B80];
	[tilespmem:$0x1C990] =	vst v40  }
0x171: {  	v8 =	vld [tilespmem:$0x78C0];
	[tilespmem:$0x1CA80] =	vst v53  }
0x172: {  	v47 =	vld [tilespmem:$0x5450];
	[tilespmem:$0x1CDB0] =	vst v37  }
0x173: {  	v52 =	vld [tilespmem:$0x7950];
	[tilespmem:$0x1C7B0] =	vst v58  }
0x174: {  	v31 =	vld [tilespmem:$0x5660];
	[tilespmem:$0x1CBC0] =	vst v13  }
0x175: {  	v2 =	vadd.f32 v6, v9;
	v6 =	vld [tilespmem:$0x3840];
	[tilespmem:$0x1CD40] =	vst v32  }
0x176: {  	v9 =	vld [tilespmem:$0x3C40];
	[tilespmem:$0x1CD50] =	vst v33  }
0x177: {  	v4 =	vadd.f32 v5, v4;
	v5 =	vmul.f32 v11, v10;
	v10 =	vld [tilespmem:$0x3E40];
	[tilespmem:$0x1CF90] =	vst v55  }
0x178: {  	v11 =	vld [tilespmem:$0x8D00];
	[tilespmem:$0x9000] =	vst v2  }
0x179: {  	v40 =	vld [tilespmem:$0x6BD0];
	[tilespmem:$0x1C9B0] =	vst v42  }
0x17a: {  	v53 =	vld [tilespmem:$0x8D80];
	[tilespmem:$0x1CA30] =	vst v50  }
0x17b: {  	v37 =	vld [tilespmem:$0x3A60];
	[tilespmem:$0x1CE70] =	vst v44  }
0x17c: {  	v0 =	vadd.f32 v63, v0;
	v63 =	vld [tilespmem:$0x7840];
	[tilespmem:$0x1CEA0] =	vst v26  }
0x17d: {  	v58 =	vld [tilespmem:$0x3850];
	[tilespmem:$0x1C7F0] =	vst v61  }
0x17e: {  	v32 =	vld [tilespmem:$0x3860];
	[tilespmem:$0x1C970] =	vst v38  }
0x17f: {  	v13 =	vld [tilespmem:$0x4A60];
	[tilespmem:$0x1CDA0] =	vst v34  }
0x180: {  	v33 =	vld [tilespmem:$0x5860];
	[tilespmem:$0x1C7A0] =	vst v56  }
0x181: {  	v55 =	vld [tilespmem:$0x6860];
	[tilespmem:$0x1C850] =	vst v8  }
0x182: {  	v2 =	vld [tilespmem:$0x3440];
	[tilespmem:$0x1CA10] =	vst v47  }
0x183: {  	v4 =	vadd.f32 v5, v4;
	v5 =	vmul.f32 v19, v18;
	v18 =	vld [tilespmem:$0x4840];
	[tilespmem:$0x1CF30] =	vst v52  }
0x184: {  	v19 =	vld [tilespmem:$0x79C0];
	[tilespmem:$0x1CAC0] =	vst v31  }
0x185: {  	v42 =	vld [tilespmem:$0x8C00];
	[tilespmem:$0x1C890] =	vst v11  }
0x186: {  	v50 =	vld [tilespmem:$0x8D00];
	v23 =	vadd.f32 v5, v4;
	[tilespmem:$0x1CE10] =	vst v40  }
0x187: {  	v44 =	vld [tilespmem:$0x6260];
	[tilespmem:$0x1CF80] =	vst v53  }
0x188: {  	v26 =	vld [tilespmem:$0x5070];
	[tilespmem:$0x9010] =	vst v23  }
0x189: {  	v0 =	vadd.f32 v16, v0;
	v16 =	vld [tilespmem:$0x8D80];
	[tilespmem:$0x1C800] =	vst v63  }
0x18a: {  	v61 =	vld [tilespmem:$0x6050];
	[tilespmem:$0x1C9E0] =	vst v13  }
0x18b: {  	v38 =	vld [tilespmem:$0x8B80];
	v0 =	vadd.f32 v21, v0;
	[tilespmem:$0x1CAF0] =	vst v33  }
0x18c: {  	v34 =	vld [tilespmem:$0x5A60];
	[tilespmem:$0x1CCC0] =	vst v55  }
0x18d: {  	v4 =	vld [tilespmem:$0x3640];
	[tilespmem:$0x9020] =	vst v0  }
0x18e: {  	v5 =	vld [tilespmem:$0x8C80];
	[tilespmem:$0x1C8F0] =	vst v19  }
0x18f: {  	v56 =	vld [tilespmem:$0x5E50];
	[tilespmem:$0x1CE60] =	vst v42  }
0x190: {  	v8 =	vld [tilespmem:$0x6650];
	[tilespmem:$0x1CF20] =	vst v50  }
0x191: {  	v47 =	vld [tilespmem:$0x78D0];
	[tilespmem:$0x1CC10] =	vst v44  }
0x192: {  	v52 =	vld [tilespmem:$0x3E60];
	[tilespmem:$0x1CBE0] =	vst v26  }
0x193: {  	v31 =	vld [tilespmem:$0x6B60];
	[tilespmem:$0x1C8E0] =	vst v16  }
0x194: {  	v21 =	vld [tilespmem:$0x4C40];
	[tilespmem:$0x1CB10] =	vst v61  }
0x195: {  	v11 =	vld [tilespmem:$0x8800];
	[tilespmem:$0x1CE00] =	vst v38  }
0x196: {  	v40 =	vld [tilespmem:$0x5E60];
	[tilespmem:$0x1CB20] =	vst v34  }
0x197: {  	v53 =	vld [tilespmem:$0x8800];
	[tilespmem:$0x1C840] =	vst v5  }
0x198: {  	v23 =	vld [tilespmem:$0x7A40];
	[tilespmem:$0x1CAE0] =	vst v56  }
0x199: {  	v63 =	vld [tilespmem:$0x6250];
	[tilespmem:$0x1CBA0] =	vst v8  }
0x19a: {  	v13 =	vld [tilespmem:$0x69E0];
	[tilespmem:$0x1CED0] =	vst v47  }
0x19b: {  	v33 =	vld [tilespmem:$0x8B80];
	[tilespmem:$0x1CF00] =	vst v31  }
0x19c: {  	v55 =	vld [tilespmem:$0x79E0];
	[tilespmem:$0x1CBB0] =	vst v11  }
0x19d: {  	v19 =	vld [tilespmem:$0x68D0];
	[tilespmem:$0x1CB80] =	vst v40  }
0x19e: {  	v42 =	vld [tilespmem:$0x6060];
	[tilespmem:$0x1CCB0] =	vst v53  }
0x19f: {  	v50 =	vld [tilespmem:$0x6660];
	[tilespmem:$0x1C940] =	vst v23  }
0x1a0: {  	v44 =	vld [tilespmem:$0x78E0];
	[tilespmem:$0x1CB40] =	vst v63  }
0x1a1: {  	v26 =	vld [tilespmem:$0x68F0];
	[tilespmem:$0x1CDE0] =	vst v13  }
0x1a2: {  	v16 =	vld [tilespmem:$0x8880];
	[tilespmem:$0x1CF50] =	vst v33  }
0x1a3: {  	v61 =	vld [tilespmem:$0x7A50];
	[tilespmem:$0x1D1D0] =	vst v55  }
0x1a4: {  	v38 =	vld [tilespmem:$0x5C60];
	[tilespmem:$0x1CC00] =	vst v19  }
0x1a5: {  	v34 =	vld [tilespmem:$0x6BE0];
	[tilespmem:$0x1CBD0] =	vst v42  }
0x1a6: {  	v5 =	vld [tilespmem:$0x6450];
	[tilespmem:$0x1CCA0] =	vst v50  }
0x1a7: {  	v56 =	vld [tilespmem:$0x8E00];
	[tilespmem:$0x1D080] =	vst v44  }
0x1a8: {  	v8 =	vld [tilespmem:$0x4660];
	[tilespmem:$0x1D040] =	vst v26  }
0x1a9: {  	v47 =	vld [tilespmem:$0x6460];
	[tilespmem:$0x1CBF0] =	vst v16  }
0x1aa: {  	v31 =	vld [tilespmem:$0x5270];
	[tilespmem:$0x1D0C0] =	vst v61  }
0x1ab: {  	v11 =	vld [tilespmem:$0x4860];
	[tilespmem:$0x1CB50] =	vst v38  }
0x1ac: {  	v40 =	vld [tilespmem:$0x7860];
	[tilespmem:$0x1CF60] =	vst v34  }
0x1ad: {  	v53 =	vld [tilespmem:$0x8D80];
	[tilespmem:$0x1CB70] =	vst v5  }
0x1ae: {  	v23 =	vld [tilespmem:$0x6950];
	[tilespmem:$0x1D0B0] =	vst v56  }
0x1af: {  	v63 =	vld [tilespmem:$0x4260];
	[tilespmem:$0x1C9A0] =	vst v8  }
0x1b0: {  	v33 =	vld [tilespmem:$0x3670];
	[tilespmem:$0x1CC50] =	vst v47  }
0x1b1: {  	v13 =	vld [tilespmem:$0x4870];
	[tilespmem:$0x1CC20] =	vst v31  }
0x1b2: {  	v55 =	vld [tilespmem:$0x5C70];
	[tilespmem:$0x1C9C0] =	vst v11  }
0x1b3: {  	v19 =	vld [tilespmem:$0x4E60];
	[tilespmem:$0x1CFF0] =	vst v40  }
0x1b4: {  	v42 =	vld [tilespmem:$0x8C80];
	[tilespmem:$0x1D1C0] =	vst v53  }
0x1b5: {  	v50 =	vld [tilespmem:$0x7960];
	[tilespmem:$0x1CC40] =	vst v23  }
0x1b6: {  	v44 =	vld [tilespmem:$0x5870];
	[tilespmem:$0x1C960] =	vst v63  }
0x1b7: {  	v61 =	vld [tilespmem:$0x4060];
	[tilespmem:$0x1CB00] =	vst v13  }
0x1b8: {  	v16 =	vld [tilespmem:$0x4C60];
	[tilespmem:$0x1CDF0] =	vst v55  }
0x1b9: {  	v38 =	vld [tilespmem:$0x8C00];
	[tilespmem:$0x1CA20] =	vst v19  }
0x1ba: {  	v34 =	vld [tilespmem:$0x5470];
	[tilespmem:$0x1D070] =	vst v42  }
0x1bb: {  	v5 =	vld [tilespmem:$0x4460];
	[tilespmem:$0x1D120] =	vst v50  }
0x1bc: {  	v56 =	vld [tilespmem:$0x8880];
	[tilespmem:$0x1CD30] =	vst v44  }
0x1bd: {  	v8 =	vld [tilespmem:$0x6960];
	[tilespmem:$0x1CA00] =	vst v16  }
0x1be: {  	v47 =	vld [tilespmem:$0x8D00];
	[tilespmem:$0x1CFE0] =	vst v38  }
0x1bf: {  	v31 =	vld [tilespmem:$0x8900];
	[tilespmem:$0x1CC60] =	vst v34  }
0x1c0: {  	v11 =	vld [tilespmem:$0x8980];
	[tilespmem:$0x1C980] =	vst v5  }
0x1c1: {  	v40 =	vld [tilespmem:$0x5670];
	[tilespmem:$0x1CD10] =	vst v56  }
0x1c2: {  	v23 =	vld [tilespmem:$0x5060];
	[tilespmem:$0x1CD80] =	vst v8  }
0x1c3: {  	v63 =	vld [tilespmem:$0x68E0];
	[tilespmem:$0x1D110] =	vst v47  }
0x1c4: {  	v13 =	vld [tilespmem:$0x6670];
	[tilespmem:$0x1D090] =	vst v31  }
0x1c5: {  	v55 =	vld [tilespmem:$0x6A70];
	[tilespmem:$0x1CDD0] =	vst v11  }
0x1c6: {  	v19 =	vld [tilespmem:$0x6A60];
	[tilespmem:$0x1CCD0] =	vst v40  }
0x1c7: {  	v50 =	vld [tilespmem:$0x5A70];
	[tilespmem:$0x1CA40] =	vst v23  }
0x1c8: {  	v44 =	vld [tilespmem:$0x69F0];
	[tilespmem:$0x1CD20] =	vst v63  }
0x1c9: {  	v16 =	vld [tilespmem:$0x8A00];
	[tilespmem:$0x1CFB0] =	vst v13  }
0x1ca: {  	v34 =	vld [tilespmem:$0x6970];
	[tilespmem:$0x1D160] =	vst v55  }
0x1cb: {  	v5 =	vld [tilespmem:$0x8900];
	[tilespmem:$0x1CE40] =	vst v19  }
0x1cc: {  	v56 =	vld [tilespmem:$0x8E00];
	[tilespmem:$0x1CD90] =	vst v50  }
0x1cd: {  	v8 =	vld [tilespmem:$0x4470];
	[tilespmem:$0x1D100] =	vst v44  }
0x1ce: {  	v11 =	vld [tilespmem:$0x4670];
	[tilespmem:$0x1CE30] =	vst v16  }
0x1cf: {  	v40 =	vld [tilespmem:$0x8980];
	[tilespmem:$0x1D0A0] =	vst v34  }
0x1d0: {  	v23 =	vld [tilespmem:$0x8A80];
	[tilespmem:$0x1CD70] =	vst v5  }
0x1d1: {  	v63 =	vld [tilespmem:$0x7A60];
	[tilespmem:$0x1D270] =	vst v56  }
0x1d2: {  	v13 =	vld [tilespmem:$0x8B80];
	[tilespmem:$0x1CAA0] =	vst v8  }
0x1d3: {  	v19 =	vld [tilespmem:$0x4C70];
	[tilespmem:$0x1CAD0] =	vst v11  }
0x1d4: {  	v50 =	vld [tilespmem:$0x8A00];
	[tilespmem:$0x1D0F0] =	vst v40  }
0x1d5: {  	v16 =	vld [tilespmem:$0x4A70];
	[tilespmem:$0x1CE90] =	vst v23  }
0x1d6: {  	v5 =	vld [tilespmem:$0x4270];
	[tilespmem:$0x1D280] =	vst v63  }
0x1d7: {  	v8 =	vld [tilespmem:$0x6270];
	[tilespmem:$0x1D240] =	vst v13  }
0x1d8: {  	v11 =	vld [tilespmem:$0x6470];
	[tilespmem:$0x1CB60] =	vst v19  }
0x1d9: {  	v23 =	vld [tilespmem:$0x4E70];
	[tilespmem:$0x1D150] =	vst v50  }
0x1da: {  	v63 =	vld [tilespmem:$0x5E70];
	[tilespmem:$0x1CB30] =	vst v16  }
0x1db: {  	v19 =	vld [tilespmem:$0x6870];
	[tilespmem:$0x1CA70] =	vst v5  }
0x1dc: {  	v16 =	vld [tilespmem:$0x8800];
	[tilespmem:$0x1CF10] =	vst v8  }
0x1dd: {  	v5 =	vld [tilespmem:$0x6070];
	[tilespmem:$0x1CF70] =	vst v11  }
0x1de: {  	v8 =	vld [tilespmem:$0x8B00];
	[tilespmem:$0x1CB90] =	vst v23  }
0x1df: {  	v11 =	vld [tilespmem:$0x6B70];
	[tilespmem:$0x1CE50] =	vst v63  }
0x1e0: {  	v23 =	vld [tilespmem:$0x8880];
	[tilespmem:$0x1CFD0] =	vst v19  }
0x1e1: {  	v63 =	vld [tilespmem:$0x8A80];
	[tilespmem:$0x1CFC0] =	vst v16  }
0x1e2: {  	v16 =	vld [tilespmem:$0x6BF0];
	[tilespmem:$0x1CEB0] =	vst v5  }
0x1e3: {  	v5 =	vld [tilespmem:$0x6AF0];
	[tilespmem:$0x1D1F0] =	vst v8  }
0x1e4: {  	v53 =	vld [tilespmem:$0x3E70];
	[tilespmem:$0x1D200] =	vst v11  }
0x1e5: {  	v42 =	vld [tilespmem:$0x3A70];
	[tilespmem:$0x1D030] =	vst v23  }
0x1e6: {  	v38 =	vld [tilespmem:$0x3870];
	[tilespmem:$0x1D190] =	vst v63  }
0x1e7: {  	v47 =	vld [tilespmem:$0x3C70];
	[tilespmem:$0x1D250] =	vst v16  }
0x1e8: {  	v56 =	vld [tilespmem:$0x4070];
	[tilespmem:$0x1D1A0] =	vst v5  }
0x1e9: {  	v0 =	vld [tilespmem:$0x8C00]  }
0x1ea: {  	v63 =	vld [tilespmem:$0x5480];
	_ =	sdelay $0x4  }
0x1eb: {  	[tilespmem:$0x1CC90] =	vst v63;
	v63 =	vld [tilespmem:$0x5680];
	_ =	sdelay $0x4  }
0x1ec: {  	[tilespmem:$0x1CD00] =	vst v63;
	v63 =	vld [tilespmem:$0x5880];
	_ =	sdelay $0x4  }
0x1ed: {  	[tilespmem:$0x1CD60] =	vst v63;
	v63 =	vld [tilespmem:$0x5A80];
	_ =	sdelay $0x4  }
0x1ee: {  	[tilespmem:$0x1CDC0] =	vst v63;
	v63 =	vld [tilespmem:$0x5C80];
	_ =	sdelay $0x4  }
0x1ef: {  	[tilespmem:$0x1CE20] =	vst v63;
	v63 =	vld [tilespmem:$0x5E80];
	_ =	sdelay $0x4  }
0x1f0: {  	[tilespmem:$0x1CE80] =	vst v63;
	v63 =	vld [tilespmem:$0x6080];
	_ =	sdelay $0x4  }
0x1f1: {  	[tilespmem:$0x1CEE0] =	vst v63;
	v63 =	vld [tilespmem:$0x6280];
	_ =	sdelay $0x3  }
0x1f2: {  	v19 =	vld [tilespmem:$0x7870]  }
0x1f3: {  	[tilespmem:$0x1CF40] =	vst v63;
	v63 =	vld [tilespmem:$0x6480]  }
0x1f4: {  	v23 =	vld [tilespmem:$0x8C80]  }
0x1f5: {  	v2 =	vadd.f32 $0.0e+00, v2;
	v26 =	vld [tilespmem:$0x78F0]  }
0x1f6: {  	v31 =	vld [tilespmem:$0x8D00]  }
0x1f7: {  	v2 =	vadd.f32 v4, v2;
	v34 =	vld [tilespmem:$0x7970]  }
0x1f8: {  	[tilespmem:$0x1CFA0] =	vst v63;
	v63 =	vld [tilespmem:$0x6680]  }
0x1f9: {  	v2 =	vadd.f32 v6, v2;
	v40 =	vld [tilespmem:$0x8D80]  }
0x1fa: {  	v44 =	vld [tilespmem:$0x79F0]  }
0x1fb: {  	v2 =	vadd.f32 v7, v2;
	v50 =	vld [tilespmem:$0x8E00]  }
0x1fc: {  	v55 =	vld [tilespmem:$0x7A70]  }
0x1fd: {  	v2 =	vadd.f32 v9, v2;
	[tilespmem:$0x1D000] =	vst v63;
	v63 =	vld [tilespmem:$0x8800]  }
0x1fe: {  	v1 =	vld [tilespmem:$0x3480]  }
0x1ff: {  	v2 =	vadd.f32 v10, v2;
	v3 =	vld [tilespmem:$0x3680]  }
0x200: {  	v5 =	vld [tilespmem:$0x3880]  }
0x201: {  	v2 =	vadd.f32 v12, v2;
	v8 =	vld [tilespmem:$0x3A80]  }
0x202: {  	[tilespmem:$0x1D010] =	vst v63;
	v63 =	vld [tilespmem:$0x6C00]  }
0x203: {  	v2 =	vadd.f32 v14, v2;
	v11 =	vld [tilespmem:$0x3C80]  }
0x204: {  	v13 =	vld [tilespmem:$0x3E80]  }
0x205: {  	v2 =	vadd.f32 v15, v2;
	v16 =	vld [tilespmem:$0x4080]  }
0x206: {  	v4 =	vld [tilespmem:$0x1C450]  }
0x207: {  	v2 =	vadd.f32 v17, v2;
	[tilespmem:$0x1D020] =	vst v63;
	v63 =	vld [tilespmem:$0x8880]  }
0x208: {  	v9 =	vld [tilespmem:$0x7C00]  }
0x209: {  	v2 =	vadd.f32 v18, v2;
	v10 =	vld [tilespmem:$0x7C80]  }
0x20a: {  	v12 =	vld [tilespmem:$0x6690]  }
0x20b: {  	v2 =	vadd.f32 v20, v2;
	v14 =	vld [tilespmem:$0x8D80]  }
0x20c: {  	[tilespmem:$0x1D050] =	vst v63;
	v63 =	vld [tilespmem:$0x6C80]  }
0x20d: {  	v2 =	vadd.f32 v21, v2;
	v15 =	vld [tilespmem:$0x5090]  }
0x20e: {  	v17 =	vld [tilespmem:$0x7E00]  }
0x20f: {  	v2 =	vadd.f32 v24, v2;
	v18 =	vld [tilespmem:$0x1C4F0]  }
0x210: {  	v20 =	vld [tilespmem:$0x3A90]  }
0x211: {  	v2 =	vadd.f32 v25, v2;
	[tilespmem:$0x1D060] =	vst v63;
	v63 =	vld [tilespmem:$0x8900]  }
0x212: {  	v21 =	vld [tilespmem:$0x5690]  }
0x213: {  	v2 =	vadd.f32 v29, v2;
	v24 =	vld [tilespmem:$0x4490]  }
0x214: {  	v25 =	vld [tilespmem:$0x1C530]  }
0x215: {  	v2 =	vadd.f32 v30, v2;
	v29 =	vld [tilespmem:$0x4690]  }
0x216: {  	[tilespmem:$0x1D0D0] =	vst v63;
	v63 =	vld [tilespmem:$0x6D00]  }
0x217: {  	v30 =	vld [tilespmem:$0x5E90];
	v2 =	vadd.f32 v35, v2  }
0x218: {  	v35 =	vld [tilespmem:$0x1C580]  }
0x219: {  	v2 =	vadd.f32 v36, v2;
	v36 =	vld [tilespmem:$0x6090]  }
0x21a: {  	[tilespmem:$0x1D2C0] =	vst v19;
	v19 =	vld [tilespmem:$0x4280]  }
0x21b: {  	[tilespmem:$0x1D0E0] =	vst v63;
	v63 =	vld [tilespmem:$0x8980]  }
0x21c: {  	[tilespmem:$0x1D300] =	vst v23;
	v23 =	vld [tilespmem:$0x4480]  }
0x21d: {  	[tilespmem:$0x1D310] =	vst v26;
	v26 =	vld [tilespmem:$0x4680]  }
0x21e: {  	[tilespmem:$0x1D350] =	vst v31;
	v31 =	vld [tilespmem:$0x4880]  }
0x21f: {  	[tilespmem:$0x1D360] =	vst v34;
	v34 =	vld [tilespmem:$0x4A80]  }
0x220: {  	[tilespmem:$0x1D130] =	vst v63;
	v63 =	vld [tilespmem:$0x6D80]  }
0x221: {  	[tilespmem:$0x1D3A0] =	vst v40;
	v40 =	vld [tilespmem:$0x4C80]  }
0x222: {  	[tilespmem:$0x1D3B0] =	vst v44;
	v44 =	vld [tilespmem:$0x4E80]  }
0x223: {  	[tilespmem:$0x1D3F0] =	vst v50;
	v50 =	vld [tilespmem:$0x5080]  }
0x224: {  	[tilespmem:$0x1D400] =	vst v55;
	v55 =	vld [tilespmem:$0x5280]  }
0x225: {  	[tilespmem:$0x1D140] =	vst v63;
	v63 =	vld [tilespmem:$0x1C430]  }
0x226: {  	[tilespmem:$0x1D2F0] =	vst v9;
	v9 =	vld [tilespmem:$0x1C480]  }
0x227: {  	[tilespmem:$0x1D340] =	vst v10;
	v10 =	vld [tilespmem:$0x8D00]  }
0x228: {  	[tilespmem:$0x1D550] =	vst v12;
	v12 =	vld [tilespmem:$0x8E00]  }
0x229: {  	[tilespmem:$0x1D3D0] =	vst v14;
	v14 =	vld [tilespmem:$0x1C4C0]  }
0x22a: {  	[tilespmem:$0x1D2B0] =	vst v0;
	v0 =	vadd.f32 $0.0e+00, v63;
	v63 =	vld [tilespmem:$0x8A00]  }
0x22b: {  	[tilespmem:$0x1D4A0] =	vst v15;
	v15 =	vld [tilespmem:$0x3690]  }
0x22c: {  	[tilespmem:$0x1D430] =	vst v17;
	v17 =	vld [tilespmem:$0x3890]  }
0x22d: {  	[tilespmem:$0x1D2D0] =	vst v20;
	v20 =	vld [tilespmem:$0x1C520]  }
0x22e: {  	[tilespmem:$0x1D4D0] =	vst v21;
	v21 =	vld [tilespmem:$0x5890]  }
0x22f: {  	[tilespmem:$0x1D170] =	vst v63;
	v63 =	vld [tilespmem:$0x6E00]  }
0x230: {  	[tilespmem:$0x1D440] =	vst v24;
	v24 =	vld [tilespmem:$0x5A90]  }
0x231: {  	[tilespmem:$0x1D450] =	vst v29;
	v29 =	vld [tilespmem:$0x5C90]  }
0x232: {  	v2 =	vadd.f32 v39, v2;
	v39 =	vld [tilespmem:$0x6290]  }
0x233: {  	[tilespmem:$0x1D510] =	vst v30;
	v30 =	vld [tilespmem:$0x1C5F0]  }
0x234: {  	[tilespmem:$0x1D180] =	vst v63;
	v63 =	vld [tilespmem:$0x1C440]  }
0x235: {  	v2 =	vadd.f32 v41, v2;
	v41 =	vld [tilespmem:$0x1C590]  }
0x236: {  	[tilespmem:$0x1D520] =	vst v36;
	v36 =	vld [tilespmem:$0x8A00]  }
0x237: {  	v2 =	vadd.f32 v45, v2;
	v45 =	vld [tilespmem:$0x6490]  }
0x238: {  	[tilespmem:$0x1D380] =	vst v10;
	v10 =	vld [tilespmem:$0x1C4A0]  }
0x239: {  	[tilespmem:$0x1D420] =	vst v12;
	v12 =	vld [tilespmem:$0x3490];
	v0 =	vadd.f32 v63, v0  }
0x23a: {  	[tilespmem:$0x1D210] =	vst v15;
	v15 =	vld [tilespmem:$0x1C510]  }
0x23b: {  	v0 =	vadd.f32 v4, v0;
	v4 =	vld [tilespmem:$0x8B00]  }
0x23c: {  	[tilespmem:$0x1D260] =	vst v17;
	v17 =	vld [tilespmem:$0x8980]  }
0x23d: {  	v1 =	vadd.f32 $0.0e+00, v1;
	[tilespmem:$0x1D4E0] =	vst v21;
	v21 =	vld [tilespmem:$0x1C5E0]  }
0x23e: {  	[tilespmem:$0x1D4F0] =	vst v24;
	v24 =	vld [tilespmem:$0x6D10]  }
0x23f: {  	v1 =	vadd.f32 v3, v1;
	[tilespmem:$0x1D500] =	vst v29;
	v29 =	vld [tilespmem:$0x6D90]  }
0x240: {  	[tilespmem:$0x1D220] =	vst v4;
	v4 =	vld [tilespmem:$0x6F00]  }
0x241: {  	v1 =	vadd.f32 v5, v1;
	[tilespmem:$0x1D530] =	vst v39;
	v39 =	vld [tilespmem:$0x1C610]  }
0x242: {  	v2 =	vadd.f32 v48, v2;
	v48 =	vld [tilespmem:$0x8800]  }
0x243: {  	v1 =	vadd.f32 v8, v1;
	v8 =	vld [tilespmem:$0x1CA20]  }
0x244: {  	v2 =	vadd.f32 v49, v2;
	v49 =	vld [tilespmem:$0x8A80]  }
0x245: {  	[tilespmem:$0x1D230] =	vst v4;
	v4 =	vld [tilespmem:$0x1C460]  }
0x246: {  	[tilespmem:$0x1D5E0] =	vst v36;
	v36 =	vld [tilespmem:$0x1C6F0]  }
0x247: {  	v1 =	vadd.f32 v11, v1;
	v11 =	vld [tilespmem:$0x1CA50]  }
0x248: {  	[tilespmem:$0x1D540] =	vst v45;
	v45 =	vld [tilespmem:$0x1C620]  }
0x249: {  	[tilespmem:$0x1D1B0] =	vst v12;
	v12 =	vld [tilespmem:$0x3E90]  }
0x24a: {  	v0 =	vadd.f32 v4, v0;
	v4 =	vld [tilespmem:$0x8B80]  }
0x24b: {  	[tilespmem:$0x1D5C0] =	vst v17;
	v17 =	vld [tilespmem:$0x5290]  }
0x24c: {  	v2 =	vadd.f32 v54, v2;
	v54 =	vld [tilespmem:$0x1C640]  }
0x24d: {  	v6 =	vmul.f32 v62, v39;
	v62 =	vld [tilespmem:$0x1C660]  }
0x24e: {  	[tilespmem:$0x1D5B0] =	vst v24;
	v24 =	vld [tilespmem:$0x8B80]  }
0x24f: {  	[tilespmem:$0x1D290] =	vst v4;
	v4 =	vld [tilespmem:$0x6F80]  }
0x250: {  	[tilespmem:$0x1D5D0] =	vst v29;
	v29 =	vld [tilespmem:$0x1C6D0]  }
0x251: {  	v39 =	vld [tilespmem:$0x8C00]  }
0x252: {  	v1 =	vadd.f32 v13, v1;
	v13 =	vld [tilespmem:$0x1CA70]  }
0x253: {  	[tilespmem:$0x1D560] =	vst v48;
	v48 =	vld [tilespmem:$0x1C630]  }
0x254: {  	[tilespmem:$0x1D2A0] =	vst v4;
	v4 =	vld [tilespmem:$0x1C470]  }
0x255: {  	v2 =	vadd.f32 v60, v2;
	v60 =	vld [tilespmem:$0x6E90]  }
0x256: {  	v1 =	vadd.f32 v16, v1;
	v16 =	vld [tilespmem:$0x1CAA0]  }
0x257: {  	[tilespmem:$0x1D630] =	vst v49;
	v49 =	vld [tilespmem:$0x1C730]  }
0x258: {  	v1 =	vadd.f32 v19, v1;
	v19 =	vld [tilespmem:$0x1CAC0]  }
0x259: {  	[tilespmem:$0x1D370] =	vst v12;
	v12 =	vld [tilespmem:$0x4A90];
	v0 =	vadd.f32 v4, v0  }
0x25a: {  	[tilespmem:$0x1D4B0] =	vst v17;
	v17 =	vld [tilespmem:$0x8900]  }
0x25b: {  	v0 =	vadd.f32 v9, v0;
	v9 =	vld [tilespmem:$0x8C80]  }
0x25c: {  	[tilespmem:$0x1D690] =	vst v24;
	v24 =	vld [tilespmem:$0x1C7E0]  }
0x25d: {  	[tilespmem:$0x1D6D0] =	vst v39;
	v39 =	vld [tilespmem:$0x1C840]  }
0x25e: {  	v1 =	vadd.f32 v23, v1;
	v23 =	vld [tilespmem:$0x1CAE0]  }
0x25f: {  	[tilespmem:$0x1D640] =	vst v60;
	v60 =	vld [tilespmem:$0x1C770]  }
0x260: {  	[tilespmem:$0x1D330] =	vst v9;
	v9 =	vld [tilespmem:$0x1C490]  }
0x261: {  	v1 =	vadd.f32 v26, v1;
	v26 =	vld [tilespmem:$0x6C20]  }
0x262: {  	[tilespmem:$0x1D470] =	vst v12;
	v12 =	vld [tilespmem:$0x8880]  }
0x263: {  	[tilespmem:$0x1D5A0] =	vst v17;
	v17 =	vld [tilespmem:$0x1C690]  }
0x264: {  	v1 =	vadd.f32 v31, v1;
	v31 =	vld [tilespmem:$0x1CC00]  }
0x265: {  	v0 =	vadd.f32 v9, v0;
	v9 =	vld [tilespmem:$0x7D00]  }
0x266: {  	v1 =	vadd.f32 v34, v1;
	v34 =	vld [tilespmem:$0x6EA0]  }
0x267: {  	[tilespmem:$0x1D620] =	vst v26;
	v26 =	vld [tilespmem:$0x1CBF0]  }
0x268: {  	v1 =	vadd.f32 v40, v1;
	v40 =	vld [tilespmem:$0x1CC20]  }
0x269: {  	v0 =	vadd.f32 v10, v0;
	v10 =	vld [tilespmem:$0x7D80]  }
0x26a: {  	[tilespmem:$0x1D390] =	vst v9;
	v9 =	vld [tilespmem:$0x1C4B0]  }
0x26b: {  	[tilespmem:$0x1D580] =	vst v12;
	v12 =	vld [tilespmem:$0x1C670]  }
0x26c: {  	v1 =	vadd.f32 v44, v1;
	v44 =	vld [tilespmem:$0x1CC30]  }
0x26d: {  	[tilespmem:$0x1D720] =	vst v34;
	v34 =	vld [tilespmem:$0x1CD50]  }
0x26e: {  	[tilespmem:$0x1D3E0] =	vst v10;
	v10 =	vld [tilespmem:$0x4C90]  }
0x26f: {  	v0 =	vadd.f32 v9, v0;
	v9 =	vld [tilespmem:$0x1C4D0]  }
0x270: {  	v63 =	vld [tilespmem:$0x8A80]  }
0x271: {  	v1 =	vadd.f32 v50, v1;
	v0 =	vadd.f32 v14, v0;
	v14 =	vld [tilespmem:$0x1C4E0]  }
0x272: {  	v50 =	vld [tilespmem:$0x1CC40]  }
0x273: {  	v1 =	vadd.f32 v55, v1;
	v55 =	vld [tilespmem:$0x1CC50]  }
0x274: {  	[tilespmem:$0x1D480] =	vst v10;
	v10 =	vld [tilespmem:$0x1C500];
	v0 =	vadd.f32 v9, v0  }
0x275: {  	v9 =	vld [tilespmem:$0x3C90]  }
0x276: {  	[tilespmem:$0x1D1E0] =	vst v63;
	v63 =	vld [tilespmem:$0x6E80];
	v0 =	vadd.f32 v14, v0  }
0x277: {  	v14 =	vld [tilespmem:$0x4090]  }
0x278: {  	v4 =	vld [tilespmem:$0x8C00];
	v0 =	vadd.f32 v18, v0  }
0x279: {  	v18 =	vld [tilespmem:$0x4290]  }
0x27a: {  	[tilespmem:$0x1D320] =	vst v9;
	v9 =	vld [tilespmem:$0x4890];
	v0 =	vadd.f32 v10, v0  }
0x27b: {  	v10 =	vld [tilespmem:$0x1C540]  }
0x27c: {  	[tilespmem:$0x1D3C0] =	vst v14;
	v14 =	vld [tilespmem:$0x4E90];
	v0 =	vadd.f32 v15, v0  }
0x27d: {  	v15 =	vld [tilespmem:$0x1C550]  }
0x27e: {  	[tilespmem:$0x1D410] =	vst v18;
	v18 =	vld [tilespmem:$0x5490];
	v0 =	vadd.f32 v20, v0  }
0x27f: {  	v20 =	vld [tilespmem:$0x1C560]  }
0x280: {  	[tilespmem:$0x1D460] =	vst v9;
	v9 =	vld [tilespmem:$0x1C5A0];
	v0 =	vadd.f32 v25, v0  }
0x281: {  	v25 =	vld [tilespmem:$0x1C570]  }
0x282: {  	v0 =	vadd.f32 v10, v0;
	v10 =	vld [tilespmem:$0x6C10]  }
0x283: {  	[tilespmem:$0x1D490] =	vst v14;
	v14 =	vld [tilespmem:$0x1C5B0]  }
0x284: {  	[tilespmem:$0x1D4C0] =	vst v18;
	v18 =	vld [tilespmem:$0x1C5C0];
	v0 =	vadd.f32 v15, v0  }
0x285: {  	v15 =	vld [tilespmem:$0x6C90]  }
0x286: {  	v0 =	vadd.f32 v20, v0;
	v20 =	vld [tilespmem:$0x1C5D0]  }
0x287: {  	[tilespmem:$0x1D570] =	vst v10;
	v10 =	vld [tilespmem:$0x1CA40]  }
0x288: {  	v0 =	vadd.f32 v25, v0;
	v25 =	vmul.f32 v57, v59;
	v57 =	vld [tilespmem:$0x1C650]  }
0x289: {  	v59 =	vadd.f32 $0.0e+00, v43;
	v43 =	vld [tilespmem:$0x1C710]  }
0x28a: {  	[tilespmem:$0x1D590] =	vst v15;
	v15 =	vld [tilespmem:$0x1C680]  }
0x28b: {  	v0 =	vadd.f32 v35, v0;
	v35 =	vld [tilespmem:$0x1C600]  }
0x28c: {  	v2 =	vadd.f32 v25, v2;
	v25 =	vld [tilespmem:$0x1C6C0]  }
0x28d: {  	v7 =	vadd.f32 v51, v59;
	v51 =	vld [tilespmem:$0x1C740]  }
0x28e: {  	v59 =	vld [tilespmem:$0x1C760]  }
0x28f: {  	[tilespmem:$0x1D2E0] =	vst v4;
	v4 =	vmul.f32 v21, v20;
	v20 =	vld [tilespmem:$0x1C6A0]  }
0x290: {  	v21 =	vld [tilespmem:$0x1C6B0]  }
0x291: {  	v0 =	vadd.f32 v41, v0;
	v41 =	vld [tilespmem:$0x6E10]  }
0x292: {  	v7 =	vadd.f32 v58, v7;
	v58 =	vld [tilespmem:$0x1C750]  }
0x293: {  	v2 =	vadd.f32 v6, v2;
	v6 =	vmul.f32 v57, v54;
	v57 =	vld [tilespmem:$0x8C80]  }
0x294: {  	v54 =	vadd.f32 $0.0e+00, v22;
	v22 =	vld [tilespmem:$0x1C7D0]  }
0x295: {  	v2 =	vadd.f32 v6, v2;
	v6 =	vmul.f32 v17, v15;
	v15 =	vld [tilespmem:$0x8D00]  }
0x296: {  	v17 =	vld [tilespmem:$0x1C7A0]  }
0x297: {  	v0 =	vadd.f32 v9, v0;
	v9 =	vadd.f32 v27, v54;
	v27 =	vld [tilespmem:$0x1C7F0]  }
0x298: {  	v54 =	vld [tilespmem:$0x1C8A0]  }
0x299: {  	v0 =	vadd.f32 v14, v0;
	v14 =	vld [tilespmem:$0x8B00]  }
0x29a: {  	[tilespmem:$0x1D5F0] =	vst v41;
	v41 =	vld [tilespmem:$0x1C700]  }
0x29b: {  	v2 =	vadd.f32 v6, v2;
	v6 =	vmul.f32 v29, v25;
	v25 =	vld [tilespmem:$0x8D80]  }
0x29c: {  	v29 =	vld [tilespmem:$0x1C800]  }
0x29d: {  	v9 =	vadd.f32 v32, v9;
	v32 =	vld [tilespmem:$0x7D90]  }
0x29e: {  	v0 =	vadd.f32 v18, v0;
	v18 =	vld [tilespmem:$0x6F10]  }
0x29f: {  	[tilespmem:$0x1D730] =	vst v57;
	v57 =	vld [tilespmem:$0x1C8B0]  }
0x2a0: {  	v9 =	vadd.f32 v37, v9;
	v37 =	vld [tilespmem:$0x8E00]  }
0x2a1: {  	v0 =	vadd.f32 v4, v0;
	v4 =	vmul.f32 v35, v30;
	v30 =	vld [tilespmem:$0x6F90]  }
0x2a2: {  	v35 =	vld [tilespmem:$0x1C6E0]  }
0x2a3: {  	[tilespmem:$0x1D790] =	vst v15;
	v15 =	vld [tilespmem:$0x1C920]  }
0x2a4: {  	[tilespmem:$0x1D660] =	vst v14;
	v14 =	vld [tilespmem:$0x1C790]  }
0x2a5: {  	v0 =	vadd.f32 v4, v0;
	v4 =	vmul.f32 v48, v45;
	v45 =	vld [tilespmem:$0x1C720]  }
0x2a6: {  	v48 =	vld [tilespmem:$0x7C10]  }
0x2a7: {  	v2 =	vadd.f32 v6, v2;
	v6 =	vmul.f32 v43, v41;
	v41 =	vld [tilespmem:$0x1C850]  }
0x2a8: {  	v43 =	vld [tilespmem:$0x1C860]  }
0x2a9: {  	[tilespmem:$0x1D7F0] =	vst v25;
	v25 =	vld [tilespmem:$0x36A0]  }
0x2aa: {  	v9 =	vadd.f32 v46, v9;
	[tilespmem:$0x1D800] =	vst v32;
	v32 =	vld [tilespmem:$0x1C990]  }
0x2ab: {  	[tilespmem:$0x1D670] =	vst v18;
	v18 =	vld [tilespmem:$0x1C7B0]  }
0x2ac: {  	v9 =	vadd.f32 v52, v9;
	v52 =	vld [tilespmem:$0x46A0]  }
0x2ad: {  	v0 =	vadd.f32 v4, v0;
	v4 =	vmul.f32 v12, v62;
	v62 =	vld [tilespmem:$0x7C90]  }
0x2ae: {  	v12 =	vld [tilespmem:$0x1C780]  }
0x2af: {  	v2 =	vadd.f32 v6, v2;
	v6 =	vmul.f32 v59, v58;
	v58 =	vld [tilespmem:$0x1C8C0]  }
0x2b0: {  	v59 =	vld [tilespmem:$0x1C8D0]  }
0x2b1: {  	[tilespmem:$0x1D870] =	vst v37;
	v37 =	vld [tilespmem:$0x40A0]  }
0x2b2: {  	[tilespmem:$0x1D6A0] =	vst v30;
	v30 =	vld [tilespmem:$0x1C810]  }
0x2b3: {  	v9 =	vadd.f32 v61, v9;
	v61 =	vld [tilespmem:$0x1CA00]  }
0x2b4: {  	v0 =	vadd.f32 v4, v0;
	v4 =	vmul.f32 v21, v20;
	v20 =	vld [tilespmem:$0x1C7C0]  }
0x2b5: {  	v21 =	vld [tilespmem:$0x7D10]  }
0x2b6: {  	v7 =	vadd.f32 v45, v7;
	v45 =	vld [tilespmem:$0x7E10]  }
0x2b7: {  	[tilespmem:$0x1D6E0] =	vst v48;
	v48 =	vld [tilespmem:$0x1C870]  }
0x2b8: {  	v0 =	vadd.f32 v4, v0;
	v4 =	vmul.f32 v36, v35;
	v35 =	vld [tilespmem:$0x1C820]  }
0x2b9: {  	v36 =	vld [tilespmem:$0x1C830]  }
0x2ba: {  	v2 =	vadd.f32 v6, v2;
	v6 =	vmul.f32 v18, v17;
	v17 =	vld [tilespmem:$0x1C930]  }
0x2bb: {  	v18 =	vld [tilespmem:$0x1C940]  }
0x2bc: {  	v7 =	vadd.f32 v60, v7;
	v60 =	vld [tilespmem:$0x1C8E0]  }
0x2bd: {  	[tilespmem:$0x1D740] =	vst v62;
	v62 =	vld [tilespmem:$0x1C8F0]  }
0x2be: {  	v0 =	vadd.f32 v4, v0;
	v4 =	vmul.f32 v51, v49;
	v49 =	vld [tilespmem:$0x1C880]  }
0x2bf: {  	v51 =	vld [tilespmem:$0x1C890]  }
0x2c0: {  	v2 =	vadd.f32 v6, v2;
	v6 =	vmul.f32 v29, v27;
	v27 =	vld [tilespmem:$0x3AA0]  }
0x2c1: {  	v29 =	vadd.f32 $0.0e+00, v28;
	v28 =	vld [tilespmem:$0x1CAF0]  }
0x2c2: {  	v7 =	vadd.f32 v20, v7;
	v20 =	vld [tilespmem:$0x1C950]  }
0x2c3: {  	[tilespmem:$0x1D7A0] =	vst v21;
	v21 =	vld [tilespmem:$0x1C960]  }
0x2c4: {  	v0 =	vadd.f32 v4, v0;
	v4 =	vmul.f32 v14, v12;
	v12 =	vld [tilespmem:$0x1C900]  }
0x2c5: {  	v14 =	vld [tilespmem:$0x1C910]  }
0x2c6: {  	[tilespmem:$0x1D880] =	vst v45;
	v45 =	vld [tilespmem:$0x3EA0]  }
0x2c7: {  	v2 =	vadd.f32 v6, v2;
	v6 =	vmul.f32 v41, v39;
	v39 =	vld [tilespmem:$0x42A0]  }
0x2c8: {  	v41 =	vld [tilespmem:$0x1C9C0]  }
0x2c9: {  	v7 =	vadd.f32 v30, v7;
	v30 =	vld [tilespmem:$0x38A0]  }
0x2ca: {  	v0 =	vadd.f32 v4, v0;
	v4 =	vmul.f32 v24, v22;
	v22 =	vld [tilespmem:$0x1C970]  }
0x2cb: {  	v24 =	vld [tilespmem:$0x1C980]  }
0x2cc: {  	v7 =	vadd.f32 v43, v7;
	v43 =	vld [tilespmem:$0x34A0]  }
0x2cd: {  	v2 =	vadd.f32 v6, v2;
	v6 =	vmul.f32 v54, v51;
	v54 =	vld [tilespmem:$0x48A0]  }
0x2ce: {  	v51 =	vld [tilespmem:$0x1C9D0]  }
0x2cf: {  	v0 =	vadd.f32 v4, v0;
	v4 =	vmul.f32 v36, v35;
	v35 =	vld [tilespmem:$0x1C9A0]  }
0x2d0: {  	v36 =	vld [tilespmem:$0x1C9B0]  }
0x2d1: {  	v2 =	vadd.f32 v6, v2;
	v6 =	vmul.f32 v62, v60;
	v60 =	vld [tilespmem:$0x3CA0]  }
0x2d2: {  	v7 =	vadd.f32 v57, v7;
	v57 =	vld [tilespmem:$0x1C9E0]  }
0x2d3: {  	v62 =	vld [tilespmem:$0x1CA10]  }
0x2d4: {  	v0 =	vadd.f32 v4, v0;
	v4 =	vmul.f32 v49, v48;
	v48 =	vld [tilespmem:$0x44A0]  }
0x2d5: {  	v49 =	vld [tilespmem:$0x5EA0]  }
0x2d6: {  	v7 =	vadd.f32 v12, v7;
	v12 =	vld [tilespmem:$0x1CA60]  }
0x2d7: {  	v2 =	vadd.f32 v6, v2;
	v6 =	vmul.f32 v18, v17;
	v17 =	vld [tilespmem:$0x1CAB0]  }
0x2d8: {  	v18 =	vld [tilespmem:$0x66A0]  }
0x2d9: {  	v0 =	vadd.f32 v4, v0;
	v4 =	vmul.f32 v59, v58;
	v59 =	vld [tilespmem:$0x4CA0]  }
0x2da: {  	v58 =	vld [tilespmem:$0x1C9F0]  }
0x2db: {  	v7 =	vadd.f32 v20, v7;
	v20 =	vld [tilespmem:$0x1CAD0]  }
0x2dc: {  	v2 =	vadd.f32 v6, v2;
	v0 =	vadd.f32 v4, v0;
	v4 =	vmul.f32 v15, v14;
	v14 =	vld [tilespmem:$0x1CA80]  }
0x2dd: {  	v15 =	vld [tilespmem:$0x1CA90]  }
0x2de: {  	[tilespmem:$0x1D860] =	vst v2;
	v2 =	vadd.f32 v22, v7;
	v22 =	vld [tilespmem:$0x50A0]  }
0x2df: {  	v0 =	vadd.f32 v4, v0;
	v4 =	vadd.f32 v33, v29;
	v33 =	vld [tilespmem:$0x5AA0]  }
0x2e0: {  	v29 =	vld [tilespmem:$0x1CB00]  }
0x2e1: {  	[tilespmem:$0x1D600] =	vst v18;
	v18 =	vld [tilespmem:$0x1CBC0]  }
0x2e2: {  	v2 =	vadd.f32 v32, v2;
	v32 =	vld [tilespmem:$0x4AA0]  }
0x2e3: {  	[tilespmem:$0x1D830] =	vst v0;
	v0 =	vadd.f32 v21, v9;
	v9 =	vld [tilespmem:$0x1CA30]  }
0x2e4: {  	v21 =	vld [tilespmem:$0x8800]  }
0x2e5: {  	v46 =	vadd.f32 v38, v4;
	v38 =	vld [tilespmem:$0x8880]  }
0x2e6: {  	v2 =	vadd.f32 v36, v2;
	v36 =	vld [tilespmem:$0x62A0]  }
0x2e7: {  	v0 =	vadd.f32 v24, v0;
	v24 =	vld [tilespmem:$0x54A0]  }
0x2e8: {  	v3 =	vadd.f32 v42, v46;
	v46 =	vld [tilespmem:$0x56A0]  }
0x2e9: {  	v42 =	vld [tilespmem:$0x1CB10]  }
0x2ea: {  	v2 =	vadd.f32 v51, v2;
	v51 =	vld [tilespmem:$0x4EA0]  }
0x2eb: {  	v3 =	vadd.f32 v47, v3;
	v47 =	vld [tilespmem:$0x58A0]  }
0x2ec: {  	v0 =	vadd.f32 v35, v0;
	v35 =	vld [tilespmem:$0x60A0]  }
0x2ed: {  	v2 =	vadd.f32 v58, v2;
	v58 =	vld [tilespmem:$0x5CA0]  }
0x2ee: {  	[tilespmem:$0x1D610] =	vst v21;
	v21 =	vld [tilespmem:$0x1CBE0]  }
0x2ef: {  	[tilespmem:$0x1D650] =	vst v38;
	v38 =	vld [tilespmem:$0x1CC10]  }
0x2f0: {  	v0 =	vadd.f32 v41, v0;
	v41 =	vld [tilespmem:$0x52A0]  }
0x2f1: {  	v3 =	vadd.f32 v53, v3;
	v53 =	vld [tilespmem:$0x1CB20]  }
0x2f2: {  	v2 =	vadd.f32 v62, v2;
	v62 =	vld [tilespmem:$0x1CB40]  }
0x2f3: {  	v0 =	vadd.f32 v57, v0;
	v57 =	vld [tilespmem:$0x64A0]  }
0x2f4: {  	v3 =	vadd.f32 v56, v3;
	v56 =	vld [tilespmem:$0x1CB30]  }
0x2f5: {  	v2 =	vadd.f32 v9, v2;
	v9 =	vld [tilespmem:$0x1CB60]  }
0x2f6: {  	v0 =	vadd.f32 v61, v0;
	v61 =	vld [tilespmem:$0x8900]  }
0x2f7: {  	v3 =	vadd.f32 v13, v3;
	v13 =	vld [tilespmem:$0x1CB80]  }
0x2f8: {  	v2 =	vadd.f32 v11, v2;
	v11 =	vld [tilespmem:$0x1CB70]  }
0x2f9: {  	v0 =	vadd.f32 v8, v0;
	v8 =	vld [tilespmem:$0x1CB50]  }
0x2fa: {  	v3 =	vadd.f32 v16, v3;
	v16 =	vld [tilespmem:$0x1CBA0]  }
0x2fb: {  	v2 =	vadd.f32 v14, v2;
	v14 =	vld [tilespmem:$0x1CB90]  }
0x2fc: {  	v0 =	vadd.f32 v10, v0;
	v10 =	vld [tilespmem:$0x8980]  }
0x2fd: {  	v3 =	vadd.f32 v20, v3;
	v20 =	vld [tilespmem:$0x1CBD0]  }
0x2fe: {  	v2 =	vadd.f32 v17, v2;
	v17 =	vld [tilespmem:$0x1CBB0]  }
0x2ff: {  	[tilespmem:$0x1D680] =	vst v61;
	v61 =	vld [tilespmem:$0x8B80]  }
0x300: {  	v3 =	vadd.f32 v29, v3;
	v29 =	vld [tilespmem:$0x6D20]  }
0x301: {  	v0 =	vadd.f32 v12, v0;
	v12 =	vld [tilespmem:$0x6DA0]  }
0x302: {  	v2 =	vadd.f32 v23, v2;
	v23 =	vld [tilespmem:$0x8A80]  }
0x303: {  	v0 =	vadd.f32 v15, v0;
	v15 =	vld [tilespmem:$0x8A00]  }
0x304: {  	v3 =	vadd.f32 v56, v3;
	v56 =	vld [tilespmem:$0x1CC60]  }
0x305: {  	v2 =	vadd.f32 v42, v2;
	v42 =	vld [tilespmem:$0x8B00]  }
0x306: {  	[tilespmem:$0x1D6B0] =	vst v10;
	v10 =	vld [tilespmem:$0x6FA0]  }
0x307: {  	v0 =	vadd.f32 v19, v0;
	v19 =	vld [tilespmem:$0x6E20]  }
0x308: {  	v3 =	vadd.f32 v9, v3;
	v9 =	vld [tilespmem:$0x1CC90]  }
0x309: {  	v4 =	vmul.f32 v18, v17;
	v17 =	vld [tilespmem:$0x1CCF0]  }
0x30a: {  	v18 =	vld [tilespmem:$0x1CD00]  }
0x30b: {  	[tilespmem:$0x1D770] =	vst v61;
	v61 =	vld [tilespmem:$0x1CDC0]  }
0x30c: {  	v2 =	vadd.f32 v62, v2;
	v62 =	vld [tilespmem:$0x1CC70]  }
0x30d: {  	[tilespmem:$0x1D6C0] =	vst v12;
	v12 =	vld [tilespmem:$0x1CCB0]  }
0x30e: {  	v0 =	vadd.f32 v28, v0;
	v28 =	vld [tilespmem:$0x6CA0]  }
0x30f: {  	v3 =	vadd.f32 v14, v3;
	v14 =	vld [tilespmem:$0x1CCD0]  }
0x310: {  	[tilespmem:$0x1D710] =	vst v23;
	v23 =	vld [tilespmem:$0x1CD30]  }
0x311: {  	v2 =	vadd.f32 v11, v2;
	v11 =	vld [tilespmem:$0x1CCA0]  }
0x312: {  	[tilespmem:$0x1D6F0] =	vst v15;
	v15 =	vld [tilespmem:$0x8C00]  }
0x313: {  	v0 =	vadd.f32 v53, v0;
	v53 =	vld [tilespmem:$0x6F20]  }
0x314: {  	v3 =	vadd.f32 v21, v3;
	v21 =	vld [tilespmem:$0x1CD20]  }
0x315: {  	[tilespmem:$0x1D750] =	vst v42;
	v42 =	vld [tilespmem:$0x1CD70]  }
0x316: {  	[tilespmem:$0x1D780] =	vst v10;
	v10 =	vld [tilespmem:$0x1CDE0]  }
0x317: {  	v2 =	vadd.f32 v16, v2;
	v16 =	vld [tilespmem:$0x1CCE0]  }
0x318: {  	[tilespmem:$0x1D700] =	vst v19;
	v19 =	vld [tilespmem:$0x7C20]  }
0x319: {  	v1 =	vadd.f32 v9, v1;
	v9 =	vld [tilespmem:$0x1CDD0]  }
0x31a: {  	v0 =	vadd.f32 v8, v0;
	v8 =	vld [tilespmem:$0x1CC80]  }
0x31b: {  	v3 =	vadd.f32 v40, v3;
	v40 =	vld [tilespmem:$0x7CA0]  }
0x31c: {  	v2 =	vadd.f32 v4, v2;
	v4 =	vmul.f32 v31, v26;
	v26 =	vld [tilespmem:$0x8C80]  }
0x31d: {  	v31 =	vld [tilespmem:$0x1CD40]  }
0x31e: {  	v1 =	vadd.f32 v18, v1;
	v18 =	vld [tilespmem:$0x1CE40]  }
0x31f: {  	v0 =	vadd.f32 v13, v0;
	v13 =	vld [tilespmem:$0x1CCC0]  }
0x320: {  	v3 =	vadd.f32 v56, v3;
	v56 =	vld [tilespmem:$0x1CDB0]  }
0x321: {  	[tilespmem:$0x1D7B0] =	vst v15;
	v15 =	vld [tilespmem:$0x1CE20]  }
0x322: {  	v2 =	vadd.f32 v4, v2;
	v4 =	vmul.f32 v50, v44;
	v44 =	vld [tilespmem:$0x1CD80]  }
0x323: {  	v50 =	vld [tilespmem:$0x1CD90]  }
0x324: {  	[tilespmem:$0x1D760] =	vst v53;
	v53 =	vld [tilespmem:$0x8D00]  }
0x325: {  	v0 =	vadd.f32 v20, v0;
	v20 =	vld [tilespmem:$0x1CD10]  }
0x326: {  	v3 =	vadd.f32 v14, v3;
	v14 =	vld [tilespmem:$0x1CE10]  }
0x327: {  	[tilespmem:$0x1D7C0] =	vst v19;
	v19 =	vld [tilespmem:$0x1CE50]  }
0x328: {  	v2 =	vadd.f32 v4, v2;
	v4 =	vmul.f32 v8, v62;
	v62 =	vld [tilespmem:$0x7D20]  }
0x329: {  	[tilespmem:$0x1D7E0] =	vst v40;
	v40 =	vld [tilespmem:$0x1CEB0]  }
0x32a: {  	v0 =	vadd.f32 v38, v0;
	v38 =	vld [tilespmem:$0x1CD60]  }
0x32b: {  	v3 =	vadd.f32 v23, v3;
	v23 =	vld [tilespmem:$0x1CE70]  }
0x32c: {  	[tilespmem:$0x1D7D0] =	vst v26;
	v26 =	vld [tilespmem:$0x1CE80]  }
0x32d: {  	v5 =	vmul.f32 v13, v12;
	v12 =	vld [tilespmem:$0x8D80]  }
0x32e: {  	v13 =	vld [tilespmem:$0x1CE00]  }
0x32f: {  	v2 =	vadd.f32 v4, v2;
	v4 =	vmul.f32 v17, v16;
	v16 =	vld [tilespmem:$0x7DA0]  }
0x330: {  	v17 =	vld [tilespmem:$0x1CE30]  }
0x331: {  	v0 =	vadd.f32 v55, v0;
	v55 =	vld [tilespmem:$0x1CDA0]  }
0x332: {  	v3 =	vadd.f32 v50, v3;
	v50 =	vld [tilespmem:$0x1CEE0]  }
0x333: {  	v2 =	vadd.f32 v4, v2;
	v4 =	vmul.f32 v34, v31;
	v31 =	vld [tilespmem:$0x7E20]  }
0x334: {  	v34 =	vld [tilespmem:$0x1CE90]  }
0x335: {  	v0 =	vadd.f32 v11, v0;
	v11 =	vld [tilespmem:$0x1CDF0]  }
0x336: {  	[tilespmem:$0x1D820] =	vst v62;
	v62 =	vld [tilespmem:$0x36B0]  }
0x337: {  	v1 =	vadd.f32 v38, v1;
	v38 =	vld [tilespmem:$0x1CEA0]  }
0x338: {  	v0 =	vadd.f32 v5, v0;
	v5 =	vmul.f32 v21, v20;
	v20 =	vld [tilespmem:$0x8E00]  }
0x339: {  	v21 =	vld [tilespmem:$0x1CE60]  }
0x33a: {  	[tilespmem:$0x1D840] =	vst v12;
	v12 =	vld [tilespmem:$0x1CF30]  }
0x33b: {  	[tilespmem:$0x1D850] =	vst v16;
	v16 =	vld [tilespmem:$0x1CF60]  }
0x33c: {  	v2 =	vadd.f32 v4, v2;
	v4 =	vmul.f32 v56, v55;
	v55 =	vld [tilespmem:$0x1CEF0]  }
0x33d: {  	v56 =	vld [tilespmem:$0x1CF00]  }
0x33e: {  	v0 =	vadd.f32 v5, v0;
	v5 =	vmul.f32 v44, v42;
	v42 =	vld [tilespmem:$0x1CEC0]  }
0x33f: {  	v44 =	vld [tilespmem:$0x1CED0]  }
0x340: {  	v1 =	vadd.f32 v61, v1;
	v3 =	vadd.f32 v11, v3;
	v11 =	vld [tilespmem:$0x1CF20]  }
0x341: {  	v2 =	vadd.f32 v4, v2;
	v4 =	vmul.f32 v14, v13;
	v14 =	vld [tilespmem:$0x1CF40]  }
0x342: {  	v1 =	vadd.f32 v15, v1;
	v15 =	vld [tilespmem:$0x1CF50]  }
0x343: {  	v0 =	vadd.f32 v5, v0;
	v5 =	vmul.f32 v10, v9;
	v10 =	vld [tilespmem:$0x1CF10]  }
0x344: {  	v6 =	vmul.f32 v38, v34;
	v34 =	vld [tilespmem:$0x1CFA0]  }
0x345: {  	v38 =	vld [tilespmem:$0x1CFB0]  }
0x346: {  	[tilespmem:$0x1D890] =	vst v20;
	v20 =	vld [tilespmem:$0x34B0]  }
0x347: {  	v2 =	vadd.f32 v4, v2;
	v4 =	vmul.f32 v23, v21;
	v21 =	vld [tilespmem:$0x38B0]  }
0x348: {  	v23 =	vld [tilespmem:$0x1CF80]  }
0x349: {  	v1 =	vadd.f32 v26, v1;
	v26 =	vld [tilespmem:$0x1CF90]  }
0x34a: {  	v3 =	vadd.f32 v19, v3;
	v0 =	vadd.f32 v5, v0;
	v5 =	vmul.f32 v18, v17;
	v18 =	vld [tilespmem:$0x1CF70]  }
0x34b: {  	v61 =	vmul.f32 v56, v55;
	v56 =	vld [tilespmem:$0x1D000]  }
0x34c: {  	v3 =	vadd.f32 v40, v3;
	v40 =	vld [tilespmem:$0x1CFC0]  }
0x34d: {  	v2 =	vadd.f32 v4, v2;
	v4 =	vmul.f32 v44, v42;
	v42 =	vld [tilespmem:$0x1CFD0]  }
0x34e: {  	[tilespmem:$0x1D810] =	vst v53;
	v53 =	vadd.f32 v50, v1;
	v50 =	vld [tilespmem:$0x1CFE0]  }
0x34f: {  	v4 =	vadd.f32 v4, v2;
	v2 =	vld [tilespmem:$0x3AB0]  }
0x350: {  	v5 =	vadd.f32 v5, v0;
	v7 =	vadd.f32 v14, v53;
	v53 =	vld [tilespmem:$0x1CFF0]  }
0x351: {  	[tilespmem:$0x1D8A0] =	vst v31;
	v3 =	vadd.f32 v10, v3;
	v31 =	vmul.f32 v26, v23;
	v23 =	vld [tilespmem:$0x1D020]  }
0x352: {  	v13 =	vmul.f32 v12, v11;
	v5 =	vadd.f32 v6, v5;
	v6 =	vld [tilespmem:$0x42B0]  }
0x353: {  	v19 =	vadd.f32 v18, v3;
	v3 =	vld [tilespmem:$0x3CB0]  }
0x354: {  	v8 =	vadd.f32 v13, v4;
	v4 =	vld [tilespmem:$0x3EB0]  }
0x355: {  	v7 =	vadd.f32 v34, v7;
	v34 =	vld [tilespmem:$0x1D040]  }
0x356: {  	v18 =	vld [tilespmem:$0x1D090]  }
0x357: {  	v44 =	vmul.f32 v42, v40;
	v42 =	vld [tilespmem:$0x1D050]  }
0x358: {  	v9 =	vadd.f32 v38, v19;
	v19 =	vld [tilespmem:$0x1D010]  }
0x359: {  	v17 =	vmul.f32 v16, v15;
	v16 =	vadd.f32 v31, v8;
	v31 =	vld [tilespmem:$0x1D030]  }
0x35a: {  	v5 =	vadd.f32 v61, v5;
	v61 =	vadd.f32 v56, v7;
	v7 =	vld [tilespmem:$0x44B0]  }
0x35b: {  	v8 =	vld [tilespmem:$0x46B0]  }
0x35c: {  	v11 =	vadd.f32 v17, v5;
	v5 =	vld [tilespmem:$0x40B0]  }
0x35d: {  	v55 =	vmul.f32 v53, v50;
	v53 =	vld [tilespmem:$0x1D070]  }
0x35e: {  	v9 =	vadd.f32 v44, v9;
	v44 =	vld [tilespmem:$0x1D060]  }
0x35f: {  	v11 =	vadd.f32 v55, v11;
	v55 =	vld [tilespmem:$0x1D080];
	v26 =	vmul.f32 v23, v19;
	v38 =	vmul.f32 v34, v31  }
0x360: {  	v19 =	vld [tilespmem:$0x1D0A0]  }
0x361: {  	v40 =	vadd.f32 v26, v61;
	v61 =	vadd.f32 v38, v9;
	v9 =	vld [tilespmem:$0x48B0]  }
0x362: {  	v26 =	vld [tilespmem:$0x1D0B0]  }
0x363: {  	v31 =	vld [tilespmem:$0x1D0C0]  }
0x364: {  	v34 =	vld [tilespmem:$0x1D0D0]  }
0x365: {  	v38 =	vld [tilespmem:$0x1D0E0]  }
0x366: {  	v10 =	vld [tilespmem:$0x4AB0]  }
0x367: {  	v50 =	vmul.f32 v44, v42;
	v42 =	vld [tilespmem:$0x1D0F0]  }
0x368: {  	v43 =	vadd.f32 $0.0e+00, v43;
	v44 =	vld [tilespmem:$0x1D100]  }
0x369: {  	v13 =	vld [tilespmem:$0x50B0]  }
0x36a: {  	v25 =	vadd.f32 v25, v43;
	v20 =	vadd.f32 $0.0e+00, v20;
	v43 =	vld [tilespmem:$0x1D3A0]  }
0x36b: {  	v0 =	vld [tilespmem:$0x1D3D0]  }
0x36c: {  	v25 =	vadd.f32 v30, v25;
	v20 =	vadd.f32 v62, v20;
	v30 =	vld [tilespmem:$0x6CB0]  }
0x36d: {  	v1 =	vld [tilespmem:$0x34C0]  }
0x36e: {  	v20 =	vadd.f32 v21, v20;
	v62 =	vld [tilespmem:$0x6DB0]  }
0x36f: {  	v21 =	vld [tilespmem:$0x3CC0]  }
0x370: {  	v2 =	vadd.f32 v2, v20;
	v20 =	vld [tilespmem:$0x3EC0]  }
0x371: {  	v56 =	vmul.f32 v55, v53;
	v53 =	vld [tilespmem:$0x1D110]  }
0x372: {  	v55 =	vld [tilespmem:$0x1D120];
	v23 =	vmul.f32 v19, v18  }
0x373: {  	v2 =	vadd.f32 v3, v2;
	v14 =	vadd.f32 v56, v11;
	v11 =	vld [tilespmem:$0x4CB0]  }
0x374: {  	v15 =	vadd.f32 v23, v61;
	v23 =	vld [tilespmem:$0x1D130]  }
0x375: {  	v2 =	vadd.f32 v4, v2;
	v18 =	vmul.f32 v31, v26;
	v31 =	vld [tilespmem:$0x1D140]  }
0x376: {  	v12 =	vadd.f32 v50, v40;
	v40 =	vmul.f32 v38, v34;
	v38 =	vld [tilespmem:$0x1D150]  }
0x377: {  	v2 =	vadd.f32 v5, v2;
	v50 =	vmul.f32 v44, v42;
	v44 =	vld [tilespmem:$0x1D170]  }
0x378: {  	v56 =	vmul.f32 v55, v53;
	v55 =	vld [tilespmem:$0x1D190]  }
0x379: {  	v2 =	vadd.f32 v6, v2;
	v61 =	vadd.f32 v40, v12;
	v12 =	vld [tilespmem:$0x4EB0]  }
0x37a: {  	v40 =	vld [tilespmem:$0x1D160]  }
0x37b: {  	v2 =	vadd.f32 v7, v2;
	v15 =	vadd.f32 v50, v15;
	v50 =	vld [tilespmem:$0x1D180]  }
0x37c: {  	v34 =	vmul.f32 v31, v23;
	v23 =	vadd.f32 v18, v16;
	v18 =	vadd.f32 v56, v14;
	v14 =	vld [tilespmem:$0x52B0]  }
0x37d: {  	v2 =	vadd.f32 v8, v2;
	v56 =	vld [tilespmem:$0x1D1A0]  }
0x37e: {  	v16 =	vld [tilespmem:$0x56B0]  }
0x37f: {  	v2 =	vadd.f32 v9, v2;
	v9 =	vld [tilespmem:$0x1D500]  }
0x380: {  	v42 =	vmul.f32 v40, v38;
	v40 =	vld [tilespmem:$0x1D1B0]  }
0x381: {  	v53 =	vmul.f32 v50, v44;
	v44 =	vld [tilespmem:$0x1D1D0]  }
0x382: {  	v2 =	vadd.f32 v10, v2;
	v10 =	vld [tilespmem:$0x4EC0]  }
0x383: {  	v17 =	vadd.f32 v34, v61;
	[tilespmem:$0x9050] =	vst v23;
	v23 =	vld [tilespmem:$0x42D0]  }
0x384: {  	v26 =	vadd.f32 v42, v15;
	v42 =	vld [tilespmem:$0x1D1C0]  }
0x385: {  	v19 =	vadd.f32 v53, v17;
	v53 =	vld [tilespmem:$0x1D1E0]  }
0x386: {  	v17 =	vld [tilespmem:$0x1D210];
	v61 =	vmul.f32 v56, v55  }
0x387: {  	v56 =	vld [tilespmem:$0x1D1F0]  }
0x388: {  	v26 =	vadd.f32 v61, v26;
	v61 =	vld [tilespmem:$0x1D200]  }
0x389: {  	v50 =	vmul.f32 v44, v42;
	v42 =	vld [tilespmem:$0x1D220]  }
0x38a: {  	v44 =	vld [tilespmem:$0x1D230]  }
0x38b: {  	v55 =	vmul.f32 v63, v53;
	v53 =	vld [tilespmem:$0x1D250]  }
0x38c: {  	v38 =	vadd.f32 v50, v18;
	v50 =	vld [tilespmem:$0x1D240]  }
0x38d: {  	v2 =	vadd.f32 v11, v2;
	v63 =	vmul.f32 v61, v56;
	v56 =	vld [tilespmem:$0x1D260]  }
0x38e: {  	v15 =	vld [tilespmem:$0x54B0];
	v34 =	vadd.f32 $0.0e+00, v40  }
0x38f: {  	v2 =	vadd.f32 v12, v2;
	v12 =	vld [tilespmem:$0x1D550]  }
0x390: {  	v34 =	vadd.f32 v17, v34;
	v40 =	vmul.f32 v44, v42;
	v44 =	vld [tilespmem:$0x1D290]  }
0x391: {  	v19 =	vadd.f32 v55, v19;
	v26 =	vadd.f32 v63, v26;
	v55 =	vmul.f32 v53, v50;
	v50 =	vld [tilespmem:$0x1D2A0]  }
0x392: {  	v34 =	vadd.f32 v56, v34;
	v56 =	vld [tilespmem:$0x1D2C0]  }
0x393: {  	v26 =	vadd.f32 v55, v26;
	v55 =	vld [tilespmem:$0x1D2B0]  }
0x394: {  	v61 =	vld [tilespmem:$0x1D270]  }
0x395: {  	v42 =	vld [tilespmem:$0x1D280]  }
0x396: {  	v53 =	vmul.f32 v50, v44;
	v44 =	vld [tilespmem:$0x1D2E0]  }
0x397: {  	v50 =	vld [tilespmem:$0x1D2F0]  }
0x398: {  	v40 =	vadd.f32 v40, v19;
	v19 =	vld [tilespmem:$0x1D2D0];
	v31 =	vmul.f32 v56, v55  }
0x399: {  	v55 =	vld [tilespmem:$0x1D300]  }
0x39a: {  	v26 =	vadd.f32 v31, v26;
	v31 =	vld [tilespmem:$0x1D310]  }
0x39b: {  	v2 =	vadd.f32 v13, v2;
	v13 =	vld [tilespmem:$0x1D560];
	v42 =	vmul.f32 v42, v61  }
0x39c: {  	v17 =	vld [tilespmem:$0x58B0];
	v40 =	vadd.f32 v53, v40;
	v53 =	vmul.f32 v50, v44  }
0x39d: {  	v34 =	vadd.f32 v19, v34;
	v19 =	vadd.f32 v42, v38;
	v42 =	vld [tilespmem:$0x1D330]  }
0x39e: {  	v40 =	vadd.f32 v53, v40;
	v53 =	vld [tilespmem:$0x1D340]  }
0x39f: {  	v2 =	vadd.f32 v14, v2;
	v14 =	vld [tilespmem:$0x1D570];
	v31 =	vmul.f32 v31, v55  }
0x3a0: {  	v55 =	vld [tilespmem:$0x1D350]  }
0x3a1: {  	v26 =	vadd.f32 v31, v26;
	v31 =	vld [tilespmem:$0x1D360]  }
0x3a2: {  	v18 =	vld [tilespmem:$0x5AB0]  }
0x3a3: {  	v15 =	vadd.f32 v15, v2;
	v2 =	vld [tilespmem:$0x8D80];
	v53 =	vmul.f32 v53, v42  }
0x3a4: {  	v63 =	vld [tilespmem:$0x5CB0]  }
0x3a5: {  	v40 =	vadd.f32 v53, v40;
	v53 =	vld [tilespmem:$0x1D380]  }
0x3a6: {  	v31 =	vmul.f32 v31, v55;
	v55 =	vld [tilespmem:$0x1D390]  }
0x3a7: {  	v6 =	vmul.f32 v14, v13;
	v14 =	vld [tilespmem:$0x66C0]  }
0x3a8: {  	v61 =	vld [tilespmem:$0x5EB0]  }
0x3a9: {  	v38 =	vld [tilespmem:$0x1D320]  }
0x3aa: {  	v26 =	vadd.f32 v31, v26;
	v31 =	vld [tilespmem:$0x1D3B0]  }
0x3ab: {  	[tilespmem:$0x9060] =	vst v19;
	v19 =	vld [tilespmem:$0x8900];
	v55 =	vmul.f32 v55, v53  }
0x3ac: {  	v56 =	vld [tilespmem:$0x60B0]  }
0x3ad: {  	v40 =	vadd.f32 v55, v40;
	v55 =	vld [tilespmem:$0x1D3E0]  }
0x3ae: {  	v50 =	vld [tilespmem:$0x62B0]  }
0x3af: {  	v44 =	vadd.f32 v38, v34;
	v38 =	vld [tilespmem:$0x64B0];
	v31 =	vmul.f32 v31, v43  }
0x3b0: {  	[tilespmem:$0x1D930] =	vst v19;
	v19 =	vld [tilespmem:$0x5AE0]  }
0x3b1: {  	v26 =	vadd.f32 v31, v26;
	v31 =	vld [tilespmem:$0x1D400]  }
0x3b2: {  	v55 =	vmul.f32 v55, v0;
	v0 =	vld [tilespmem:$0x1D3F0]  }
0x3b3: {  	v42 =	vld [tilespmem:$0x1D370]  }
0x3b4: {  	v34 =	vld [tilespmem:$0x66B0]  }
0x3b5: {  	v43 =	vld [tilespmem:$0x1D3C0]  }
0x3b6: {  	[tilespmem:$0x1DBF0] =	vst v19;
	v19 =	vld [tilespmem:$0x4AF0]  }
0x3b7: {  	v31 =	vmul.f32 v31, v0;
	v0 =	vld [tilespmem:$0x1D410]  }
0x3b8: {  	v25 =	vadd.f32 v27, v25;
	v44 =	vadd.f32 v42, v44;
	v42 =	vld [tilespmem:$0x8800]  }
0x3b9: {  	v40 =	vadd.f32 v55, v40;
	v55 =	vld [tilespmem:$0x1D430];
	v27 =	vadd.f32 v31, v26  }
0x3ba: {  	v44 =	vadd.f32 v43, v44;
	v31 =	vld [tilespmem:$0x1D440]  }
0x3bb: {  	[tilespmem:$0x9070] =	vst v27;
	v27 =	vld [tilespmem:$0x8A00]  }
0x3bc: {  	v44 =	vadd.f32 v0, v44;
	v0 =	vld [tilespmem:$0x1D420]  }
0x3bd: {  	[tilespmem:$0x1DB60] =	vst v19;
	v19 =	vld [tilespmem:$0x8A80]  }
0x3be: {  	v53 =	vld [tilespmem:$0x6C30]  }
0x3bf: {  	v43 =	vld [tilespmem:$0x8880]  }
0x3c0: {  	v26 =	vadd.f32 v31, v44;
	v44 =	vld [tilespmem:$0x36C0]  }
0x3c1: {  	[tilespmem:$0x1D970] =	vst v27;
	v27 =	vld [tilespmem:$0x62E0];
	v0 =	vmul.f32 v55, v0  }
0x3c2: {  	v1 =	vadd.f32 $0.0e+00, v1;
	v55 =	vld [tilespmem:$0x8900]  }
0x3c3: {  	v31 =	vadd.f32 v0, v40;
	v0 =	vadd.f32 v60, v25;
	v60 =	vld [tilespmem:$0x6D30]  }
0x3c4: {  	v40 =	vld [tilespmem:$0x1D450]  }
0x3c5: {  	v1 =	vadd.f32 v44, v1;
	v44 =	vld [tilespmem:$0x1D470]  }
0x3c6: {  	v0 =	vadd.f32 v45, v0;
	v45 =	vld [tilespmem:$0x8980]  }
0x3c7: {  	[tilespmem:$0x9080] =	vst v31;
	v31 =	vld [tilespmem:$0x8A80]  }
0x3c8: {  	[tilespmem:$0x1DC90] =	vst v27;
	v27 =	vld [tilespmem:$0x50F0]  }
0x3c9: {  	v0 =	vadd.f32 v37, v0;
	v37 =	vld [tilespmem:$0x8A00]  }
0x3ca: {  	v25 =	vadd.f32 v40, v26;
	v26 =	vld [tilespmem:$0x38C0]  }
0x3cb: {  	v40 =	vld [tilespmem:$0x1D460]  }
0x3cc: {  	v0 =	vadd.f32 v39, v0;
	v39 =	vld [tilespmem:$0x1D480]  }
0x3cd: {  	[tilespmem:$0x1D9A0] =	vst v31;
	v31 =	vld [tilespmem:$0x66E0]  }
0x3ce: {  	[tilespmem:$0x1DBC0] =	vst v27;
	v27 =	vld [tilespmem:$0x6F70]  }
0x3cf: {  	v0 =	vadd.f32 v48, v0;
	v48 =	vld [tilespmem:$0x6E30]  }
0x3d0: {  	v25 =	vadd.f32 v40, v25;
	v40 =	vld [tilespmem:$0x3AC0]  }
0x3d1: {  	v1 =	vadd.f32 v26, v1;
	v26 =	vld [tilespmem:$0x1D4A0]  }
0x3d2: {  	v0 =	vadd.f32 v52, v0;
	v52 =	vld [tilespmem:$0x6EB0]  }
0x3d3: {  	v25 =	vadd.f32 v44, v25;
	v44 =	vld [tilespmem:$0x40C0]  }
0x3d4: {  	v0 =	vadd.f32 v54, v0;
	v54 =	vld [tilespmem:$0x1D4B0]  }
0x3d5: {  	[tilespmem:$0x1DCF0] =	vst v31;
	v31 =	vld [tilespmem:$0x52F0]  }
0x3d6: {  	v25 =	vadd.f32 v39, v25;
	v39 =	vld [tilespmem:$0x8A80]  }
0x3d7: {  	v0 =	vadd.f32 v32, v0;
	v1 =	vadd.f32 v40, v1;
	v40 =	vld [tilespmem:$0x1D490]  }
0x3d8: {  	v32 =	vld [tilespmem:$0x1D4D0]  }
0x3d9: {  	v0 =	vadd.f32 v59, v0;
	v59 =	vld [tilespmem:$0x6FB0]  }
0x3da: {  	v1 =	vadd.f32 v21, v1;
	[tilespmem:$0x1DBE0] =	vst v31;
	v31 =	vld [tilespmem:$0x8B80]  }
0x3db: {  	v0 =	vadd.f32 v51, v0;
	v51 =	vld [tilespmem:$0x8B80]  }
0x3dc: {  	v1 =	vadd.f32 v20, v1;
	v25 =	vadd.f32 v40, v25;
	v40 =	vld [tilespmem:$0x42C0]  }
0x3dd: {  	v0 =	vadd.f32 v22, v0;
	v22 =	vld [tilespmem:$0x1D520]  }
0x3de: {  	v1 =	vadd.f32 v44, v1;
	v44 =	vld [tilespmem:$0x8B00]  }
0x3df: {  	v21 =	vadd.f32 v26, v25;
	v25 =	vld [tilespmem:$0x1D4C0]  }
0x3e0: {  	v26 =	vld [tilespmem:$0x46C0]  }
0x3e1: {  	v0 =	vadd.f32 v41, v0;
	v41 =	vld [tilespmem:$0x7C30]  }
0x3e2: {  	v59 =	vmul.f32 v59, v51;
	v51 =	vld [tilespmem:$0x1D840]  }
0x3e3: {  	v20 =	vadd.f32 v54, v21;
	v21 =	vld [tilespmem:$0x44C0]  }
0x3e4: {  	v54 =	vld [tilespmem:$0x6F30]  }
0x3e5: {  	v0 =	vadd.f32 v24, v0;
	v24 =	vld [tilespmem:$0x52C0]  }
0x3e6: {  	v1 =	vadd.f32 v40, v1;
	v40 =	vld [tilespmem:$0x48C0]  }
0x3e7: {  	v0 =	vadd.f32 v46, v0;
	v46 =	vld [tilespmem:$0x1D540]  }
0x3e8: {  	v3 =	vadd.f32 v25, v20;
	v20 =	vld [tilespmem:$0x1D4E0]  }
0x3e9: {  	v25 =	vld [tilespmem:$0x1D530]  }
0x3ea: {  	v0 =	vadd.f32 v47, v0;
	v47 =	vld [tilespmem:$0x56C0]  }
0x3eb: {  	v1 =	vadd.f32 v21, v1;
	v21 =	vld [tilespmem:$0x4AC0]  }
0x3ec: {  	v3 =	vadd.f32 v32, v3;
	v32 =	vld [tilespmem:$0x4CC0]  }
0x3ed: {  	v33 =	vadd.f32 v33, v0;
	v0 =	vld [tilespmem:$0x8D00]  }
0x3ee: {  	v1 =	vadd.f32 v26, v1;
	v26 =	vld [tilespmem:$0x1D4F0]  }
0x3ef: {  	v3 =	vadd.f32 v20, v3;
	v20 =	vld [tilespmem:$0x1D510]  }
0x3f0: {  	v8 =	vadd.f32 v58, v33;
	v58 =	vld [tilespmem:$0x1D5F0]  }
0x3f1: {  	v1 =	vadd.f32 v40, v1;
	v40 =	vld [tilespmem:$0x8C80]  }
0x3f2: {  	v8 =	vadd.f32 v49, v8;
	v49 =	vld [tilespmem:$0x5EC0]  }
0x3f3: {  	v1 =	vadd.f32 v21, v1;
	v21 =	vld [tilespmem:$0x50C0]  }
0x3f4: {  	v3 =	vadd.f32 v26, v3;
	v26 =	vld [tilespmem:$0x8C00]  }
0x3f5: {  	v8 =	vadd.f32 v35, v8;
	v35 =	vld [tilespmem:$0x5CC0]  }
0x3f6: {  	v1 =	vadd.f32 v32, v1;
	v32 =	vld [tilespmem:$0x54C0]  }
0x3f7: {  	v3 =	vadd.f32 v9, v3;
	v8 =	vadd.f32 v36, v8;
	v36 =	vld [tilespmem:$0x64C0]  }
0x3f8: {  	v4 =	vadd.f32 v10, v1;
	v1 =	vld [tilespmem:$0x7CB0]  }
0x3f9: {  	v3 =	vadd.f32 v20, v3;
	v20 =	vld [tilespmem:$0x58C0]  }
0x3fa: {  	v10 =	vadd.f32 v16, v15;
	v8 =	vadd.f32 v57, v8;
	v57 =	vld [tilespmem:$0x1D5E0]  }
0x3fb: {  	v4 =	vadd.f32 v21, v4;
	v21 =	vld [tilespmem:$0x1D580]  }
0x3fc: {  	v33 =	vadd.f32 v17, v10;
	v17 =	vld [tilespmem:$0x8880]  }
0x3fd: {  	v3 =	vadd.f32 v22, v3;
	v22 =	vld [tilespmem:$0x1D590]  }
0x3fe: {  	v4 =	vadd.f32 v24, v4;
	v24 =	vld [tilespmem:$0x5AC0]  }
0x3ff: {  	v9 =	vadd.f32 v18, v33;
	v33 =	vld [tilespmem:$0x1D630]  }
0x400: {  	v3 =	vadd.f32 v25, v3;
	v25 =	vld [tilespmem:$0x1D5A0]  }
0x401: {  	v1 =	vmul.f32 v1, v40;
	v40 =	vld [tilespmem:$0x6F50]  }
0x402: {  	v4 =	vadd.f32 v32, v4;
	v32 =	vld [tilespmem:$0x1D5B0]  }
0x403: {  	v9 =	vadd.f32 v63, v9;
	v63 =	vld [tilespmem:$0x60C0]  }
0x404: {  	v5 =	vadd.f32 v46, v3;
	v3 =	vld [tilespmem:$0x7D30]  }
0x405: {  	v46 =	vld [tilespmem:$0x1D5C0]  }
0x406: {  	[tilespmem:$0x1D910] =	vst v17;
	v17 =	vld [tilespmem:$0x56E0]  }
0x407: {  	v4 =	vadd.f32 v47, v4;
	v47 =	vld [tilespmem:$0x1D5D0]  }
0x408: {  	v7 =	vmul.f32 v22, v21;
	v22 =	vld [tilespmem:$0x1D600]  }
0x409: {  	v21 =	vld [tilespmem:$0x1D660]  }
0x40a: {  	v9 =	vadd.f32 v61, v9;
	v61 =	vld [tilespmem:$0x1D6C0]  }
0x40b: {  	v5 =	vadd.f32 v12, v5;
	v12 =	vmul.f32 v58, v57;
	v57 =	vld [tilespmem:$0x8880]  }
0x40c: {  	v58 =	vld [tilespmem:$0x1D6B0]  }
0x40d: {  	v11 =	vadd.f32 v20, v4;
	v4 =	vld [tilespmem:$0x8E00]  }
0x40e: {  	v20 =	vld [tilespmem:$0x1D650]  }
0x40f: {  	v9 =	vadd.f32 v56, v9;
	v56 =	vld [tilespmem:$0x1D6A0]  }
0x410: {  	[tilespmem:$0x1D9D0] =	vst v40;
	v40 =	vld [tilespmem:$0x8880]  }
0x411: {  	v6 =	vadd.f32 v6, v5;
	v5 =	vld [tilespmem:$0x7DB0]  }
0x412: {  	v11 =	vadd.f32 v24, v11;
	v24 =	vld [tilespmem:$0x1D610]  }
0x413: {  	v9 =	vadd.f32 v50, v9;
	v50 =	vld [tilespmem:$0x8A00]  }
0x414: {  	[tilespmem:$0x1DBB0] =	vst v17;
	v17 =	vld [tilespmem:$0x48F0]  }
0x415: {  	v6 =	vadd.f32 v7, v6;
	v7 =	vmul.f32 v32, v25;
	v25 =	vld [tilespmem:$0x1D620]  }
0x416: {  	v32 =	vld [tilespmem:$0x62C0]  }
0x417: {  	v8 =	vadd.f32 v22, v8;
	v22 =	vld [tilespmem:$0x1D670]  }
0x418: {  	v13 =	vmul.f32 v47, v46;
	v46 =	vld [tilespmem:$0x1D680]  }
0x419: {  	v47 =	vld [tilespmem:$0x6C40]  }
0x41a: {  	v10 =	vadd.f32 v35, v11;
	v35 =	vld [tilespmem:$0x1D640]  }
0x41b: {  	v9 =	vadd.f32 v38, v9;
	v38 =	vld [tilespmem:$0x8980]  }
0x41c: {  	v7 =	vadd.f32 v7, v6;
	v6 =	vld [tilespmem:$0x7E30]  }
0x41d: {  	[tilespmem:$0x1DD40] =	vst v40;
	v40 =	vld [tilespmem:$0x56F0]  }
0x41e: {  	v10 =	vadd.f32 v49, v10;
	v49 =	vld [tilespmem:$0x1D690]  }
0x41f: {  	v9 =	vadd.f32 v34, v9;
	v34 =	vld [tilespmem:$0x1D770]  }
0x420: {  	[tilespmem:$0x1DB40] =	vst v17;
	v17 =	vld [tilespmem:$0x6E70]  }
0x421: {  	v15 =	vmul.f32 v25, v24;
	v24 =	vld [tilespmem:$0x8800]  }
0x422: {  	v7 =	vadd.f32 v13, v7;
	v10 =	vadd.f32 v63, v10;
	v63 =	vld [tilespmem:$0x6CC0]  }
0x423: {  	v25 =	vld [tilespmem:$0x1D6D0]  }
0x424: {  	v7 =	vadd.f32 v12, v7;
	v12 =	vmul.f32 v35, v33;
	v33 =	vld [tilespmem:$0x1D700]  }
0x425: {  	v35 =	vld [tilespmem:$0x6D40]  }
0x426: {  	v8 =	vadd.f32 v15, v8;
	v15 =	vmul.f32 v28, v20;
	v28 =	vld [tilespmem:$0x1D6E0]  }
0x427: {  	v10 =	vadd.f32 v32, v10;
	v32 =	vld [tilespmem:$0x1D6F0]  }
0x428: {  	v20 =	vld [tilespmem:$0x6D50]  }
0x429: {  	[tilespmem:$0x1DC20] =	vst v40;
	v40 =	vld [tilespmem:$0x8C00]  }
0x42a: {  	v8 =	vadd.f32 v15, v8;
	v15 =	vmul.f32 v29, v46;
	v29 =	vld [tilespmem:$0x8900]  }
0x42b: {  	v10 =	vadd.f32 v36, v10;
	v36 =	vmul.f32 v53, v42;
	v42 =	vld [tilespmem:$0x6DC0]  }
0x42c: {  	v46 =	vld [tilespmem:$0x1D710]  }
0x42d: {  	v7 =	vadd.f32 v12, v7;
	v12 =	vmul.f32 v22, v21;
	v53 =	vld [tilespmem:$0x1D730]  }
0x42e: {  	v13 =	vmul.f32 v47, v24;
	v47 =	vld [tilespmem:$0x1D720]  }
0x42f: {  	v7 =	vadd.f32 v12, v7;
	v12 =	vmul.f32 v56, v49;
	v56 =	vld [tilespmem:$0x1D740]  }
0x430: {  	v11 =	vmul.f32 v63, v57;
	v57 =	vld [tilespmem:$0x6E40]  }
0x431: {  	v63 =	vld [tilespmem:$0x1D760]  }
0x432: {  	v49 =	vmul.f32 v30, v43;
	v30 =	vld [tilespmem:$0x8B00]  }
0x433: {  	v24 =	vld [tilespmem:$0x3ED0]  }
0x434: {  	v8 =	vadd.f32 v15, v8;
	v15 =	vmul.f32 v61, v58;
	v58 =	vmul.f32 v60, v55;
	v60 =	vld [tilespmem:$0x8A80]  }
0x435: {  	v61 =	vld [tilespmem:$0x1D750]  }
0x436: {  	v9 =	vadd.f32 v36, v9;
	v36 =	vmul.f32 v48, v37;
	v37 =	vld [tilespmem:$0x8B80]  }
0x437: {  	v48 =	vld [tilespmem:$0x1D7B0]  }
0x438: {  	v10 =	vadd.f32 v14, v10;
	v14 =	vld [tilespmem:$0x66D0]  }
0x439: {  	v7 =	vadd.f32 v12, v7;
	v12 =	vmul.f32 v28, v25;
	v28 =	vld [tilespmem:$0x6EC0]  }
0x43a: {  	[tilespmem:$0x1D940] =	vst v20;
	v20 =	vld [tilespmem:$0x5CE0]  }
0x43b: {  	v8 =	vadd.f32 v15, v8;
	v15 =	vmul.f32 v33, v32;
	v33 =	vld [tilespmem:$0x6F40]  }
0x43c: {  	v9 =	vadd.f32 v49, v9;
	v49 =	vld [tilespmem:$0x1D7C0]  }
0x43d: {  	v10 =	vadd.f32 v13, v10;
	v13 =	vld [tilespmem:$0x64D0]  }
0x43e: {  	v25 =	vmul.f32 v35, v29;
	v35 =	vld [tilespmem:$0x1D780]  }
0x43f: {  	v32 =	vmul.f32 v42, v38;
	v38 =	vld [tilespmem:$0x1D790]  }
0x440: {  	v42 =	vld [tilespmem:$0x1D7A0]  }
0x441: {  	v29 =	vmul.f32 v62, v45;
	v45 =	vld [tilespmem:$0x6FC0]  }
0x442: {  	v62 =	vld [tilespmem:$0x1D800]  }
0x443: {  	v7 =	vadd.f32 v12, v7;
	v12 =	vld [tilespmem:$0x62D0]  }
0x444: {  	v8 =	vadd.f32 v15, v8;
	v15 =	vmul.f32 v47, v46;
	v47 =	vld [tilespmem:$0x8C00]  }
0x445: {  	v46 =	vmul.f32 v52, v39;
	v52 =	vld [tilespmem:$0x7C40]  }
0x446: {  	v22 =	vmul.f32 v56, v53;
	v53 =	vmul.f32 v54, v44;
	v54 =	vld [tilespmem:$0x8C80]  }
0x447: {  	v56 =	vld [tilespmem:$0x7CC0]  }
0x448: {  	v43 =	vmul.f32 v57, v50;
	v57 =	vld [tilespmem:$0x1D7D0]  }
0x449: {  	v9 =	vadd.f32 v58, v9;
	v58 =	vld [tilespmem:$0x1D7E0]  }
0x44a: {  	v44 =	vld [tilespmem:$0x1D820]  }
0x44b: {  	v39 =	vld [tilespmem:$0x4CD0]  }
0x44c: {  	v10 =	vadd.f32 v11, v10;
	v11 =	vld [tilespmem:$0x60D0]  }
0x44d: {  	v18 =	vmul.f32 v63, v61;
	v61 =	vld [tilespmem:$0x1D7F0]  }
0x44e: {  	[tilespmem:$0x1D8E0] =	vst v14;
	v14 =	vld [tilespmem:$0x50E0]  }
0x44f: {  	v50 =	vmul.f32 v28, v60;
	v60 =	vld [tilespmem:$0x8D00]  }
0x450: {  	v28 =	vld [tilespmem:$0x7D40]  }
0x451: {  	v9 =	vadd.f32 v29, v9;
	v29 =	vmul.f32 v41, v26;
	v41 =	vld [tilespmem:$0x34D0]  }
0x452: {  	v10 =	vadd.f32 v25, v10;
	v25 =	vld [tilespmem:$0x40D0]  }
0x453: {  	v26 =	vld [tilespmem:$0x44D0]  }
0x454: {  	v8 =	vadd.f32 v15, v8;
	v15 =	vld [tilespmem:$0x8800]  }
0x455: {  	[tilespmem:$0x1DC10] =	vst v20;
	v20 =	vld [tilespmem:$0x4CF0]  }
0x456: {  	v55 =	vmul.f32 v33, v30;
	v30 =	vld [tilespmem:$0x8D80]  }
0x457: {  	v33 =	vld [tilespmem:$0x48D0]  }
0x458: {  	[tilespmem:$0x1D8D0] =	vst v13;
	v13 =	vld [tilespmem:$0x4EE0]  }
0x459: {  	v7 =	vadd.f32 v22, v7;
	v22 =	vmul.f32 v42, v38;
	v38 =	vld [tilespmem:$0x36D0]  }
0x45a: {  	v8 =	vadd.f32 v18, v8;
	v18 =	vmul.f32 v35, v34;
	v34 =	vld [tilespmem:$0x38D0]  }
0x45b: {  	v10 =	vadd.f32 v32, v10;
	v32 =	vld [tilespmem:$0x3AD0]  }
0x45c: {  	v35 =	vld [tilespmem:$0x4AD0]  }
0x45d: {  	v42 =	vld [tilespmem:$0x4ED0]  }
0x45e: {  	v9 =	vadd.f32 v36, v9;
	v36 =	vld [tilespmem:$0x6ED0]  }
0x45f: {  	v63 =	vmul.f32 v45, v37;
	v37 =	vld [tilespmem:$0x8B00]  }
0x460: {  	[tilespmem:$0x1D8C0] =	vst v12;
	v12 =	vld [tilespmem:$0x4CE0]  }
0x461: {  	v45 =	vmul.f32 v52, v47;
	v47 =	vld [tilespmem:$0x8E00]  }
0x462: {  	v52 =	vld [tilespmem:$0x1D850]  }
0x463: {  	[tilespmem:$0x1D8B0] =	vst v11;
	v11 =	vld [tilespmem:$0x4AE0]  }
0x464: {  	v10 =	vadd.f32 v43, v10;
	v43 =	vld [tilespmem:$0x1D810]  }
0x465: {  	v9 =	vadd.f32 v46, v9;
	v46 =	vld [tilespmem:$0x7DC0]  }
0x466: {  	v8 =	vadd.f32 v18, v8;
	v18 =	vmul.f32 v49, v48;
	v49 =	vld [tilespmem:$0x7E40]  }
0x467: {  	v48 =	vmul.f32 v56, v54;
	v54 =	vld [tilespmem:$0x1D870]  }
0x468: {  	[tilespmem:$0x1DB50] =	vst v14;
	v14 =	vld [tilespmem:$0x7DE0]  }
0x469: {  	[tilespmem:$0x1D8F0] =	vst v15;
	v15 =	vld [tilespmem:$0x52E0]  }
0x46a: {  	[tilespmem:$0x1DB80] =	vst v20;
	v20 =	vld [tilespmem:$0x6EF0]  }
0x46b: {  	v10 =	vadd.f32 v50, v10;
	v50 =	vld [tilespmem:$0x1D830]  }
0x46c: {  	v7 =	vadd.f32 v22, v7;
	v22 =	vmul.f32 v62, v61;
	v9 =	vadd.f32 v53, v9;
	v53 =	vld [tilespmem:$0x1D860]  }
0x46d: {  	v8 =	vadd.f32 v18, v8;
	v18 =	vmul.f32 v58, v57;
	v57 =	vmul.f32 v28, v60;
	v60 =	vld [tilespmem:$0x1D8A0]  }
0x46e: {  	v28 =	vld [tilespmem:$0x46D0]  }
0x46f: {  	v7 =	vadd.f32 v22, v7;
	v22 =	vld [tilespmem:$0x6DD0]  }
0x470: {  	v58 =	vmul.f32 v5, v2;
	v5 =	vld [tilespmem:$0x3EE0]  }
0x471: {  	[tilespmem:$0x1DB30] =	vst v13;
	v13 =	vld [tilespmem:$0x8D80]  }
0x472: {  	[tilespmem:$0x1D9B0] =	vst v36;
	v36 =	vld [tilespmem:$0x8800]  }
0x473: {  	[tilespmem:$0x1D9C0] =	vst v37;
	v37 =	vld [tilespmem:$0x6C60]  }
0x474: {  	[tilespmem:$0x1DB20] =	vst v12;
	v12 =	vld [tilespmem:$0x7D60]  }
0x475: {  	v10 =	vadd.f32 v55, v10;
	v55 =	vld [tilespmem:$0x1D880]  }
0x476: {  	v9 =	vadd.f32 v59, v9;
	v59 =	vld [tilespmem:$0x1D890]  }
0x477: {  	v16 =	vmul.f32 v52, v51;
	v51 =	vld [tilespmem:$0x56D0]  }
0x478: {  	[tilespmem:$0x1DFC0] =	vst v19;
	v8 =	vadd.f32 v18, v8;
	v18 =	vld [tilespmem:$0x6CD0]  }
0x479: {  	[tilespmem:$0x1E030] =	vst v27;
	v52 =	vld [tilespmem:$0x7CD0]  }
0x47a: {  	[tilespmem:$0x1DB10] =	vst v11;
	v11 =	vld [tilespmem:$0x8D00]  }
0x47b: {  	[tilespmem:$0x1E080] =	vst v31;
	v62 =	vmul.f32 v46, v30;
	v30 =	vld [tilespmem:$0x3CD0]  }
0x47c: {  	[tilespmem:$0x1DF70] =	vst v17;
	v21 =	vmul.f32 v44, v43;
	v44 =	vld [tilespmem:$0x50D0]  }
0x47d: {  	[tilespmem:$0x1E110] =	vst v40;
	v46 =	vld [tilespmem:$0x52D0]  }
0x47e: {  	v43 =	vld [tilespmem:$0x8B80];
	[tilespmem:$0x1E0C0] =	vst v14  }
0x47f: {  	v14 =	vld [tilespmem:$0x6DF0];
	[tilespmem:$0x1DB70] =	vst v15  }
0x480: {  	v9 =	vadd.f32 v29, v9;
	v29 =	vld [tilespmem:$0x6E50];
	[tilespmem:$0x1DFD0] =	vst v20  }
0x481: {  	v10 =	vadd.f32 v63, v10;
	v63 =	vmul.f32 v6, v4;
	v4 =	vld [tilespmem:$0x3CE0];
	[tilespmem:$0x9030] =	vst v50  }
0x482: {  	v6 =	vld [tilespmem:$0x40E0];
	[tilespmem:$0x9040] =	vst v53  }
0x483: {  	v15 =	vld [tilespmem:$0x8E00];
	[tilespmem:$0x1D960] =	vst v22  }
0x484: {  	v53 =	vld [tilespmem:$0x58D0];
	[tilespmem:$0x1DA10] =	vst v5  }
0x485: {  	v8 =	vadd.f32 v21, v8;
	v21 =	vld [tilespmem:$0x8980];
	[tilespmem:$0x1E0B0] =	vst v13  }
0x486: {  	v50 =	vld [tilespmem:$0x8C80];
	[tilespmem:$0x1DD00] =	vst v36  }
0x487: {  	v22 =	vld [tilespmem:$0x60E0];
	[tilespmem:$0x1DD10] =	vst v37  }
0x488: {  	v5 =	vld [tilespmem:$0x8B80];
	[tilespmem:$0x1E060] =	vst v12  }
0x489: {  	v13 =	vld [tilespmem:$0x8980];
	[tilespmem:$0x1D920] =	vst v18  }
0x48a: {  	v10 =	vadd.f32 v45, v10;
	v45 =	vld [tilespmem:$0x6FD0];
	[tilespmem:$0x1DA60] =	vst v52  }
0x48b: {  	v1 =	vadd.f32 v1, v9;
	v9 =	vmul.f32 v49, v47;
	v47 =	vld [tilespmem:$0x8C00];
	[tilespmem:$0x1E050] =	vst v11  }
0x48c: {  	v49 =	vld [tilespmem:$0x7C50];
	[tilespmem:$0x1D9F0] =	vst v43  }
0x48d: {  	v12 =	vld [tilespmem:$0x34F0];
	[tilespmem:$0x1DF10] =	vst v14  }
0x48e: {  	v37 =	vld [tilespmem:$0x3EF0];
	[tilespmem:$0x1D980] =	vst v29  }
0x48f: {  	v36 =	vld [tilespmem:$0x54F0];
	[tilespmem:$0x1D9E0] =	vst v4  }
0x490: {  	v2 =	vmul.f32 v60, v59;
	v59 =	vld [tilespmem:$0x5CD0];
	[tilespmem:$0x1DA40] =	vst v6  }
0x491: {  	v8 =	vadd.f32 v16, v8;
	v16 =	vld [tilespmem:$0x6C50];
	[tilespmem:$0x1E1E0] =	vst v15  }
0x492: {  	v0 =	vmul.f32 v3, v0;
	v3 =	vmul.f32 v55, v54;
	v54 =	vld [tilespmem:$0x8D00];
	[tilespmem:$0x1D950] =	vst v21  }
0x493: {  	v55 =	vld [tilespmem:$0x7D50];
	[tilespmem:$0x1DA50] =	vst v50  }
0x494: {  	v60 =	vld [tilespmem:$0x8E00];
	[tilespmem:$0x1DC60] =	vst v22  }
0x495: {  	v18 =	vld [tilespmem:$0x58E0];
	v3 =	vadd.f32 v3, v7;
	[tilespmem:$0x1DF30] =	vst v5  }
0x496: {  	v52 =	vld [tilespmem:$0x6DE0];
	v2 =	vadd.f32 v2, v8;
	[tilespmem:$0x1DF00] =	vst v13  }
0x497: {  	v11 =	vld [tilespmem:$0x6D70];
	[tilespmem:$0x9090] =	vst v3  }
0x498: {  	v56 =	vadd.f32 v48, v10;
	v48 =	vld [tilespmem:$0x54D0];
	[tilespmem:$0x90A0] =	vst v2  }
0x499: {  	v43 =	vld [tilespmem:$0x6CE0];
	[tilespmem:$0x1DA00] =	vst v45  }
0x49a: {  	v7 =	vld [tilespmem:$0x42E0];
	[tilespmem:$0x1DA20] =	vst v47  }
0x49b: {  	v29 =	vld [tilespmem:$0x64E0];
	[tilespmem:$0x1DA30] =	vst v49  }
0x49c: {  	v4 =	vld [tilespmem:$0x6F60];
	[tilespmem:$0x1DC00] =	vst v36  }
0x49d: {  	v6 =	vld [tilespmem:$0x6FE0];
	[tilespmem:$0x1D900] =	vst v16  }
0x49e: {  	v15 =	vld [tilespmem:$0x36F0];
	[tilespmem:$0x1DA80] =	vst v54  }
0x49f: {  	v0 =	vadd.f32 v0, v1;
	v61 =	vadd.f32 v57, v56;
	v57 =	vld [tilespmem:$0x5AD0];
	[tilespmem:$0x1DA90] =	vst v55  }
0x4a0: {  	v56 =	vld [tilespmem:$0x8D80];
	[tilespmem:$0x1DAE0] =	vst v60  }
0x4a1: {  	v0 =	vadd.f32 v58, v0;
	v58 =	vld [tilespmem:$0x7DD0];
	[tilespmem:$0x1DBD0] =	vst v18  }
0x4a2: {  	v21 =	vld [tilespmem:$0x5EE0];
	[tilespmem:$0x1DDD0] =	vst v52  }
0x4a3: {  	v50 =	vld [tilespmem:$0x8980];
	v0 =	vadd.f32 v63, v0;
	[tilespmem:$0x1DEB0] =	vst v11  }
0x4a4: {  	v22 =	vld [tilespmem:$0x4EF0];
	[tilespmem:$0x1DD50] =	vst v43  }
0x4a5: {  	v5 =	vld [tilespmem:$0x66F0];
	[tilespmem:$0x90B0] =	vst v0  }
0x4a6: {  	v47 =	vld [tilespmem:$0x34E0];
	[tilespmem:$0x1DA70] =	vst v7  }
0x4a7: {  	v45 =	vld [tilespmem:$0x8900];
	[tilespmem:$0x1DCC0] =	vst v29  }
0x4a8: {  	v49 =	vld [tilespmem:$0x6D60];
	[tilespmem:$0x1DEE0] =	vst v4  }
0x4a9: {  	v36 =	vld [tilespmem:$0x6FF0];
	[tilespmem:$0x1DF40] =	vst v6  }
0x4aa: {  	v8 =	vadd.f32 v62, v61;
	v61 =	vld [tilespmem:$0x5ED0];
	[tilespmem:$0x1DAB0] =	vst v56  }
0x4ab: {  	v62 =	vld [tilespmem:$0x7E50];
	[tilespmem:$0x1DAC0] =	vst v58  }
0x4ac: {  	v55 =	vld [tilespmem:$0x36E0];
	[tilespmem:$0x1DC30] =	vst v21  }
0x4ad: {  	v60 =	vld [tilespmem:$0x38E0];
	[tilespmem:$0x1DDC0] =	vst v50  }
0x4ae: {  	v63 =	vld [tilespmem:$0x3AE0];
	v10 =	vadd.f32 v9, v8;
	[tilespmem:$0x1DBA0] =	vst v22  }
0x4af: {  	v16 =	vld [tilespmem:$0x54E0];
	[tilespmem:$0x1DDE0] =	vst v5  }
0x4b0: {  	v54 =	vld [tilespmem:$0x8A00];
	[tilespmem:$0x90C0] =	vst v10  }
0x4b1: {  	v18 =	vld [tilespmem:$0x38F0];
	[tilespmem:$0x1DD80] =	vst v45  }
0x4b2: {  	v52 =	vld [tilespmem:$0x5CF0];
	[tilespmem:$0x1DD90] =	vst v49  }
0x4b3: {  	v43 =	vld [tilespmem:$0x40F0];
	[tilespmem:$0x1E090] =	vst v36  }
0x4b4: {  	v8 =	vld [tilespmem:$0x44E0];
	[tilespmem:$0x1DAF0] =	vst v62  }
0x4b5: {  	v9 =	vld [tilespmem:$0x46E0];
	[tilespmem:$0x1D990] =	vst v63  }
0x4b6: {  	v7 =	vld [tilespmem:$0x8C00];
	[tilespmem:$0x1DB90] =	vst v16  }
0x4b7: {  	v4 =	vld [tilespmem:$0x64F0];
	[tilespmem:$0x1DE20] =	vst v54  }
0x4b8: {  	v6 =	vld [tilespmem:$0x8800];
	[tilespmem:$0x1DCA0] =	vst v52  }
0x4b9: {  	v56 =	vld [tilespmem:$0x6E60];
	[tilespmem:$0x1DAA0] =	vst v8  }
0x4ba: {  	v58 =	vld [tilespmem:$0x8A80];
	[tilespmem:$0x1DAD0] =	vst v9  }
0x4bb: {  	v50 =	vld [tilespmem:$0x5AF0];
	[tilespmem:$0x1DF90] =	vst v7  }
0x4bc: {  	v22 =	vld [tilespmem:$0x8B00];
	[tilespmem:$0x1DDA0] =	vst v4  }
0x4bd: {  	v10 =	vld [tilespmem:$0x48E0];
	[tilespmem:$0x1DDF0] =	vst v6  }
0x4be: {  	v45 =	vld [tilespmem:$0x58F0];
	[tilespmem:$0x1DE30] =	vst v56  }
0x4bf: {  	v62 =	vld [tilespmem:$0x6EE0];
	[tilespmem:$0x1DE70] =	vst v58  }
0x4c0: {  	v63 =	vld [tilespmem:$0x8B00];
	[tilespmem:$0x1DC70] =	vst v50  }
0x4c1: {  	v16 =	vld [tilespmem:$0x7E60];
	[tilespmem:$0x1E020] =	vst v22  }
0x4c2: {  	v54 =	vld [tilespmem:$0x5EF0];
	[tilespmem:$0x1DB00] =	vst v10  }
0x4c3: {  	v52 =	vld [tilespmem:$0x7CF0];
	[tilespmem:$0x1DC40] =	vst v45  }
0x4c4: {  	v8 =	vld [tilespmem:$0x7C60];
	[tilespmem:$0x1DE80] =	vst v62  }
0x4c5: {  	v9 =	vld [tilespmem:$0x8C80];
	[tilespmem:$0x1DED0] =	vst v63  }
0x4c6: {  	v7 =	vld [tilespmem:$0x6C70];
	[tilespmem:$0x1E1F0] =	vst v16  }
0x4c7: {  	v58 =	vld [tilespmem:$0x60F0];
	[tilespmem:$0x1DCD0] =	vst v54  }
0x4c8: {  	v50 =	vld [tilespmem:$0x8C80];
	[tilespmem:$0x1E1B0] =	vst v52  }
0x4c9: {  	v10 =	vld [tilespmem:$0x7CE0];
	[tilespmem:$0x1DFA0] =	vst v8  }
0x4ca: {  	v45 =	vld [tilespmem:$0x7C70];
	[tilespmem:$0x1DFF0] =	vst v9  }
0x4cb: {  	v63 =	vld [tilespmem:$0x62F0];
	[tilespmem:$0x1DE00] =	vst v7  }
0x4cc: {  	v16 =	vld [tilespmem:$0x8A00];
	[tilespmem:$0x1DD20] =	vst v58  }
0x4cd: {  	v54 =	vld [tilespmem:$0x8D00];
	[tilespmem:$0x1E1A0] =	vst v50  }
0x4ce: {  	v8 =	vld [tilespmem:$0x8880];
	[tilespmem:$0x1E000] =	vst v10  }
0x4cf: {  	v9 =	vld [tilespmem:$0x6CF0];
	[tilespmem:$0x1E120] =	vst v45  }
0x4d0: {  	v10 =	vld [tilespmem:$0x8900];
	[tilespmem:$0x1DD60] =	vst v63  }
0x4d1: {  	v58 =	vld [tilespmem:$0x7D70];
	[tilespmem:$0x1DF60] =	vst v16  }
0x4d2: {  	v29 =	vld [tilespmem:$0x3CF0];
	[tilespmem:$0x1E240] =	vst v54  }
0x4d3: {  	v21 =	vld [tilespmem:$0x3AF0];
	[tilespmem:$0x1DE40] =	vst v8  }
0x4d4: {  	v49 =	vld [tilespmem:$0x42F0];
	[tilespmem:$0x1DE50] =	vst v9  }
0x4d5: {  	v56 =	vld [tilespmem:$0x44F0];
	[tilespmem:$0x1DEA0] =	vst v10  }
0x4d6: {  	v62 =	vld [tilespmem:$0x46F0];
	[tilespmem:$0x1E250] =	vst v58  }
0x4d7: {  	v63 =	vld [tilespmem:$0x7DF0];
	_ =	sdelay $0x4  }
0x4d8: {  	[tilespmem:$0x1E300] =	vst v63;
	v63 =	vld [tilespmem:$0x6100];
	_ =	sdelay $0x4  }
0x4d9: {  	[tilespmem:$0x1DFE0] =	vst v63;
	v63 =	vld [tilespmem:$0x7280];
	_ =	sdelay $0x4  }
0x4da: {  	[tilespmem:$0x1E2D0] =	vst v63;
	v63 =	vld [tilespmem:$0x5910];
	_ =	sdelay $0x4  }
0x4db: {  	[tilespmem:$0x1DE90] =	vst v63;
	v63 =	vld [tilespmem:$0x5B10];
	_ =	sdelay $0x4  }
0x4dc: {  	[tilespmem:$0x1DEF0] =	vst v63;
	v63 =	vld [tilespmem:$0x5D10];
	_ =	sdelay $0x4  }
0x4dd: {  	[tilespmem:$0x1DF50] =	vst v63;
	v63 =	vld [tilespmem:$0x5F10];
	_ =	sdelay $0x4  }
0x4de: {  	[tilespmem:$0x1DFB0] =	vst v63;
	v63 =	vld [tilespmem:$0x6110];
	_ =	sdelay $0x4  }
0x4df: {  	[tilespmem:$0x1E010] =	vst v63;
	v63 =	vld [tilespmem:$0x6310];
	_ =	sdelay $0x4  }
0x4e0: {  	[tilespmem:$0x1E070] =	vst v63;
	v63 =	vld [tilespmem:$0x6510];
	_ =	sdelay $0x4  }
0x4e1: {  	[tilespmem:$0x1E0D0] =	vst v63;
	v63 =	vld [tilespmem:$0x6710];
	_ =	sdelay $0x2  }
0x4e2: {  	v0 =	vld [tilespmem:$0x8D80]  }
0x4e3: {  	v4 =	vld [tilespmem:$0x8E00]  }
0x4e4: {  	[tilespmem:$0x1E130] =	vst v63;
	v63 =	vld [tilespmem:$0x8800]  }
0x4e5: {  	v5 =	vld [tilespmem:$0x7E70]  }
0x4e6: {  	v10 =	vld [tilespmem:$0x3500]  }
0x4e7: {  	v13 =	vld [tilespmem:$0x3700]  }
0x4e8: {  	v16 =	vld [tilespmem:$0x3900]  }
0x4e9: {  	[tilespmem:$0x1E140] =	vst v63;
	v63 =	vld [tilespmem:$0x7010]  }
0x4ea: {  	v19 =	vld [tilespmem:$0x3B00]  }
0x4eb: {  	v22 =	vld [tilespmem:$0x3D00]  }
0x4ec: {  	v31 =	vld [tilespmem:$0x3F00]  }
0x4ed: {  	v40 =	vld [tilespmem:$0x4100]  }
0x4ee: {  	[tilespmem:$0x1E150] =	vst v63;
	v63 =	vld [tilespmem:$0x8880]  }
0x4ef: {  	v45 =	vld [tilespmem:$0x4300]  }
0x4f0: {  	v52 =	vld [tilespmem:$0x4500]  }
0x4f1: {  	v58 =	vld [tilespmem:$0x4700]  }
0x4f2: {  	v6 =	vld [tilespmem:$0x4900]  }
0x4f3: {  	[tilespmem:$0x1E180] =	vst v63;
	v63 =	vld [tilespmem:$0x7090]  }
0x4f4: {  	v41 =	vadd.f32 $0.0e+00, v41;
	v7 =	vld [tilespmem:$0x4B00]  }
0x4f5: {  	v8 =	vld [tilespmem:$0x4D00]  }
0x4f6: {  	v38 =	vadd.f32 v38, v41;
	v9 =	vld [tilespmem:$0x4F00]  }
0x4f7: {  	v11 =	vld [tilespmem:$0x5100]  }
0x4f8: {  	v34 =	vadd.f32 v34, v38;
	[tilespmem:$0x1E190] =	vst v63;
	v63 =	vld [tilespmem:$0x8900]  }
0x4f9: {  	v14 =	vld [tilespmem:$0x5300]  }
0x4fa: {  	v32 =	vadd.f32 v32, v34;
	v17 =	vld [tilespmem:$0x5500]  }
0x4fb: {  	v20 =	vld [tilespmem:$0x5700]  }
0x4fc: {  	v30 =	vadd.f32 v30, v32;
	v27 =	vld [tilespmem:$0x5900]  }
0x4fd: {  	[tilespmem:$0x1E200] =	vst v63;
	v63 =	vld [tilespmem:$0x7110]  }
0x4fe: {  	v24 =	vadd.f32 v24, v30;
	v36 =	vld [tilespmem:$0x5B00]  }
0x4ff: {  	v50 =	vld [tilespmem:$0x5D00]  }
0x500: {  	v24 =	vadd.f32 v25, v24;
	v54 =	vld [tilespmem:$0x5F00]  }
0x501: {  	v1 =	vld [tilespmem:$0x3710]  }
0x502: {  	v23 =	vadd.f32 v23, v24;
	[tilespmem:$0x1E210] =	vst v63;
	v63 =	vld [tilespmem:$0x8980]  }
0x503: {  	v2 =	vld [tilespmem:$0x3910]  }
0x504: {  	v23 =	vadd.f32 v26, v23;
	v3 =	vld [tilespmem:$0x3B10]  }
0x505: {  	v41 =	vld [tilespmem:$0x4720]  }
0x506: {  	v23 =	vadd.f32 v28, v23;
	v38 =	vld [tilespmem:$0x4B20]  }
0x507: {  	[tilespmem:$0x1E260] =	vst v63;
	v63 =	vld [tilespmem:$0x7190]  }
0x508: {  	v23 =	vadd.f32 v33, v23;
	v30 =	vld [tilespmem:$0x5920]  }
0x509: {  	v32 =	vld [tilespmem:$0x5B20]  }
0x50a: {  	v23 =	vadd.f32 v35, v23;
	v34 =	vld [tilespmem:$0x5D20]  }
0x50b: {  	v12 =	vadd.f32 $0.0e+00, v12;
	v28 =	vld [tilespmem:$0x8900]  }
0x50c: {  	v23 =	vadd.f32 v39, v23;
	[tilespmem:$0x1E270] =	vst v63;
	v63 =	vld [tilespmem:$0x8A00]  }
0x50d: {  	v12 =	vadd.f32 v15, v12;
	v33 =	vld [tilespmem:$0x71A0]  }
0x50e: {  	v23 =	vadd.f32 v42, v23;
	v35 =	vld [tilespmem:$0x7220]  }
0x50f: {  	v12 =	vadd.f32 v18, v12;
	v39 =	vld [tilespmem:$0x72A0]  }
0x510: {  	v23 =	vadd.f32 v44, v23;
	v42 =	vld [tilespmem:$0x7320]  }
0x511: {  	v12 =	vadd.f32 v21, v12;
	[tilespmem:$0x1E2A0] =	vst v63;
	v63 =	vld [tilespmem:$0x7210]  }
0x512: {  	v23 =	vadd.f32 v46, v23;
	v44 =	vld [tilespmem:$0x8B80]  }
0x513: {  	v12 =	vadd.f32 v29, v12;
	v46 =	vld [tilespmem:$0x73A0]  }
0x514: {  	v23 =	vadd.f32 v48, v23;
	v48 =	vld [tilespmem:$0x8C00]  }
0x515: {  	v12 =	vadd.f32 v37, v12;
	v26 =	vld [tilespmem:$0x1DA80]  }
0x516: {  	[tilespmem:$0x1E2B0] =	vst v63;
	v63 =	vld [tilespmem:$0x8A80]  }
0x517: {  	v12 =	vadd.f32 v43, v12;
	v29 =	vld [tilespmem:$0x1DAA0]  }
0x518: {  	v37 =	vld [tilespmem:$0x1DAC0]  }
0x519: {  	v12 =	vadd.f32 v49, v12;
	v43 =	vld [tilespmem:$0x1DAF0]  }
0x51a: {  	v49 =	vld [tilespmem:$0x8900]  }
0x51b: {  	v12 =	vadd.f32 v56, v12;
	[tilespmem:$0x1E310] =	vst v63;
	v63 =	vld [tilespmem:$0x7290]  }
0x51c: {  	v56 =	vld [tilespmem:$0x71B0]  }
0x51d: {  	v12 =	vadd.f32 v62, v12;
	v62 =	vld [tilespmem:$0x1DB40];
	v23 =	vadd.f32 v51, v23  }
0x51e: {  	v51 =	vld [tilespmem:$0x8020]  }
0x51f: {  	v23 =	vadd.f32 v53, v23;
	v53 =	vld [tilespmem:$0x8C80]  }
0x520: {  	[tilespmem:$0x1E320] =	vst v63;
	v63 =	vld [tilespmem:$0x8B00]  }
0x521: {  	[tilespmem:$0x1E3B0] =	vst v4;
	v4 =	vld [tilespmem:$0x6300]  }
0x522: {  	[tilespmem:$0x1E3C0] =	vst v5;
	v5 =	vld [tilespmem:$0x6500]  }
0x523: {  	[tilespmem:$0x1DC50] =	vst v6;
	v6 =	vld [tilespmem:$0x6700]  }
0x524: {  	[tilespmem:$0x1DC80] =	vst v7;
	v7 =	vld [tilespmem:$0x8800]  }
0x525: {  	[tilespmem:$0x1E360] =	vst v63;
	v63 =	vld [tilespmem:$0x7310]  }
0x526: {  	[tilespmem:$0x1DCB0] =	vst v8;
	v8 =	vld [tilespmem:$0x7000]  }
0x527: {  	[tilespmem:$0x1DCE0] =	vst v9;
	v9 =	vld [tilespmem:$0x8880]  }
0x528: {  	[tilespmem:$0x1DD30] =	vst v11;
	v11 =	vld [tilespmem:$0x7080]  }
0x529: {  	[tilespmem:$0x1DD70] =	vst v14;
	v14 =	vld [tilespmem:$0x8900]  }
0x52a: {  	[tilespmem:$0x1E370] =	vst v63;
	v63 =	vld [tilespmem:$0x8B80]  }
0x52b: {  	[tilespmem:$0x1DDB0] =	vst v17;
	v17 =	vld [tilespmem:$0x7100]  }
0x52c: {  	[tilespmem:$0x1DE10] =	vst v20;
	v20 =	vld [tilespmem:$0x8980]  }
0x52d: {  	[tilespmem:$0x1DE60] =	vst v27;
	v27 =	vld [tilespmem:$0x7180]  }
0x52e: {  	[tilespmem:$0x1DEC0] =	vst v36;
	v36 =	vld [tilespmem:$0x8A00]  }
0x52f: {  	[tilespmem:$0x1E3D0] =	vst v63;
	v63 =	vld [tilespmem:$0x7390]  }
0x530: {  	[tilespmem:$0x1DF20] =	vst v50;
	v50 =	vld [tilespmem:$0x7200]  }
0x531: {  	[tilespmem:$0x1DF80] =	vst v54;
	v54 =	vld [tilespmem:$0x8A80]  }
0x532: {  	[tilespmem:$0x1E2F0] =	vst v0;
	v0 =	vld [tilespmem:$0x3510]  }
0x533: {  	[tilespmem:$0x1E5A0] =	vst v41;
	v41 =	vld [tilespmem:$0x5320]  }
0x534: {  	[tilespmem:$0x1E3E0] =	vst v63;
	v63 =	vld [tilespmem:$0x8C00]  }
0x535: {  	[tilespmem:$0x1E5E0] =	vst v38;
	v38 =	vld [tilespmem:$0x5520]  }
0x536: {  	[tilespmem:$0x1E6C0] =	vst v30;
	v30 =	vld [tilespmem:$0x6520]  }
0x537: {  	[tilespmem:$0x1E6E0] =	vst v32;
	v32 =	vld [tilespmem:$0x6720]  }
0x538: {  	[tilespmem:$0x1E700] =	vst v34;
	v34 =	vld [tilespmem:$0x8800]  }
0x539: {  	[tilespmem:$0x1E420] =	vst v63;
	v63 =	vld [tilespmem:$0x8010]  }
0x53a: {  	[tilespmem:$0x1E810] =	vst v28;
	v28 =	vld [tilespmem:$0x8D80]  }
0x53b: {  	[tilespmem:$0x1E850] =	vst v33;
	v33 =	vld [tilespmem:$0x8E00]  }
0x53c: {  	[tilespmem:$0x1E880] =	vst v35;
	v35 =	vld [tilespmem:$0x1D8C0]  }
0x53d: {  	[tilespmem:$0x1E8D0] =	vst v39;
	v39 =	vld [tilespmem:$0x1D8E0]  }
0x53e: {  	[tilespmem:$0x1E430] =	vst v63;
	v63 =	vld [tilespmem:$0x8C80]  }
0x53f: {  	[tilespmem:$0x1E910] =	vst v42;
	v42 =	vld [tilespmem:$0x1D900]  }
0x540: {  	[tilespmem:$0x1E940] =	vst v44;
	v44 =	vld [tilespmem:$0x3D30]  }
0x541: {  	[tilespmem:$0x1E950] =	vst v46;
	v46 =	vld [tilespmem:$0x3F30]  }
0x542: {  	[tilespmem:$0x1E980] =	vst v48;
	v48 =	vld [tilespmem:$0x1D910]  }
0x543: {  	[tilespmem:$0x1E470] =	vst v63;
	v63 =	vld [tilespmem:$0x8090]  }
0x544: {  	[tilespmem:$0x1E920] =	vst v49;
	v49 =	vld [tilespmem:$0x8D00]  }
0x545: {  	[tilespmem:$0x1E970] =	vst v56;
	v56 =	vld [tilespmem:$0x8D80]  }
0x546: {  	v23 =	vadd.f32 v57, v23;
	v57 =	vld [tilespmem:$0x80A0]  }
0x547: {  	v10 =	vadd.f32 $0.0e+00, v10;
	[tilespmem:$0x1E990] =	vst v51;
	v51 =	vld [tilespmem:$0x1D920]  }
0x548: {  	[tilespmem:$0x1E480] =	vst v63;
	v63 =	vld [tilespmem:$0x8D00]  }
0x549: {  	v10 =	vadd.f32 v13, v10;
	v23 =	vadd.f32 v59, v23;
	v59 =	vld [tilespmem:$0x8D00]  }
0x54a: {  	[tilespmem:$0x1E9F0] =	vst v53;
	v53 =	vld [tilespmem:$0x4130]  }
0x54b: {  	v10 =	vadd.f32 v16, v10;
	v16 =	vld [tilespmem:$0x1DB50]  }
0x54c: {  	[tilespmem:$0x1E040] =	vst v4;
	v4 =	vld [tilespmem:$0x8B00]  }
0x54d: {  	[tilespmem:$0x1E4C0] =	vst v63;
	v63 =	vld [tilespmem:$0x8110]  }
0x54e: {  	[tilespmem:$0x1E0A0] =	vst v5;
	v5 =	vld [tilespmem:$0x7300]  }
0x54f: {  	[tilespmem:$0x1E0E0] =	vst v6;
	v6 =	vld [tilespmem:$0x8B80]  }
0x550: {  	[tilespmem:$0x1E0F0] =	vst v7;
	v7 =	vld [tilespmem:$0x7380]  }
0x551: {  	[tilespmem:$0x1E100] =	vst v8;
	v8 =	vld [tilespmem:$0x8C00]  }
0x552: {  	[tilespmem:$0x1E4D0] =	vst v63;
	v63 =	vld [tilespmem:$0x8D80]  }
0x553: {  	[tilespmem:$0x1E160] =	vst v9;
	v9 =	vld [tilespmem:$0x8000]  }
0x554: {  	[tilespmem:$0x1E170] =	vst v11;
	v11 =	vld [tilespmem:$0x8C80]  }
0x555: {  	[tilespmem:$0x1E1C0] =	vst v14;
	v14 =	vld [tilespmem:$0x8080]  }
0x556: {  	[tilespmem:$0x1E1D0] =	vst v17;
	v17 =	vld [tilespmem:$0x8D00]  }
0x557: {  	[tilespmem:$0x1E510] =	vst v63;
	v63 =	vld [tilespmem:$0x8190]  }
0x558: {  	[tilespmem:$0x1E220] =	vst v20;
	v20 =	vld [tilespmem:$0x8100]  }
0x559: {  	[tilespmem:$0x1E230] =	vst v27;
	v27 =	vld [tilespmem:$0x8D80]  }
0x55a: {  	[tilespmem:$0x1E280] =	vst v36;
	v36 =	vld [tilespmem:$0x8180]  }
0x55b: {  	[tilespmem:$0x1E290] =	vst v50;
	v50 =	vld [tilespmem:$0x8E00]  }
0x55c: {  	[tilespmem:$0x1E520] =	vst v63;
	v63 =	vld [tilespmem:$0x8E00]  }
0x55d: {  	[tilespmem:$0x1E2C0] =	vst v54;
	v54 =	vld [tilespmem:$0x8200]  }
0x55e: {  	[tilespmem:$0x1E660] =	vst v41;
	v41 =	vld [tilespmem:$0x5120]  }
0x55f: {  	[tilespmem:$0x1E680] =	vst v38;
	v38 =	vld [tilespmem:$0x5F20]  }
0x560: {  	[tilespmem:$0x1E780] =	vst v30;
	v30 =	vld [tilespmem:$0x7120]  }
0x561: {  	[tilespmem:$0x1E560] =	vst v63;
	v63 =	vld [tilespmem:$0x8210]  }
0x562: {  	[tilespmem:$0x1E7A0] =	vst v32;
	v32 =	vld [tilespmem:$0x8980]  }
0x563: {  	[tilespmem:$0x1E7B0] =	vst v34;
	v34 =	vld [tilespmem:$0x8A00]  }
0x564: {  	v23 =	vadd.f32 v61, v23;
	v61 =	vld [tilespmem:$0x3930]  }
0x565: {  	[tilespmem:$0x1EAB0] =	vst v28;
	v28 =	vld [tilespmem:$0x1D930]  }
0x566: {  	[tilespmem:$0x1E570] =	vst v63;
	v63 =	vld [tilespmem:$0x3520]  }
0x567: {  	[tilespmem:$0x1EB20] =	vst v33;
	v33 =	vld [tilespmem:$0x4B30]  }
0x568: {  	[tilespmem:$0x1E590] =	vst v44;
	v44 =	vld [tilespmem:$0x1D970]  }
0x569: {  	[tilespmem:$0x1E5B0] =	vst v46;
	v46 =	vld [tilespmem:$0x1D980]  }
0x56a: {  	[tilespmem:$0x1EAF0] =	vst v56;
	v56 =	vld [tilespmem:$0x3940]  }
0x56b: {  	[tilespmem:$0x1E2E0] =	vst v63;
	v63 =	vld [tilespmem:$0x3720]  }
0x56c: {  	v0 =	vadd.f32 $0.0e+00, v0;
	[tilespmem:$0x1EAD0] =	vst v49;
	v49 =	vld [tilespmem:$0x4940]  }
0x56d: {  	[tilespmem:$0x1EA00] =	vst v57;
	v57 =	vld [tilespmem:$0x4330]  }
0x56e: {  	v0 =	vadd.f32 v1, v0;
	v1 =	vadd.f32 v62, v12;
	v62 =	vld [tilespmem:$0x1DC30]  }
0x56f: {  	[tilespmem:$0x1EA50] =	vst v59;
	v59 =	vld [tilespmem:$0x3530]  }
0x570: {  	[tilespmem:$0x1E350] =	vst v63;
	v63 =	vld [tilespmem:$0x3920]  }
0x571: {  	[tilespmem:$0x1E5D0] =	vst v53;
	v53 =	vld [tilespmem:$0x1D9A0]  }
0x572: {  	[tilespmem:$0x1E330] =	vst v4;
	v4 =	vld [tilespmem:$0x3D10]  }
0x573: {  	[tilespmem:$0x1E340] =	vst v5;
	v5 =	vld [tilespmem:$0x3F10]  }
0x574: {  	[tilespmem:$0x1E380] =	vst v6;
	v6 =	vld [tilespmem:$0x4110]  }
0x575: {  	[tilespmem:$0x1E3A0] =	vst v63;
	v63 =	vld [tilespmem:$0x3B20]  }
0x576: {  	[tilespmem:$0x1E390] =	vst v7;
	v7 =	vld [tilespmem:$0x4310]  }
0x577: {  	[tilespmem:$0x1E3F0] =	vst v8;
	v8 =	vld [tilespmem:$0x4510]  }
0x578: {  	[tilespmem:$0x1E400] =	vst v9;
	v9 =	vld [tilespmem:$0x4710]  }
0x579: {  	[tilespmem:$0x1E440] =	vst v11;
	v11 =	vld [tilespmem:$0x4910]  }
0x57a: {  	[tilespmem:$0x1E410] =	vst v63;
	v63 =	vld [tilespmem:$0x3D20]  }
0x57b: {  	[tilespmem:$0x1E450] =	vst v14;
	v14 =	vld [tilespmem:$0x4B10]  }
0x57c: {  	[tilespmem:$0x1E490] =	vst v17;
	v17 =	vld [tilespmem:$0x4D10]  }
0x57d: {  	[tilespmem:$0x1E4A0] =	vst v20;
	v20 =	vld [tilespmem:$0x4F10]  }
0x57e: {  	[tilespmem:$0x1E4E0] =	vst v27;
	v27 =	vld [tilespmem:$0x5110]  }
0x57f: {  	[tilespmem:$0x1E460] =	vst v63;
	v63 =	vld [tilespmem:$0x3F20]  }
0x580: {  	[tilespmem:$0x1E4F0] =	vst v36;
	v36 =	vld [tilespmem:$0x5310]  }
0x581: {  	[tilespmem:$0x1E530] =	vst v50;
	v50 =	vld [tilespmem:$0x5510]  }
0x582: {  	[tilespmem:$0x1E540] =	vst v54;
	v54 =	vld [tilespmem:$0x5710]  }
0x583: {  	[tilespmem:$0x1E640] =	vst v41;
	v41 =	vld [tilespmem:$0x6120]  }
0x584: {  	[tilespmem:$0x1E4B0] =	vst v63;
	v63 =	vld [tilespmem:$0x4120]  }
0x585: {  	[tilespmem:$0x1E720] =	vst v38;
	v38 =	vld [tilespmem:$0x7020]  }
0x586: {  	[tilespmem:$0x1E820] =	vst v30;
	v30 =	vld [tilespmem:$0x81A0]  }
0x587: {  	[tilespmem:$0x1E840] =	vst v32;
	v32 =	vld [tilespmem:$0x1D8B0]  }
0x588: {  	[tilespmem:$0x1E870] =	vst v34;
	v34 =	vld [tilespmem:$0x8220]  }
0x589: {  	[tilespmem:$0x1E500] =	vst v63;
	v63 =	vld [tilespmem:$0x4320]  }
0x58a: {  	[tilespmem:$0x1E670] =	vst v33;
	v33 =	vld [tilespmem:$0x5730]  }
0x58b: {  	[tilespmem:$0x1E5F0] =	vst v57;
	v57 =	vld [tilespmem:$0x5130]  }
0x58c: {  	[tilespmem:$0x1E740] =	vst v41;
	v41 =	vld [tilespmem:$0x8880]  }
0x58d: {  	[tilespmem:$0x1E7C0] =	vst v38;
	v38 =	vld [tilespmem:$0x8A80]  }
0x58e: {  	[tilespmem:$0x1E550] =	vst v63;
	v63 =	vld [tilespmem:$0x4520]  }
0x58f: {  	[tilespmem:$0x1EB30] =	vst v34;
	v34 =	vld [tilespmem:$0x3730]  }
0x590: {  	v0 =	vadd.f32 v2, v0;
	[tilespmem:$0x1EAC0] =	vst v30;
	v30 =	vld [tilespmem:$0x1D940]  }
0x591: {  	v23 =	vadd.f32 v32, v23;
	v32 =	vld [tilespmem:$0x4530]  }
0x592: {  	v0 =	vadd.f32 v3, v0;
	[tilespmem:$0x1E730] =	vst v33;
	v33 =	vld [tilespmem:$0x1DAB0]  }
0x593: {  	[tilespmem:$0x1E580] =	vst v63;
	v63 =	vld [tilespmem:$0x4F20]  }
0x594: {  	v0 =	vadd.f32 v4, v0;
	[tilespmem:$0x1E6D0] =	vst v57;
	v57 =	vld [tilespmem:$0x1DA50]  }
0x595: {  	v23 =	vadd.f32 v35, v23;
	v35 =	vld [tilespmem:$0x3B30]  }
0x596: {  	v0 =	vadd.f32 v5, v0;
	[tilespmem:$0x1E7E0] =	vst v41;
	v41 =	vld [tilespmem:$0x8B00]  }
0x597: {  	[tilespmem:$0x1E8C0] =	vst v38;
	v38 =	vld [tilespmem:$0x1D8D0]  }
0x598: {  	v0 =	vadd.f32 v6, v0;
	[tilespmem:$0x1E620] =	vst v63;
	v63 =	vld [tilespmem:$0x4920]  }
0x599: {  	v25 =	vmul.f32 v30, v28;
	v28 =	vld [tilespmem:$0x1D9D0]  }
0x59a: {  	v30 =	vld [tilespmem:$0x1D9E0];
	v0 =	vadd.f32 v7, v0  }
0x59b: {  	[tilespmem:$0x1E610] =	vst v32;
	v32 =	vld [tilespmem:$0x5530]  }
0x59c: {  	v0 =	vadd.f32 v8, v0;
	v8 =	vld [tilespmem:$0x1DC40]  }
0x59d: {  	[tilespmem:$0x1E5C0] =	vst v63;
	v63 =	vld [tilespmem:$0x4D20]  }
0x59e: {  	[tilespmem:$0x1E900] =	vst v41;
	v41 =	vld [tilespmem:$0x1D8F0]  }
0x59f: {  	v23 =	vadd.f32 v38, v23;
	v38 =	vld [tilespmem:$0x1D950]  }
0x5a0: {  	[tilespmem:$0x1E710] =	vst v32;
	v32 =	vld [tilespmem:$0x6730]  }
0x5a1: {  	v0 =	vadd.f32 v9, v0;
	v9 =	vld [tilespmem:$0x1DC50]  }
0x5a2: {  	[tilespmem:$0x1E600] =	vst v63;
	v63 =	vld [tilespmem:$0x5720]  }
0x5a3: {  	v23 =	vadd.f32 v39, v23;
	v39 =	vld [tilespmem:$0x1D960]  }
0x5a4: {  	v24 =	vmul.f32 v42, v41;
	v41 =	vld [tilespmem:$0x4730]  }
0x5a5: {  	v42 =	vld [tilespmem:$0x4930]  }
0x5a6: {  	[tilespmem:$0x1E890] =	vst v32;
	v32 =	vld [tilespmem:$0x8B80]  }
0x5a7: {  	v23 =	vadd.f32 v24, v23;
	v24 =	vmul.f32 v51, v48;
	[tilespmem:$0x1E6A0] =	vst v63;
	v63 =	vld [tilespmem:$0x6320]  }
0x5a8: {  	v0 =	vadd.f32 v11, v0;
	v48 =	vld [tilespmem:$0x4F30]  }
0x5a9: {  	v51 =	vld [tilespmem:$0x1D990];
	v23 =	vadd.f32 v24, v23  }
0x5aa: {  	v0 =	vadd.f32 v14, v0;
	[tilespmem:$0x1E630] =	vst v41;
	v41 =	vld [tilespmem:$0x1DA00]  }
0x5ab: {  	[tilespmem:$0x1E650] =	vst v42;
	v42 =	vld [tilespmem:$0x1DA10];
	v23 =	vadd.f32 v25, v23;
	v25 =	vmul.f32 v39, v38  }
0x5ac: {  	v0 =	vadd.f32 v17, v0;
	[tilespmem:$0x1E760] =	vst v63;
	v63 =	vld [tilespmem:$0x70A0]  }
0x5ad: {  	v23 =	vadd.f32 v25, v23;
	v25 =	vmul.f32 v46, v44;
	v46 =	vld [tilespmem:$0x5B30]  }
0x5ae: {  	v0 =	vadd.f32 v20, v0;
	[tilespmem:$0x1EA30] =	vst v32;
	v32 =	vld [tilespmem:$0x1DD60]  }
0x5af: {  	v39 =	vld [tilespmem:$0x1D9F0]  }
0x5b0: {  	v0 =	vadd.f32 v27, v0;
	v44 =	vld [tilespmem:$0x5930]  }
0x5b1: {  	[tilespmem:$0x1E7F0] =	vst v63;
	v63 =	vld [tilespmem:$0x8120]  }
0x5b2: {  	v0 =	vadd.f32 v36, v0;
	[tilespmem:$0x1E770] =	vst v46;
	v46 =	vld [tilespmem:$0x8880]  }
0x5b3: {  	[tilespmem:$0x1E6B0] =	vst v48;
	v48 =	vld [tilespmem:$0x1DA30]  }
0x5b4: {  	v0 =	vadd.f32 v50, v0;
	v50 =	vld [tilespmem:$0x1DDF0]  }
0x5b5: {  	[tilespmem:$0x1E750] =	vst v44;
	v44 =	vld [tilespmem:$0x1DB00]  }
0x5b6: {  	[tilespmem:$0x1EA60] =	vst v63;
	v63 =	vadd.f32 $0.0e+00, v47;
	v47 =	vld [tilespmem:$0x4D30]  }
0x5b7: {  	[tilespmem:$0x1E8E0] =	vst v46;
	v46 =	vld [tilespmem:$0x1DBE0]  }
0x5b8: {  	v24 =	vadd.f32 v55, v63;
	v55 =	vld [tilespmem:$0x1D9B0]  }
0x5b9: {  	v63 =	vld [tilespmem:$0x1D9C0]  }
0x5ba: {  	v24 =	vadd.f32 v60, v24;
	v60 =	vld [tilespmem:$0x5330]  }
0x5bb: {  	[tilespmem:$0x1E690] =	vst v47;
	v47 =	vld [tilespmem:$0x1DA20]  }
0x5bc: {  	v24 =	vadd.f32 v51, v24;
	v51 =	vld [tilespmem:$0x1DA40]  }
0x5bd: {  	v23 =	vadd.f32 v25, v23;
	v25 =	vmul.f32 v55, v53;
	v53 =	vld [tilespmem:$0x5D30]  }
0x5be: {  	v55 =	vld [tilespmem:$0x5F30]  }
0x5bf: {  	v24 =	vadd.f32 v30, v24;
	v30 =	vld [tilespmem:$0x6530]  }
0x5c0: {  	[tilespmem:$0x1E6F0] =	vst v60;
	v60 =	vld [tilespmem:$0x1DA60]  }
0x5c1: {  	v23 =	vadd.f32 v25, v23;
	v25 =	vmul.f32 v28, v63;
	v63 =	vld [tilespmem:$0x1DA70]  }
0x5c2: {  	v28 =	vld [tilespmem:$0x1DA90]  }
0x5c3: {  	v24 =	vadd.f32 v42, v24;
	v42 =	vld [tilespmem:$0x1DAE0]  }
0x5c4: {  	v18 =	vmul.f32 v48, v47;
	v47 =	vld [tilespmem:$0x70B0]  }
0x5c5: {  	v48 =	vld [tilespmem:$0x1DB10]  }
0x5c6: {  	v38 =	vadd.f32 v25, v23;
	v25 =	vld [tilespmem:$0x6330]  }
0x5c7: {  	v23 =	vmul.f32 v41, v39;
	v39 =	vld [tilespmem:$0x8800]  }
0x5c8: {  	v41 =	vld [tilespmem:$0x7030]  }
0x5c9: {  	[tilespmem:$0x1E790] =	vst v53;
	v53 =	vld [tilespmem:$0x1DB20]  }
0x5ca: {  	[tilespmem:$0x1E7D0] =	vst v55;
	v55 =	vld [tilespmem:$0x8980]  }
0x5cb: {  	v15 =	vadd.f32 v23, v38;
	v23 =	vadd.f32 v51, v24;
	v24 =	vld [tilespmem:$0x6130]  }
0x5cc: {  	v38 =	vld [tilespmem:$0x1DAD0]  }
0x5cd: {  	v51 =	vld [tilespmem:$0x7130]  }
0x5ce: {  	[tilespmem:$0x1E860] =	vst v30;
	v30 =	vld [tilespmem:$0x1DB90]  }
0x5cf: {  	v15 =	vadd.f32 v18, v15;
	v18 =	vmul.f32 v60, v57;
	v57 =	vld [tilespmem:$0x1DB30]  }
0x5d0: {  	v60 =	vld [tilespmem:$0x8A00]  }
0x5d1: {  	v21 =	vadd.f32 v63, v23;
	v63 =	vld [tilespmem:$0x7230]  }
0x5d2: {  	[tilespmem:$0x1E8F0] =	vst v47;
	v47 =	vld [tilespmem:$0x80B0]  }
0x5d3: {  	v23 =	vadd.f32 v19, v10;
	v19 =	vld [tilespmem:$0x1DCB0]  }
0x5d4: {  	[tilespmem:$0x1E830] =	vst v25;
	v25 =	vld [tilespmem:$0x1DB70]  }
0x5d5: {  	[tilespmem:$0x1E8A0] =	vst v39;
	v39 =	vld [tilespmem:$0x8C00]  }
0x5d6: {  	[tilespmem:$0x1E8B0] =	vst v41;
	v41 =	vld [tilespmem:$0x1DBC0]  }
0x5d7: {  	v15 =	vadd.f32 v18, v15;
	v18 =	vmul.f32 v28, v26;
	v26 =	vld [tilespmem:$0x8B00]  }
0x5d8: {  	v28 =	vld [tilespmem:$0x1DB80]  }
0x5d9: {  	v21 =	vadd.f32 v29, v21;
	v29 =	vld [tilespmem:$0x7330]  }
0x5da: {  	[tilespmem:$0x1E960] =	vst v55;
	v55 =	vld [tilespmem:$0x1DC10]  }
0x5db: {  	v2 =	vadd.f32 v22, v23;
	v22 =	vld [tilespmem:$0x1DCD0]  }
0x5dc: {  	v23 =	vld [tilespmem:$0x1DCE0]  }
0x5dd: {  	[tilespmem:$0x1E800] =	vst v24;
	v24 =	vld [tilespmem:$0x72B0]  }
0x5de: {  	[tilespmem:$0x1E930] =	vst v51;
	v51 =	vld [tilespmem:$0x1DC00]  }
0x5df: {  	v15 =	vadd.f32 v18, v15;
	v18 =	vmul.f32 v37, v33;
	v33 =	vld [tilespmem:$0x1DBA0]  }
0x5e0: {  	v37 =	vld [tilespmem:$0x73B0]  }
0x5e1: {  	v21 =	vadd.f32 v38, v21;
	v38 =	vld [tilespmem:$0x1DBB0]  }
0x5e2: {  	v2 =	vadd.f32 v31, v2;
	v31 =	vld [tilespmem:$0x1DD50]  }
0x5e3: {  	[tilespmem:$0x1E9A0] =	vst v60;
	v60 =	vld [tilespmem:$0x81B0]  }
0x5e4: {  	[tilespmem:$0x1E9B0] =	vst v63;
	v63 =	vld [tilespmem:$0x8E00]  }
0x5e5: {  	[tilespmem:$0x1EAA0] =	vst v47;
	v47 =	vld [tilespmem:$0x4140]  }
0x5e6: {  	v15 =	vadd.f32 v18, v15;
	v18 =	vmul.f32 v43, v42;
	v42 =	vld [tilespmem:$0x8030]  }
0x5e7: {  	v43 =	vld [tilespmem:$0x1DBD0]  }
0x5e8: {  	v21 =	vadd.f32 v44, v21;
	v44 =	vld [tilespmem:$0x8C80]  }
0x5e9: {  	[tilespmem:$0x1EA70] =	vst v39;
	v39 =	vld [tilespmem:$0x4340]  }
0x5ea: {  	v2 =	vadd.f32 v40, v2;
	v40 =	vld [tilespmem:$0x1DDA0]  }
0x5eb: {  	[tilespmem:$0x1EA10] =	vst v26;
	v26 =	vld [tilespmem:$0x1DD10]  }
0x5ec: {  	[tilespmem:$0x1EA20] =	vst v29;
	v29 =	vld [tilespmem:$0x1DD30]  }
0x5ed: {  	v15 =	vadd.f32 v18, v15;
	v18 =	vld [tilespmem:$0x8A80]  }
0x5ee: {  	[tilespmem:$0x1E9E0] =	vst v24;
	v24 =	vld [tilespmem:$0x1DCF0]  }
0x5ef: {  	v2 =	vadd.f32 v45, v2;
	v45 =	vld [tilespmem:$0x4B40]  }
0x5f0: {  	[tilespmem:$0x1EA40] =	vst v37;
	v37 =	vld [tilespmem:$0x1DD80]  }
0x5f1: {  	[tilespmem:$0x1EB10] =	vst v15;
	v15 =	vadd.f32 v48, v21;
	v21 =	vld [tilespmem:$0x1DB60]  }
0x5f2: {  	v48 =	vld [tilespmem:$0x1DBF0]  }
0x5f3: {  	v2 =	vadd.f32 v52, v2;
	v52 =	vld [tilespmem:$0x4540]  }
0x5f4: {  	[tilespmem:$0x1EB00] =	vst v60;
	v60 =	vld [tilespmem:$0x1DE10];
	v15 =	vadd.f32 v53, v15  }
0x5f5: {  	[tilespmem:$0x1EB60] =	vst v63;
	v63 =	vld [tilespmem:$0x1DE30]  }
0x5f6: {  	[tilespmem:$0x1EA80] =	vst v42;
	v42 =	vld [tilespmem:$0x1DDC0];
	v13 =	vadd.f32 v57, v15  }
0x5f7: {  	[tilespmem:$0x1EA90] =	vst v44;
	v44 =	vld [tilespmem:$0x1DDE0];
	v1 =	vadd.f32 v21, v1  }
0x5f8: {  	v53 =	vld [tilespmem:$0x8130];
	v12 =	vadd.f32 v16, v13  }
0x5f9: {  	v2 =	vadd.f32 v58, v2;
	v58 =	vld [tilespmem:$0x1DE00];
	v1 =	vadd.f32 v28, v1  }
0x5fa: {  	[tilespmem:$0x1E9D0] =	vst v18;
	v18 =	vld [tilespmem:$0x1DCA0];
	v10 =	vadd.f32 v25, v12  }
0x5fb: {  	v57 =	vld [tilespmem:$0x1DC20];
	v1 =	vadd.f32 v33, v1  }
0x5fc: {  	v15 =	vld [tilespmem:$0x1DC80];
	v3 =	vadd.f32 v30, v10  }
0x5fd: {  	v2 =	vadd.f32 v9, v2;
	v9 =	vld [tilespmem:$0x1DE40];
	v1 =	vadd.f32 v41, v1  }
0x5fe: {  	v21 =	vld [tilespmem:$0x1DCC0];
	v3 =	vadd.f32 v38, v3  }
0x5ff: {  	v13 =	vld [tilespmem:$0x1DC70];
	v1 =	vadd.f32 v46, v1  }
0x600: {  	v16 =	vld [tilespmem:$0x1DC90];
	v3 =	vadd.f32 v43, v3  }
0x601: {  	[tilespmem:$0x1EAE0] =	vst v53;
	v53 =	vld [tilespmem:$0x3D40];
	v1 =	vadd.f32 v51, v1  }
0x602: {  	v28 =	vld [tilespmem:$0x1DD20];
	v3 =	vadd.f32 v48, v3  }
0x603: {  	v12 =	vld [tilespmem:$0x1DC60];
	v1 =	vadd.f32 v57, v1  }
0x604: {  	v25 =	vld [tilespmem:$0x1DD00];
	v3 =	vadd.f32 v55, v3  }
0x605: {  	v33 =	vld [tilespmem:$0x1DD70];
	v1 =	vadd.f32 v8, v1  }
0x606: {  	v10 =	vld [tilespmem:$0x8230];
	v3 =	vadd.f32 v62, v3  }
0x607: {  	v30 =	vld [tilespmem:$0x1DD40];
	v1 =	vadd.f32 v13, v1  }
0x608: {  	v41 =	vld [tilespmem:$0x1DDB0];
	v3 =	vadd.f32 v12, v3  }
0x609: {  	v38 =	vld [tilespmem:$0x1DD90];
	v1 =	vadd.f32 v18, v1  }
0x60a: {  	v46 =	vld [tilespmem:$0x3F40];
	v3 =	vadd.f32 v16, v3  }
0x60b: {  	v43 =	vld [tilespmem:$0x1DDD0];
	v1 =	vadd.f32 v22, v1  }
0x60c: {  	v51 =	vld [tilespmem:$0x4740];
	v3 =	vadd.f32 v21, v3  }
0x60d: {  	[tilespmem:$0x1EB70] =	vst v10;
	v10 =	vld [tilespmem:$0x1DE50];
	v1 =	vadd.f32 v28, v1  }
0x60e: {  	v4 =	vmul.f32 v26, v25;
	v48 =	vld [tilespmem:$0x3740];
	v3 =	vadd.f32 v24, v3  }
0x60f: {  	v57 =	vld [tilespmem:$0x3540];
	v1 =	vadd.f32 v32, v1  }
0x610: {  	v55 =	vld [tilespmem:$0x3B40];
	v3 =	vadd.f32 v4, v3;
	v4 =	vmul.f32 v31, v30  }
0x611: {  	v62 =	vld [tilespmem:$0x1DE20];
	v1 =	vadd.f32 v40, v1  }
0x612: {  	v3 =	vadd.f32 v4, v3;
	v4 =	vmul.f32 v38, v37;
	v38 =	vld [tilespmem:$0x4F40]  }
0x613: {  	v1 =	vadd.f32 v44, v1;
	v44 =	vld [tilespmem:$0x5140]  }
0x614: {  	v3 =	vadd.f32 v4, v3;
	v4 =	vmul.f32 v43, v42;
	v42 =	vld [tilespmem:$0x4D40]  }
0x615: {  	v11 =	vld [tilespmem:$0x1DE60]  }
0x616: {  	v12 =	vld [tilespmem:$0x1DE70]  }
0x617: {  	v13 =	vld [tilespmem:$0x1DE80]  }
0x618: {  	v14 =	vld [tilespmem:$0x1DE90]  }
0x619: {  	v2 =	vadd.f32 v15, v2;
	v15 =	vld [tilespmem:$0x1DEA0]  }
0x61a: {  	v16 =	vld [tilespmem:$0x1DEB0]  }
0x61b: {  	v17 =	vld [tilespmem:$0x1DEC0]  }
0x61c: {  	v18 =	vld [tilespmem:$0x1DED0]  }
0x61d: {  	v2 =	vadd.f32 v19, v2;
	v19 =	vld [tilespmem:$0x1DEE0]  }
0x61e: {  	v20 =	vld [tilespmem:$0x1DEF0]  }
0x61f: {  	v21 =	vld [tilespmem:$0x1DF00]  }
0x620: {  	v22 =	vld [tilespmem:$0x1DF10]  }
0x621: {  	v2 =	vadd.f32 v23, v2;
	v23 =	vld [tilespmem:$0x1DF20]  }
0x622: {  	v25 =	vld [tilespmem:$0x1DF30]  }
0x623: {  	v26 =	vld [tilespmem:$0x1DF40]  }
0x624: {  	v27 =	vld [tilespmem:$0x1DF50]  }
0x625: {  	v28 =	vld [tilespmem:$0x1DF60]  }
0x626: {  	v2 =	vadd.f32 v29, v2;
	v29 =	vld [tilespmem:$0x1DF70]  }
0x627: {  	v30 =	vld [tilespmem:$0x1DF80]  }
0x628: {  	v31 =	vld [tilespmem:$0x1DF90]  }
0x629: {  	v32 =	vld [tilespmem:$0x1DFA0]  }
0x62a: {  	v2 =	vadd.f32 v33, v2;
	v33 =	vld [tilespmem:$0x1DFB0]  }
0x62b: {  	v5 =	vmul.f32 v58, v50;
	v50 =	vld [tilespmem:$0x1DFC0]  }
0x62c: {  	v0 =	vadd.f32 v54, v0;
	v2 =	vadd.f32 v41, v2;
	v54 =	vld [tilespmem:$0x1DFD0]  }
0x62d: {  	v58 =	vld [tilespmem:$0x1DFE0]  }
0x62e: {  	v2 =	vadd.f32 v60, v2;
	v60 =	vld [tilespmem:$0x1DFF0]  }
0x62f: {  	v1 =	vadd.f32 v5, v1;
	v5 =	vmul.f32 v10, v9;
	v10 =	vld [tilespmem:$0x1E010]  }
0x630: {  	v3 =	vadd.f32 v4, v3;
	v4 =	vmul.f32 v63, v62;
	v62 =	vld [tilespmem:$0x1E000]  }
0x631: {  	v2 =	vadd.f32 v11, v2;
	v11 =	vld [tilespmem:$0x1E020]  }
0x632: {  	v3 =	vadd.f32 v4, v3;
	v4 =	vmul.f32 v13, v12;
	v12 =	vld [tilespmem:$0x1E030]  }
0x633: {  	v13 =	vld [tilespmem:$0x1E040]  }
0x634: {  	v0 =	vadd.f32 v14, v0;
	v14 =	vld [tilespmem:$0x6740]  }
0x635: {  	v1 =	vadd.f32 v5, v1;
	v5 =	vmul.f32 v16, v15;
	v15 =	vld [tilespmem:$0x1E050]  }
0x636: {  	v16 =	vld [tilespmem:$0x1E060]  }
0x637: {  	v3 =	vadd.f32 v4, v3;
	v4 =	vmul.f32 v19, v18;
	v18 =	vld [tilespmem:$0x1E070]  }
0x638: {  	v19 =	vld [tilespmem:$0x1E080]  }
0x639: {  	v2 =	vadd.f32 v17, v2;
	v1 =	vadd.f32 v5, v1;
	v5 =	vmul.f32 v22, v21;
	v22 =	vld [tilespmem:$0x1E090]  }
0x63a: {  	v63 =	vmul.f32 v62, v60;
	v60 =	vld [tilespmem:$0x1E150]  }
0x63b: {  	v2 =	vadd.f32 v23, v2;
	v23 =	vld [tilespmem:$0x1E0A0]  }
0x63c: {  	v3 =	vadd.f32 v4, v3;
	v4 =	vmul.f32 v26, v25;
	v25 =	vld [tilespmem:$0x1E0B0]  }
0x63d: {  	v26 =	vld [tilespmem:$0x1E0C0]  }
0x63e: {  	v1 =	vadd.f32 v5, v1;
	v5 =	vmul.f32 v29, v28;
	v28 =	vld [tilespmem:$0x1E0D0]  }
0x63f: {  	v29 =	vld [tilespmem:$0x1E0E0]  }
0x640: {  	[tilespmem:$0x1E9C0] =	vst v14;
	v14 =	vld [tilespmem:$0x1E180]  }
0x641: {  	v0 =	vadd.f32 v20, v0;
	v17 =	vmul.f32 v16, v15;
	v15 =	vld [tilespmem:$0x1E190]  }
0x642: {  	v2 =	vadd.f32 v30, v2;
	v30 =	vld [tilespmem:$0x1E0F0]  }
0x643: {  	v0 =	vadd.f32 v27, v0;
	v3 =	vadd.f32 v4, v3;
	v4 =	vmul.f32 v32, v31;
	v31 =	vld [tilespmem:$0x1E100]  }
0x644: {  	v32 =	vld [tilespmem:$0x1E110]  }
0x645: {  	v0 =	vadd.f32 v33, v0;
	v33 =	vld [tilespmem:$0x1E120]  }
0x646: {  	v1 =	vadd.f32 v5, v1;
	v5 =	vmul.f32 v54, v50;
	v54 =	vld [tilespmem:$0x1E130]  }
0x647: {  	v2 =	vadd.f32 v58, v2;
	v58 =	vld [tilespmem:$0x1E140]  }
0x648: {  	v4 =	vadd.f32 v4, v3;
	v1 =	vadd.f32 v5, v1;
	v5 =	vmul.f32 v12, v11;
	v11 =	vld [tilespmem:$0x1E170]  }
0x649: {  	v0 =	vadd.f32 v10, v0;
	v27 =	vmul.f32 v26, v25;
	v26 =	vld [tilespmem:$0x1E1D0]  }
0x64a: {  	v4 =	vadd.f32 v63, v4;
	v63 =	vld [tilespmem:$0x1E160]  }
0x64b: {  	v0 =	vadd.f32 v18, v0;
	v18 =	vld [tilespmem:$0x1E1B0]  }
0x64c: {  	v1 =	vadd.f32 v5, v1;
	v5 =	vmul.f32 v22, v19;
	v19 =	vld [tilespmem:$0x1E1C0]  }
0x64d: {  	v50 =	vmul.f32 v33, v32;
	v32 =	vld [tilespmem:$0x1E220]  }
0x64e: {  	v2 =	vadd.f32 v13, v2;
	v33 =	vld [tilespmem:$0x1E230];
	v1 =	vadd.f32 v5, v1  }
0x64f: {  	v0 =	vadd.f32 v28, v0;
	v5 =	vmul.f32 v31, v30;
	v30 =	vld [tilespmem:$0x1E210]  }
0x650: {  	v2 =	vadd.f32 v23, v2;
	v1 =	vadd.f32 v50, v1;
	v50 =	vld [tilespmem:$0x1E240]  }
0x651: {  	v0 =	vadd.f32 v54, v0;
	v54 =	vld [tilespmem:$0x1E250]  }
0x652: {  	v2 =	vadd.f32 v29, v2;
	v29 =	vld [tilespmem:$0x1E200]  }
0x653: {  	v4 =	vadd.f32 v17, v4;
	v17 =	vld [tilespmem:$0x1E1A0];
	v62 =	vmul.f32 v60, v58  }
0x654: {  	v60 =	vld [tilespmem:$0x1E260];
	v2 =	vadd.f32 v5, v2;
	v5 =	vmul.f32 v11, v63  }
0x655: {  	v16 =	vmul.f32 v15, v14;
	v0 =	vadd.f32 v62, v0;
	v62 =	vld [tilespmem:$0x1E270]  }
0x656: {  	v2 =	vadd.f32 v5, v2;
	v5 =	vmul.f32 v26, v19;
	v58 =	vmul.f32 v54, v50;
	v50 =	vld [tilespmem:$0x1E2A0]  }
0x657: {  	v0 =	vadd.f32 v16, v0;
	v31 =	vmul.f32 v30, v29;
	v54 =	vld [tilespmem:$0x1E2B0]  }
0x658: {  	v2 =	vadd.f32 v5, v2;
	v5 =	vmul.f32 v33, v32;
	v32 =	vld [tilespmem:$0x1E290]  }
0x659: {  	v13 =	vmul.f32 v18, v17;
	v15 =	vadd.f32 v31, v0;
	v31 =	vld [tilespmem:$0x1E280];
	_ =	sdelay $0x1  }
0x65a: {  	v1 =	vadd.f32 v13, v1;
	v63 =	vmul.f32 v62, v60;
	v60 =	vld [tilespmem:$0x1E2C0]  }
0x65b: {  	v62 =	vld [tilespmem:$0x1E2D0]  }
0x65c: {  	v1 =	vadd.f32 v58, v1;
	v58 =	vmul.f32 v54, v50;
	v50 =	vld [tilespmem:$0x1E310]  }
0x65d: {  	v2 =	vadd.f32 v5, v2;
	v54 =	vld [tilespmem:$0x1E320];
	v33 =	vmul.f32 v32, v31  }
0x65e: {  	v32 =	vld [tilespmem:$0x1E2F0]  }
0x65f: {  	v2 =	vadd.f32 v33, v2;
	v33 =	vld [tilespmem:$0x1E300]  }
0x660: {  	v31 =	vld [tilespmem:$0x1E2E0]  }
0x661: {  	v5 =	vadd.f32 v63, v15;
	v63 =	vmul.f32 v62, v60;
	v60 =	vld [tilespmem:$0x1E330]  }
0x662: {  	v62 =	vld [tilespmem:$0x1E340]  }
0x663: {  	v5 =	vadd.f32 v58, v5;
	v58 =	vmul.f32 v54, v50;
	v50 =	vld [tilespmem:$0x1E360]  }
0x664: {  	v17 =	vmul.f32 v33, v32;
	v32 =	vld [tilespmem:$0x1E350]  }
0x665: {  	v54 =	vld [tilespmem:$0x1E370]  }
0x666: {  	v18 =	vld [tilespmem:$0x1E3A0]  }
0x667: {  	v16 =	vadd.f32 $0.0e+00, v31  }
0x668: {  	v2 =	vadd.f32 v63, v2;
	v63 =	vmul.f32 v62, v60;
	v60 =	vld [tilespmem:$0x1E380]  }
0x669: {  	v62 =	vld [tilespmem:$0x1E390];
	v33 =	vadd.f32 v32, v16  }
0x66a: {  	v5 =	vadd.f32 v58, v5;
	v58 =	vmul.f32 v54, v50;
	v50 =	vld [tilespmem:$0x1E3E0]  }
0x66b: {  	v18 =	vadd.f32 v18, v33;
	v33 =	vld [tilespmem:$0x1E3D0];
	_ =	sdelay $0x1  }
0x66c: {  	v5 =	vadd.f32 v58, v5;
	v58 =	vld [tilespmem:$0x1E3F0]  }
0x66d: {  	v2 =	vadd.f32 v63, v2;
	v63 =	vmul.f32 v62, v60;
	v60 =	vld [tilespmem:$0x1E400];
	_ =	sdelay $0x1  }
0x66e: {  	v28 =	vld [tilespmem:$0x1E1F0];
	v54 =	vmul.f32 v50, v33  }
0x66f: {  	v33 =	vld [tilespmem:$0x1E420]  }
0x670: {  	v5 =	vadd.f32 v54, v5;
	v54 =	vld [tilespmem:$0x1E430]  }
0x671: {  	v2 =	vadd.f32 v63, v2;
	v63 =	vld [tilespmem:$0x1E410];
	v62 =	vmul.f32 v60, v58  }
0x672: {  	v60 =	vld [tilespmem:$0x1E440]  }
0x673: {  	v2 =	vadd.f32 v62, v2;
	v62 =	vld [tilespmem:$0x1E450]  }
0x674: {  	v4 =	vadd.f32 v27, v4;
	v27 =	vld [tilespmem:$0x1E1E0]  }
0x675: {  	v58 =	vmul.f32 v54, v33;
	v54 =	vld [tilespmem:$0x1E460];
	_ =	sdelay $0x2  }
0x676: {  	v50 =	vadd.f32 v63, v18;
	v63 =	vmul.f32 v62, v60;
	v60 =	vld [tilespmem:$0x1E480]  }
0x677: {  	v14 =	vmul.f32 v28, v27;
	v62 =	vld [tilespmem:$0x1E490]  }
0x678: {  	v50 =	vadd.f32 v54, v50;
	v54 =	vadd.f32 v58, v5;
	v58 =	vld [tilespmem:$0x1E470]  }
0x679: {  	v30 =	vadd.f32 v14, v4;
	v4 =	vadd.f32 v63, v2;
	v63 =	vld [tilespmem:$0x1E4A0];
	_ =	sdelay $0x2  }
0x67a: {  	v19 =	vld [tilespmem:$0x1E3B0]  }
0x67b: {  	v32 =	vld [tilespmem:$0x1E3C0];
	v58 =	vmul.f32 v60, v58  }
0x67c: {  	v60 =	vmul.f32 v63, v62;
	v62 =	vld [tilespmem:$0x1E4D0]  }
0x67d: {  	v54 =	vadd.f32 v58, v54;
	v58 =	vld [tilespmem:$0x1E4C0]  }
0x67e: {  	v63 =	vld [tilespmem:$0x8E00];
	_ =	sdelay $0x2  }
0x67f: {  	v1 =	vadd.f32 v17, v1;
	v19 =	vmul.f32 v32, v19  }
0x680: {  	v58 =	vmul.f32 v62, v58  }
0x681: {  	v19 =	vadd.f32 v19, v1;
	[tilespmem:$0x1EB80] =	vst v63;
	v63 =	vld [tilespmem:$0x1E510]  }
0x682: {  	v59 =	vadd.f32 $0.0e+00, v59;
	v54 =	vadd.f32 v58, v54;
	v58 =	vld [tilespmem:$0x1E520]  }
0x683: {  	[tilespmem:$0x1EB50] =	vst v19;
	v19 =	vld [tilespmem:$0x1E4B0]  }
0x684: {  	v34 =	vadd.f32 v34, v59;
	v59 =	vadd.f32 v60, v4;
	v4 =	vld [tilespmem:$0x1E4E0]  }
0x685: {  	v62 =	vld [tilespmem:$0x1E500]  }
0x686: {  	v60 =	vld [tilespmem:$0x1E4F0]  }
0x687: {  	v58 =	vmul.f32 v58, v63;
	v63 =	vld [tilespmem:$0x1E550]  }
0x688: {  	v50 =	vadd.f32 v19, v50;
	_ =	sdelay $0x1  }
0x689: {  	v50 =	vadd.f32 v62, v50  }
0x68a: {  	v60 =	vmul.f32 v60, v4;
	v54 =	vadd.f32 v58, v54;
	v58 =	vld [tilespmem:$0x1E560]  }
0x68b: {  	v50 =	vadd.f32 v63, v50;
	v63 =	vld [tilespmem:$0x1E570]  }
0x68c: {  	v59 =	vadd.f32 v60, v59;
	v60 =	vld [tilespmem:$0x1E530]  }
0x68d: {  	v62 =	vld [tilespmem:$0x1E540]  }
0x68e: {  	v34 =	vadd.f32 v61, v34;
	_ =	sdelay $0x1  }
0x68f: {  	v58 =	vmul.f32 v63, v58;
	v63 =	vadd.f32 v35, v34;
	v34 =	vld [tilespmem:$0x1E580];
	_ =	sdelay $0x1  }
0x690: {  	v60 =	vmul.f32 v62, v60;
	_ =	sdelay $0x1  }
0x691: {  	v35 =	vadd.f32 v60, v59;
	v60 =	vld [tilespmem:$0x1E5A0]  }
0x692: {  	v50 =	vadd.f32 v34, v50;
	v34 =	vadd.f32 v58, v54;
	v58 =	vld [tilespmem:$0x1E590];
	_ =	sdelay $0x1  }
0x693: {  	v1 =	vld [tilespmem:$0x1E5C0];
	_ =	sdelay $0x2  }
0x694: {  	v50 =	vadd.f32 v60, v50;
	v54 =	vadd.f32 v58, v63;
	v63 =	vld [tilespmem:$0x1E5B0];
	_ =	sdelay $0x1  }
0x695: {  	v50 =	vadd.f32 v1, v50;
	v1 =	vld [tilespmem:$0x1E5D0];
	_ =	sdelay $0x2  }
0x696: {  	v54 =	vadd.f32 v63, v54;
	_ =	sdelay $0x1  }
0x697: {  	v54 =	vadd.f32 v1, v54;
	v1 =	vld [tilespmem:$0x1E5E0];
	_ =	sdelay $0x4  }
0x698: {  	v50 =	vadd.f32 v1, v50;
	v1 =	vld [tilespmem:$0x1E5F0];
	_ =	sdelay $0x4  }
0x699: {  	v54 =	vadd.f32 v1, v54;
	v1 =	vld [tilespmem:$0x1E600];
	_ =	sdelay $0x4  }
0x69a: {  	v50 =	vadd.f32 v1, v50;
	v1 =	vld [tilespmem:$0x1E610];
	_ =	sdelay $0x4  }
0x69b: {  	v54 =	vadd.f32 v1, v54;
	v1 =	vld [tilespmem:$0x1E620];
	_ =	sdelay $0x4  }
0x69c: {  	v50 =	vadd.f32 v1, v50;
	v1 =	vld [tilespmem:$0x1E630];
	_ =	sdelay $0x4  }
0x69d: {  	v54 =	vadd.f32 v1, v54;
	v1 =	vld [tilespmem:$0x1E640];
	_ =	sdelay $0x4  }
0x69e: {  	v50 =	vadd.f32 v1, v50;
	v1 =	vld [tilespmem:$0x1E650];
	_ =	sdelay $0x4  }
0x69f: {  	v54 =	vadd.f32 v1, v54;
	v1 =	vld [tilespmem:$0x1E660];
	_ =	sdelay $0x4  }
0x6a0: {  	v50 =	vadd.f32 v1, v50;
	v1 =	vld [tilespmem:$0x1E670];
	_ =	sdelay $0x4  }
0x6a1: {  	v54 =	vadd.f32 v1, v54;
	v1 =	vld [tilespmem:$0x1E680];
	_ =	sdelay $0x4  }
0x6a2: {  	v50 =	vadd.f32 v1, v50;
	v1 =	vld [tilespmem:$0x1E690];
	_ =	sdelay $0x4  }
0x6a3: {  	v54 =	vadd.f32 v1, v54;
	v1 =	vld [tilespmem:$0x1E6A0];
	_ =	sdelay $0x4  }
0x6a4: {  	v50 =	vadd.f32 v1, v50;
	v1 =	vld [tilespmem:$0x1E6B0];
	_ =	sdelay $0x4  }
0x6a5: {  	v54 =	vadd.f32 v1, v54;
	v1 =	vld [tilespmem:$0x1E6C0];
	_ =	sdelay $0x4  }
0x6a6: {  	v50 =	vadd.f32 v1, v50;
	v1 =	vld [tilespmem:$0x1E6D0];
	_ =	sdelay $0x4  }
0x6a7: {  	v54 =	vadd.f32 v1, v54;
	v1 =	vld [tilespmem:$0x1E6E0];
	_ =	sdelay $0x3  }
0x6a8: {  	v43 =	vld [tilespmem:$0x5340]  }
0x6a9: {  	v50 =	vadd.f32 v1, v50;
	v1 =	vld [tilespmem:$0x1E6F0]  }
0x6aa: {  	v41 =	vld [tilespmem:$0x5540]  }
0x6ab: {  	v40 =	vld [tilespmem:$0x5740]  }
0x6ac: {  	v24 =	vld [tilespmem:$0x5940]  }
0x6ad: {  	v36 =	vld [tilespmem:$0x5B40]  }
0x6ae: {  	v54 =	vadd.f32 v1, v54;
	v1 =	vld [tilespmem:$0x1E700]  }
0x6af: {  	v57 =	vadd.f32 $0.0e+00, v57;
	v37 =	vld [tilespmem:$0x5D40]  }
0x6b0: {  	v7 =	vld [tilespmem:$0x6140]  }
0x6b1: {  	v48 =	vadd.f32 v48, v57;
	v6 =	vld [tilespmem:$0x6540]  }
0x6b2: {  	v8 =	vld [tilespmem:$0x8800]  }
0x6b3: {  	v48 =	vadd.f32 v56, v48;
	v50 =	vadd.f32 v1, v50;
	v1 =	vld [tilespmem:$0x1E710]  }
0x6b4: {  	v61 =	vld [tilespmem:$0x3550]  }
0x6b5: {  	v48 =	vadd.f32 v55, v48;
	v57 =	vld [tilespmem:$0x4350]  }
0x6b6: {  	v56 =	vld [tilespmem:$0x4750]  }
0x6b7: {  	v48 =	vadd.f32 v53, v48;
	v55 =	vld [tilespmem:$0x4B50]  }
0x6b8: {  	v54 =	vadd.f32 v1, v54;
	v1 =	vld [tilespmem:$0x1E720]  }
0x6b9: {  	v46 =	vadd.f32 v46, v48;
	v53 =	vld [tilespmem:$0x4F50]  }
0x6ba: {  	v48 =	vld [tilespmem:$0x5350]  }
0x6bb: {  	v46 =	vadd.f32 v47, v46;
	v47 =	vld [tilespmem:$0x5750]  }
0x6bc: {  	v9 =	vld [tilespmem:$0x8880]  }
0x6bd: {  	v50 =	vadd.f32 v1, v50;
	v1 =	vld [tilespmem:$0x1E730]  }
0x6be: {  	v39 =	vadd.f32 v39, v46;
	v46 =	vld [tilespmem:$0x5B50]  }
0x6bf: {  	v62 =	vld [tilespmem:$0x3750]  }
0x6c0: {  	v39 =	vadd.f32 v52, v39;
	v52 =	vld [tilespmem:$0x5F50]  }
0x6c1: {  	v0 =	vld [tilespmem:$0x3950]  }
0x6c2: {  	v61 =	vadd.f32 $0.0e+00, v61;
	v54 =	vadd.f32 v1, v54;
	v1 =	vld [tilespmem:$0x1E740]  }
0x6c3: {  	v59 =	vld [tilespmem:$0x3B50]  }
0x6c4: {  	v39 =	vadd.f32 v51, v39;
	v51 =	vld [tilespmem:$0x6350];
	v61 =	vadd.f32 v62, v61  }
0x6c5: {  	v58 =	vld [tilespmem:$0x3D50]  }
0x6c6: {  	v0 =	vadd.f32 v0, v61;
	v60 =	vld [tilespmem:$0x3F50]  }
0x6c7: {  	v50 =	vadd.f32 v1, v50;
	v1 =	vld [tilespmem:$0x1E750]  }
0x6c8: {  	v20 =	vld [tilespmem:$0x5F40];
	v0 =	vadd.f32 v59, v0  }
0x6c9: {  	v63 =	vld [tilespmem:$0x4150]  }
0x6ca: {  	v21 =	vld [tilespmem:$0x6340];
	v0 =	vadd.f32 v58, v0  }
0x6cb: {  	v39 =	vadd.f32 v49, v39;
	v49 =	vld [tilespmem:$0x6750]  }
0x6cc: {  	v0 =	vadd.f32 v60, v0;
	v54 =	vadd.f32 v1, v54;
	v1 =	vld [tilespmem:$0x1E760]  }
0x6cd: {  	v39 =	vadd.f32 v45, v39;
	v62 =	vld [tilespmem:$0x4550]  }
0x6ce: {  	v45 =	vld [tilespmem:$0x7050];
	v0 =	vadd.f32 v63, v0  }
0x6cf: {  	v39 =	vadd.f32 v42, v39;
	v42 =	vld [tilespmem:$0x70D0]  }
0x6d0: {  	v61 =	vld [tilespmem:$0x4950];
	v0 =	vadd.f32 v57, v0  }
0x6d1: {  	v50 =	vadd.f32 v1, v50;
	v1 =	vld [tilespmem:$0x1E770]  }
0x6d2: {  	v10 =	vld [tilespmem:$0x8900];
	v0 =	vadd.f32 v62, v0  }
0x6d3: {  	v12 =	vld [tilespmem:$0x8A00]  }
0x6d4: {  	v3 =	vld [tilespmem:$0x1E8B0];
	v0 =	vadd.f32 v56, v0  }
0x6d5: {  	v59 =	vld [tilespmem:$0x4D50]  }
0x6d6: {  	v0 =	vadd.f32 v61, v0;
	v54 =	vadd.f32 v1, v54;
	v1 =	vld [tilespmem:$0x1E780]  }
0x6d7: {  	v25 =	vld [tilespmem:$0x7140]  }
0x6d8: {  	v38 =	vadd.f32 v38, v39;
	v39 =	vld [tilespmem:$0x7150];
	v0 =	vadd.f32 v55, v0  }
0x6d9: {  	v58 =	vld [tilespmem:$0x5150]  }
0x6da: {  	v22 =	vld [tilespmem:$0x7040];
	v0 =	vadd.f32 v59, v0  }
0x6db: {  	v38 =	vadd.f32 v44, v38;
	v50 =	vadd.f32 v1, v50;
	v1 =	vld [tilespmem:$0x1E790]  }
0x6dc: {  	v44 =	vld [tilespmem:$0x71D0];
	v0 =	vadd.f32 v53, v0  }
0x6dd: {  	v23 =	vld [tilespmem:$0x70C0];
	v38 =	vadd.f32 v43, v38  }
0x6de: {  	v43 =	vld [tilespmem:$0x7250];
	v0 =	vadd.f32 v58, v0  }
0x6df: {  	v38 =	vadd.f32 v41, v38;
	v41 =	vld [tilespmem:$0x72D0]  }
0x6e0: {  	v54 =	vadd.f32 v1, v54;
	v1 =	vadd.f32 v48, v0;
	v0 =	vld [tilespmem:$0x1E7A0]  }
0x6e1: {  	v11 =	vld [tilespmem:$0x8980]  }
0x6e2: {  	v38 =	vadd.f32 v40, v38;
	v40 =	vld [tilespmem:$0x7350]  }
0x6e3: {  	v26 =	vld [tilespmem:$0x71C0]  }
0x6e4: {  	v2 =	vld [tilespmem:$0x1E7C0]  }
0x6e5: {  	v50 =	vadd.f32 v0, v50;
	v0 =	vld [tilespmem:$0x1E7B0]  }
0x6e6: {  	v27 =	vld [tilespmem:$0x7240]  }
0x6e7: {  	v13 =	vld [tilespmem:$0x8A80]  }
0x6e8: {  	v28 =	vld [tilespmem:$0x72C0]  }
0x6e9: {  	v29 =	vld [tilespmem:$0x7340]  }
0x6ea: {  	v0 =	vmul.f32 v2, v0;
	v2 =	vld [tilespmem:$0x1E7D0]  }
0x6eb: {  	v24 =	vadd.f32 v24, v38;
	v38 =	vld [tilespmem:$0x73D0]  }
0x6ec: {  	v14 =	vld [tilespmem:$0x8B00]  }
0x6ed: {  	v24 =	vadd.f32 v36, v24;
	v36 =	vld [tilespmem:$0x8050]  }
0x6ee: {  	v0 =	vadd.f32 v0, v50;
	v50 =	vld [tilespmem:$0x1E7F0]  }
0x6ef: {  	v54 =	vadd.f32 v2, v54;
	v2 =	vld [tilespmem:$0x1E7E0]  }
0x6f0: {  	v15 =	vld [tilespmem:$0x8B80];
	v24 =	vadd.f32 v37, v24  }
0x6f1: {  	[tilespmem:$0x1EB40] =	vst v30;
	v30 =	vld [tilespmem:$0x73C0]  }
0x6f2: {  	v37 =	vld [tilespmem:$0x80D0];
	v20 =	vadd.f32 v20, v24  }
0x6f3: {  	v24 =	vld [tilespmem:$0x8150]  }
0x6f4: {  	v7 =	vadd.f32 v7, v20;
	v50 =	vmul.f32 v50, v2;
	v2 =	vld [tilespmem:$0x1E800]  }
0x6f5: {  	v20 =	vld [tilespmem:$0x81D0]  }
0x6f6: {  	v7 =	vadd.f32 v21, v7;
	v21 =	vld [tilespmem:$0x8250]  }
0x6f7: {  	v31 =	vld [tilespmem:$0x8040]  }
0x6f8: {  	v0 =	vadd.f32 v50, v0;
	v50 =	vld [tilespmem:$0x1E820]  }
0x6f9: {  	v54 =	vadd.f32 v2, v54;
	v2 =	vld [tilespmem:$0x1E810]  }
0x6fa: {  	v6 =	vadd.f32 v6, v7;
	v7 =	vld [tilespmem:$0x3760]  }
0x6fb: {  	v17 =	vld [tilespmem:$0x8C80]  }
0x6fc: {  	v16 =	vld [tilespmem:$0x8C00]  }
0x6fd: {  	v5 =	vld [tilespmem:$0x8D80]  }
0x6fe: {  	v50 =	vmul.f32 v50, v2;
	v2 =	vld [tilespmem:$0x1E830]  }
0x6ff: {  	v19 =	vld [tilespmem:$0x81C0]  }
0x700: {  	v32 =	vld [tilespmem:$0x80C0]  }
0x701: {  	v18 =	vld [tilespmem:$0x8D00]  }
0x702: {  	v0 =	vadd.f32 v50, v0;
	v50 =	vld [tilespmem:$0x1E850]  }
0x703: {  	v54 =	vadd.f32 v2, v54;
	v2 =	vld [tilespmem:$0x1E840]  }
0x704: {  	v5 =	vmul.f32 v19, v5;
	v19 =	vld [tilespmem:$0x71E0]  }
0x705: {  	v33 =	vld [tilespmem:$0x8140]  }
0x706: {  	[tilespmem:$0x9110] =	vst v34;
	v34 =	vld [tilespmem:$0x8D80]  }
0x707: {  	v4 =	vld [tilespmem:$0x8240]  }
0x708: {  	v50 =	vmul.f32 v50, v2;
	v2 =	vld [tilespmem:$0x1E860]  }
0x709: {  	[tilespmem:$0x1EDD0] =	vst v19;
	v19 =	vld [tilespmem:$0x8E00]  }
0x70a: {  	[tilespmem:$0x9100] =	vst v35;
	v35 =	vld [tilespmem:$0x81E0]  }
0x70b: {  	[tilespmem:$0x1F020] =	vst v34;
	v34 =	vld [tilespmem:$0x5770]  }
0x70c: {  	v60 =	vld [tilespmem:$0x5550]  }
0x70d: {  	v54 =	vadd.f32 v2, v54;
	v2 =	vadd.f32 v50, v0;
	v0 =	vld [tilespmem:$0x1E870]  }
0x70e: {  	v50 =	vld [tilespmem:$0x1E880]  }
0x70f: {  	v63 =	vld [tilespmem:$0x5950]  }
0x710: {  	v57 =	vld [tilespmem:$0x5D50]  }
0x711: {  	v62 =	vld [tilespmem:$0x6150]  }
0x712: {  	v56 =	vld [tilespmem:$0x6550]  }
0x713: {  	v50 =	vmul.f32 v50, v0;
	v0 =	vld [tilespmem:$0x1E890]  }
0x714: {  	v55 =	vld [tilespmem:$0x8880]  }
0x715: {  	v59 =	vld [tilespmem:$0x8900]  }
0x716: {  	v61 =	vld [tilespmem:$0x8800]  }
0x717: {  	v53 =	vld [tilespmem:$0x8980]  }
0x718: {  	v54 =	vadd.f32 v0, v54;
	v0 =	vld [tilespmem:$0x1E8A0]  }
0x719: {  	v42 =	vmul.f32 v42, v55;
	v58 =	vld [tilespmem:$0x8A00]  }
0x71a: {  	v55 =	vmul.f32 v39, v59;
	v59 =	vmul.f32 v26, v11;
	v26 =	vld [tilespmem:$0x1EA40]  }
0x71b: {  	v39 =	vmul.f32 v27, v12;
	v27 =	vld [tilespmem:$0x1EAC0]  }
0x71c: {  	v2 =	vadd.f32 v50, v2;
	v50 =	vld [tilespmem:$0x1E8D0]  }
0x71d: {  	v0 =	vmul.f32 v3, v0;
	v3 =	vld [tilespmem:$0x1E8C0]  }
0x71e: {  	v48 =	vld [tilespmem:$0x8A80];
	v1 =	vadd.f32 v60, v1  }
0x71f: {  	v60 =	vld [tilespmem:$0x8B00]  }
0x720: {  	v1 =	vadd.f32 v47, v1;
	v47 =	vld [tilespmem:$0x8B80]  }
0x721: {  	v0 =	vadd.f32 v0, v54;
	v54 =	vld [tilespmem:$0x1E8F0]  }
0x722: {  	v50 =	vmul.f32 v50, v3;
	v3 =	vld [tilespmem:$0x1E8E0]  }
0x723: {  	v1 =	vadd.f32 v63, v1;
	v63 =	vld [tilespmem:$0x8C00]  }
0x724: {  	v12 =	vmul.f32 v40, v60;
	v60 =	vld [tilespmem:$0x1EB70]  }
0x725: {  	v1 =	vadd.f32 v46, v1;
	v46 =	vld [tilespmem:$0x8C80]  }
0x726: {  	v2 =	vadd.f32 v50, v2;
	v50 =	vld [tilespmem:$0x1E910]  }
0x727: {  	v54 =	vmul.f32 v54, v3;
	v3 =	vld [tilespmem:$0x1E900]  }
0x728: {  	v1 =	vadd.f32 v57, v1;
	v57 =	vld [tilespmem:$0x8D00]  }
0x729: {  	v40 =	vmul.f32 v36, v63;
	v63 =	vld [tilespmem:$0x8800]  }
0x72a: {  	v36 =	vld [tilespmem:$0x8E00]  }
0x72b: {  	v1 =	vadd.f32 v52, v1;
	v0 =	vadd.f32 v54, v0;
	v54 =	vld [tilespmem:$0x1E930]  }
0x72c: {  	v50 =	vmul.f32 v50, v3;
	v3 =	vld [tilespmem:$0x1E920]  }
0x72d: {  	v52 =	vld [tilespmem:$0x8D80];
	v1 =	vadd.f32 v62, v1  }
0x72e: {  	v62 =	vld [tilespmem:$0x8E00]  }
0x72f: {  	v1 =	vadd.f32 v51, v1;
	v51 =	vld [tilespmem:$0x3560]  }
0x730: {  	v2 =	vadd.f32 v50, v2;
	v50 =	vld [tilespmem:$0x1E940]  }
0x731: {  	v54 =	vmul.f32 v54, v3;
	v3 =	vld [tilespmem:$0x1E950]  }
0x732: {  	[tilespmem:$0x1F070] =	vst v36;
	v36 =	vld [tilespmem:$0x5970]  }
0x733: {  	[tilespmem:$0x1ED30] =	vst v63;
	v63 =	vld [tilespmem:$0x8C80]  }
0x734: {  	v1 =	vadd.f32 v56, v1;
	v56 =	vmul.f32 v22, v8;
	v22 =	vld [tilespmem:$0x3B60]  }
0x735: {  	v0 =	vadd.f32 v54, v0;
	v54 =	vld [tilespmem:$0x1E970]  }
0x736: {  	v50 =	vmul.f32 v3, v50;
	v3 =	vld [tilespmem:$0x1E960]  }
0x737: {  	v11 =	vmul.f32 v21, v62;
	v21 =	vld [tilespmem:$0x7260]  }
0x738: {  	v62 =	vld [tilespmem:$0x70F0]  }
0x739: {  	[tilespmem:$0x1EB90] =	vst v51;
	v51 =	vld [tilespmem:$0x1E9A0]  }
0x73a: {  	[tilespmem:$0x1EBC0] =	vst v22;
	v22 =	vmul.f32 v44, v53;
	v53 =	vld [tilespmem:$0x4F60]  }
0x73b: {  	v2 =	vadd.f32 v50, v2;
	v50 =	vld [tilespmem:$0x1E980];
	v54 =	vmul.f32 v54, v3  }
0x73c: {  	v3 =	vld [tilespmem:$0x1E990]  }
0x73d: {  	v0 =	vadd.f32 v54, v0;
	v54 =	vld [tilespmem:$0x1E9B0]  }
0x73e: {  	v1 =	vadd.f32 v49, v1;
	v49 =	vld [tilespmem:$0x1E9D0]  }
0x73f: {  	v44 =	vld [tilespmem:$0x1EA50]  }
0x740: {  	[tilespmem:$0x1EE10] =	vst v21;
	v21 =	vld [tilespmem:$0x4D70]  }
0x741: {  	[tilespmem:$0x1EC60] =	vst v53;
	v53 =	vld [tilespmem:$0x1EB30]  }
0x742: {  	[tilespmem:$0x1EBA0] =	vst v7;
	v50 =	vmul.f32 v3, v50;
	v7 =	vmul.f32 v54, v51;
	v51 =	vld [tilespmem:$0x3960]  }
0x743: {  	v54 =	vld [tilespmem:$0x1E9C0]  }
0x744: {  	v2 =	vadd.f32 v50, v2;
	v50 =	vld [tilespmem:$0x1E9E0]  }
0x745: {  	v0 =	vadd.f32 v7, v0;
	v7 =	vmul.f32 v45, v61;
	v45 =	vld [tilespmem:$0x3D60]  }
0x746: {  	v61 =	vld [tilespmem:$0x1EA00]  }
0x747: {  	v1 =	vadd.f32 v7, v1;
	v7 =	vld [tilespmem:$0x3B70]  }
0x748: {  	v3 =	vadd.f32 v54, v6;
	v54 =	vld [tilespmem:$0x3F60]  }
0x749: {  	v8 =	vmul.f32 v50, v49;
	v50 =	vld [tilespmem:$0x4360]  }
0x74a: {  	[tilespmem:$0x1EBB0] =	vst v51;
	v51 =	vmul.f32 v23, v9;
	v23 =	vld [tilespmem:$0x4960]  }
0x74b: {  	v49 =	vmul.f32 v25, v10;
	v25 =	vld [tilespmem:$0x1EA30]  }
0x74c: {  	v10 =	vld [tilespmem:$0x7060]  }
0x74d: {  	v1 =	vadd.f32 v42, v1;
	v42 =	vld [tilespmem:$0x4B60]  }
0x74e: {  	v3 =	vadd.f32 v56, v3;
	v56 =	vld [tilespmem:$0x1E9F0]  }
0x74f: {  	[tilespmem:$0x1EBD0] =	vst v45;
	v45 =	vld [tilespmem:$0x4160]  }
0x750: {  	v1 =	vadd.f32 v55, v1;
	v55 =	vld [tilespmem:$0x1EA80]  }
0x751: {  	v3 =	vadd.f32 v51, v3;
	v51 =	vld [tilespmem:$0x1EA10]  }
0x752: {  	[tilespmem:$0x1EBE0] =	vst v54;
	v54 =	vld [tilespmem:$0x1EA20]  }
0x753: {  	[tilespmem:$0x1EC00] =	vst v50;
	v50 =	vld [tilespmem:$0x4D60]  }
0x754: {  	v1 =	vadd.f32 v22, v1;
	v22 =	vld [tilespmem:$0x1EAA0]  }
0x755: {  	[tilespmem:$0x1EC30] =	vst v23;
	v23 =	vmul.f32 v30, v15;
	v30 =	vmul.f32 v31, v16;
	v31 =	vld [tilespmem:$0x5B60]  }
0x756: {  	v16 =	vld [tilespmem:$0x8900]  }
0x757: {  	[tilespmem:$0x1ED40] =	vst v10;
	v10 =	vld [tilespmem:$0x3F70]  }
0x758: {  	v3 =	vadd.f32 v49, v3;
	v49 =	vmul.f32 v43, v58;
	v58 =	vld [tilespmem:$0x5160]  }
0x759: {  	v43 =	vld [tilespmem:$0x5F60]  }
0x75a: {  	[tilespmem:$0x1EC40] =	vst v42;
	v42 =	vmul.f32 v32, v17;
	v17 =	vld [tilespmem:$0x7160]  }
0x75b: {  	v32 =	vld [tilespmem:$0x8D00]  }
0x75c: {  	v9 =	vmul.f32 v61, v56;
	v56 =	vld [tilespmem:$0x4560]  }
0x75d: {  	v61 =	vld [tilespmem:$0x4760]  }
0x75e: {  	[tilespmem:$0x1EBF0] =	vst v45;
	v45 =	vld [tilespmem:$0x1EA60]  }
0x75f: {  	v3 =	vadd.f32 v59, v3;
	v59 =	vmul.f32 v29, v14;
	v14 =	vld [tilespmem:$0x1EA90]  }
0x760: {  	v29 =	vld [tilespmem:$0x5960]  }
0x761: {  	v1 =	vadd.f32 v49, v1;
	v49 =	vld [tilespmem:$0x6360]  }
0x762: {  	v0 =	vadd.f32 v8, v0;
	v8 =	vmul.f32 v54, v51;
	v54 =	vld [tilespmem:$0x1EA70]  }
0x763: {  	v51 =	vmul.f32 v28, v13;
	v13 =	vld [tilespmem:$0x5560]  }
0x764: {  	v28 =	vmul.f32 v38, v47;
	v38 =	vld [tilespmem:$0x1EAD0]  }
0x765: {  	v3 =	vadd.f32 v39, v3;
	v39 =	vld [tilespmem:$0x1EAE0]  }
0x766: {  	v47 =	vld [tilespmem:$0x1EB00]  }
0x767: {  	[tilespmem:$0x1EC50] =	vst v50;
	v50 =	vld [tilespmem:$0x1EB10]  }
0x768: {  	[tilespmem:$0x1ECC0] =	vst v31;
	v31 =	vld [tilespmem:$0x80E0]  }
0x769: {  	[tilespmem:$0x1ED80] =	vst v16;
	v16 =	vld [tilespmem:$0x81F0]  }
0x76a: {  	[tilespmem:$0x1EC70] =	vst v58;
	v58 =	vld [tilespmem:$0x1EB50]  }
0x76b: {  	[tilespmem:$0x1ED90] =	vst v17;
	v17 =	vld [tilespmem:$0x4770]  }
0x76c: {  	[tilespmem:$0x1ECE0] =	vst v43;
	v43 =	vld [tilespmem:$0x8980]  }
0x76d: {  	[tilespmem:$0x1EC20] =	vst v61;
	v61 =	vld [tilespmem:$0x5360]  }
0x76e: {  	v0 =	vadd.f32 v8, v0;
	v8 =	vmul.f32 v26, v25;
	v25 =	vld [tilespmem:$0x5760]  }
0x76f: {  	v26 =	vld [tilespmem:$0x1EAB0]  }
0x770: {  	[tilespmem:$0x1EC10] =	vst v56;
	v56 =	vmul.f32 v41, v48;
	v41 =	vld [tilespmem:$0x5D60]  }
0x771: {  	v2 =	vadd.f32 v9, v2;
	v9 =	vmul.f32 v45, v44;
	v45 =	vld [tilespmem:$0x6160]  }
0x772: {  	v44 =	vmul.f32 v37, v46;
	v46 =	vld [tilespmem:$0x1EAF0]  }
0x773: {  	v3 =	vadd.f32 v51, v3;
	v51 =	vld [tilespmem:$0x1EB20]  }
0x774: {  	v48 =	vmul.f32 v33, v18;
	v18 =	vld [tilespmem:$0x8980]  }
0x775: {  	v33 =	vld [tilespmem:$0x8160]  }
0x776: {  	v37 =	vld [tilespmem:$0x8260]  }
0x777: {  	[tilespmem:$0x1ECB0] =	vst v29;
	v29 =	vld [tilespmem:$0x8060]  }
0x778: {  	[tilespmem:$0x1ED00] =	vst v49;
	v49 =	vld [tilespmem:$0x7270]  }
0x779: {  	v1 =	vadd.f32 v56, v1;
	v56 =	vld [tilespmem:$0x1EB40]  }
0x77a: {  	v3 =	vadd.f32 v59, v3;
	v59 =	vld [tilespmem:$0x1EB60]  }
0x77b: {  	v0 =	vadd.f32 v8, v0;
	v8 =	vmul.f32 v55, v54;
	v55 =	vld [tilespmem:$0x6560]  }
0x77c: {  	v54 =	vmul.f32 v24, v57;
	v57 =	vld [tilespmem:$0x6760]  }
0x77d: {  	[tilespmem:$0x1F090] =	vst v19;
	v24 =	vld [tilespmem:$0x8B00]  }
0x77e: {  	[tilespmem:$0x90D0] =	vst v50;
	v50 =	vld [tilespmem:$0x8A80]  }
0x77f: {  	[tilespmem:$0x1F030] =	vst v35;
	v1 =	vadd.f32 v12, v1;
	v12 =	vld [tilespmem:$0x8880]  }
0x780: {  	[tilespmem:$0x1EFA0] =	vst v63;
	v3 =	vadd.f32 v23, v3;
	v23 =	vld [tilespmem:$0x72E0]  }
0x781: {  	[tilespmem:$0x90F0] =	vst v58;
	v58 =	vld [tilespmem:$0x6770]  }
0x782: {  	[tilespmem:$0x1EFD0] =	vst v32;
	v0 =	vadd.f32 v8, v0;
	v8 =	vmul.f32 v22, v14;
	v14 =	vld [tilespmem:$0x70E0]  }
0x783: {  	[tilespmem:$0x1EC80] =	vst v61;
	v61 =	vmul.f32 v20, v52;
	v20 =	vld [tilespmem:$0x8A00]  }
0x784: {  	[tilespmem:$0x1EC90] =	vst v13;
	v22 =	vld [tilespmem:$0x8A80]  }
0x785: {  	[tilespmem:$0x1ECA0] =	vst v25;
	v25 =	vld [tilespmem:$0x7360]  }
0x786: {  	v2 =	vadd.f32 v9, v2;
	[tilespmem:$0x1EF90] =	vst v31;
	v9 =	vmul.f32 v27, v26;
	v26 =	vld [tilespmem:$0x8B80]  }
0x787: {  	[tilespmem:$0x1F050] =	vst v16;
	v27 =	vld [tilespmem:$0x73E0]  }
0x788: {  	[tilespmem:$0x1EDC0] =	vst v18;
	v18 =	vld [tilespmem:$0x4970]  }
0x789: {  	[tilespmem:$0x1ECD0] =	vst v41;
	v41 =	vld [tilespmem:$0x7170]  }
0x78a: {  	[tilespmem:$0x1ECF0] =	vst v45;
	v45 =	vld [tilespmem:$0x71F0]  }
0x78b: {  	[tilespmem:$0x1EDE0] =	vst v43;
	v52 =	vld [tilespmem:$0x8B00]  }
0x78c: {  	[tilespmem:$0x1EFE0] =	vst v33;
	v1 =	vadd.f32 v28, v1;
	v28 =	vld [tilespmem:$0x8C00]  }
0x78d: {  	[tilespmem:$0x1F080] =	vst v37;
	v3 =	vadd.f32 v30, v3;
	v30 =	vld [tilespmem:$0x8C80]  }
0x78e: {  	[tilespmem:$0x1EF40] =	vst v29;
	v29 =	vld [tilespmem:$0x5570]  }
0x78f: {  	[tilespmem:$0x1EE30] =	vst v49;
	v49 =	vld [tilespmem:$0x3780]  }
0x790: {  	[tilespmem:$0x90E0] =	vst v56;
	v6 =	vmul.f32 v60, v59;
	v59 =	vld [tilespmem:$0x8800]  }
0x791: {  	v56 =	vld [tilespmem:$0x7070];
	[tilespmem:$0x1ED10] =	vst v55  }
0x792: {  	v0 =	vadd.f32 v8, v0;
	v8 =	vmul.f32 v39, v38;
	v38 =	vld [tilespmem:$0x8880];
	[tilespmem:$0x1ED20] =	vst v57  }
0x793: {  	v39 =	vld [tilespmem:$0x8900];
	[tilespmem:$0x1EE90] =	vst v24  }
0x794: {  	v2 =	vadd.f32 v9, v2;
	v9 =	vmul.f32 v53, v51;
	v51 =	vld [tilespmem:$0x72F0];
	[tilespmem:$0x1EE60] =	vst v50  }
0x795: {  	v53 =	vld [tilespmem:$0x7370];
	[tilespmem:$0x1ED50] =	vst v12  }
0x796: {  	v60 =	vld [tilespmem:$0x8C00];
	[tilespmem:$0x1EE50] =	vst v23  }
0x797: {  	v24 =	vld [tilespmem:$0x4F70];
	[tilespmem:$0x1ED60] =	vst v14  }
0x798: {  	v1 =	vadd.f32 v40, v1;
	v40 =	vld [tilespmem:$0x5B70];
	[tilespmem:$0x1EE00] =	vst v20  }
0x799: {  	v3 =	vadd.f32 v42, v3;
	v42 =	vld [tilespmem:$0x5D70];
	[tilespmem:$0x1EE40] =	vst v22  }
0x79a: {  	v55 =	vld [tilespmem:$0x8B80];
	[tilespmem:$0x1EEA0] =	vst v25  }
0x79b: {  	v57 =	vld [tilespmem:$0x73F0];
	[tilespmem:$0x1EEE0] =	vst v26  }
0x79c: {  	v2 =	vadd.f32 v9, v2;
	v9 =	vld [tilespmem:$0x1EB80];
	[tilespmem:$0x1EEF0] =	vst v27  }
0x79d: {  	v12 =	vld [tilespmem:$0x4170];
	[tilespmem:$0x1EDB0] =	vst v41  }
0x79e: {  	v0 =	vadd.f32 v8, v0;
	v8 =	vmul.f32 v47, v46;
	v47 =	vld [tilespmem:$0x6170];
	[tilespmem:$0x1EDF0] =	vst v45  }
0x79f: {  	v46 =	vld [tilespmem:$0x8A00];
	[tilespmem:$0x1EEB0] =	vst v52  }
0x7a0: {  	v23 =	vld [tilespmem:$0x3B80];
	[tilespmem:$0x9120] =	vst v2  }
0x7a1: {  	v14 =	vld [tilespmem:$0x4370];
	[tilespmem:$0x1EF30] =	vst v28  }
0x7a2: {  	v20 =	vld [tilespmem:$0x4B70];
	[tilespmem:$0x1EF80] =	vst v30  }
0x7a3: {  	v26 =	vld [tilespmem:$0x5170];
	[tilespmem:$0x1ED70] =	vst v38  }
0x7a4: {  	v1 =	vadd.f32 v44, v1;
	v44 =	vld [tilespmem:$0x5F70];
	[tilespmem:$0x1EDA0] =	vst v39  }
0x7a5: {  	v3 =	vadd.f32 v48, v3;
	v48 =	vld [tilespmem:$0x6370];
	[tilespmem:$0x1EE70] =	vst v51  }
0x7a6: {  	v22 =	vld [tilespmem:$0x8270];
	[tilespmem:$0x1EEC0] =	vst v53  }
0x7a7: {  	v45 =	vld [tilespmem:$0x3580];
	[tilespmem:$0x1EF50] =	vst v60  }
0x7a8: {  	v25 =	vld [tilespmem:$0x3D80];
	v0 =	vadd.f32 v8, v0;
	[tilespmem:$0x1EF00] =	vst v55  }
0x7a9: {  	v27 =	vld [tilespmem:$0x3F80];
	[tilespmem:$0x1EF10] =	vst v57  }
0x7aa: {  	v8 =	vld [tilespmem:$0x8D00];
	v0 =	vadd.f32 v6, v0;
	[tilespmem:$0x1EE20] =	vst v46  }
0x7ab: {  	v2 =	vld [tilespmem:$0x3570];
	v1 =	vadd.f32 v54, v1;
	[tilespmem:$0x1EE80] =	vst v23  }
0x7ac: {  	v3 =	vadd.f32 v5, v3;
	v5 =	vld [tilespmem:$0x80F0];
	v4 =	vmul.f32 v4, v9;
	[tilespmem:$0x9130] =	vst v0  }
0x7ad: {  	v28 =	vld [tilespmem:$0x5370];
	v1 =	vadd.f32 v61, v1;
	[tilespmem:$0x1F0A0] =	vst v22  }
0x7ae: {  	v61 =	vld [tilespmem:$0x8070];
	[tilespmem:$0x1EED0] =	vst v25;
	v13 =	vadd.f32 v4, v3  }
0x7af: {  	v15 =	vadd.f32 v11, v1;
	[tilespmem:$0x1EFF0] =	vst v8;
	v11 =	vld [tilespmem:$0x8170]  }
0x7b0: {  	[tilespmem:$0x9140] =	vst v13;
	v13 =	vld [tilespmem:$0x8D80]  }
0x7b1: {  	v54 =	vld [tilespmem:$0x6570];
	[tilespmem:$0x1EFB0] =	vst v5  }
0x7b2: {  	v6 =	vld [tilespmem:$0x3970];
	[tilespmem:$0x9150] =	vst v15  }
0x7b3: {  	v57 =	vld [tilespmem:$0x3980];
	[tilespmem:$0x1EF60] =	vst v61  }
0x7b4: {  	v9 =	vld [tilespmem:$0x3D70];
	[tilespmem:$0x1F000] =	vst v11  }
0x7b5: {  	v4 =	vld [tilespmem:$0x3770];
	[tilespmem:$0x1F040] =	vst v13  }
0x7b6: {  	v15 =	vld [tilespmem:$0x4570];
	[tilespmem:$0x1EF20] =	vst v27  }
0x7b7: {  	v0 =	vld [tilespmem:$0x4180]  }
0x7b8: {  	v30 =	vld [tilespmem:$0x4380]  }
0x7b9: {  	v31 =	vld [tilespmem:$0x4580]  }
0x7ba: {  	v32 =	vld [tilespmem:$0x4780]  }
0x7bb: {  	v33 =	vld [tilespmem:$0x4980]  }
0x7bc: {  	v35 =	vld [tilespmem:$0x4B80]  }
0x7bd: {  	v37 =	vld [tilespmem:$0x4D80]  }
0x7be: {  	v38 =	vld [tilespmem:$0x4F80]  }
0x7bf: {  	v39 =	vld [tilespmem:$0x5180]  }
0x7c0: {  	v41 =	vld [tilespmem:$0x5380]  }
0x7c1: {  	v43 =	vld [tilespmem:$0x5580]  }
0x7c2: {  	v46 =	vld [tilespmem:$0x5780]  }
0x7c3: {  	v50 =	vld [tilespmem:$0x5980]  }
0x7c4: {  	v51 =	vld [tilespmem:$0x5B80]  }
0x7c5: {  	v52 =	vld [tilespmem:$0x5D80]  }
0x7c6: {  	v53 =	vld [tilespmem:$0x5F80]  }
0x7c7: {  	v55 =	vld [tilespmem:$0x6180]  }
0x7c8: {  	v60 =	vld [tilespmem:$0x6380]  }
0x7c9: {  	v61 =	vld [tilespmem:$0x6580]  }
0x7ca: {  	v63 =	vld [tilespmem:$0x6780]  }
0x7cb: {  	v5 =	vld [tilespmem:$0x8800]  }
0x7cc: {  	v8 =	vld [tilespmem:$0x7400]  }
0x7cd: {  	v11 =	vld [tilespmem:$0x8880]  }
0x7ce: {  	v13 =	vld [tilespmem:$0x7480]  }
0x7cf: {  	v16 =	vld [tilespmem:$0x8900]  }
0x7d0: {  	v2 =	vadd.f32 $0.0e+00, v2;
	v19 =	vld [tilespmem:$0x7500]  }
0x7d1: {  	v22 =	vld [tilespmem:$0x8980]  }
0x7d2: {  	v2 =	vadd.f32 v4, v2;
	v23 =	vld [tilespmem:$0x7580]  }
0x7d3: {  	v25 =	vld [tilespmem:$0x8A00]  }
0x7d4: {  	v2 =	vadd.f32 v6, v2;
	v27 =	vld [tilespmem:$0x7600]  }
0x7d5: {  	v1 =	vld [tilespmem:$0x35B0]  }
0x7d6: {  	v3 =	vld [tilespmem:$0x37B0];
	v2 =	vadd.f32 v7, v2  }
0x7d7: {  	v4 =	vld [tilespmem:$0x8A80]  }
0x7d8: {  	v2 =	vadd.f32 v9, v2;
	v9 =	vld [tilespmem:$0x8C00]  }
0x7d9: {  	[tilespmem:$0x1EFC0] =	vst v30;
	v30 =	vld [tilespmem:$0x8A80]  }
0x7da: {  	[tilespmem:$0x1F010] =	vst v31;
	v31 =	vld [tilespmem:$0x7680]  }
0x7db: {  	[tilespmem:$0x1F060] =	vst v32;
	v32 =	vld [tilespmem:$0x8B00]  }
0x7dc: {  	[tilespmem:$0x1F0B0] =	vst v33;
	v33 =	vld [tilespmem:$0x7700]  }
0x7dd: {  	[tilespmem:$0x1F0D0] =	vst v35;
	v35 =	vld [tilespmem:$0x8B80]  }
0x7de: {  	[tilespmem:$0x1F0F0] =	vst v37;
	v37 =	vld [tilespmem:$0x7780]  }
0x7df: {  	[tilespmem:$0x1F110] =	vst v38;
	v38 =	vld [tilespmem:$0x8C00]  }
0x7e0: {  	[tilespmem:$0x1F130] =	vst v39;
	v39 =	vld [tilespmem:$0x8400]  }
0x7e1: {  	[tilespmem:$0x1F150] =	vst v41;
	v41 =	vld [tilespmem:$0x8C80]  }
0x7e2: {  	[tilespmem:$0x1F170] =	vst v43;
	v43 =	vld [tilespmem:$0x8480]  }
0x7e3: {  	[tilespmem:$0x1F190] =	vst v46;
	v46 =	vld [tilespmem:$0x8D00]  }
0x7e4: {  	[tilespmem:$0x1F1B0] =	vst v50;
	v50 =	vld [tilespmem:$0x8500]  }
0x7e5: {  	[tilespmem:$0x1F1E0] =	vst v51;
	v51 =	vld [tilespmem:$0x8D80]  }
0x7e6: {  	[tilespmem:$0x1F210] =	vst v52;
	v52 =	vld [tilespmem:$0x8580]  }
0x7e7: {  	[tilespmem:$0x1F240] =	vst v53;
	v53 =	vld [tilespmem:$0x8E00]  }
0x7e8: {  	[tilespmem:$0x1F270] =	vst v55;
	v55 =	vld [tilespmem:$0x8600]  }
0x7e9: {  	[tilespmem:$0x1F3D0] =	vst v22;
	v22 =	vld [tilespmem:$0x3590]  }
0x7ea: {  	[tilespmem:$0x1F450] =	vst v27;
	v27 =	vld [tilespmem:$0x3790]  }
0x7eb: {  	[tilespmem:$0x1F2D0] =	vst v61;
	v61 =	vld [tilespmem:$0x4190]  }
0x7ec: {  	[tilespmem:$0x1F2A0] =	vst v60;
	v60 =	vld [tilespmem:$0x4390]  }
0x7ed: {  	[tilespmem:$0x1F300] =	vst v63;
	v63 =	vld [tilespmem:$0x4590]  }
0x7ee: {  	[tilespmem:$0x1F310] =	vst v5;
	v5 =	vld [tilespmem:$0x4790]  }
0x7ef: {  	[tilespmem:$0x1F320] =	vst v8;
	v8 =	vld [tilespmem:$0x4990]  }
0x7f0: {  	[tilespmem:$0x1F350] =	vst v11;
	v11 =	vld [tilespmem:$0x4B90]  }
0x7f1: {  	[tilespmem:$0x1F360] =	vst v13;
	v13 =	vld [tilespmem:$0x4D90]  }
0x7f2: {  	[tilespmem:$0x1F390] =	vst v16;
	v16 =	vld [tilespmem:$0x4F90]  }
0x7f3: {  	[tilespmem:$0x1F3A0] =	vst v19;
	v19 =	vld [tilespmem:$0x5190]  }
0x7f4: {  	[tilespmem:$0x1F3E0] =	vst v23;
	v23 =	vld [tilespmem:$0x5390]  }
0x7f5: {  	[tilespmem:$0x1F440] =	vst v25;
	v25 =	vld [tilespmem:$0x5590]  }
0x7f6: {  	[tilespmem:$0x1F930] =	vst v4;
	v4 =	vld [tilespmem:$0x1EBB0];
	v2 =	vadd.f32 v10, v2  }
0x7f7: {  	v10 =	vld [tilespmem:$0x8C80]  }
0x7f8: {  	v2 =	vadd.f32 v12, v2;
	v12 =	vld [tilespmem:$0x74C0]  }
0x7f9: {  	[tilespmem:$0x1FA40] =	vst v9;
	v9 =	vld [tilespmem:$0x1EBE0]  }
0x7fa: {  	v2 =	vadd.f32 v14, v2;
	v14 =	vld [tilespmem:$0x8D80]  }
0x7fb: {  	[tilespmem:$0x1F500] =	vst v32;
	v32 =	vld [tilespmem:$0x3990]  }
0x7fc: {  	[tilespmem:$0x1F5C0] =	vst v38;
	v38 =	vld [tilespmem:$0x3B90]  }
0x7fd: {  	[tilespmem:$0x1F680] =	vst v46;
	v46 =	vld [tilespmem:$0x3D90]  }
0x7fe: {  	[tilespmem:$0x1F0E0] =	vst v63;
	v63 =	vld [tilespmem:$0x8900]  }
0x7ff: {  	[tilespmem:$0x1F6F0] =	vst v52;
	v52 =	vld [tilespmem:$0x3F90]  }
0x800: {  	[tilespmem:$0x1F4A0] =	vst v30;
	v30 =	vld [tilespmem:$0x5790]  }
0x801: {  	[tilespmem:$0x1F4B0] =	vst v31;
	v31 =	vld [tilespmem:$0x5990]  }
0x802: {  	[tilespmem:$0x1F510] =	vst v33;
	v33 =	vld [tilespmem:$0x5B90]  }
0x803: {  	[tilespmem:$0x1F4D0] =	vst v63;
	v63 =	vld [tilespmem:$0x43A0]  }
0x804: {  	[tilespmem:$0x1F560] =	vst v35;
	v35 =	vld [tilespmem:$0x5D90]  }
0x805: {  	[tilespmem:$0x1F570] =	vst v37;
	v37 =	vld [tilespmem:$0x5F90]  }
0x806: {  	[tilespmem:$0x1F5D0] =	vst v39;
	v39 =	vld [tilespmem:$0x6190]  }
0x807: {  	[tilespmem:$0x1F620] =	vst v41;
	v41 =	vld [tilespmem:$0x6390]  }
0x808: {  	[tilespmem:$0x1F1D0] =	vst v63;
	v63 =	vld [tilespmem:$0x61A0]  }
0x809: {  	[tilespmem:$0x1F630] =	vst v43;
	v43 =	vld [tilespmem:$0x6590]  }
0x80a: {  	[tilespmem:$0x1F690] =	vst v50;
	v50 =	vld [tilespmem:$0x6790]  }
0x80b: {  	[tilespmem:$0x1F6E0] =	vst v51;
	v51 =	vld [tilespmem:$0x8800]  }
0x80c: {  	[tilespmem:$0x1F810] =	vst v53;
	v53 =	vld [tilespmem:$0x7410]  }
0x80d: {  	[tilespmem:$0x1F610] =	vst v63;
	v63 =	vld [tilespmem:$0x76A0]  }
0x80e: {  	[tilespmem:$0x1F820] =	vst v55;
	v55 =	vld [tilespmem:$0x8880]  }
0x80f: {  	[tilespmem:$0x1F0C0] =	vst v60;
	v60 =	vld [tilespmem:$0x7490]  }
0x810: {  	[tilespmem:$0x1F100] =	vst v5;
	v5 =	vld [tilespmem:$0x7510]  }
0x811: {  	[tilespmem:$0x1F120] =	vst v8;
	v8 =	vld [tilespmem:$0x8980]  }
0x812: {  	[tilespmem:$0x1F8F0] =	vst v63;
	v63 =	vld [tilespmem:$0x55B0]  }
0x813: {  	[tilespmem:$0x1F140] =	vst v11;
	v11 =	vld [tilespmem:$0x7590]  }
0x814: {  	[tilespmem:$0x1F160] =	vst v13;
	v13 =	vld [tilespmem:$0x8A00]  }
0x815: {  	[tilespmem:$0x1F180] =	vst v16;
	v16 =	vld [tilespmem:$0x7610]  }
0x816: {  	[tilespmem:$0x1F1A0] =	vst v19;
	v19 =	vld [tilespmem:$0x8A80]  }
0x817: {  	[tilespmem:$0x1F3F0] =	vst v63;
	v63 =	vld [tilespmem:$0x57B0]  }
0x818: {  	[tilespmem:$0x1F1C0] =	vst v23;
	v23 =	vld [tilespmem:$0x7690]  }
0x819: {  	[tilespmem:$0x1F1F0] =	vst v25;
	v25 =	vld [tilespmem:$0x8B00]  }
0x81a: {  	[tilespmem:$0x1FA90] =	vst v10;
	v10 =	vld [tilespmem:$0x84B0]  }
0x81b: {  	v2 =	vadd.f32 v15, v2;
	v15 =	vld [tilespmem:$0x1EC20]  }
0x81c: {  	[tilespmem:$0x1F460] =	vst v63;
	v63 =	vld [tilespmem:$0x59B0]  }
0x81d: {  	[tilespmem:$0x1FCE0] =	vst v12;
	v12 =	vld [tilespmem:$0x65C0]  }
0x81e: {  	v2 =	vadd.f32 v17, v2;
	v17 =	vld [tilespmem:$0x1EC40]  }
0x81f: {  	[tilespmem:$0x1FB30] =	vst v14;
	v14 =	vld [tilespmem:$0x8E00]  }
0x820: {  	[tilespmem:$0x1F220] =	vst v30;
	v30 =	vld [tilespmem:$0x7710]  }
0x821: {  	[tilespmem:$0x1F4C0] =	vst v63;
	v63 =	vld [tilespmem:$0x5BB0]  }
0x822: {  	[tilespmem:$0x1F250] =	vst v31;
	v31 =	vld [tilespmem:$0x8B80]  }
0x823: {  	[tilespmem:$0x1F280] =	vst v33;
	v33 =	vld [tilespmem:$0x7790]  }
0x824: {  	[tilespmem:$0x1F2B0] =	vst v35;
	v35 =	vld [tilespmem:$0x8C00]  }
0x825: {  	[tilespmem:$0x1F2E0] =	vst v37;
	v37 =	vld [tilespmem:$0x8410]  }
0x826: {  	[tilespmem:$0x1F520] =	vst v63;
	v63 =	vld [tilespmem:$0x5DB0]  }
0x827: {  	[tilespmem:$0x1F330] =	vst v39;
	v39 =	vld [tilespmem:$0x8C80]  }
0x828: {  	[tilespmem:$0x1F370] =	vst v41;
	v41 =	vld [tilespmem:$0x8490]  }
0x829: {  	[tilespmem:$0x1F3B0] =	vst v43;
	v43 =	vld [tilespmem:$0x8D00]  }
0x82a: {  	[tilespmem:$0x1F400] =	vst v50;
	v50 =	vld [tilespmem:$0x8510]  }
0x82b: {  	[tilespmem:$0x1F580] =	vst v63;
	v63 =	vld [tilespmem:$0x5FB0]  }
0x82c: {  	[tilespmem:$0x1F410] =	vst v51;
	v51 =	vld [tilespmem:$0x8D80]  }
0x82d: {  	[tilespmem:$0x1F420] =	vst v53;
	v53 =	vld [tilespmem:$0x8590]  }
0x82e: {  	[tilespmem:$0x1F470] =	vst v55;
	v55 =	vld [tilespmem:$0x8E00]  }
0x82f: {  	[tilespmem:$0x1F480] =	vst v60;
	v60 =	vld [tilespmem:$0x8610]  }
0x830: {  	[tilespmem:$0x1F5E0] =	vst v63;
	v63 =	vld [tilespmem:$0x61B0]  }
0x831: {  	[tilespmem:$0x1F4E0] =	vst v5;
	v5 =	vld [tilespmem:$0x45A0]  }
0x832: {  	[tilespmem:$0x1F530] =	vst v8;
	v8 =	vld [tilespmem:$0x47A0]  }
0x833: {  	[tilespmem:$0x1F540] =	vst v11;
	v11 =	vld [tilespmem:$0x49A0]  }
0x834: {  	[tilespmem:$0x1F590] =	vst v13;
	v13 =	vld [tilespmem:$0x4BA0]  }
0x835: {  	[tilespmem:$0x1F640] =	vst v63;
	v63 =	vld [tilespmem:$0x63B0]  }
0x836: {  	[tilespmem:$0x1F5A0] =	vst v16;
	v16 =	vld [tilespmem:$0x4DA0]  }
0x837: {  	[tilespmem:$0x1F5F0] =	vst v19;
	v19 =	vld [tilespmem:$0x4FA0]  }
0x838: {  	[tilespmem:$0x1F600] =	vst v23;
	v23 =	vld [tilespmem:$0x51A0]  }
0x839: {  	[tilespmem:$0x1F650] =	vst v25;
	v25 =	vld [tilespmem:$0x53A0]  }
0x83a: {  	[tilespmem:$0x1F6A0] =	vst v63;
	v63 =	vld [tilespmem:$0x65B0]  }
0x83b: {  	[tilespmem:$0x1FAA0] =	vst v10;
	v10 =	vld [tilespmem:$0x1EC00]  }
0x83c: {  	v2 =	vadd.f32 v18, v2;
	v18 =	vld [tilespmem:$0x35C0]  }
0x83d: {  	[tilespmem:$0x1FCA0] =	vst v12;
	v12 =	vld [tilespmem:$0x1EC30]  }
0x83e: {  	v2 =	vadd.f32 v20, v2;
	v20 =	vld [tilespmem:$0x1EC70]  }
0x83f: {  	[tilespmem:$0x1F700] =	vst v63;
	v63 =	vld [tilespmem:$0x67B0]  }
0x840: {  	[tilespmem:$0x1FB80] =	vst v14;
	v14 =	vld [tilespmem:$0x39C0]  }
0x841: {  	v2 =	vadd.f32 v21, v2;
	v21 =	vld [tilespmem:$0x3FC0]  }
0x842: {  	[tilespmem:$0x1F660] =	vst v30;
	v30 =	vld [tilespmem:$0x35A0]  }
0x843: {  	[tilespmem:$0x1F6C0] =	vst v33;
	v33 =	vld [tilespmem:$0x37A0]  }
0x844: {  	[tilespmem:$0x1F760] =	vst v63;
	v63 =	vld [tilespmem:$0x8800]  }
0x845: {  	[tilespmem:$0x1F750] =	vst v37;
	v37 =	vld [tilespmem:$0x39A0]  }
0x846: {  	[tilespmem:$0x1F7E0] =	vst v41;
	v41 =	vld [tilespmem:$0x3BA0]  }
0x847: {  	[tilespmem:$0x1F880] =	vst v50;
	v50 =	vld [tilespmem:$0x3DA0]  }
0x848: {  	[tilespmem:$0x1F920] =	vst v53;
	v53 =	vld [tilespmem:$0x3FA0]  }
0x849: {  	[tilespmem:$0x1F770] =	vst v63;
	v63 =	vld [tilespmem:$0x7430]  }
0x84a: {  	[tilespmem:$0x1F9E0] =	vst v60;
	v60 =	vld [tilespmem:$0x41A0]  }
0x84b: {  	[tilespmem:$0x1F6B0] =	vst v31;
	v31 =	vld [tilespmem:$0x55A0]  }
0x84c: {  	[tilespmem:$0x1F740] =	vst v35;
	v35 =	vld [tilespmem:$0x57A0]  }
0x84d: {  	[tilespmem:$0x1F7D0] =	vst v39;
	v39 =	vld [tilespmem:$0x59A0]  }
0x84e: {  	[tilespmem:$0x1F780] =	vst v63;
	v63 =	vld [tilespmem:$0x8880]  }
0x84f: {  	[tilespmem:$0x1F870] =	vst v43;
	v43 =	vld [tilespmem:$0x5BA0]  }
0x850: {  	[tilespmem:$0x1F910] =	vst v51;
	v51 =	vld [tilespmem:$0x5DA0]  }
0x851: {  	[tilespmem:$0x1F9D0] =	vst v55;
	v55 =	vld [tilespmem:$0x5FA0]  }
0x852: {  	[tilespmem:$0x1F200] =	vst v5;
	v5 =	vld [tilespmem:$0x63A0]  }
0x853: {  	[tilespmem:$0x1F7B0] =	vst v63;
	v63 =	vld [tilespmem:$0x74B0]  }
0x854: {  	[tilespmem:$0x1F230] =	vst v8;
	v8 =	vld [tilespmem:$0x65A0]  }
0x855: {  	[tilespmem:$0x1F260] =	vst v11;
	v11 =	vld [tilespmem:$0x67A0]  }
0x856: {  	[tilespmem:$0x1F290] =	vst v13;
	v13 =	vld [tilespmem:$0x8800]  }
0x857: {  	[tilespmem:$0x1F2C0] =	vst v16;
	v16 =	vld [tilespmem:$0x7420]  }
0x858: {  	[tilespmem:$0x1F7C0] =	vst v63;
	v63 =	vld [tilespmem:$0x8900]  }
0x859: {  	[tilespmem:$0x1F2F0] =	vst v19;
	v19 =	vld [tilespmem:$0x8880]  }
0x85a: {  	[tilespmem:$0x1F340] =	vst v23;
	v23 =	vld [tilespmem:$0x74A0]  }
0x85b: {  	[tilespmem:$0x1F380] =	vst v25;
	v25 =	vld [tilespmem:$0x8900]  }
0x85c: {  	[tilespmem:$0x1F900] =	vst v18;
	v18 =	vld [tilespmem:$0x3DC0]  }
0x85d: {  	v2 =	vadd.f32 v24, v2;
	[tilespmem:$0x1F830] =	vst v63;
	v63 =	vld [tilespmem:$0x7530]  }
0x85e: {  	v24 =	vld [tilespmem:$0x41C0]  }
0x85f: {  	v2 =	vadd.f32 v26, v2;
	v26 =	vld [tilespmem:$0x1EC80]  }
0x860: {  	[tilespmem:$0x1F9C0] =	vst v14;
	v14 =	vld [tilespmem:$0x55C0]  }
0x861: {  	[tilespmem:$0x1FAD0] =	vst v21;
	v21 =	vld [tilespmem:$0x1ECB0]  }
0x862: {  	[tilespmem:$0x1F840] =	vst v63;
	v63 =	vld [tilespmem:$0x8980]  }
0x863: {  	[tilespmem:$0x1F3C0] =	vst v31;
	v31 =	vld [tilespmem:$0x7520]  }
0x864: {  	[tilespmem:$0x1F430] =	vst v35;
	v35 =	vld [tilespmem:$0x8980]  }
0x865: {  	[tilespmem:$0x1F490] =	vst v39;
	v39 =	vld [tilespmem:$0x75A0]  }
0x866: {  	[tilespmem:$0x1F4F0] =	vst v43;
	v43 =	vld [tilespmem:$0x8A00]  }
0x867: {  	[tilespmem:$0x1F890] =	vst v63;
	v63 =	vld [tilespmem:$0x1EB90]  }
0x868: {  	[tilespmem:$0x1F550] =	vst v51;
	v51 =	vld [tilespmem:$0x7620]  }
0x869: {  	[tilespmem:$0x1F5B0] =	vst v55;
	v55 =	vld [tilespmem:$0x8A80]  }
0x86a: {  	[tilespmem:$0x1F670] =	vst v5;
	v5 =	vld [tilespmem:$0x8B00]  }
0x86b: {  	[tilespmem:$0x1F6D0] =	vst v8;
	v8 =	vld [tilespmem:$0x7720]  }
0x86c: {  	[tilespmem:$0x1EF70] =	vst v0;
	v0 =	vadd.f32 $0.0e+00, v63;
	v63 =	vld [tilespmem:$0x75B0]  }
0x86d: {  	[tilespmem:$0x1F710] =	vst v11;
	v11 =	vld [tilespmem:$0x8B80]  }
0x86e: {  	[tilespmem:$0x1F720] =	vst v13;
	v13 =	vld [tilespmem:$0x77A0]  }
0x86f: {  	[tilespmem:$0x1F730] =	vst v16;
	v16 =	vld [tilespmem:$0x8C00]  }
0x870: {  	[tilespmem:$0x1F790] =	vst v19;
	v19 =	vld [tilespmem:$0x8420]  }
0x871: {  	[tilespmem:$0x1F8A0] =	vst v63;
	v63 =	vld [tilespmem:$0x8A00]  }
0x872: {  	[tilespmem:$0x1F7A0] =	vst v23;
	v23 =	vld [tilespmem:$0x8C80]  }
0x873: {  	[tilespmem:$0x1F7F0] =	vst v25;
	v25 =	vld [tilespmem:$0x84A0]  }
0x874: {  	[tilespmem:$0x1FA80] =	vst v18;
	v18 =	vld [tilespmem:$0x49C0]  }
0x875: {  	v2 =	vadd.f32 v28, v2;
	v28 =	vld [tilespmem:$0x1ECC0]  }
0x876: {  	[tilespmem:$0x1F8D0] =	vst v63;
	v63 =	vld [tilespmem:$0x1EBA0]  }
0x877: {  	[tilespmem:$0x1FB20] =	vst v24;
	v24 =	vld [tilespmem:$0x4FC0];
	v2 =	vadd.f32 v29, v2  }
0x878: {  	v29 =	vld [tilespmem:$0x7440]  }
0x879: {  	v2 =	vadd.f32 v34, v2;
	v34 =	vld [tilespmem:$0x57C0]  }
0x87a: {  	[tilespmem:$0x1FC20] =	vst v14;
	v14 =	vld [tilespmem:$0x5FC0]  }
0x87b: {  	[tilespmem:$0x1F800] =	vst v31;
	v31 =	vld [tilespmem:$0x8D00];
	v0 =	vadd.f32 v63, v0  }
0x87c: {  	[tilespmem:$0x1F850] =	vst v35;
	v35 =	vld [tilespmem:$0x8520]  }
0x87d: {  	v0 =	vadd.f32 v4, v0;
	v4 =	vld [tilespmem:$0x76B0]  }
0x87e: {  	[tilespmem:$0x1F860] =	vst v39;
	v39 =	vld [tilespmem:$0x8D80]  }
0x87f: {  	[tilespmem:$0x1F8B0] =	vst v43;
	v43 =	vld [tilespmem:$0x85A0]  }
0x880: {  	[tilespmem:$0x1F8C0] =	vst v51;
	v51 =	vld [tilespmem:$0x8E00]  }
0x881: {  	[tilespmem:$0x1F8E0] =	vst v55;
	v55 =	vld [tilespmem:$0x8620]  }
0x882: {  	[tilespmem:$0x1F940] =	vst v4;
	v4 =	vld [tilespmem:$0x8B00]  }
0x883: {  	[tilespmem:$0x1F950] =	vst v5;
	v5 =	vld [tilespmem:$0x39B0]  }
0x884: {  	[tilespmem:$0x1F960] =	vst v8;
	v8 =	vld [tilespmem:$0x3BB0]  }
0x885: {  	[tilespmem:$0x1F9A0] =	vst v11;
	v11 =	vld [tilespmem:$0x3DB0]  }
0x886: {  	[tilespmem:$0x1F9B0] =	vst v13;
	v13 =	vld [tilespmem:$0x3FB0]  }
0x887: {  	[tilespmem:$0x1F980] =	vst v4;
	v4 =	vld [tilespmem:$0x1EBC0]  }
0x888: {  	[tilespmem:$0x1FA10] =	vst v16;
	v16 =	vld [tilespmem:$0x41B0]  }
0x889: {  	[tilespmem:$0x1FA20] =	vst v19;
	v19 =	vld [tilespmem:$0x43B0]  }
0x88a: {  	[tilespmem:$0x1FA60] =	vst v23;
	v23 =	vld [tilespmem:$0x45B0]  }
0x88b: {  	[tilespmem:$0x1FA70] =	vst v25;
	v25 =	vld [tilespmem:$0x47B0]  }
0x88c: {  	v0 =	vadd.f32 v4, v0;
	v4 =	vld [tilespmem:$0x7730]  }
0x88d: {  	[tilespmem:$0x1FBC0] =	vst v18;
	v18 =	vld [tilespmem:$0x63C0]  }
0x88e: {  	v2 =	vadd.f32 v36, v2;
	v36 =	vld [tilespmem:$0x1ECD0]  }
0x88f: {  	[tilespmem:$0x1FBF0] =	vst v24;
	v24 =	vld [tilespmem:$0x8800]  }
0x890: {  	[tilespmem:$0x1FCC0] =	vst v29;
	v29 =	vld [tilespmem:$0x8900]  }
0x891: {  	[tilespmem:$0x1F990] =	vst v4;
	v4 =	vld [tilespmem:$0x8B80]  }
0x892: {  	v2 =	vadd.f32 v40, v2;
	v40 =	vld [tilespmem:$0x59C0]  }
0x893: {  	[tilespmem:$0x1FC30] =	vst v34;
	v34 =	vld [tilespmem:$0x1ED20]  }
0x894: {  	[tilespmem:$0x1FC70] =	vst v14;
	v14 =	vld [tilespmem:$0x1EDB0]  }
0x895: {  	[tilespmem:$0x1FAB0] =	vst v31;
	v31 =	vld [tilespmem:$0x49B0]  }
0x896: {  	[tilespmem:$0x1F9F0] =	vst v4;
	v4 =	vld [tilespmem:$0x1EBD0]  }
0x897: {  	[tilespmem:$0x1FAC0] =	vst v35;
	v35 =	vld [tilespmem:$0x4BB0]  }
0x898: {  	[tilespmem:$0x1FB00] =	vst v39;
	v39 =	vld [tilespmem:$0x4DB0]  }
0x899: {  	[tilespmem:$0x1FB10] =	vst v43;
	v43 =	vld [tilespmem:$0x4FB0]  }
0x89a: {  	[tilespmem:$0x1FB50] =	vst v51;
	v51 =	vld [tilespmem:$0x51B0]  }
0x89b: {  	[tilespmem:$0x1FB60] =	vst v55;
	v55 =	vld [tilespmem:$0x53B0];
	v0 =	vadd.f32 v4, v0  }
0x89c: {  	v2 =	vadd.f32 v42, v2;
	v42 =	vld [tilespmem:$0x7540]  }
0x89d: {  	v0 =	vadd.f32 v9, v0;
	v9 =	vld [tilespmem:$0x8430]  }
0x89e: {  	[tilespmem:$0x1FC90] =	vst v18;
	v18 =	vld [tilespmem:$0x1EDC0]  }
0x89f: {  	[tilespmem:$0x1FCD0] =	vst v24;
	v24 =	vld [tilespmem:$0x1EDE0]  }
0x8a0: {  	v2 =	vadd.f32 v44, v2;
	v44 =	vmul.f32 v56, v59;
	v56 =	vld [tilespmem:$0x75C0]  }
0x8a1: {  	v59 =	vld [tilespmem:$0x8A00]  }
0x8a2: {  	[tilespmem:$0x1FA50] =	vst v9;
	v9 =	vld [tilespmem:$0x1EBF0]  }
0x8a3: {  	[tilespmem:$0x1FD00] =	vst v29;
	v29 =	vld [tilespmem:$0x1EE00]  }
0x8a4: {  	[tilespmem:$0x1FC40] =	vst v40;
	v40 =	vld [tilespmem:$0x1ED40];
	v2 =	vadd.f32 v47, v2  }
0x8a5: {  	v47 =	vld [tilespmem:$0x8980]  }
0x8a6: {  	[tilespmem:$0x1FD10] =	vst v42;
	v42 =	vld [tilespmem:$0x1EE30];
	v2 =	vadd.f32 v48, v2  }
0x8a7: {  	v48 =	vld [tilespmem:$0x1ED50];
	v0 =	vadd.f32 v9, v0  }
0x8a8: {  	v2 =	vadd.f32 v54, v2;
	v9 =	vld [tilespmem:$0x8D00]  }
0x8a9: {  	v0 =	vadd.f32 v10, v0;
	v10 =	vld [tilespmem:$0x1EC10]  }
0x8aa: {  	v2 =	vadd.f32 v58, v2;
	v58 =	vld [tilespmem:$0x1ED70]  }
0x8ab: {  	v54 =	vld [tilespmem:$0x1ED60]  }
0x8ac: {  	v2 =	vadd.f32 v44, v2;
	v44 =	vld [tilespmem:$0x8B80]  }
0x8ad: {  	[tilespmem:$0x1FAE0] =	vst v9;
	v9 =	vld [tilespmem:$0x8530]  }
0x8ae: {  	v0 =	vadd.f32 v10, v0;
	v10 =	vld [tilespmem:$0x85B0]  }
0x8af: {  	v6 =	vmul.f32 v62, v58;
	v62 =	vld [tilespmem:$0x1ED80]  }
0x8b0: {  	v0 =	vadd.f32 v15, v0;
	v15 =	vld [tilespmem:$0x8630]  }
0x8b1: {  	v63 =	vld [tilespmem:$0x7630]  }
0x8b2: {  	[tilespmem:$0x1FAF0] =	vst v9;
	v9 =	vld [tilespmem:$0x4DC0]  }
0x8b3: {  	[tilespmem:$0x1FB40] =	vst v10;
	v10 =	vld [tilespmem:$0x1EC50]  }
0x8b4: {  	v0 =	vadd.f32 v12, v0;
	v12 =	vld [tilespmem:$0x53C0]  }
0x8b5: {  	[tilespmem:$0x1FB90] =	vst v15;
	v15 =	vld [tilespmem:$0x1EC60]  }
0x8b6: {  	v0 =	vadd.f32 v17, v0;
	v17 =	vld [tilespmem:$0x3BC0]  }
0x8b7: {  	v4 =	vld [tilespmem:$0x77B0]  }
0x8b8: {  	[tilespmem:$0x1FBE0] =	vst v9;
	v9 =	vld [tilespmem:$0x37C0];
	v0 =	vadd.f32 v10, v0  }
0x8b9: {  	[tilespmem:$0x1FC10] =	vst v12;
	v12 =	vld [tilespmem:$0x1EC90]  }
0x8ba: {  	v10 =	vld [tilespmem:$0x45C0];
	v0 =	vadd.f32 v15, v0  }
0x8bb: {  	[tilespmem:$0x1FA30] =	vst v17;
	v17 =	vld [tilespmem:$0x1ECA0]  }
0x8bc: {  	v15 =	vld [tilespmem:$0x47C0];
	v0 =	vadd.f32 v20, v0  }
0x8bd: {  	[tilespmem:$0x1F970] =	vst v9;
	v9 =	vld [tilespmem:$0x43C0]  }
0x8be: {  	v20 =	vld [tilespmem:$0x4BC0];
	v0 =	vadd.f32 v26, v0  }
0x8bf: {  	[tilespmem:$0x1FBA0] =	vst v10;
	v10 =	vld [tilespmem:$0x1ECE0]  }
0x8c0: {  	v26 =	vld [tilespmem:$0x51C0];
	v0 =	vadd.f32 v12, v0  }
0x8c1: {  	[tilespmem:$0x1FBB0] =	vst v15;
	v15 =	vld [tilespmem:$0x1ECF0]  }
0x8c2: {  	[tilespmem:$0x1FB70] =	vst v9;
	v9 =	vld [tilespmem:$0x5BC0];
	v0 =	vadd.f32 v17, v0  }
0x8c3: {  	v12 =	vld [tilespmem:$0x5DC0]  }
0x8c4: {  	[tilespmem:$0x1FBD0] =	vst v20;
	v20 =	vld [tilespmem:$0x1ED00];
	v0 =	vadd.f32 v21, v0  }
0x8c5: {  	v17 =	vld [tilespmem:$0x61C0]  }
0x8c6: {  	[tilespmem:$0x1FC00] =	vst v26;
	v26 =	vld [tilespmem:$0x1ED10];
	v0 =	vadd.f32 v28, v0  }
0x8c7: {  	[tilespmem:$0x1FD30] =	vst v56;
	v21 =	vld [tilespmem:$0x67C0]  }
0x8c8: {  	[tilespmem:$0x1FC50] =	vst v9;
	v9 =	vld [tilespmem:$0x1ED90];
	v0 =	vadd.f32 v36, v0  }
0x8c9: {  	[tilespmem:$0x1FC60] =	vst v12;
	v12 =	vld [tilespmem:$0x1EDA0]  }
0x8ca: {  	[tilespmem:$0x1FD50] =	vst v59;
	v28 =	vld [tilespmem:$0x8880];
	v0 =	vadd.f32 v10, v0  }
0x8cb: {  	[tilespmem:$0x1FD20] =	vst v47;
	v36 =	vld [tilespmem:$0x1ED30]  }
0x8cc: {  	[tilespmem:$0x1FC80] =	vst v17;
	v17 =	vld [tilespmem:$0x8A80];
	v0 =	vadd.f32 v15, v0  }
0x8cd: {  	[tilespmem:$0x1FCB0] =	vst v21;
	v21 =	vld [tilespmem:$0x76C0]  }
0x8ce: {  	[tilespmem:$0x1FDF0] =	vst v44;
	v10 =	vld [tilespmem:$0x7640];
	v0 =	vadd.f32 v20, v0  }
0x8cf: {  	[tilespmem:$0x1FCF0] =	vst v28;
	v28 =	vld [tilespmem:$0x8B00]  }
0x8d0: {  	[tilespmem:$0x1FA00] =	vst v4;
	v4 =	vmul.f32 v40, v36;
	v36 =	vld [tilespmem:$0x7740];
	v0 =	vadd.f32 v26, v0  }
0x8d1: {  	v15 =	vadd.f32 $0.0e+00, v45;
	[tilespmem:$0x1FD90] =	vst v17;
	v45 =	vld [tilespmem:$0x1EE40]  }
0x8d2: {  	v40 =	vld [tilespmem:$0x1EE20];
	[tilespmem:$0x1FDA0] =	vst v21;
	v0 =	vadd.f32 v34, v0  }
0x8d3: {  	v20 =	vld [tilespmem:$0x1EDD0];
	[tilespmem:$0x1FD60] =	vst v10  }
0x8d4: {  	v26 =	vld [tilespmem:$0x1EDF0];
	[tilespmem:$0x1FDC0] =	vst v28;
	v0 =	vadd.f32 v4, v0;
	v4 =	vmul.f32 v54, v48  }
0x8d5: {  	v34 =	vld [tilespmem:$0x1EE10];
	[tilespmem:$0x1FDD0] =	vst v36  }
0x8d6: {  	v0 =	vadd.f32 v4, v0;
	v4 =	vmul.f32 v9, v62;
	v9 =	vld [tilespmem:$0x1EE50]  }
0x8d7: {  	v47 =	vld [tilespmem:$0x77C0]  }
0x8d8: {  	v48 =	vld [tilespmem:$0x1EE60]  }
0x8d9: {  	v1 =	vadd.f32 $0.0e+00, v1;
	v7 =	vadd.f32 v49, v15;
	v49 =	vld [tilespmem:$0x1EE70]  }
0x8da: {  	v54 =	vld [tilespmem:$0x1EE80]  }
0x8db: {  	v1 =	vadd.f32 v3, v1;
	v56 =	vld [tilespmem:$0x8C00]  }
0x8dc: {  	v7 =	vadd.f32 v57, v7;
	v57 =	vld [tilespmem:$0x1EE90]  }
0x8dd: {  	v1 =	vadd.f32 v5, v1;
	v58 =	vld [tilespmem:$0x1EEA0]  }
0x8de: {  	v62 =	vld [tilespmem:$0x8440]  }
0x8df: {  	v1 =	vadd.f32 v8, v1;
	v2 =	vadd.f32 v6, v2;
	v6 =	vmul.f32 v14, v12;
	v12 =	vld [tilespmem:$0x1EEB0]  }
0x8e0: {  	v14 =	vld [tilespmem:$0x1EEC0]  }
0x8e1: {  	v1 =	vadd.f32 v11, v1;
	v15 =	vld [tilespmem:$0x1EED0]  }
0x8e2: {  	v17 =	vld [tilespmem:$0x8C80]  }
0x8e3: {  	v1 =	vadd.f32 v13, v1;
	v21 =	vld [tilespmem:$0x84C0]  }
0x8e4: {  	v59 =	vadd.f32 $0.0e+00, v22;
	v22 =	vld [tilespmem:$0x1EF00]  }
0x8e5: {  	v1 =	vadd.f32 v16, v1;
	v2 =	vadd.f32 v6, v2;
	v6 =	vmul.f32 v26, v24;
	v24 =	vld [tilespmem:$0x1EF10]  }
0x8e6: {  	v26 =	vld [tilespmem:$0x1EF20]  }
0x8e7: {  	v1 =	vadd.f32 v19, v1;
	v28 =	vld [tilespmem:$0x1EF30]  }
0x8e8: {  	v36 =	vld [tilespmem:$0x1EF60]  }
0x8e9: {  	v1 =	vadd.f32 v23, v1;
	v44 =	vld [tilespmem:$0x1EF80]  }
0x8ea: {  	v10 =	vld [tilespmem:$0x1F170]  }
0x8eb: {  	v1 =	vadd.f32 v25, v1;
	v11 =	vld [tilespmem:$0x1F180]  }
0x8ec: {  	v16 =	vld [tilespmem:$0x1F1C0]  }
0x8ed: {  	v1 =	vadd.f32 v31, v1;
	v19 =	vld [tilespmem:$0x1F1F0]  }
0x8ee: {  	v23 =	vld [tilespmem:$0x1F220]  }
0x8ef: {  	v1 =	vadd.f32 v35, v1;
	v8 =	vld [tilespmem:$0x1F280]  }
0x8f0: {  	v25 =	vld [tilespmem:$0x74D0]  }
0x8f1: {  	v1 =	vadd.f32 v39, v1;
	v13 =	vld [tilespmem:$0x1F2C0]  }
0x8f2: {  	v35 =	vld [tilespmem:$0x7550]  }
0x8f3: {  	v1 =	vadd.f32 v43, v1;
	v31 =	vld [tilespmem:$0x75D0]  }
0x8f4: {  	v39 =	vld [tilespmem:$0x8A80]  }
0x8f5: {  	v1 =	vadd.f32 v51, v1;
	v43 =	vld [tilespmem:$0x1F380]  }
0x8f6: {  	v51 =	vld [tilespmem:$0x1F390]  }
0x8f7: {  	v1 =	vadd.f32 v55, v1;
	v55 =	vld [tilespmem:$0x8B00]  }
0x8f8: {  	v2 =	vadd.f32 v6, v2;
	v6 =	vmul.f32 v42, v40;
	v40 =	vld [tilespmem:$0x1EF70]  }
0x8f9: {  	v42 =	vld [tilespmem:$0x8D80]  }
0x8fa: {  	v0 =	vadd.f32 v4, v0;
	v4 =	vmul.f32 v20, v18;
	v18 =	vld [tilespmem:$0x1EEE0]  }
0x8fb: {  	v20 =	vld [tilespmem:$0x1EEF0]  }
0x8fc: {  	v0 =	vadd.f32 v4, v0;
	v4 =	vmul.f32 v34, v29;
	v29 =	vld [tilespmem:$0x1EF40]  }
0x8fd: {  	v34 =	vld [tilespmem:$0x1EF50]  }
0x8fe: {  	[tilespmem:$0x1FE00] =	vst v47;
	v47 =	vld [tilespmem:$0x85C0]  }
0x8ff: {  	v2 =	vadd.f32 v6, v2;
	v6 =	vmul.f32 v49, v48;
	v48 =	vld [tilespmem:$0x1EFA0]  }
0x900: {  	v49 =	vld [tilespmem:$0x1EFB0]  }
0x901: {  	v7 =	vadd.f32 v54, v7;
	v54 =	vld [tilespmem:$0x1EFC0]  }
0x902: {  	[tilespmem:$0x1FE20] =	vst v56;
	v56 =	vld [tilespmem:$0x8E00]  }
0x903: {  	[tilespmem:$0x1FE30] =	vst v62;
	v62 =	vld [tilespmem:$0x1EFF0]  }
0x904: {  	[tilespmem:$0x1FE80] =	vst v17;
	v17 =	vld [tilespmem:$0x1F030]  }
0x905: {  	[tilespmem:$0x1FE90] =	vst v21;
	v21 =	vld [tilespmem:$0x1F060]  }
0x906: {  	[tilespmem:$0x1FE60] =	vst v39;
	v39 =	vld [tilespmem:$0x1F4A0]  }
0x907: {  	[tilespmem:$0x1FEA0] =	vst v55;
	v55 =	vld [tilespmem:$0x1F4F0]  }
0x908: {  	v0 =	vadd.f32 v4, v0;
	v4 =	vmul.f32 v9, v45;
	v9 =	vadd.f32 v27, v59;
	v27 =	vld [tilespmem:$0x8D00]  }
0x909: {  	v45 =	vld [tilespmem:$0x1EF90]  }
0x90a: {  	v59 =	vld [tilespmem:$0x8640]  }
0x90b: {  	[tilespmem:$0x1FF40] =	vst v42;
	v42 =	vadd.f32 $0.0e+00, v30;
	v30 =	vld [tilespmem:$0x67D0]  }
0x90c: {  	v2 =	vadd.f32 v6, v2;
	v6 =	vmul.f32 v14, v12;
	v12 =	vld [tilespmem:$0x1F000]  }
0x90d: {  	v14 =	vld [tilespmem:$0x1F010]  }
0x90e: {  	v7 =	vadd.f32 v15, v7;
	v15 =	vld [tilespmem:$0x1F020]  }
0x90f: {  	v9 =	vadd.f32 v32, v9;
	v32 =	vld [tilespmem:$0x8540]  }
0x910: {  	v0 =	vadd.f32 v4, v0;
	v4 =	vmul.f32 v58, v57;
	v57 =	vld [tilespmem:$0x1EFD0]  }
0x911: {  	v58 =	vld [tilespmem:$0x1EFE0]  }
0x912: {  	v2 =	vadd.f32 v6, v2;
	v6 =	vmul.f32 v24, v22;
	v22 =	vld [tilespmem:$0x1F070]  }
0x913: {  	v24 =	vld [tilespmem:$0x1F080]  }
0x914: {  	v7 =	vadd.f32 v26, v7;
	v26 =	vld [tilespmem:$0x1F090]  }
0x915: {  	v0 =	vadd.f32 v4, v0;
	v4 =	vmul.f32 v20, v18;
	v18 =	vld [tilespmem:$0x1F040]  }
0x916: {  	v20 =	vld [tilespmem:$0x1F050]  }
0x917: {  	v9 =	vadd.f32 v38, v9;
	v38 =	vld [tilespmem:$0x1F0D0]  }
0x918: {  	[tilespmem:$0x1FFC0] =	vst v56;
	v56 =	vld [tilespmem:$0x43D0]  }
0x919: {  	[tilespmem:$0x1FF50] =	vst v47;
	v47 =	vld [tilespmem:$0x47D0]  }
0x91a: {  	v2 =	vadd.f32 v6, v2;
	v6 =	vmul.f32 v36, v34;
	v36 =	vld [tilespmem:$0x35D0]  }
0x91b: {  	[tilespmem:$0x1FEE0] =	vst v27;
	v27 =	vld [tilespmem:$0x1F0A0]  }
0x91c: {  	[tilespmem:$0x1FFD0] =	vst v59;
	v59 =	vld [tilespmem:$0x3DD0]  }
0x91d: {  	v34 =	vld [tilespmem:$0x1F0C0]  }
0x91e: {  	v7 =	vadd.f32 v40, v7;
	v40 =	vld [tilespmem:$0x1F0E0]  }
0x91f: {  	[tilespmem:$0x1FD70] =	vst v30;
	v30 =	vld [tilespmem:$0x1F350]  }
0x920: {  	v0 =	vadd.f32 v4, v0;
	v4 =	vmul.f32 v29, v28;
	v28 =	vld [tilespmem:$0x37D0]  }
0x921: {  	v29 =	vld [tilespmem:$0x3BD0]  }
0x922: {  	v9 =	vadd.f32 v46, v9;
	v46 =	vld [tilespmem:$0x1F110]  }
0x923: {  	v2 =	vadd.f32 v6, v2;
	v6 =	vmul.f32 v49, v48;
	v48 =	vld [tilespmem:$0x39D0]  }
0x924: {  	[tilespmem:$0x1FEF0] =	vst v32;
	v32 =	vld [tilespmem:$0x1F0B0]  }
0x925: {  	v7 =	vadd.f32 v54, v7;
	v54 =	vld [tilespmem:$0x3FD0]  }
0x926: {  	v49 =	vld [tilespmem:$0x1F120]  }
0x927: {  	v0 =	vadd.f32 v4, v0;
	v4 =	vmul.f32 v45, v44;
	v44 =	vld [tilespmem:$0x1F0F0]  }
0x928: {  	v9 =	vadd.f32 v52, v9;
	v52 =	vld [tilespmem:$0x45D0]  }
0x929: {  	v45 =	vld [tilespmem:$0x1F100]  }
0x92a: {  	v2 =	vadd.f32 v6, v2;
	v6 =	vmul.f32 v12, v62;
	v62 =	vld [tilespmem:$0x1F150]  }
0x92b: {  	v12 =	vld [tilespmem:$0x1F190]  }
0x92c: {  	v7 =	vadd.f32 v14, v7;
	v14 =	vld [tilespmem:$0x1F1A0]  }
0x92d: {  	v0 =	vadd.f32 v4, v0;
	v4 =	vmul.f32 v58, v57;
	v58 =	vld [tilespmem:$0x1F130]  }
0x92e: {  	v9 =	vadd.f32 v61, v9;
	v61 =	vld [tilespmem:$0x1F140]  }
0x92f: {  	v2 =	vadd.f32 v6, v2;
	v6 =	vmul.f32 v20, v18;
	v18 =	vld [tilespmem:$0x1F1E0]  }
0x930: {  	v20 =	vld [tilespmem:$0x1F200]  }
0x931: {  	v7 =	vadd.f32 v21, v7;
	v21 =	vld [tilespmem:$0x1F210]  }
0x932: {  	v36 =	vadd.f32 $0.0e+00, v36;
	v0 =	vadd.f32 v4, v0;
	v4 =	vmul.f32 v17, v15;
	v15 =	vld [tilespmem:$0x1F1B0]  }
0x933: {  	v17 =	vld [tilespmem:$0x1F1D0]  }
0x934: {  	v28 =	vadd.f32 v28, v36;
	v36 =	vld [tilespmem:$0x8800]  }
0x935: {  	v2 =	vadd.f32 v6, v2;
	v6 =	vmul.f32 v27, v26;
	v26 =	vld [tilespmem:$0x5DD0]  }
0x936: {  	v7 =	vadd.f32 v32, v7;
	v32 =	vld [tilespmem:$0x5FD0]  }
0x937: {  	v27 =	vld [tilespmem:$0x1F230]  }
0x938: {  	v0 =	vadd.f32 v4, v0;
	v4 =	vmul.f32 v24, v22;
	v24 =	vld [tilespmem:$0x4DD0]  }
0x939: {  	v22 =	vld [tilespmem:$0x65D0]  }
0x93a: {  	v28 =	vadd.f32 v48, v28;
	v48 =	vld [tilespmem:$0x1FB60];
	v2 =	vadd.f32 v6, v2  }
0x93b: {  	v0 =	vadd.f32 v4, v0;
	v4 =	vadd.f32 v33, v42;
	v33 =	vld [tilespmem:$0x1F240]  }
0x93c: {  	v42 =	vld [tilespmem:$0x8800]  }
0x93d: {  	[tilespmem:$0x1FFB0] =	vst v2;
	v2 =	vadd.f32 v38, v7;
	v38 =	vld [tilespmem:$0x41D0]  }
0x93e: {  	[tilespmem:$0x1FF80] =	vst v0;
	v0 =	vadd.f32 v34, v9;
	v9 =	vld [tilespmem:$0x1F160]  }
0x93f: {  	v34 =	vld [tilespmem:$0x5BD0]  }
0x940: {  	v57 =	vadd.f32 v37, v4;
	v37 =	vld [tilespmem:$0x61D0]  }
0x941: {  	v2 =	vadd.f32 v44, v2;
	v44 =	vld [tilespmem:$0x49D0]  }
0x942: {  	[tilespmem:$0x1FD40] =	vst v22;
	v22 =	vld [tilespmem:$0x1F330]  }
0x943: {  	v3 =	vadd.f32 v41, v57;
	v57 =	vld [tilespmem:$0x53D0]  }
0x944: {  	v0 =	vadd.f32 v40, v0;
	v40 =	vld [tilespmem:$0x55D0]  }
0x945: {  	v41 =	vld [tilespmem:$0x63D0]  }
0x946: {  	v2 =	vadd.f32 v46, v2;
	v46 =	vld [tilespmem:$0x59D0]  }
0x947: {  	[tilespmem:$0x1FD80] =	vst v42;
	v42 =	vld [tilespmem:$0x1F370]  }
0x948: {  	v0 =	vadd.f32 v45, v0;
	v3 =	vadd.f32 v50, v3;
	v45 =	vld [tilespmem:$0x1F250]  }
0x949: {  	v50 =	vld [tilespmem:$0x1F260];
	v2 =	vadd.f32 v58, v2  }
0x94a: {  	v58 =	vld [tilespmem:$0x51D0];
	v0 =	vadd.f32 v49, v0;
	v3 =	vadd.f32 v53, v3  }
0x94b: {  	v53 =	vld [tilespmem:$0x1F270];
	v2 =	vadd.f32 v62, v2  }
0x94c: {  	v0 =	vadd.f32 v61, v0;
	v3 =	vadd.f32 v60, v3;
	v60 =	vld [tilespmem:$0x8880]  }
0x94d: {  	v2 =	vadd.f32 v10, v2;
	v10 =	vld [tilespmem:$0x1F2A0]  }
0x94e: {  	v0 =	vadd.f32 v9, v0;
	v9 =	vld [tilespmem:$0x1F290]  }
0x94f: {  	v3 =	vadd.f32 v17, v3;
	v17 =	vld [tilespmem:$0x1F2F0]  }
0x950: {  	v2 =	vadd.f32 v12, v2;
	v12 =	vld [tilespmem:$0x1F2B0]  }
0x951: {  	v0 =	vadd.f32 v11, v0;
	v11 =	vld [tilespmem:$0x8900]  }
0x952: {  	v3 =	vadd.f32 v20, v3;
	v20 =	vld [tilespmem:$0x1F320]  }
0x953: {  	v2 =	vadd.f32 v15, v2;
	v15 =	vld [tilespmem:$0x8980]  }
0x954: {  	[tilespmem:$0x1FDB0] =	vst v60;
	v60 =	vld [tilespmem:$0x1F3B0]  }
0x955: {  	v0 =	vadd.f32 v14, v0;
	v14 =	vld [tilespmem:$0x1F2D0]  }
0x956: {  	v3 =	vadd.f32 v27, v3;
	v27 =	vld [tilespmem:$0x7650]  }
0x957: {  	v2 =	vadd.f32 v18, v2;
	v18 =	vld [tilespmem:$0x1F300]  }
0x958: {  	v0 =	vadd.f32 v16, v0;
	v16 =	vld [tilespmem:$0x1F2E0]  }
0x959: {  	v3 =	vadd.f32 v50, v3;
	v50 =	vld [tilespmem:$0x76D0]  }
0x95a: {  	v2 =	vadd.f32 v21, v2;
	v21 =	vld [tilespmem:$0x8A00]  }
0x95b: {  	[tilespmem:$0x1FDE0] =	vst v11;
	v11 =	vld [tilespmem:$0x1F3E0]  }
0x95c: {  	v0 =	vadd.f32 v19, v0;
	v19 =	vld [tilespmem:$0x1F310]  }
0x95d: {  	v3 =	vadd.f32 v9, v3;
	v9 =	vld [tilespmem:$0x7750]  }
0x95e: {  	[tilespmem:$0x1FE10] =	vst v15;
	v15 =	vld [tilespmem:$0x1F410]  }
0x95f: {  	v2 =	vadd.f32 v33, v2;
	v33 =	vld [tilespmem:$0x1F360]  }
0x960: {  	[tilespmem:$0x1FE50] =	vst v27;
	v27 =	vld [tilespmem:$0x1F480]  }
0x961: {  	v0 =	vadd.f32 v23, v0;
	v23 =	vld [tilespmem:$0x1F340]  }
0x962: {  	v3 =	vadd.f32 v13, v3;
	v13 =	vld [tilespmem:$0x8B80]  }
0x963: {  	v2 =	vadd.f32 v53, v2;
	v53 =	vld [tilespmem:$0x1F3A0]  }
0x964: {  	[tilespmem:$0x1FE70] =	vst v50;
	v50 =	vld [tilespmem:$0x8C80]  }
0x965: {  	v3 =	vadd.f32 v17, v3;
	v17 =	vld [tilespmem:$0x1F430]  }
0x966: {  	[tilespmem:$0x1FE40] =	vst v21;
	v21 =	vld [tilespmem:$0x1F460]  }
0x967: {  	v2 =	vadd.f32 v10, v2;
	v10 =	vld [tilespmem:$0x1F3D0]  }
0x968: {  	v4 =	vmul.f32 v20, v19;
	v19 =	vld [tilespmem:$0x1F440]  }
0x969: {  	v0 =	vadd.f32 v45, v0;
	v20 =	vld [tilespmem:$0x1F450]  }
0x96a: {  	[tilespmem:$0x1FEB0] =	vst v9;
	v9 =	vld [tilespmem:$0x1F500]  }
0x96b: {  	v0 =	vadd.f32 v8, v0;
	v8 =	vld [tilespmem:$0x1F3C0]  }
0x96c: {  	v2 =	vadd.f32 v14, v2;
	v14 =	vld [tilespmem:$0x1F400]  }
0x96d: {  	v3 =	vadd.f32 v23, v3;
	v23 =	vld [tilespmem:$0x1F470]  }
0x96e: {  	[tilespmem:$0x1FEC0] =	vst v13;
	v13 =	vld [tilespmem:$0x1F530]  }
0x96f: {  	v0 =	vadd.f32 v12, v0;
	v12 =	vld [tilespmem:$0x1F3F0]  }
0x970: {  	[tilespmem:$0x1FF20] =	vst v50;
	v50 =	vld [tilespmem:$0x1F600]  }
0x971: {  	v2 =	vadd.f32 v18, v2;
	v18 =	vld [tilespmem:$0x77D0]  }
0x972: {  	v3 =	vadd.f32 v43, v3;
	v43 =	vld [tilespmem:$0x1F4C0]  }
0x973: {  	v0 =	vadd.f32 v16, v0;
	v16 =	vld [tilespmem:$0x1F420]  }
0x974: {  	v2 =	vadd.f32 v4, v2;
	v4 =	vmul.f32 v33, v30;
	v30 =	vld [tilespmem:$0x1F490]  }
0x975: {  	v33 =	vld [tilespmem:$0x8450]  }
0x976: {  	v0 =	vadd.f32 v22, v0;
	v22 =	vld [tilespmem:$0x8C00]  }
0x977: {  	v2 =	vadd.f32 v4, v2;
	v4 =	vmul.f32 v53, v51;
	v51 =	vld [tilespmem:$0x1F4D0]  }
0x978: {  	v3 =	vadd.f32 v8, v3;
	v53 =	vld [tilespmem:$0x1F4E0]  }
0x979: {  	v1 =	vadd.f32 v12, v1;
	v12 =	vld [tilespmem:$0x8D00]  }
0x97a: {  	v3 =	vadd.f32 v17, v3;
	v17 =	vld [tilespmem:$0x1F560]  }
0x97b: {  	v0 =	vadd.f32 v42, v0;
	v42 =	vld [tilespmem:$0x1F4B0]  }
0x97c: {  	[tilespmem:$0x1FED0] =	vst v18;
	v18 =	vld [tilespmem:$0x1F570]  }
0x97d: {  	v2 =	vadd.f32 v4, v2;
	v4 =	vmul.f32 v11, v10;
	v10 =	vld [tilespmem:$0x1F510]  }
0x97e: {  	v11 =	vld [tilespmem:$0x1F520]  }
0x97f: {  	v5 =	vmul.f32 v16, v15;
	v15 =	vld [tilespmem:$0x1F550]  }
0x980: {  	v16 =	vld [tilespmem:$0x8550]  }
0x981: {  	v1 =	vadd.f32 v21, v1;
	v21 =	vld [tilespmem:$0x1F590]  }
0x982: {  	v0 =	vadd.f32 v60, v0;
	v60 =	vld [tilespmem:$0x84D0]  }
0x983: {  	v3 =	vadd.f32 v30, v3;
	v30 =	vld [tilespmem:$0x1F5C0]  }
0x984: {  	[tilespmem:$0x1FF10] =	vst v33;
	v33 =	vld [tilespmem:$0x1F5D0]  }
0x985: {  	v2 =	vadd.f32 v4, v2;
	v4 =	vmul.f32 v20, v19;
	v19 =	vld [tilespmem:$0x1F580]  }
0x986: {  	[tilespmem:$0x1FF00] =	vst v22;
	v22 =	vld [tilespmem:$0x1F5A0]  }
0x987: {  	v1 =	vadd.f32 v43, v1;
	v43 =	vld [tilespmem:$0x1F5F0]  }
0x988: {  	v0 =	vadd.f32 v14, v0;
	v14 =	vld [tilespmem:$0x1F540]  }
0x989: {  	v3 =	vadd.f32 v55, v3;
	v55 =	vld [tilespmem:$0x1F620]  }
0x98a: {  	[tilespmem:$0x1FF60] =	vst v12;
	v12 =	vld [tilespmem:$0x1F670]  }
0x98b: {  	v2 =	vadd.f32 v4, v2;
	v4 =	vmul.f32 v42, v39;
	v39 =	vld [tilespmem:$0x1F5E0]  }
0x98c: {  	v42 =	vld [tilespmem:$0x8E00]  }
0x98d: {  	v0 =	vadd.f32 v5, v0;
	v5 =	vmul.f32 v27, v23;
	v23 =	vld [tilespmem:$0x1F5B0]  }
0x98e: {  	v27 =	vld [tilespmem:$0x85D0]  }
0x98f: {  	v1 =	vadd.f32 v11, v1;
	v11 =	vld [tilespmem:$0x1F660]  }
0x990: {  	[tilespmem:$0x1FF70] =	vst v16;
	v16 =	vld [tilespmem:$0x1F6A0]  }
0x991: {  	[tilespmem:$0x1FF30] =	vst v60;
	v60 =	vld [tilespmem:$0x1F630]  }
0x992: {  	v2 =	vadd.f32 v4, v2;
	v4 =	vmul.f32 v10, v9;
	v9 =	vld [tilespmem:$0x1F640]  }
0x993: {  	v10 =	vld [tilespmem:$0x1F650]  }
0x994: {  	v0 =	vadd.f32 v5, v0;
	v5 =	vmul.f32 v53, v51;
	v51 =	vld [tilespmem:$0x1F610]  }
0x995: {  	v53 =	vld [tilespmem:$0x8650]  }
0x996: {  	v1 =	vadd.f32 v19, v1;
	v0 =	vadd.f32 v5, v0;
	v5 =	vmul.f32 v14, v13;
	v13 =	vld [tilespmem:$0x1F680]  }
0x997: {  	v3 =	vadd.f32 v15, v3;
	v14 =	vld [tilespmem:$0x1F690]  }
0x998: {  	v2 =	vadd.f32 v4, v2;
	v4 =	vmul.f32 v18, v17;
	v1 =	vadd.f32 v39, v1;
	v39 =	vld [tilespmem:$0x1F6D0]  }
0x999: {  	[tilespmem:$0x1FFA0] =	vst v27;
	v27 =	vld [tilespmem:$0x1F6B0]  }
0x99a: {  	v3 =	vadd.f32 v23, v3;
	v2 =	vadd.f32 v4, v2;
	v4 =	vmul.f32 v33, v30;
	v30 =	vld [tilespmem:$0x1F6C0]  }
0x99b: {  	v23 =	vld [tilespmem:$0x1F7C0]  }
0x99c: {  	v3 =	vadd.f32 v51, v3;
	v51 =	vld [tilespmem:$0x1F6F0]  }
0x99d: {  	v0 =	vadd.f32 v5, v0;
	v5 =	vmul.f32 v22, v21;
	[tilespmem:$0x1FFF0] =	vst v53;
	v53 =	vld [tilespmem:$0x1F700]  }
0x99e: {  	v1 =	vadd.f32 v9, v1;
	v2 =	vadd.f32 v4, v2;
	v4 =	vmul.f32 v60, v55;
	v55 =	vld [tilespmem:$0x1F710]  }
0x99f: {  	v0 =	vadd.f32 v5, v0;
	v5 =	vmul.f32 v50, v43;
	v50 =	vld [tilespmem:$0x1F6E0]  }
0x9a0: {  	v17 =	vadd.f32 v16, v1;
	v16 =	vld [tilespmem:$0x1F720]  }
0x9a1: {  	v3 =	vadd.f32 v12, v3;
	v33 =	vmul.f32 v30, v27;
	v27 =	vld [tilespmem:$0x1F740]  }
0x9a2: {  	v30 =	vld [tilespmem:$0x1F750]  }
0x9a3: {  	[tilespmem:$0x1FFE0] =	vst v42;
	v42 =	vadd.f32 v39, v3;
	v39 =	vld [tilespmem:$0x1F760]  }
0x9a4: {  	v6 =	vmul.f32 v11, v10;
	v5 =	vadd.f32 v5, v0;
	v8 =	vadd.f32 v53, v17;
	v17 =	vld [tilespmem:$0x1F730]  }
0x9a5: {  	v60 =	vadd.f32 v55, v42;
	v42 =	vld [tilespmem:$0x1F770]  }
0x9a6: {  	v5 =	vadd.f32 v6, v5;
	v10 =	vmul.f32 v51, v50;
	v50 =	vld [tilespmem:$0x1F780]  }
0x9a7: {  	v53 =	vld [tilespmem:$0x1F790]  }
0x9a8: {  	v55 =	vld [tilespmem:$0x1F7A0];
	v11 =	vadd.f32 v33, v5;
	v33 =	vmul.f32 v30, v27  }
0x9a9: {  	v30 =	vld [tilespmem:$0x1F7D0]  }
0x9aa: {  	v11 =	vadd.f32 v33, v11;
	v33 =	vld [tilespmem:$0x1F7E0]  }
0x9ab: {  	v18 =	vmul.f32 v17, v16;
	v51 =	vmul.f32 v50, v42;
	v42 =	vld [tilespmem:$0x1F7F0]  }
0x9ac: {  	v50 =	vld [tilespmem:$0x1F800]  }
0x9ad: {  	v9 =	vadd.f32 v18, v60;
	v18 =	vld [tilespmem:$0x1F7B0]  }
0x9ae: {  	v60 =	vmul.f32 v55, v53;
	v53 =	vld [tilespmem:$0x1F810]  }
0x9af: {  	v4 =	vadd.f32 v4, v2;
	v15 =	vmul.f32 v14, v13;
	v55 =	vld [tilespmem:$0x1F820]  }
0x9b0: {  	v13 =	vld [tilespmem:$0x1F830];
	v8 =	vadd.f32 v39, v8  }
0x9b1: {  	v7 =	vadd.f32 v15, v4;
	v39 =	vmul.f32 v33, v30;
	v30 =	vld [tilespmem:$0x1F860]  }
0x9b2: {  	v12 =	vadd.f32 v51, v8;
	v51 =	vmul.f32 v50, v42;
	v42 =	vld [tilespmem:$0x1F880]  }
0x9b3: {  	v14 =	vadd.f32 v10, v7;
	v10 =	vadd.f32 v60, v9;
	v27 =	vmul.f32 v23, v18;
	v18 =	vld [tilespmem:$0x1F840]  }
0x9b4: {  	v60 =	vmul.f32 v55, v53;
	v53 =	vld [tilespmem:$0x1F8A0]  }
0x9b5: {  	v16 =	vadd.f32 v51, v10;
	v51 =	vld [tilespmem:$0x1F890]  }
0x9b6: {  	v12 =	vadd.f32 v27, v12;
	v27 =	vld [tilespmem:$0x1F850]  }
0x9b7: {  	v15 =	vadd.f32 v39, v11;
	v39 =	vld [tilespmem:$0x1F870]  }
0x9b8: {  	v49 =	vld [tilespmem:$0x4BD0]  }
0x9b9: {  	v62 =	vld [tilespmem:$0x57D0]  }
0x9ba: {  	v23 =	vmul.f32 v18, v13;
	v55 =	vmul.f32 v53, v51;
	v51 =	vld [tilespmem:$0x1F8D0]  }
0x9bb: {  	v61 =	vld [tilespmem:$0x4FD0];
	v33 =	vmul.f32 v30, v27  }
0x9bc: {  	v50 =	vmul.f32 v42, v39;
	v39 =	vld [tilespmem:$0x1F8C0];
	v13 =	vadd.f32 v23, v12  }
0x9bd: {  	v23 =	vadd.f32 v60, v14;
	v60 =	vadd.f32 v33, v16;
	v33 =	vld [tilespmem:$0x1F8B0]  }
0x9be: {  	v45 =	vld [tilespmem:$0x7450]  }
0x9bf: {  	v20 =	vld [tilespmem:$0x8D80];
	v17 =	vadd.f32 v50, v15;
	v50 =	vadd.f32 v55, v13;
	v53 =	vmul.f32 v63, v51  }
0x9c0: {  	v51 =	vld [tilespmem:$0x1F940]  }
0x9c1: {  	v18 =	vadd.f32 v53, v50;
	v50 =	vld [tilespmem:$0x1F930]  }
0x9c2: {  	v42 =	vmul.f32 v39, v33;
	v33 =	vld [tilespmem:$0x1F900]  }
0x9c3: {  	v39 =	vld [tilespmem:$0x1F910]  }
0x9c4: {  	v16 =	vadd.f32 v42, v60;
	v42 =	vld [tilespmem:$0x1F920]  }
0x9c5: {  	v19 =	vld [tilespmem:$0x37E0]  }
0x9c6: {  	[tilespmem:$0x1FF90] =	vst v20;
	v20 =	vld [tilespmem:$0x39E0]  }
0x9c7: {  	v55 =	vld [tilespmem:$0x1F8E0]  }
0x9c8: {  	v60 =	vld [tilespmem:$0x1F8F0]  }
0x9c9: {  	v53 =	vmul.f32 v51, v50;
	v50 =	vld [tilespmem:$0x1F9A0];
	v30 =	vadd.f32 $0.0e+00, v33;
	v33 =	vmul.f32 v42, v39  }
0x9ca: {  	v39 =	vld [tilespmem:$0x1F990]  }
0x9cb: {  	v33 =	vadd.f32 v33, v17;
	v17 =	vld [tilespmem:$0x1F980]  }
0x9cc: {  	v51 =	vld [tilespmem:$0x1F9B0]  }
0x9cd: {  	v63 =	vmul.f32 v60, v55;
	v55 =	vld [tilespmem:$0x1F950]  }
0x9ce: {  	v60 =	vld [tilespmem:$0x1F960]  }
0x9cf: {  	v18 =	vadd.f32 v53, v18;
	v53 =	vld [tilespmem:$0x1F9C0]  }
0x9d0: {  	v27 =	vadd.f32 v63, v16;
	v16 =	vld [tilespmem:$0x1F970];
	v39 =	vmul.f32 v39, v17  }
0x9d1: {  	v42 =	vmul.f32 v51, v50;
	v51 =	vld [tilespmem:$0x1FA00]  }
0x9d2: {  	v39 =	vadd.f32 v39, v18;
	v18 =	vld [tilespmem:$0x1F9F0]  }
0x9d3: {  	v63 =	vmul.f32 v60, v55;
	v55 =	vld [tilespmem:$0x1F9D0]  }
0x9d4: {  	v60 =	vld [tilespmem:$0x1F9E0]  }
0x9d5: {  	v21 =	vld [tilespmem:$0x3BE0]  }
0x9d6: {  	v22 =	vld [tilespmem:$0x41E0];
	v30 =	vadd.f32 v16, v30  }
0x9d7: {  	v51 =	vmul.f32 v51, v18;
	v18 =	vld [tilespmem:$0x1FA30]  }
0x9d8: {  	v30 =	vadd.f32 v53, v30;
	v53 =	vld [tilespmem:$0x1FA10]  }
0x9d9: {  	v50 =	vmul.f32 v60, v55;
	v55 =	vld [tilespmem:$0x1FA20]  }
0x9da: {  	v43 =	vld [tilespmem:$0x35E0]  }
0x9db: {  	v0 =	vld [tilespmem:$0x1FAB0];
	v27 =	vadd.f32 v63, v27  }
0x9dc: {  	v30 =	vadd.f32 v18, v30;
	v18 =	vadd.f32 v50, v33;
	v50 =	vld [tilespmem:$0x1FA60]  }
0x9dd: {  	v33 =	vadd.f32 v51, v39;
	v51 =	vld [tilespmem:$0x1FA70]  }
0x9de: {  	v27 =	vadd.f32 v42, v27;
	v42 =	vmul.f32 v55, v53;
	v53 =	vld [tilespmem:$0x1FA40]  }
0x9df: {  	v39 =	vld [tilespmem:$0x1FA50]  }
0x9e0: {  	v4 =	vld [tilespmem:$0x3DE0]  }
0x9e1: {  	v6 =	vld [tilespmem:$0x43E0]  }
0x9e2: {  	v5 =	vld [tilespmem:$0x3FE0];
	v27 =	vadd.f32 v42, v27;
	v50 =	vmul.f32 v51, v50  }
0x9e3: {  	v7 =	vld [tilespmem:$0x45E0]  }
0x9e4: {  	v39 =	vmul.f32 v39, v53;
	v27 =	vadd.f32 v50, v27;
	v50 =	vld [tilespmem:$0x1FAC0]  }
0x9e5: {  	v51 =	vld [tilespmem:$0x1FA90]  }
0x9e6: {  	v39 =	vadd.f32 v39, v33;
	v33 =	vld [tilespmem:$0x1FAA0]  }
0x9e7: {  	v42 =	vld [tilespmem:$0x1FA80]  }
0x9e8: {  	v8 =	vld [tilespmem:$0x47E0]  }
0x9e9: {  	v50 =	vmul.f32 v50, v0;
	v0 =	vld [tilespmem:$0x1FAD0]  }
0x9ea: {  	v9 =	vld [tilespmem:$0x49E0]  }
0x9eb: {  	v11 =	vld [tilespmem:$0x4DE0];
	v51 =	vmul.f32 v33, v51  }
0x9ec: {  	v10 =	vld [tilespmem:$0x4BE0];
	v30 =	vadd.f32 v42, v30  }
0x9ed: {  	v39 =	vadd.f32 v51, v39;
	v51 =	vld [tilespmem:$0x1FAF0]  }
0x9ee: {  	v1 =	vadd.f32 v0, v30;
	v0 =	vld [tilespmem:$0x1FAE0]  }
0x9ef: {  	v12 =	vld [tilespmem:$0x4FE0]  }
0x9f0: {  	v14 =	vld [tilespmem:$0x53E0]  }
0x9f1: {  	v15 =	vld [tilespmem:$0x55E0]  }
0x9f2: {  	v27 =	vadd.f32 v50, v27;
	v50 =	vld [tilespmem:$0x1FB10]  }
0x9f3: {  	v51 =	vmul.f32 v51, v0;
	v0 =	vld [tilespmem:$0x1FB00]  }
0x9f4: {  	v13 =	vld [tilespmem:$0x51E0]  }
0x9f5: {  	v16 =	vld [tilespmem:$0x57E0]  }
0x9f6: {  	v17 =	vld [tilespmem:$0x59E0]  }
0x9f7: {  	v63 =	vld [tilespmem:$0x5BE0]  }
0x9f8: {  	v0 =	vmul.f32 v50, v0;
	v50 =	vld [tilespmem:$0x1FB20]  }
0x9f9: {  	v60 =	vld [tilespmem:$0x5DE0]  }
0x9fa: {  	v55 =	vld [tilespmem:$0x5FE0]  }
0x9fb: {  	v3 =	vadd.f32 v0, v27;
	v0 =	vld [tilespmem:$0x1FB50]  }
0x9fc: {  	v51 =	vadd.f32 v51, v39;
	v39 =	vld [tilespmem:$0x1FB40]  }
0x9fd: {  	v2 =	vadd.f32 v50, v1;
	v1 =	vld [tilespmem:$0x1FB30]  }
0x9fe: {  	v42 =	vld [tilespmem:$0x63E0]  }
0x9ff: {  	v53 =	vld [tilespmem:$0x61E0]  }
0xa00: {  	v27 =	vmul.f32 v48, v0;
	v48 =	vld [tilespmem:$0x1FB70]  }
0xa01: {  	v33 =	vld [tilespmem:$0x65E0]  }
0xa02: {  	v0 =	vld [tilespmem:$0x1FB80];
	v1 =	vmul.f32 v39, v1  }
0xa03: {  	v29 =	vadd.f32 v29, v28;
	v28 =	vadd.f32 v27, v3;
	v27 =	vld [tilespmem:$0x1FBA0]  }
0xa04: {  	v1 =	vadd.f32 v1, v51;
	v51 =	vld [tilespmem:$0x1FB90]  }
0xa05: {  	v2 =	vadd.f32 v48, v2;
	v48 =	vld [tilespmem:$0x35F0]  }
0xa06: {  	v30 =	vld [tilespmem:$0x67E0]  }
0xa07: {  	v50 =	vld [tilespmem:$0x7460]  }
0xa08: {  	v3 =	vld [tilespmem:$0x37F0]  }
0xa09: {  	v39 =	vld [tilespmem:$0x8880];
	v0 =	vmul.f32 v51, v0  }
0xa0a: {  	v2 =	vadd.f32 v27, v2;
	v51 =	vld [tilespmem:$0x74E0];
	v48 =	vadd.f32 $0.0e+00, v48  }
0xa0b: {  	v27 =	vadd.f32 v0, v1;
	v0 =	vadd.f32 v59, v29;
	v59 =	vld [tilespmem:$0x1FBB0]  }
0xa0c: {  	v29 =	vld [tilespmem:$0x8900]  }
0xa0d: {  	v3 =	vadd.f32 v3, v48;
	v48 =	vld [tilespmem:$0x3DF0];
	v0 =	vadd.f32 v54, v0  }
0xa0e: {  	v54 =	vld [tilespmem:$0x7560]  }
0xa0f: {  	v0 =	vadd.f32 v38, v0;
	v38 =	vld [tilespmem:$0x8980]  }
0xa10: {  	v1 =	vadd.f32 v59, v2;
	v2 =	vadd.f32 $0.0e+00, v43;
	v43 =	vld [tilespmem:$0x39F0]  }
0xa11: {  	v59 =	vld [tilespmem:$0x1FBC0]  }
0xa12: {  	v0 =	vadd.f32 v56, v0;
	v56 =	vld [tilespmem:$0x75E0]  }
0xa13: {  	v2 =	vadd.f32 v19, v2;
	v19 =	vld [tilespmem:$0x3BF0]  }
0xa14: {  	v0 =	vadd.f32 v52, v0;
	v52 =	vld [tilespmem:$0x8A00]  }
0xa15: {  	v2 =	vadd.f32 v20, v2;
	v20 =	vld [tilespmem:$0x1FC30]  }
0xa16: {  	v1 =	vadd.f32 v59, v1;
	v59 =	vld [tilespmem:$0x1FBD0]  }
0xa17: {  	v3 =	vadd.f32 v43, v3;
	v43 =	vld [tilespmem:$0x1FBF0]  }
0xa18: {  	v0 =	vadd.f32 v47, v0;
	v47 =	vld [tilespmem:$0x7660]  }
0xa19: {  	v2 =	vadd.f32 v21, v2;
	v21 =	vld [tilespmem:$0x3FF0]  }
0xa1a: {  	v0 =	vadd.f32 v44, v0;
	v44 =	vld [tilespmem:$0x8A80]  }
0xa1b: {  	v3 =	vadd.f32 v19, v3;
	v19 =	vld [tilespmem:$0x51F0]  }
0xa1c: {  	v2 =	vadd.f32 v4, v2;
	v4 =	vld [tilespmem:$0x41F0]  }
0xa1d: {  	v3 =	vadd.f32 v48, v3;
	v48 =	vld [tilespmem:$0x1FC00]  }
0xa1e: {  	v0 =	vadd.f32 v49, v0;
	v49 =	vld [tilespmem:$0x76E0]  }
0xa1f: {  	v1 =	vadd.f32 v59, v1;
	v59 =	vld [tilespmem:$0x1FBE0]  }
0xa20: {  	v2 =	vadd.f32 v5, v2;
	v3 =	vadd.f32 v21, v3;
	v21 =	vld [tilespmem:$0x1FC10]  }
0xa21: {  	v0 =	vadd.f32 v24, v0;
	v24 =	vld [tilespmem:$0x4BF0]  }
0xa22: {  	v2 =	vadd.f32 v22, v2;
	v22 =	vld [tilespmem:$0x45F0]  }
0xa23: {  	v0 =	vadd.f32 v61, v0;
	v61 =	vld [tilespmem:$0x4DF0]  }
0xa24: {  	v38 =	vmul.f32 v56, v38;
	v56 =	vmul.f32 v49, v44;
	v49 =	vld [tilespmem:$0x1FF80]  }
0xa25: {  	v2 =	vadd.f32 v6, v2;
	v1 =	vadd.f32 v59, v1;
	v59 =	vld [tilespmem:$0x43F0]  }
0xa26: {  	v0 =	vadd.f32 v58, v0;
	v58 =	vld [tilespmem:$0x8B80]  }
0xa27: {  	v2 =	vadd.f32 v7, v2;
	v1 =	vadd.f32 v43, v1;
	v43 =	vld [tilespmem:$0x1FC20]  }
0xa28: {  	v0 =	vadd.f32 v57, v0;
	v57 =	vld [tilespmem:$0x77E0]  }
0xa29: {  	v2 =	vadd.f32 v8, v2;
	v8 =	vld [tilespmem:$0x1FC60]  }
0xa2a: {  	v3 =	vadd.f32 v4, v3;
	v1 =	vadd.f32 v48, v1;
	v48 =	vld [tilespmem:$0x47F0]  }
0xa2b: {  	v0 =	vadd.f32 v40, v0;
	v40 =	vld [tilespmem:$0x8C00]  }
0xa2c: {  	v3 =	vadd.f32 v59, v3;
	v59 =	vld [tilespmem:$0x7760]  }
0xa2d: {  	v2 =	vadd.f32 v9, v2;
	v9 =	vld [tilespmem:$0x4FF0]  }
0xa2e: {  	v1 =	vadd.f32 v21, v1;
	v21 =	vld [tilespmem:$0x49F0]  }
0xa2f: {  	v0 =	vadd.f32 v62, v0;
	v62 =	vld [tilespmem:$0x57F0]  }
0xa30: {  	v3 =	vadd.f32 v22, v3;
	v22 =	vld [tilespmem:$0x1FC40]  }
0xa31: {  	v2 =	vadd.f32 v10, v2;
	v10 =	vld [tilespmem:$0x1FC70]  }
0xa32: {  	v1 =	vadd.f32 v43, v1;
	v43 =	vld [tilespmem:$0x8B00]  }
0xa33: {  	v0 =	vadd.f32 v46, v0;
	v46 =	vld [tilespmem:$0x8C80]  }
0xa34: {  	v3 =	vadd.f32 v48, v3;
	v48 =	vld [tilespmem:$0x1FC50]  }
0xa35: {  	v1 =	vadd.f32 v20, v1;
	v20 =	vld [tilespmem:$0x1FC80]  }
0xa36: {  	v0 =	vadd.f32 v34, v0;
	v34 =	vld [tilespmem:$0x1FD10]  }
0xa37: {  	v2 =	vadd.f32 v11, v2;
	v3 =	vadd.f32 v21, v3;
	v21 =	vld [tilespmem:$0x53F0]  }
0xa38: {  	v1 =	vadd.f32 v22, v1;
	v22 =	vld [tilespmem:$0x1FC90]  }
0xa39: {  	v2 =	vadd.f32 v12, v2;
	v12 =	vadd.f32 v26, v0;
	v0 =	vld [tilespmem:$0x8D00]  }
0xa3a: {  	v26 =	vld [tilespmem:$0x5BF0]  }
0xa3b: {  	v3 =	vadd.f32 v24, v3;
	v24 =	vld [tilespmem:$0x55F0]  }
0xa3c: {  	v2 =	vadd.f32 v13, v2;
	v13 =	vld [tilespmem:$0x1FCB0]  }
0xa3d: {  	v1 =	vadd.f32 v48, v1;
	v48 =	vld [tilespmem:$0x1FCA0]  }
0xa3e: {  	v3 =	vadd.f32 v61, v3;
	v61 =	vld [tilespmem:$0x8460];
	v2 =	vadd.f32 v14, v2  }
0xa3f: {  	v14 =	vld [tilespmem:$0x1FCC0];
	v1 =	vadd.f32 v8, v1;
	v8 =	vadd.f32 v32, v12  }
0xa40: {  	v32 =	vld [tilespmem:$0x1FD00];
	v3 =	vadd.f32 v9, v3  }
0xa41: {  	v1 =	vadd.f32 v10, v1;
	v8 =	vadd.f32 v37, v8;
	v37 =	vld [tilespmem:$0x5DF0]  }
0xa42: {  	v3 =	vadd.f32 v19, v3;
	v19 =	vld [tilespmem:$0x1FCD0]  }
0xa43: {  	v1 =	vadd.f32 v20, v1;
	v20 =	vld [tilespmem:$0x59F0]  }
0xa44: {  	v8 =	vadd.f32 v41, v8;
	v41 =	vld [tilespmem:$0x1FDB0]  }
0xa45: {  	v3 =	vadd.f32 v21, v3;
	v21 =	vld [tilespmem:$0x1FCE0]  }
0xa46: {  	v5 =	vadd.f32 v22, v1;
	v1 =	vld [tilespmem:$0x84E0]  }
0xa47: {  	v2 =	vadd.f32 v15, v2;
	v22 =	vld [tilespmem:$0x1FCF0]  }
0xa48: {  	v7 =	vadd.f32 v24, v3;
	v3 =	vld [tilespmem:$0x8560]  }
0xa49: {  	v24 =	vadd.f32 v16, v2;
	v2 =	vld [tilespmem:$0x8D80]  }
0xa4a: {  	v5 =	vadd.f32 v48, v5;
	v48 =	vld [tilespmem:$0x1FD20]  }
0xa4b: {  	v6 =	vadd.f32 v62, v7;
	v62 =	vld [tilespmem:$0x1FD30]  }
0xa4c: {  	v10 =	vadd.f32 v17, v24;
	v24 =	vld [tilespmem:$0x1FD70]  }
0xa4d: {  	v7 =	vmul.f32 v34, v32;
	v32 =	vld [tilespmem:$0x1FD90]  }
0xa4e: {  	v34 =	vld [tilespmem:$0x1FDA0]  }
0xa4f: {  	v4 =	vadd.f32 v13, v5;
	v5 =	vmul.f32 v14, v19;
	v19 =	vld [tilespmem:$0x1FD40]  }
0xa50: {  	v10 =	vadd.f32 v63, v10;
	v63 =	vld [tilespmem:$0x5FF0]  }
0xa51: {  	v6 =	vadd.f32 v20, v6;
	v20 =	vld [tilespmem:$0x1FD50]  }
0xa52: {  	v1 =	vmul.f32 v1, v46;
	v46 =	vld [tilespmem:$0x85F0]  }
0xa53: {  	v4 =	vadd.f32 v5, v4;
	v5 =	vmul.f32 v21, v22;
	v21 =	vld [tilespmem:$0x1FD60]  }
0xa54: {  	v22 =	vld [tilespmem:$0x61F0]  }
0xa55: {  	v6 =	vadd.f32 v26, v6;
	v26 =	vld [tilespmem:$0x1FD80]  }
0xa56: {  	v10 =	vadd.f32 v60, v10;
	v60 =	vld [tilespmem:$0x67F0]  }
0xa57: {  	v4 =	vadd.f32 v5, v4;
	v5 =	vld [tilespmem:$0x85E0]  }
0xa58: {  	v9 =	vmul.f32 v62, v48;
	v48 =	vld [tilespmem:$0x1FDC0]  }
0xa59: {  	v62 =	vld [tilespmem:$0x1FDE0]  }
0xa5a: {  	v12 =	vadd.f32 v37, v6;
	v6 =	vld [tilespmem:$0x8660]  }
0xa5b: {  	v37 =	vld [tilespmem:$0x63F0]  }
0xa5c: {  	v10 =	vadd.f32 v55, v10;
	v55 =	vld [tilespmem:$0x1FDD0]  }
0xa5d: {  	v8 =	vadd.f32 v19, v8;
	v7 =	vadd.f32 v7, v4;
	v4 =	vld [tilespmem:$0x8E00]  }
0xa5e: {  	v12 =	vadd.f32 v63, v12;
	v63 =	vld [tilespmem:$0x8800]  }
0xa5f: {  	v8 =	vadd.f32 v24, v8;
	v24 =	vld [tilespmem:$0x1FE00]  }
0xa60: {  	v10 =	vadd.f32 v53, v10;
	v53 =	vld [tilespmem:$0x7570]  }
0xa61: {  	v14 =	vmul.f32 v45, v26;
	v45 =	vld [tilespmem:$0x65F0]  }
0xa62: {  	v26 =	vld [tilespmem:$0x1FE10]  }
0xa63: {  	v11 =	vadd.f32 v22, v12;
	v22 =	vld [tilespmem:$0x1FDF0]  }
0xa64: {  	v7 =	vadd.f32 v9, v7;
	v9 =	vmul.f32 v21, v20;
	v10 =	vadd.f32 v42, v10;
	v42 =	vld [tilespmem:$0x1FE50]  }
0xa65: {  	v8 =	vadd.f32 v14, v8;
	v14 =	vmul.f32 v25, v41;
	v25 =	vld [tilespmem:$0x7470]  }
0xa66: {  	v7 =	vadd.f32 v9, v7;
	v9 =	vmul.f32 v34, v32;
	v32 =	vld [tilespmem:$0x8880]  }
0xa67: {  	v34 =	vld [tilespmem:$0x1FE20]  }
0xa68: {  	v41 =	vld [tilespmem:$0x1FE40]  }
0xa69: {  	v11 =	vadd.f32 v37, v11;
	v37 =	vld [tilespmem:$0x74F0]  }
0xa6a: {  	v10 =	vadd.f32 v33, v10;
	v33 =	vld [tilespmem:$0x7670]  }
0xa6b: {  	v8 =	vadd.f32 v14, v8;
	v14 =	vmul.f32 v35, v62;
	v35 =	vld [tilespmem:$0x1FE30]  }
0xa6c: {  	v7 =	vadd.f32 v9, v7;
	v9 =	vmul.f32 v55, v48;
	v55 =	vld [tilespmem:$0x8980]  }
0xa6d: {  	v62 =	vld [tilespmem:$0x1FE70]  }
0xa6e: {  	v11 =	vadd.f32 v45, v11;
	v45 =	vld [tilespmem:$0x8900]  }
0xa6f: {  	v7 =	vadd.f32 v9, v7;
	v9 =	vmul.f32 v24, v22;
	v24 =	vld [tilespmem:$0x75F0]  }
0xa70: {  	v8 =	vadd.f32 v14, v8;
	v14 =	vmul.f32 v31, v26;
	v26 =	vld [tilespmem:$0x1FE90]  }
0xa71: {  	v31 =	vld [tilespmem:$0x8A00]  }
0xa72: {  	v11 =	vadd.f32 v60, v11;
	v60 =	vld [tilespmem:$0x1FE60]  }
0xa73: {  	v12 =	vmul.f32 v25, v63;
	v25 =	vld [tilespmem:$0x1FE80]  }
0xa74: {  	v63 =	vmul.f32 v51, v39;
	v39 =	vld [tilespmem:$0x76F0]  }
0xa75: {  	v51 =	vld [tilespmem:$0x7770]  }
0xa76: {  	v48 =	vadd.f32 v30, v10;
	v30 =	vmul.f32 v37, v32;
	v37 =	vld [tilespmem:$0x8A80]  }
0xa77: {  	v8 =	vadd.f32 v14, v8;
	v14 =	vmul.f32 v42, v41;
	v42 =	vld [tilespmem:$0x8B00]  }
0xa78: {  	v32 =	vmul.f32 v54, v29;
	v29 =	vld [tilespmem:$0x8470]  }
0xa79: {  	v7 =	vadd.f32 v9, v7;
	v9 =	vmul.f32 v35, v34;
	v34 =	vld [tilespmem:$0x1FEA0]  }
0xa7a: {  	v35 =	vld [tilespmem:$0x1FEB0]  }
0xa7b: {  	v50 =	vmul.f32 v50, v36;
	v36 =	vmul.f32 v53, v45;
	v45 =	vld [tilespmem:$0x1FEC0]  }
0xa7c: {  	v53 =	vld [tilespmem:$0x1FEF0]  }
0xa7d: {  	v7 =	vadd.f32 v9, v7;
	v9 =	vadd.f32 v50, v48;
	v48 =	vld [tilespmem:$0x1FED0]  }
0xa7e: {  	v50 =	vmul.f32 v47, v52;
	v52 =	vld [tilespmem:$0x1FEE0]  }
0xa7f: {  	v41 =	vmul.f32 v24, v55;
	v55 =	vld [tilespmem:$0x8B80]  }
0xa80: {  	v54 =	vmul.f32 v33, v31;
	v31 =	vld [tilespmem:$0x8C80]  }
0xa81: {  	v33 =	vld [tilespmem:$0x1FF30]  }
0xa82: {  	v16 =	vmul.f32 v62, v60;
	v60 =	vld [tilespmem:$0x77F0]  }
0xa83: {  	v62 =	vld [tilespmem:$0x1FF00]  }
0xa84: {  	v11 =	vadd.f32 v12, v11;
	v21 =	vmul.f32 v26, v25;
	v25 =	vld [tilespmem:$0x8C00]  }
0xa85: {  	v26 =	vmul.f32 v59, v43;
	v43 =	vld [tilespmem:$0x1FF70]  }
0xa86: {  	v11 =	vadd.f32 v30, v11;
	v59 =	vld [tilespmem:$0x1FFF0]  }
0xa87: {  	v9 =	vadd.f32 v63, v9;
	v63 =	vld [tilespmem:$0x1FF10]  }
0xa88: {  	v11 =	vadd.f32 v36, v11;
	v36 =	vld [tilespmem:$0x1FF40]  }
0xa89: {  	v24 =	vmul.f32 v39, v37;
	v37 =	vld [tilespmem:$0x1FF50]  }
0xa8a: {  	v39 =	vld [tilespmem:$0x8D00];
	v9 =	vadd.f32 v32, v9  }
0xa8b: {  	v8 =	vadd.f32 v14, v8;
	v30 =	vmul.f32 v51, v42;
	v42 =	vld [tilespmem:$0x1FF60];
	v11 =	vadd.f32 v41, v11  }
0xa8c: {  	v40 =	vmul.f32 v61, v40;
	v51 =	vld [tilespmem:$0x1FFA0];
	v9 =	vadd.f32 v38, v9  }
0xa8d: {  	v8 =	vadd.f32 v16, v8;
	v19 =	vmul.f32 v35, v34;
	v35 =	vld [tilespmem:$0x84F0];
	v11 =	vadd.f32 v54, v11  }
0xa8e: {  	v0 =	vmul.f32 v3, v0;
	v34 =	vmul.f32 v57, v58;
	v32 =	vld [tilespmem:$0x1FF20];
	v9 =	vadd.f32 v50, v9  }
0xa8f: {  	v58 =	vld [tilespmem:$0x1FFE0];
	v8 =	vadd.f32 v19, v8;
	v17 =	vmul.f32 v48, v45;
	v11 =	vadd.f32 v24, v11  }
0xa90: {  	v7 =	vadd.f32 v21, v7;
	v41 =	vld [tilespmem:$0x8570];
	v38 =	vmul.f32 v60, v55;
	v9 =	vadd.f32 v56, v9  }
0xa91: {  	v45 =	vld [tilespmem:$0x8D80];
	v8 =	vadd.f32 v17, v8;
	v17 =	vmul.f32 v63, v62;
	v11 =	vadd.f32 v30, v11  }
0xa92: {  	v57 =	vmul.f32 v5, v2;
	v44 =	vmul.f32 v29, v25;
	v50 =	vld [tilespmem:$0x1FF90];
	v9 =	vadd.f32 v26, v9  }
0xa93: {  	v48 =	vld [tilespmem:$0x8E00];
	v8 =	vadd.f32 v17, v8;
	v17 =	vmul.f32 v33, v32;
	v11 =	vadd.f32 v38, v11  }
0xa94: {  	v21 =	vmul.f32 v53, v52;
	v54 =	vld [tilespmem:$0x1FFC0];
	v47 =	vmul.f32 v35, v31;
	v9 =	vadd.f32 v34, v9  }
0xa95: {  	v55 =	vld [tilespmem:$0x1FFD0];
	v8 =	vadd.f32 v17, v8;
	v17 =	vmul.f32 v43, v42;
	v11 =	vadd.f32 v44, v11  }
0xa96: {  	v52 =	vld [tilespmem:$0x8670];
	v7 =	vadd.f32 v21, v7;
	v56 =	vmul.f32 v41, v39;
	v9 =	vadd.f32 v40, v9  }
0xa97: {  	[tilespmem:$0x9180] =	vst v23;
	v53 =	vld [tilespmem:$0x1FFB0];
	v8 =	vadd.f32 v17, v8;
	v17 =	vmul.f32 v51, v50;
	v11 =	vadd.f32 v47, v11  }
0xa98: {  	[tilespmem:$0x9190] =	vst v18;
	v21 =	vmul.f32 v37, v36;
	v2 =	vmul.f32 v59, v58;
	v1 =	vadd.f32 v1, v9  }
0xa99: {  	[tilespmem:$0x91A0] =	vst v28;
	v10 =	vmul.f32 v46, v45;
	v8 =	vadd.f32 v17, v8;
	v60 =	vadd.f32 v56, v11  }
0xa9a: {  	[tilespmem:$0x91B0] =	vst v27;
	v7 =	vadd.f32 v21, v7;
	v9 =	vmul.f32 v55, v54;
	v0 =	vadd.f32 v0, v1  }
0xa9b: {  	[tilespmem:$0x9160] =	vst v49;
	v3 =	vmul.f32 v52, v48;
	v2 =	vadd.f32 v2, v8;
	v62 =	vadd.f32 v10, v60  }
0xa9c: {  	v61 =	vmul.f32 v6, v4;
	[tilespmem:$0x9170] =	vst v53;
	v7 =	vadd.f32 v9, v7;
	v0 =	vadd.f32 v57, v0  }
0xa9d: {  	[tilespmem:$0x91D0] =	vst v2;
	v63 =	vadd.f32 v3, v62  }
0xa9e: {  	[tilespmem:$0x91C0] =	vst v7;
	v0 =	vadd.f32 v61, v0  }
0xa9f: {  	p0 =	sne.s32 s8, $0x1;
	[tilespmem:$0x91F0] =	vst v63  }
.Ltmp0:
0xaa0: {  	[tilespmem:$0x91E0] =	vst v0;
	(pc) =	sbr.rel @p0 .LBB2_1-.Ltmp0, $4  }
0xaa1: {  	[hbm4b:s7+s4] =	stream.linear.scatter [tilespmem:s16], [sflag:$0x2], $0x200, $0x38;
	[tilespmem:$0x9200] =	vst v63  }
0xaa2: {  	_ =	swait.ge [sflag:s11], $0x200  }
0xaa3: {  	[sflag:s11] =	ssyncset.done $0x0  }
0xaa4: {  	s8 =	sadd.s32 $0xFFFFFFFF, s8;
	[sflag:s11] =	ssyncadd.s32 $0xFFFFFE00  }
0xaa5: {  	_ =	sfence.sel $0x180000  }
0xaa6: {  	[bflag:$0x0] =	sbarrier.arrive $0xFFFF  }
0xaa7: {  	p0 =	sne.s32 s2, $0x0;
	_ =	strace $0x90000047  }
0xaa8: {  	s0 =	sadd.s32 @!p0 $0x100000, s0;
	[bflag:$0x2] =	sbarrier.arrive $0xFFFF  }
0xaa9: {  	[sflag:s0] =	ssyncadd.tile.s32 @!p0 $0x1;
	_ =	shalt  }
.Lfunc_end2:
_tile_overlayer_lowered:
.L_overlay_start_2:
0xaaa: {  	(tag) =	ssettag $0x2  }
0xaab: {  	s0 =	rddreg [dreg:$0x0];
	s2 =	stileid.u32  }
0xaac: {  	s1 =	rddreg [dreg:$0x1];
	p0 =	sne.s32 s2, $0x0  }
0xaad: {  	s3 =	rddreg [dreg:$0x2];
	[bflag:$0x3] =	sbarrier.arrive $0xFFFF;
	s2 =	simm.s32 @!p0 $0x1C02  }
0xaae: {  	[timem:s3], [sflag:s2] =	dma.local @!p0 [hbm:s0], s1  }
0xaaf: {  	s0 =	simm.s32 @!p0 $0x2  }
0xab0: {  	_ =	swait.ge @!p0 [sflag:s0], s1  }
0xab1: {  	s1 =	ssub.s32 @!p0 $0x0, s1;
	[sflag:s0] =	ssyncset.done @!p0 $0x0  }
0xab2: {  	[sflag:s0] =	ssyncadd.s32 @!p0 s1  }
0xab3: {  	[bflag:$0x3] =	sbarrier.arrive $0xFFFF  }
0xab4: {  	_ =	shalt  }

</sc_bundles>
